<compile_context>
chip_gen: v7x
topology: tpu7x:2x2x1
jax: 0.10.2.dev20260603
libtpu: 0.0.44.dev20260713+nightly
codegen_flags: <defaults>
</compile_context>

<pallas_src>
import functools

import jax
import jax.numpy as jnp
from jax import lax
from jax.experimental import pallas as pl
from jax.experimental.pallas import tpu as pltpu
from jax.experimental.pallas import tpu_sc as plsc

EPS = 1e-6
NC = 2
NS = 16
NW = NC * NS
L = 16

CHUNK = 160
DMA_ROWS = 128
P_PITCH = L + 1
Q_OFF = L * P_PITCH


def _rsqrt(v):
    i = plsc.bitcast(v, jnp.int32)
    y = plsc.bitcast(jnp.int32(0x5F3759DF) - (i >> 1), jnp.float32)
    for _ in range(3):
        y = y * (1.5 - (0.5 * v) * y * y)
    return y


def _make_kernel(n_rows, hidden):
    assert hidden == 4 * L
    rows_per_w = n_rows // NW
    assert rows_per_w * NW == n_rows
    n_pairs = rows_per_w // (2 * CHUNK)
    assert n_pairs * 2 * CHUNK == rows_per_w and CHUNK % L == 0

    mesh = plsc.VectorSubcoreMesh(core_axis_name="c", subcore_axis_name="s")

    @functools.partial(
        pl.kernel,
        out_type=jax.ShapeDtypeStruct((n_rows, hidden), jnp.float32),
        mesh=mesh,
        scratch_types=[
            pltpu.VMEM((2 * CHUNK,), jnp.int32),
            pltpu.VMEM((CHUNK, 2 * hidden), jnp.float32),
            pltpu.VMEM((CHUNK, 2 * hidden), jnp.float32),
            pltpu.VMEM((CHUNK, hidden), jnp.float32),
            pltpu.VMEM((CHUNK, hidden), jnp.float32),
            pltpu.VMEM((hidden,), jnp.float32),
            pltpu.VMEM((hidden,), jnp.float32),
            pltpu.VMEM((2 * L * P_PITCH,), jnp.float32),
            pltpu.SemaphoreType.DMA,
            pltpu.SemaphoreType.DMA,
        ],
        compiler_params=pltpu.CompilerParams(needs_layout_passes=False),
    )
    def kern(x_ref, tab_ref, al_ref, be_ref, out_ref,
             idx_v, rows_a, rows_b, out_a, out_b, al_v, be_v, p_v,
             semg, semo):
        wid = lax.axis_index("s") * NC + lax.axis_index("c")
        pltpu.sync_copy(al_ref, al_v)
        pltpu.sync_copy(be_ref, be_v)
        a_vecs = [al_v[pl.ds(k * L, L)] for k in range(hidden // L)]
        b_vecs = [be_v[pl.ds(k * L, L)] for k in range(hidden // L)]
        iota = lax.iota(jnp.int32, L)
        iota_p = iota * P_PITCH

        def gather(half, buf):
            hs = []
            for off in range(0, CHUNK, DMA_ROWS):
                n = min(DMA_ROWS, CHUNK - off)
                hs.append(pltpu.async_copy(
                    tab_ref.at[idx_v.at[pl.ds(half * CHUNK + off, n)]],
                    buf.at[pl.ds(off, n)],
                    semg,
                ))
            return hs

        def process(buf, dst):
            def group_body(g, carry2):
                r0 = g * L
                for l in range(L):
                    v = [buf[r0 + l, pl.ds(k * L, L)]
                         for k in range(hidden // L)]
                    s_l = (v[0] + v[1]) + (v[2] + v[3])
                    q_l = (v[0] * v[0] + v[1] * v[1]) + (v[2] * v[2] + v[3] * v[3])
                    sidx = iota + (P_PITCH * l)
                    plsc.store_scatter(p_v, [sidx], s_l)
                    plsc.store_scatter(p_v, [sidx + Q_OFF], q_l)
                s_acc = [jnp.zeros((L,), jnp.float32) for _ in range(4)]
                q_acc = [jnp.zeros((L,), jnp.float32) for _ in range(4)]
                for c in range(L):
                    gv = plsc.load_gather(p_v, [iota_p + c])
                    hv = plsc.load_gather(p_v, [iota_p + (Q_OFF + c)])
                    s_acc[c % 4] = s_acc[c % 4] + gv
                    q_acc[c % 4] = q_acc[c % 4] + hv
                s = (s_acc[0] + s_acc[1]) + (s_acc[2] + s_acc[3])
                ss = (q_acc[0] + q_acc[1]) + (q_acc[2] + q_acc[3])
                mean = s * (1.0 / hidden)
                var = jnp.maximum((ss - s * mean) * (1.0 / (hidden - 1)),
                                  jnp.float32(0.0))
                std = var * _rsqrt(var)
                inv = 1.0 / (std + EPS)
                for l in range(L):
                    m_l = mean[l]
                    i_l = inv[l]
                    for k in range(hidden // L):
                        v = buf[r0 + l, pl.ds(k * L, L)]
                        o = a_vecs[k] * ((v - m_l) * i_l + b_vecs[k])
                        dst[r0 + l, pl.ds(k * L, L)] = o
                return carry2

            lax.fori_loop(0, CHUNK // L, group_body, 0)

        def pair_body(pi, carry):
            base = wid * rows_per_w + pi * (2 * CHUNK)
            pltpu.sync_copy(x_ref.at[pl.ds(base, 2 * CHUNK)], idx_v)
            g_a = gather(0, rows_a)
            g_b = gather(1, rows_b)
            for h in g_a:
                h.wait()
            process(rows_a, out_a)
            o_a = pltpu.async_copy(out_a, out_ref.at[pl.ds(base, CHUNK)],
                                   semo)
            for h in g_b:
                h.wait()
            process(rows_b, out_b)
            o_b = pltpu.async_copy(out_b,
                                   out_ref.at[pl.ds(base + CHUNK, CHUNK)],
                                   semo)
            o_a.wait()
            o_b.wait()
            return carry

        lax.fori_loop(0, n_pairs, pair_body, 0)

    return kern


def _pad_block(t_ref, o_ref):
    t = t_ref[...]
    o_ref[...] = jnp.concatenate([t, jnp.zeros_like(t)], axis=1)


def _pad_table(table):
    vocab, hidden = table.shape
    br = 2000
    while vocab % br or br % 8:
        br -= 8
    return pl.pallas_call(
        _pad_block,
        grid=(vocab // br,),
        in_specs=[pl.BlockSpec((br, hidden), lambda i: (i, 0))],
        out_specs=pl.BlockSpec((br, 2 * hidden), lambda i: (i, 0)),
        out_shape=jax.ShapeDtypeStruct((vocab, 2 * hidden), jnp.float32),
    )(table)


def kernel(x, table, alpha, beta):
    b, l = x.shape
    vocab, hidden = table.shape
    x_flat = x.reshape(-1).astype(jnp.int32)
    table_p = _pad_table(table)
    kern = _make_kernel(b * l, hidden)
    out = kern(x_flat, table_p, alpha, beta)
    return out.reshape(b, l, hidden)

# --- scband reference (transcript-rebuilt; emitter-appended) ---
"""Pipeline reference for scband-time-embeddings-89361089561301 (READ-ONLY COPY).

The authoritative reference and input builder live on the scoring server;
editing this copy changes nothing except your own understanding.
"""

import jax, jax.numpy as jnp
import numpy as np

VOCAB = 100000
HIDDEN = 64
EPS = 1e-6


def setup_inputs(seed: int = 0) -> dict:
    key = jax.random.key(seed)
    k1, k2 = jax.random.split(key)
    x = jax.random.randint(k1, (4096, 200), 0, VOCAB, dtype=jnp.int64 if jax.config.jax_enable_x64 else jnp.int32)
    # Embedding table initialized like torch.nn.Embedding (N(0,1))
    table = jax.random.normal(k2, (VOCAB, HIDDEN), dtype=jnp.float32)
    alpha = jnp.ones((HIDDEN,), dtype=jnp.float32)
    beta = jnp.zeros((HIDDEN,), dtype=jnp.float32)
    return {"x": x, "table": table, "alpha": alpha, "beta": beta}


def reference(x, table, alpha, beta):
    # Embedder: gather rows from table
    y = jnp.take(table, x, axis=0)  # [B, L, H]
    # Dropout is identity in eval/inference mode
    # LayerNorm (custom): note torch std is unbiased (ddof=1) and beta is inside the alpha product
    sigma = jnp.std(y, axis=-1, keepdims=True, ddof=1) + EPS
    offset = y - jnp.mean(y, axis=-1, keepdims=True)
    out = alpha * (offset / sigma + beta)
    return out

if __name__ == "__main__":
    import jax
    _d = setup_inputs()
    print(jax.jit(kernel)(*tuple(_d.values())))

</pallas_src>

<mosaic_0001>
#map = affine_map<(d0, d1) -> (0)>
#map1 = affine_map<(d0, d1) -> (0, 0)>
module attributes {stable_mosaic.version = 14 : i64} {
  func.func @kern(%arg0: i32, %arg1: i32, %arg2: memref<819200xi32, #tpu.memory_space<hbm>>, %arg3: memref<100000x128xf32, #tpu.memory_space<hbm>>, %arg4: memref<64xf32, #tpu.memory_space<hbm>>, %arg5: memref<64xf32, #tpu.memory_space<hbm>>, %arg6: memref<819200x64xf32, #tpu.memory_space<hbm>>, %arg7: memref<320xi32, #tpu.memory_space<vmem>>, %arg8: memref<160x128xf32, #tpu.memory_space<vmem>>, %arg9: memref<160x128xf32, #tpu.memory_space<vmem>>, %arg10: memref<160x64xf32, #tpu.memory_space<vmem>>, %arg11: memref<160x64xf32, #tpu.memory_space<vmem>>, %arg12: memref<64xf32, #tpu.memory_space<vmem>>, %arg13: memref<64xf32, #tpu.memory_space<vmem>>, %arg14: memref<544xf32, #tpu.memory_space<vmem>>, %arg15: memref<!tpu.dma_semaphore, #tpu.memory_space<semaphore_mem>>, %arg16: memref<!tpu.dma_semaphore, #tpu.memory_space<semaphore_mem>>) attributes {dimension_semantics = [#tpu.dimension_semantics<core_parallel>, #tpu.dimension_semantics<subcore_parallel>], iteration_bounds = array<i64: 2, 16>, scalar_prefetch = 0 : i64, scratch_operands = 10 : i64, tpu.core_type = #tpu.core_type<sc_vector_subcore>, window_params = [{transform_indices = #map}, {transform_indices = #map1}, {transform_indices = #map}, {transform_indices = #map}, {transform_indices = #map1}]} {
    %mul3A = arith.constant 2 : i32
    %mul3A_0 = arith.muli %arg1, %mul3A : i32
    %add3A = arith.addi %mul3A_0, %arg0 : i32
    "tpu.region"() ({
      %run_scoped3A = tpu.sem_alloc : memref<!tpu.dma_semaphore, #tpu.memory_space<semaphore_mem>>
      tpu.enqueue_dma source(%arg4 : memref<64xf32, #tpu.memory_space<hbm>>) target(%arg12 : memref<64xf32, #tpu.memory_space<vmem>>) target_semaphore(%run_scoped3A : memref<!tpu.dma_semaphore, #tpu.memory_space<semaphore_mem>>)
      tpu.wait_dma2 semaphore(%run_scoped3A : memref<!tpu.dma_semaphore, #tpu.memory_space<semaphore_mem>>) src(%arg4 : memref<64xf32, #tpu.memory_space<hbm>>) dst(%arg12 : memref<64xf32, #tpu.memory_space<vmem>>)
      tpu.yield
    }) : () -> ()
    "tpu.region"() ({
      %run_scoped3A = tpu.sem_alloc : memref<!tpu.dma_semaphore, #tpu.memory_space<semaphore_mem>>
      tpu.enqueue_dma source(%arg5 : memref<64xf32, #tpu.memory_space<hbm>>) target(%arg13 : memref<64xf32, #tpu.memory_space<vmem>>) target_semaphore(%run_scoped3A : memref<!tpu.dma_semaphore, #tpu.memory_space<semaphore_mem>>)
      tpu.wait_dma2 semaphore(%run_scoped3A : memref<!tpu.dma_semaphore, #tpu.memory_space<semaphore_mem>>) src(%arg5 : memref<64xf32, #tpu.memory_space<hbm>>) dst(%arg13 : memref<64xf32, #tpu.memory_space<vmem>>)
      tpu.yield
    }) : () -> ()
    %get3A = arith.constant 0 : index
    %get3A_1 = tpu.vector_load %arg12[%get3A] {strides = array<i32>} : memref<64xf32, #tpu.memory_space<vmem>>, vector<16xf32>,
    %get3A_2 = arith.constant 16 : index
    %get3A_3 = tpu.vector_load %arg12[%get3A_2] {strides = array<i32>} : memref<64xf32, #tpu.memory_space<vmem>>, vector<16xf32>,
    %get3A_4 = arith.constant 32 : index
    %get3A_5 = tpu.vector_load %arg12[%get3A_4] {strides = array<i32>} : memref<64xf32, #tpu.memory_space<vmem>>, vector<16xf32>,
    %get3A_6 = arith.constant 48 : index
    %get3A_7 = tpu.vector_load %arg12[%get3A_6] {strides = array<i32>} : memref<64xf32, #tpu.memory_space<vmem>>, vector<16xf32>,
    %get3A_8 = arith.constant 0 : index
    %get3A_9 = tpu.vector_load %arg13[%get3A_8] {strides = array<i32>} : memref<64xf32, #tpu.memory_space<vmem>>, vector<16xf32>,
    %get3A_10 = arith.constant 16 : index
    %get3A_11 = tpu.vector_load %arg13[%get3A_10] {strides = array<i32>} : memref<64xf32, #tpu.memory_space<vmem>>, vector<16xf32>,
    %get3A_12 = arith.constant 32 : index
    %get3A_13 = tpu.vector_load %arg13[%get3A_12] {strides = array<i32>} : memref<64xf32, #tpu.memory_space<vmem>>, vector<16xf32>,
    %get3A_14 = arith.constant 48 : index
    %get3A_15 = tpu.vector_load %arg13[%get3A_14] {strides = array<i32>} : memref<64xf32, #tpu.memory_space<vmem>>, vector<16xf32>,
    %iota3A = tpu.iota {dimensions = array<i32: 0>} : vector<16xi32>
    %mul3A_16 = arith.constant 17 : i32
    %mul3A_17 = vector.broadcast %mul3A_16 : i32 to vector<16xi32>
    %mul3A_18 = arith.muli %iota3A, %mul3A_17 : vector<16xi32>
    %scan3A = arith.constant 0 : i32
    %scan3A_19 = arith.constant 0 : i32
    %scan3A_20 = arith.constant 80 : i32
    %scan3A_21 = arith.addi %scan3A_19, %scan3A_20 : i32
    %scan3A_22 = arith.constant 1 : i32
    scf.for %scan3A_24 = %scan3A_19 to %scan3A_21 step %scan3A_22  : i32 {
      %mul3A_25 = arith.constant 25600 : i32
      %mul3A_26 = arith.muli %add3A, %mul3A_25 : i32
      %mul3A_27 = arith.constant 320 : i32
      %mul3A_28 = arith.muli %scan3A_24, %mul3A_27 : i32
      %add3A_29 = arith.addi %mul3A_26, %mul3A_28 : i32
      "tpu.region"() ({
        %run_scoped3A = tpu.sem_alloc : memref<!tpu.dma_semaphore, #tpu.memory_space<semaphore_mem>>
        %dma_start3A_122 = tpu.memref_slice %arg2[%add3A_29] : memref<819200xi32, #tpu.memory_space<hbm>> -> memref<320xi32, #tpu.memory_space<hbm>>
        %dma_start3A_123 = tpu.memref_slice %arg2[%add3A_29] : memref<819200xi32, #tpu.memory_space<hbm>> -> memref<320xi32, #tpu.memory_space<hbm>>
        tpu.enqueue_dma source(%dma_start3A_123 : memref<320xi32, #tpu.memory_space<hbm>>) target(%arg7 : memref<320xi32, #tpu.memory_space<vmem>>) target_semaphore(%run_scoped3A : memref<!tpu.dma_semaphore, #tpu.memory_space<semaphore_mem>>)
        %dma_wait3A_124 = tpu.memref_slice %arg2[%add3A_29] : memref<819200xi32, #tpu.memory_space<hbm>> -> memref<320xi32, #tpu.memory_space<hbm>>
        %dma_wait3A_125 = tpu.memref_slice %arg2[%add3A_29] : memref<819200xi32, #tpu.memory_space<hbm>> -> memref<320xi32, #tpu.memory_space<hbm>>
        tpu.wait_dma2 semaphore(%run_scoped3A : memref<!tpu.dma_semaphore, #tpu.memory_space<semaphore_mem>>) src(%dma_wait3A_125 : memref<320xi32, #tpu.memory_space<hbm>>) dst(%arg7 : memref<320xi32, #tpu.memory_space<vmem>>)
        tpu.yield
      }) : () -> ()
      %dma_start3A = arith.constant 0 : i32
      %dma_start3A_30 = arith.constant 0 : i32
      %dma_start3A_31 = tpu.memref_slice %arg8[%dma_start3A, %dma_start3A_30] : memref<160x128xf32, #tpu.memory_space<vmem>> -> memref<128x128xf32, #tpu.memory_space<vmem>>
      %dma_start3A_32 = arith.constant 0 : i32
      %dma_start3A_33 = tpu.memref_slice %arg7[%dma_start3A_32] : memref<320xi32, #tpu.memory_space<vmem>> -> memref<128xi32, #tpu.memory_space<vmem>>
      %dma_start3A_34 = arith.constant 0 : i32
      %dma_start3A_35 = arith.constant 0 : i32
      %dma_start3A_36 = tpu.memref_slice %arg3[%dma_start3A_34, %dma_start3A_35] : memref<100000x128xf32, #tpu.memory_space<hbm>> -> memref<100000x128xf32, #tpu.memory_space<hbm>>
      tpu.enqueue_indirect_dma source(%dma_start3A_36 : memref<100000x128xf32, #tpu.memory_space<hbm>>) target(%dma_start3A_31 : memref<128x128xf32, #tpu.memory_space<vmem>>) offsets(%dma_start3A_33 : memref<128xi32, #tpu.memory_space<vmem>>) semaphore(%arg15 : memref<!tpu.dma_semaphore, #tpu.memory_space<semaphore_mem>>)
      %dma_start3A_37 = arith.constant 128 : i32
      %dma_start3A_38 = arith.constant 0 : i32
      %dma_start3A_39 = tpu.memref_slice %arg8[%dma_start3A_37, %dma_start3A_38] : memref<160x128xf32, #tpu.memory_space<vmem>> -> memref<32x128xf32, #tpu.memory_space<vmem>>
      %dma_start3A_40 = arith.constant 128 : i32
      %dma_start3A_41 = tpu.memref_slice %arg7[%dma_start3A_40] : memref<320xi32, #tpu.memory_space<vmem>> -> memref<32xi32, #tpu.memory_space<vmem>>
      %dma_start3A_42 = arith.constant 0 : i32
      %dma_start3A_43 = arith.constant 0 : i32
      %dma_start3A_44 = tpu.memref_slice %arg3[%dma_start3A_42, %dma_start3A_43] : memref<100000x128xf32, #tpu.memory_space<hbm>> -> memref<100000x128xf32, #tpu.memory_space<hbm>>
      tpu.enqueue_indirect_dma source(%dma_start3A_44 : memref<100000x128xf32, #tpu.memory_space<hbm>>) target(%dma_start3A_39 : memref<32x128xf32, #tpu.memory_space<vmem>>) offsets(%dma_start3A_41 : memref<32xi32, #tpu.memory_space<vmem>>) semaphore(%arg15 : memref<!tpu.dma_semaphore, #tpu.memory_space<semaphore_mem>>)
      %dma_start3A_45 = arith.constant 0 : i32
      %dma_start3A_46 = arith.constant 0 : i32
      %dma_start3A_47 = tpu.memref_slice %arg9[%dma_start3A_45, %dma_start3A_46] : memref<160x128xf32, #tpu.memory_space<vmem>> -> memref<128x128xf32, #tpu.memory_space<vmem>>
      %dma_start3A_48 = arith.constant 160 : i32
      %dma_start3A_49 = tpu.memref_slice %arg7[%dma_start3A_48] : memref<320xi32, #tpu.memory_space<vmem>> -> memref<128xi32, #tpu.memory_space<vmem>>
      %dma_start3A_50 = arith.constant 0 : i32
      %dma_start3A_51 = arith.constant 0 : i32
      %dma_start3A_52 = tpu.memref_slice %arg3[%dma_start3A_50, %dma_start3A_51] : memref<100000x128xf32, #tpu.memory_space<hbm>> -> memref<100000x128xf32, #tpu.memory_space<hbm>>
      tpu.enqueue_indirect_dma source(%dma_start3A_52 : memref<100000x128xf32, #tpu.memory_space<hbm>>) target(%dma_start3A_47 : memref<128x128xf32, #tpu.memory_space<vmem>>) offsets(%dma_start3A_49 : memref<128xi32, #tpu.memory_space<vmem>>) semaphore(%arg15 : memref<!tpu.dma_semaphore, #tpu.memory_space<semaphore_mem>>)
      %dma_start3A_53 = arith.constant 128 : i32
      %dma_start3A_54 = arith.constant 0 : i32
      %dma_start3A_55 = tpu.memref_slice %arg9[%dma_start3A_53, %dma_start3A_54] : memref<160x128xf32, #tpu.memory_space<vmem>> -> memref<32x128xf32, #tpu.memory_space<vmem>>
      %dma_start3A_56 = arith.constant 288 : i32
      %dma_start3A_57 = tpu.memref_slice %arg7[%dma_start3A_56] : memref<320xi32, #tpu.memory_space<vmem>> -> memref<32xi32, #tpu.memory_space<vmem>>
      %dma_start3A_58 = arith.constant 0 : i32
      %dma_start3A_59 = arith.constant 0 : i32
      %dma_start3A_60 = tpu.memref_slice %arg3[%dma_start3A_58, %dma_start3A_59] : memref<100000x128xf32, #tpu.memory_space<hbm>> -> memref<100000x128xf32, #tpu.memory_space<hbm>>
      tpu.enqueue_indirect_dma source(%dma_start3A_60 : memref<100000x128xf32, #tpu.memory_space<hbm>>) target(%dma_start3A_55 : memref<32x128xf32, #tpu.memory_space<vmem>>) offsets(%dma_start3A_57 : memref<32xi32, #tpu.memory_space<vmem>>) semaphore(%arg15 : memref<!tpu.dma_semaphore, #tpu.memory_space<semaphore_mem>>)
      %dma_wait3A = arith.constant 0 : i32
      %dma_wait3A_61 = arith.constant 0 : i32
      %dma_wait3A_62 = tpu.memref_slice %arg8[%dma_wait3A, %dma_wait3A_61] : memref<160x128xf32, #tpu.memory_space<vmem>> -> memref<128x128xf32, #tpu.memory_space<vmem>>
      %dma_wait3A_63 = arith.constant 0 : i32
      %dma_wait3A_64 = tpu.memref_slice %arg7[%dma_wait3A_63] : memref<320xi32, #tpu.memory_space<vmem>> -> memref<128xi32, #tpu.memory_space<vmem>>
      %dma_wait3A_65 = arith.constant 0 : i32
      %dma_wait3A_66 = arith.constant 0 : i32
      %dma_wait3A_67 = tpu.memref_slice %arg3[%dma_wait3A_65, %dma_wait3A_66] : memref<100000x128xf32, #tpu.memory_space<hbm>> -> memref<100000x128xf32, #tpu.memory_space<hbm>>
      tpu.wait_indirect_dma semaphore(%arg15 : memref<!tpu.dma_semaphore, #tpu.memory_space<semaphore_mem>>) src(%dma_wait3A_67 : memref<100000x128xf32, #tpu.memory_space<hbm>>) dst(%dma_wait3A_62 : memref<128x128xf32, #tpu.memory_space<vmem>>)
      %dma_wait3A_68 = arith.constant 128 : i32
      %dma_wait3A_69 = arith.constant 0 : i32
      %dma_wait3A_70 = tpu.memref_slice %arg8[%dma_wait3A_68, %dma_wait3A_69] : memref<160x128xf32, #tpu.memory_space<vmem>> -> memref<32x128xf32, #tpu.memory_space<vmem>>
      %dma_wait3A_71 = arith.constant 128 : i32
      %dma_wait3A_72 = tpu.memref_slice %arg7[%dma_wait3A_71] : memref<320xi32, #tpu.memory_space<vmem>> -> memref<32xi32, #tpu.memory_space<vmem>>
      %dma_wait3A_73 = arith.constant 0 : i32
      %dma_wait3A_74 = arith.constant 0 : i32
      %dma_wait3A_75 = tpu.memref_slice %arg3[%dma_wait3A_73, %dma_wait3A_74] : memref<100000x128xf32, #tpu.memory_space<hbm>> -> memref<100000x128xf32, #tpu.memory_space<hbm>>
      tpu.wait_indirect_dma semaphore(%arg15 : memref<!tpu.dma_semaphore, #tpu.memory_space<semaphore_mem>>) src(%dma_wait3A_75 : memref<100000x128xf32, #tpu.memory_space<hbm>>) dst(%dma_wait3A_70 : memref<32x128xf32, #tpu.memory_space<vmem>>)
      %scan3A_76 = arith.constant 0 : i32
      %scan3A_77 = arith.constant 0 : i32
      %scan3A_78 = arith.constant 10 : i32
      %scan3A_79 = arith.addi %scan3A_77, %scan3A_78 : i32
      %scan3A_80 = arith.constant 1 : i32
      scf.for %scan3A_122 = %scan3A_77 to %scan3A_79 step %scan3A_80  : i32 {
        %mul3A_123 = arith.constant 16 : i32
        %mul3A_124 = arith.muli %scan3A_122, %mul3A_123 : i32
        %add3A_125 = arith.constant 0 : i32
        %add3A_126 = arith.addi %mul3A_124, %add3A_125 : i32
        %get3A_127 = arith.index_cast %add3A_126 : i32 to index
        %get3A_128 = arith.constant 0 : index
        %get3A_129 = tpu.vector_load %arg8[%get3A_127, %get3A_128] {strides = array<i32>} : memref<160x128xf32, #tpu.memory_space<vmem>>, vector<16xf32>,
        %add3A_130 = arith.constant 0 : i32
        %add3A_131 = arith.addi %mul3A_124, %add3A_130 : i32
        %get3A_132 = arith.index_cast %add3A_131 : i32 to index
        %get3A_133 = arith.constant 16 : index
        %get3A_134 = tpu.vector_load %arg8[%get3A_132, %get3A_133] {strides = array<i32>} : memref<160x128xf32, #tpu.memory_space<vmem>>, vector<16xf32>,
        %add3A_135 = arith.constant 0 : i32
        %add3A_136 = arith.addi %mul3A_124, %add3A_135 : i32
        %get3A_137 = arith.index_cast %add3A_136 : i32 to index
        %get3A_138 = arith.constant 32 : index
        %get3A_139 = tpu.vector_load %arg8[%get3A_137, %get3A_138] {strides = array<i32>} : memref<160x128xf32, #tpu.memory_space<vmem>>, vector<16xf32>,
        %add3A_140 = arith.constant 0 : i32
        %add3A_141 = arith.addi %mul3A_124, %add3A_140 : i32
        %get3A_142 = arith.index_cast %add3A_141 : i32 to index
        %get3A_143 = arith.constant 48 : index
        %get3A_144 = tpu.vector_load %arg8[%get3A_142, %get3A_143] {strides = array<i32>} : memref<160x128xf32, #tpu.memory_space<vmem>>, vector<16xf32>,
        %add3A_145 = arith.addf %get3A_129, %get3A_134 : vector<16xf32>
        %add3A_146 = arith.addf %get3A_139, %get3A_144 : vector<16xf32>
        %add3A_147 = arith.addf %add3A_145, %add3A_146 : vector<16xf32>
        %mul3A_148 = arith.mulf %get3A_129, %get3A_129 : vector<16xf32>
        %mul3A_149 = arith.mulf %get3A_134, %get3A_134 : vector<16xf32>
        %add3A_150 = arith.addf %mul3A_148, %mul3A_149 : vector<16xf32>
        %mul3A_151 = arith.mulf %get3A_139, %get3A_139 : vector<16xf32>
        %mul3A_152 = arith.mulf %get3A_144, %get3A_144 : vector<16xf32>
        %add3A_153 = arith.addf %mul3A_151, %mul3A_152 : vector<16xf32>
        %add3A_154 = arith.addf %add3A_150, %add3A_153 : vector<16xf32>
        %add3A_155 = arith.constant 0 : i32
        %add3A_156 = vector.broadcast %add3A_155 : i32 to vector<16xi32>
        %add3A_157 = arith.addi %iota3A, %add3A_156 : vector<16xi32>
        tpu.vector_store_idx %arg14[%add3A_157], %add3A_147 : memref<544xf32, #tpu.memory_space<vmem>>[vector<16xi32>], vector<16xf32>,
        %add3A_158 = arith.constant 272 : i32
        %add3A_159 = vector.broadcast %add3A_158 : i32 to vector<16xi32>
        %add3A_160 = arith.addi %add3A_157, %add3A_159 : vector<16xi32>
        tpu.vector_store_idx %arg14[%add3A_160], %add3A_154 : memref<544xf32, #tpu.memory_space<vmem>>[vector<16xi32>], vector<16xf32>,
        %add3A_161 = arith.constant 1 : i32
        %add3A_162 = arith.addi %mul3A_124, %add3A_161 : i32
        %get3A_163 = arith.index_cast %add3A_162 : i32 to index
        %get3A_164 = arith.constant 0 : index
        %get3A_165 = tpu.vector_load %arg8[%get3A_163, %get3A_164] {strides = array<i32>} : memref<160x128xf32, #tpu.memory_space<vmem>>, vector<16xf32>,
        %add3A_166 = arith.constant 1 : i32
        %add3A_167 = arith.addi %mul3A_124, %add3A_166 : i32
        %get3A_168 = arith.index_cast %add3A_167 : i32 to index
        %get3A_169 = arith.constant 16 : index
        %get3A_170 = tpu.vector_load %arg8[%get3A_168, %get3A_169] {strides = array<i32>} : memref<160x128xf32, #tpu.memory_space<vmem>>, vector<16xf32>,
        %add3A_171 = arith.constant 1 : i32
        %add3A_172 = arith.addi %mul3A_124, %add3A_171 : i32
        %get3A_173 = arith.index_cast %add3A_172 : i32 to index
        %get3A_174 = arith.constant 32 : index
        %get3A_175 = tpu.vector_load %arg8[%get3A_173, %get3A_174] {strides = array<i32>} : memref<160x128xf32, #tpu.memory_space<vmem>>, vector<16xf32>,
        %add3A_176 = arith.constant 1 : i32
        %add3A_177 = arith.addi %mul3A_124, %add3A_176 : i32
        %get3A_178 = arith.index_cast %add3A_177 : i32 to index
        %get3A_179 = arith.constant 48 : index
        %get3A_180 = tpu.vector_load %arg8[%get3A_178, %get3A_179] {strides = array<i32>} : memref<160x128xf32, #tpu.memory_space<vmem>>, vector<16xf32>,
        %add3A_181 = arith.addf %get3A_165, %get3A_170 : vector<16xf32>
        %add3A_182 = arith.addf %get3A_175, %get3A_180 : vector<16xf32>
        %add3A_183 = arith.addf %add3A_181, %add3A_182 : vector<16xf32>
        %mul3A_184 = arith.mulf %get3A_165, %get3A_165 : vector<16xf32>
        %mul3A_185 = arith.mulf %get3A_170, %get3A_170 : vector<16xf32>
        %add3A_186 = arith.addf %mul3A_184, %mul3A_185 : vector<16xf32>
        %mul3A_187 = arith.mulf %get3A_175, %get3A_175 : vector<16xf32>
        %mul3A_188 = arith.mulf %get3A_180, %get3A_180 : vector<16xf32>
        %add3A_189 = arith.addf %mul3A_187, %mul3A_188 : vector<16xf32>
        %add3A_190 = arith.addf %add3A_186, %add3A_189 : vector<16xf32>
        %add3A_191 = arith.constant 17 : i32
        %add3A_192 = vector.broadcast %add3A_191 : i32 to vector<16xi32>
        %add3A_193 = arith.addi %iota3A, %add3A_192 : vector<16xi32>
        tpu.vector_store_idx %arg14[%add3A_193], %add3A_183 : memref<544xf32, #tpu.memory_space<vmem>>[vector<16xi32>], vector<16xf32>,
        %add3A_194 = arith.constant 272 : i32
        %add3A_195 = vector.broadcast %add3A_194 : i32 to vector<16xi32>
        %add3A_196 = arith.addi %add3A_193, %add3A_195 : vector<16xi32>
        tpu.vector_store_idx %arg14[%add3A_196], %add3A_190 : memref<544xf32, #tpu.memory_space<vmem>>[vector<16xi32>], vector<16xf32>,
        %add3A_197 = arith.constant 2 : i32
        %add3A_198 = arith.addi %mul3A_124, %add3A_197 : i32
        %get3A_199 = arith.index_cast %add3A_198 : i32 to index
        %get3A_200 = arith.constant 0 : index
        %get3A_201 = tpu.vector_load %arg8[%get3A_199, %get3A_200] {strides = array<i32>} : memref<160x128xf32, #tpu.memory_space<vmem>>, vector<16xf32>,
        %add3A_202 = arith.constant 2 : i32
        %add3A_203 = arith.addi %mul3A_124, %add3A_202 : i32
        %get3A_204 = arith.index_cast %add3A_203 : i32 to index
        %get3A_205 = arith.constant 16 : index
        %get3A_206 = tpu.vector_load %arg8[%get3A_204, %get3A_205] {strides = array<i32>} : memref<160x128xf32, #tpu.memory_space<vmem>>, vector<16xf32>,
        %add3A_207 = arith.constant 2 : i32
        %add3A_208 = arith.addi %mul3A_124, %add3A_207 : i32
        %get3A_209 = arith.index_cast %add3A_208 : i32 to index
        %get3A_210 = arith.constant 32 : index
        %get3A_211 = tpu.vector_load %arg8[%get3A_209, %get3A_210] {strides = array<i32>} : memref<160x128xf32, #tpu.memory_space<vmem>>, vector<16xf32>,
        %add3A_212 = arith.constant 2 : i32
        %add3A_213 = arith.addi %mul3A_124, %add3A_212 : i32
        %get3A_214 = arith.index_cast %add3A_213 : i32 to index
        %get3A_215 = arith.constant 48 : index
        %get3A_216 = tpu.vector_load %arg8[%get3A_214, %get3A_215] {strides = array<i32>} : memref<160x128xf32, #tpu.memory_space<vmem>>, vector<16xf32>,
        %add3A_217 = arith.addf %get3A_201, %get3A_206 : vector<16xf32>
        %add3A_218 = arith.addf %get3A_211, %get3A_216 : vector<16xf32>
        %add3A_219 = arith.addf %add3A_217, %add3A_218 : vector<16xf32>
        %mul3A_220 = arith.mulf %get3A_201, %get3A_201 : vector<16xf32>
        %mul3A_221 = arith.mulf %get3A_206, %get3A_206 : vector<16xf32>
        %add3A_222 = arith.addf %mul3A_220, %mul3A_221 : vector<16xf32>
        %mul3A_223 = arith.mulf %get3A_211, %get3A_211 : vector<16xf32>
        %mul3A_224 = arith.mulf %get3A_216, %get3A_216 : vector<16xf32>
        %add3A_225 = arith.addf %mul3A_223, %mul3A_224 : vector<16xf32>
        %add3A_226 = arith.addf %add3A_222, %add3A_225 : vector<16xf32>
        %add3A_227 = arith.constant 34 : i32
        %add3A_228 = vector.broadcast %add3A_227 : i32 to vector<16xi32>
        %add3A_229 = arith.addi %iota3A, %add3A_228 : vector<16xi32>
        tpu.vector_store_idx %arg14[%add3A_229], %add3A_219 : memref<544xf32, #tpu.memory_space<vmem>>[vector<16xi32>], vector<16xf32>,
        %add3A_230 = arith.constant 272 : i32
        %add3A_231 = vector.broadcast %add3A_230 : i32 to vector<16xi32>
        %add3A_232 = arith.addi %add3A_229, %add3A_231 : vector<16xi32>
        tpu.vector_store_idx %arg14[%add3A_232], %add3A_226 : memref<544xf32, #tpu.memory_space<vmem>>[vector<16xi32>], vector<16xf32>,
        %add3A_233 = arith.constant 3 : i32
        %add3A_234 = arith.addi %mul3A_124, %add3A_233 : i32
        %get3A_235 = arith.index_cast %add3A_234 : i32 to index
        %get3A_236 = arith.constant 0 : index
        %get3A_237 = tpu.vector_load %arg8[%get3A_235, %get3A_236] {strides = array<i32>} : memref<160x128xf32, #tpu.memory_space<vmem>>, vector<16xf32>,
        %add3A_238 = arith.constant 3 : i32
        %add3A_239 = arith.addi %mul3A_124, %add3A_238 : i32
        %get3A_240 = arith.index_cast %add3A_239 : i32 to index
        %get3A_241 = arith.constant 16 : index
        %get3A_242 = tpu.vector_load %arg8[%get3A_240, %get3A_241] {strides = array<i32>} : memref<160x128xf32, #tpu.memory_space<vmem>>, vector<16xf32>,
        %add3A_243 = arith.constant 3 : i32
        %add3A_244 = arith.addi %mul3A_124, %add3A_243 : i32
        %get3A_245 = arith.index_cast %add3A_244 : i32 to index
        %get3A_246 = arith.constant 32 : index
        %get3A_247 = tpu.vector_load %arg8[%get3A_245, %get3A_246] {strides = array<i32>} : memref<160x128xf32, #tpu.memory_space<vmem>>, vector<16xf32>,
        %add3A_248 = arith.constant 3 : i32
        %add3A_249 = arith.addi %mul3A_124, %add3A_248 : i32
        %get3A_250 = arith.index_cast %add3A_249 : i32 to index
        %get3A_251 = arith.constant 48 : index
        %get3A_252 = tpu.vector_load %arg8[%get3A_250, %get3A_251] {strides = array<i32>} : memref<160x128xf32, #tpu.memory_space<vmem>>, vector<16xf32>,
        %add3A_253 = arith.addf %get3A_237, %get3A_242 : vector<16xf32>
        %add3A_254 = arith.addf %get3A_247, %get3A_252 : vector<16xf32>
        %add3A_255 = arith.addf %add3A_253, %add3A_254 : vector<16xf32>
        %mul3A_256 = arith.mulf %get3A_237, %get3A_237 : vector<16xf32>
        %mul3A_257 = arith.mulf %get3A_242, %get3A_242 : vector<16xf32>
        %add3A_258 = arith.addf %mul3A_256, %mul3A_257 : vector<16xf32>
        %mul3A_259 = arith.mulf %get3A_247, %get3A_247 : vector<16xf32>
        %mul3A_260 = arith.mulf %get3A_252, %get3A_252 : vector<16xf32>
        %add3A_261 = arith.addf %mul3A_259, %mul3A_260 : vector<16xf32>
        %add3A_262 = arith.addf %add3A_258, %add3A_261 : vector<16xf32>
        %add3A_263 = arith.constant 51 : i32
        %add3A_264 = vector.broadcast %add3A_263 : i32 to vector<16xi32>
        %add3A_265 = arith.addi %iota3A, %add3A_264 : vector<16xi32>
        tpu.vector_store_idx %arg14[%add3A_265], %add3A_255 : memref<544xf32, #tpu.memory_space<vmem>>[vector<16xi32>], vector<16xf32>,
        %add3A_266 = arith.constant 272 : i32
        %add3A_267 = vector.broadcast %add3A_266 : i32 to vector<16xi32>
        %add3A_268 = arith.addi %add3A_265, %add3A_267 : vector<16xi32>
        tpu.vector_store_idx %arg14[%add3A_268], %add3A_262 : memref<544xf32, #tpu.memory_space<vmem>>[vector<16xi32>], vector<16xf32>,
        %add3A_269 = arith.constant 4 : i32
        %add3A_270 = arith.addi %mul3A_124, %add3A_269 : i32
        %get3A_271 = arith.index_cast %add3A_270 : i32 to index
        %get3A_272 = arith.constant 0 : index
        %get3A_273 = tpu.vector_load %arg8[%get3A_271, %get3A_272] {strides = array<i32>} : memref<160x128xf32, #tpu.memory_space<vmem>>, vector<16xf32>,
        %add3A_274 = arith.constant 4 : i32
        %add3A_275 = arith.addi %mul3A_124, %add3A_274 : i32
        %get3A_276 = arith.index_cast %add3A_275 : i32 to index
        %get3A_277 = arith.constant 16 : index
        %get3A_278 = tpu.vector_load %arg8[%get3A_276, %get3A_277] {strides = array<i32>} : memref<160x128xf32, #tpu.memory_space<vmem>>, vector<16xf32>,
        %add3A_279 = arith.constant 4 : i32
        %add3A_280 = arith.addi %mul3A_124, %add3A_279 : i32
        %get3A_281 = arith.index_cast %add3A_280 : i32 to index
        %get3A_282 = arith.constant 32 : index
        %get3A_283 = tpu.vector_load %arg8[%get3A_281, %get3A_282] {strides = array<i32>} : memref<160x128xf32, #tpu.memory_space<vmem>>, vector<16xf32>,
        %add3A_284 = arith.constant 4 : i32
        %add3A_285 = arith.addi %mul3A_124, %add3A_284 : i32
        %get3A_286 = arith.index_cast %add3A_285 : i32 to index
        %get3A_287 = arith.constant 48 : index
        %get3A_288 = tpu.vector_load %arg8[%get3A_286, %get3A_287] {strides = array<i32>} : memref<160x128xf32, #tpu.memory_space<vmem>>, vector<16xf32>,
        %add3A_289 = arith.addf %get3A_273, %get3A_278 : vector<16xf32>
        %add3A_290 = arith.addf %get3A_283, %get3A_288 : vector<16xf32>
        %add3A_291 = arith.addf %add3A_289, %add3A_290 : vector<16xf32>
        %mul3A_292 = arith.mulf %get3A_273, %get3A_273 : vector<16xf32>
        %mul3A_293 = arith.mulf %get3A_278, %get3A_278 : vector<16xf32>
        %add3A_294 = arith.addf %mul3A_292, %mul3A_293 : vector<16xf32>
        %mul3A_295 = arith.mulf %get3A_283, %get3A_283 : vector<16xf32>
        %mul3A_296 = arith.mulf %get3A_288, %get3A_288 : vector<16xf32>
        %add3A_297 = arith.addf %mul3A_295, %mul3A_296 : vector<16xf32>
        %add3A_298 = arith.addf %add3A_294, %add3A_297 : vector<16xf32>
        %add3A_299 = arith.constant 68 : i32
        %add3A_300 = vector.broadcast %add3A_299 : i32 to vector<16xi32>
        %add3A_301 = arith.addi %iota3A, %add3A_300 : vector<16xi32>
        tpu.vector_store_idx %arg14[%add3A_301], %add3A_291 : memref<544xf32, #tpu.memory_space<vmem>>[vector<16xi32>], vector<16xf32>,
        %add3A_302 = arith.constant 272 : i32
        %add3A_303 = vector.broadcast %add3A_302 : i32 to vector<16xi32>
        %add3A_304 = arith.addi %add3A_301, %add3A_303 : vector<16xi32>
        tpu.vector_store_idx %arg14[%add3A_304], %add3A_298 : memref<544xf32, #tpu.memory_space<vmem>>[vector<16xi32>], vector<16xf32>,
        %add3A_305 = arith.constant 5 : i32
        %add3A_306 = arith.addi %mul3A_124, %add3A_305 : i32
        %get3A_307 = arith.index_cast %add3A_306 : i32 to index
        %get3A_308 = arith.constant 0 : index
        %get3A_309 = tpu.vector_load %arg8[%get3A_307, %get3A_308] {strides = array<i32>} : memref<160x128xf32, #tpu.memory_space<vmem>>, vector<16xf32>,
        %add3A_310 = arith.constant 5 : i32
        %add3A_311 = arith.addi %mul3A_124, %add3A_310 : i32
        %get3A_312 = arith.index_cast %add3A_311 : i32 to index
        %get3A_313 = arith.constant 16 : index
        %get3A_314 = tpu.vector_load %arg8[%get3A_312, %get3A_313] {strides = array<i32>} : memref<160x128xf32, #tpu.memory_space<vmem>>, vector<16xf32>,
        %add3A_315 = arith.constant 5 : i32
        %add3A_316 = arith.addi %mul3A_124, %add3A_315 : i32
        %get3A_317 = arith.index_cast %add3A_316 : i32 to index
        %get3A_318 = arith.constant 32 : index
        %get3A_319 = tpu.vector_load %arg8[%get3A_317, %get3A_318] {strides = array<i32>} : memref<160x128xf32, #tpu.memory_space<vmem>>, vector<16xf32>,
        %add3A_320 = arith.constant 5 : i32
        %add3A_321 = arith.addi %mul3A_124, %add3A_320 : i32
        %get3A_322 = arith.index_cast %add3A_321 : i32 to index
        %get3A_323 = arith.constant 48 : index
        %get3A_324 = tpu.vector_load %arg8[%get3A_322, %get3A_323] {strides = array<i32>} : memref<160x128xf32, #tpu.memory_space<vmem>>, vector<16xf32>,
        %add3A_325 = arith.addf %get3A_309, %get3A_314 : vector<16xf32>
        %add3A_326 = arith.addf %get3A_319, %get3A_324 : vector<16xf32>
        %add3A_327 = arith.addf %add3A_325, %add3A_326 : vector<16xf32>
        %mul3A_328 = arith.mulf %get3A_309, %get3A_309 : vector<16xf32>
        %mul3A_329 = arith.mulf %get3A_314, %get3A_314 : vector<16xf32>
        %add3A_330 = arith.addf %mul3A_328, %mul3A_329 : vector<16xf32>
        %mul3A_331 = arith.mulf %get3A_319, %get3A_319 : vector<16xf32>
        %mul3A_332 = arith.mulf %get3A_324, %get3A_324 : vector<16xf32>
        %add3A_333 = arith.addf %mul3A_331, %mul3A_332 : vector<16xf32>
        %add3A_334 = arith.addf %add3A_330, %add3A_333 : vector<16xf32>
        %add3A_335 = arith.constant 85 : i32
        %add3A_336 = vector.broadcast %add3A_335 : i32 to vector<16xi32>
        %add3A_337 = arith.addi %iota3A, %add3A_336 : vector<16xi32>
        tpu.vector_store_idx %arg14[%add3A_337], %add3A_327 : memref<544xf32, #tpu.memory_space<vmem>>[vector<16xi32>], vector<16xf32>,
        %add3A_338 = arith.constant 272 : i32
        %add3A_339 = vector.broadcast %add3A_338 : i32 to vector<16xi32>
        %add3A_340 = arith.addi %add3A_337, %add3A_339 : vector<16xi32>
        tpu.vector_store_idx %arg14[%add3A_340], %add3A_334 : memref<544xf32, #tpu.memory_space<vmem>>[vector<16xi32>], vector<16xf32>,
        %add3A_341 = arith.constant 6 : i32
        %add3A_342 = arith.addi %mul3A_124, %add3A_341 : i32
        %get3A_343 = arith.index_cast %add3A_342 : i32 to index
        %get3A_344 = arith.constant 0 : index
        %get3A_345 = tpu.vector_load %arg8[%get3A_343, %get3A_344] {strides = array<i32>} : memref<160x128xf32, #tpu.memory_space<vmem>>, vector<16xf32>,
        %add3A_346 = arith.constant 6 : i32
        %add3A_347 = arith.addi %mul3A_124, %add3A_346 : i32
        %get3A_348 = arith.index_cast %add3A_347 : i32 to index
        %get3A_349 = arith.constant 16 : index
        %get3A_350 = tpu.vector_load %arg8[%get3A_348, %get3A_349] {strides = array<i32>} : memref<160x128xf32, #tpu.memory_space<vmem>>, vector<16xf32>,
        %add3A_351 = arith.constant 6 : i32
        %add3A_352 = arith.addi %mul3A_124, %add3A_351 : i32
        %get3A_353 = arith.index_cast %add3A_352 : i32 to index
        %get3A_354 = arith.constant 32 : index
        %get3A_355 = tpu.vector_load %arg8[%get3A_353, %get3A_354] {strides = array<i32>} : memref<160x128xf32, #tpu.memory_space<vmem>>, vector<16xf32>,
        %add3A_356 = arith.constant 6 : i32
        %add3A_357 = arith.addi %mul3A_124, %add3A_356 : i32
        %get3A_358 = arith.index_cast %add3A_357 : i32 to index
        %get3A_359 = arith.constant 48 : index
        %get3A_360 = tpu.vector_load %arg8[%get3A_358, %get3A_359] {strides = array<i32>} : memref<160x128xf32, #tpu.memory_space<vmem>>, vector<16xf32>,
        %add3A_361 = arith.addf %get3A_345, %get3A_350 : vector<16xf32>
        %add3A_362 = arith.addf %get3A_355, %get3A_360 : vector<16xf32>
        %add3A_363 = arith.addf %add3A_361, %add3A_362 : vector<16xf32>
        %mul3A_364 = arith.mulf %get3A_345, %get3A_345 : vector<16xf32>
        %mul3A_365 = arith.mulf %get3A_350, %get3A_350 : vector<16xf32>
        %add3A_366 = arith.addf %mul3A_364, %mul3A_365 : vector<16xf32>
        %mul3A_367 = arith.mulf %get3A_355, %get3A_355 : vector<16xf32>
        %mul3A_368 = arith.mulf %get3A_360, %get3A_360 : vector<16xf32>
        %add3A_369 = arith.addf %mul3A_367, %mul3A_368 : vector<16xf32>
        %add3A_370 = arith.addf %add3A_366, %add3A_369 : vector<16xf32>
        %add3A_371 = arith.constant 102 : i32
        %add3A_372 = vector.broadcast %add3A_371 : i32 to vector<16xi32>
        %add3A_373 = arith.addi %iota3A, %add3A_372 : vector<16xi32>
        tpu.vector_store_idx %arg14[%add3A_373], %add3A_363 : memref<544xf32, #tpu.memory_space<vmem>>[vector<16xi32>], vector<16xf32>,
        %add3A_374 = arith.constant 272 : i32
        %add3A_375 = vector.broadcast %add3A_374 : i32 to vector<16xi32>
        %add3A_376 = arith.addi %add3A_373, %add3A_375 : vector<16xi32>
        tpu.vector_store_idx %arg14[%add3A_376], %add3A_370 : memref<544xf32, #tpu.memory_space<vmem>>[vector<16xi32>], vector<16xf32>,
        %add3A_377 = arith.constant 7 : i32
        %add3A_378 = arith.addi %mul3A_124, %add3A_377 : i32
        %get3A_379 = arith.index_cast %add3A_378 : i32 to index
        %get3A_380 = arith.constant 0 : index
        %get3A_381 = tpu.vector_load %arg8[%get3A_379, %get3A_380] {strides = array<i32>} : memref<160x128xf32, #tpu.memory_space<vmem>>, vector<16xf32>,
        %add3A_382 = arith.constant 7 : i32
        %add3A_383 = arith.addi %mul3A_124, %add3A_382 : i32
        %get3A_384 = arith.index_cast %add3A_383 : i32 to index
        %get3A_385 = arith.constant 16 : index
        %get3A_386 = tpu.vector_load %arg8[%get3A_384, %get3A_385] {strides = array<i32>} : memref<160x128xf32, #tpu.memory_space<vmem>>, vector<16xf32>,
        %add3A_387 = arith.constant 7 : i32
        %add3A_388 = arith.addi %mul3A_124, %add3A_387 : i32
        %get3A_389 = arith.index_cast %add3A_388 : i32 to index
        %get3A_390 = arith.constant 32 : index
        %get3A_391 = tpu.vector_load %arg8[%get3A_389, %get3A_390] {strides = array<i32>} : memref<160x128xf32, #tpu.memory_space<vmem>>, vector<16xf32>,
        %add3A_392 = arith.constant 7 : i32
        %add3A_393 = arith.addi %mul3A_124, %add3A_392 : i32
        %get3A_394 = arith.index_cast %add3A_393 : i32 to index
        %get3A_395 = arith.constant 48 : index
        %get3A_396 = tpu.vector_load %arg8[%get3A_394, %get3A_395] {strides = array<i32>} : memref<160x128xf32, #tpu.memory_space<vmem>>, vector<16xf32>,
        %add3A_397 = arith.addf %get3A_381, %get3A_386 : vector<16xf32>
        %add3A_398 = arith.addf %get3A_391, %get3A_396 : vector<16xf32>
        %add3A_399 = arith.addf %add3A_397, %add3A_398 : vector<16xf32>
        %mul3A_400 = arith.mulf %get3A_381, %get3A_381 : vector<16xf32>
        %mul3A_401 = arith.mulf %get3A_386, %get3A_386 : vector<16xf32>
        %add3A_402 = arith.addf %mul3A_400, %mul3A_401 : vector<16xf32>
        %mul3A_403 = arith.mulf %get3A_391, %get3A_391 : vector<16xf32>
        %mul3A_404 = arith.mulf %get3A_396, %get3A_396 : vector<16xf32>
        %add3A_405 = arith.addf %mul3A_403, %mul3A_404 : vector<16xf32>
        %add3A_406 = arith.addf %add3A_402, %add3A_405 : vector<16xf32>
        %add3A_407 = arith.constant 119 : i32
        %add3A_408 = vector.broadcast %add3A_407 : i32 to vector<16xi32>
        %add3A_409 = arith.addi %iota3A, %add3A_408 : vector<16xi32>
        tpu.vector_store_idx %arg14[%add3A_409], %add3A_399 : memref<544xf32, #tpu.memory_space<vmem>>[vector<16xi32>], vector<16xf32>,
        %add3A_410 = arith.constant 272 : i32
        %add3A_411 = vector.broadcast %add3A_410 : i32 to vector<16xi32>
        %add3A_412 = arith.addi %add3A_409, %add3A_411 : vector<16xi32>
        tpu.vector_store_idx %arg14[%add3A_412], %add3A_406 : memref<544xf32, #tpu.memory_space<vmem>>[vector<16xi32>], vector<16xf32>,
        %add3A_413 = arith.constant 8 : i32
        %add3A_414 = arith.addi %mul3A_124, %add3A_413 : i32
        %get3A_415 = arith.index_cast %add3A_414 : i32 to index
        %get3A_416 = arith.constant 0 : index
        %get3A_417 = tpu.vector_load %arg8[%get3A_415, %get3A_416] {strides = array<i32>} : memref<160x128xf32, #tpu.memory_space<vmem>>, vector<16xf32>,
        %add3A_418 = arith.constant 8 : i32
        %add3A_419 = arith.addi %mul3A_124, %add3A_418 : i32
        %get3A_420 = arith.index_cast %add3A_419 : i32 to index
        %get3A_421 = arith.constant 16 : index
        %get3A_422 = tpu.vector_load %arg8[%get3A_420, %get3A_421] {strides = array<i32>} : memref<160x128xf32, #tpu.memory_space<vmem>>, vector<16xf32>,
        %add3A_423 = arith.constant 8 : i32
        %add3A_424 = arith.addi %mul3A_124, %add3A_423 : i32
        %get3A_425 = arith.index_cast %add3A_424 : i32 to index
        %get3A_426 = arith.constant 32 : index
        %get3A_427 = tpu.vector_load %arg8[%get3A_425, %get3A_426] {strides = array<i32>} : memref<160x128xf32, #tpu.memory_space<vmem>>, vector<16xf32>,
        %add3A_428 = arith.constant 8 : i32
        %add3A_429 = arith.addi %mul3A_124, %add3A_428 : i32
        %get3A_430 = arith.index_cast %add3A_429 : i32 to index
        %get3A_431 = arith.constant 48 : index
        %get3A_432 = tpu.vector_load %arg8[%get3A_430, %get3A_431] {strides = array<i32>} : memref<160x128xf32, #tpu.memory_space<vmem>>, vector<16xf32>,
        %add3A_433 = arith.addf %get3A_417, %get3A_422 : vector<16xf32>
        %add3A_434 = arith.addf %get3A_427, %get3A_432 : vector<16xf32>
        %add3A_435 = arith.addf %add3A_433, %add3A_434 : vector<16xf32>
        %mul3A_436 = arith.mulf %get3A_417, %get3A_417 : vector<16xf32>
        %mul3A_437 = arith.mulf %get3A_422, %get3A_422 : vector<16xf32>
        %add3A_438 = arith.addf %mul3A_436, %mul3A_437 : vector<16xf32>
        %mul3A_439 = arith.mulf %get3A_427, %get3A_427 : vector<16xf32>
        %mul3A_440 = arith.mulf %get3A_432, %get3A_432 : vector<16xf32>
        %add3A_441 = arith.addf %mul3A_439, %mul3A_440 : vector<16xf32>
        %add3A_442 = arith.addf %add3A_438, %add3A_441 : vector<16xf32>
        %add3A_443 = arith.constant 136 : i32
        %add3A_444 = vector.broadcast %add3A_443 : i32 to vector<16xi32>
        %add3A_445 = arith.addi %iota3A, %add3A_444 : vector<16xi32>
        tpu.vector_store_idx %arg14[%add3A_445], %add3A_435 : memref<544xf32, #tpu.memory_space<vmem>>[vector<16xi32>], vector<16xf32>,
        %add3A_446 = arith.constant 272 : i32
        %add3A_447 = vector.broadcast %add3A_446 : i32 to vector<16xi32>
        %add3A_448 = arith.addi %add3A_445, %add3A_447 : vector<16xi32>
        tpu.vector_store_idx %arg14[%add3A_448], %add3A_442 : memref<544xf32, #tpu.memory_space<vmem>>[vector<16xi32>], vector<16xf32>,
        %add3A_449 = arith.constant 9 : i32
        %add3A_450 = arith.addi %mul3A_124, %add3A_449 : i32
        %get3A_451 = arith.index_cast %add3A_450 : i32 to index
        %get3A_452 = arith.constant 0 : index
        %get3A_453 = tpu.vector_load %arg8[%get3A_451, %get3A_452] {strides = array<i32>} : memref<160x128xf32, #tpu.memory_space<vmem>>, vector<16xf32>,
        %add3A_454 = arith.constant 9 : i32
        %add3A_455 = arith.addi %mul3A_124, %add3A_454 : i32
        %get3A_456 = arith.index_cast %add3A_455 : i32 to index
        %get3A_457 = arith.constant 16 : index
        %get3A_458 = tpu.vector_load %arg8[%get3A_456, %get3A_457] {strides = array<i32>} : memref<160x128xf32, #tpu.memory_space<vmem>>, vector<16xf32>,
        %add3A_459 = arith.constant 9 : i32
        %add3A_460 = arith.addi %mul3A_124, %add3A_459 : i32
        %get3A_461 = arith.index_cast %add3A_460 : i32 to index
        %get3A_462 = arith.constant 32 : index
        %get3A_463 = tpu.vector_load %arg8[%get3A_461, %get3A_462] {strides = array<i32>} : memref<160x128xf32, #tpu.memory_space<vmem>>, vector<16xf32>,
        %add3A_464 = arith.constant 9 : i32
        %add3A_465 = arith.addi %mul3A_124, %add3A_464 : i32
        %get3A_466 = arith.index_cast %add3A_465 : i32 to index
        %get3A_467 = arith.constant 48 : index
        %get3A_468 = tpu.vector_load %arg8[%get3A_466, %get3A_467] {strides = array<i32>} : memref<160x128xf32, #tpu.memory_space<vmem>>, vector<16xf32>,
        %add3A_469 = arith.addf %get3A_453, %get3A_458 : vector<16xf32>
        %add3A_470 = arith.addf %get3A_463, %get3A_468 : vector<16xf32>
        %add3A_471 = arith.addf %add3A_469, %add3A_470 : vector<16xf32>
        %mul3A_472 = arith.mulf %get3A_453, %get3A_453 : vector<16xf32>
        %mul3A_473 = arith.mulf %get3A_458, %get3A_458 : vector<16xf32>
        %add3A_474 = arith.addf %mul3A_472, %mul3A_473 : vector<16xf32>
        %mul3A_475 = arith.mulf %get3A_463, %get3A_463 : vector<16xf32>
        %mul3A_476 = arith.mulf %get3A_468, %get3A_468 : vector<16xf32>
        %add3A_477 = arith.addf %mul3A_475, %mul3A_476 : vector<16xf32>
        %add3A_478 = arith.addf %add3A_474, %add3A_477 : vector<16xf32>
        %add3A_479 = arith.constant 153 : i32
        %add3A_480 = vector.broadcast %add3A_479 : i32 to vector<16xi32>
        %add3A_481 = arith.addi %iota3A, %add3A_480 : vector<16xi32>
        tpu.vector_store_idx %arg14[%add3A_481], %add3A_471 : memref<544xf32, #tpu.memory_space<vmem>>[vector<16xi32>], vector<16xf32>,
        %add3A_482 = arith.constant 272 : i32
        %add3A_483 = vector.broadcast %add3A_482 : i32 to vector<16xi32>
        %add3A_484 = arith.addi %add3A_481, %add3A_483 : vector<16xi32>
        tpu.vector_store_idx %arg14[%add3A_484], %add3A_478 : memref<544xf32, #tpu.memory_space<vmem>>[vector<16xi32>], vector<16xf32>,
        %add3A_485 = arith.constant 10 : i32
        %add3A_486 = arith.addi %mul3A_124, %add3A_485 : i32
        %get3A_487 = arith.index_cast %add3A_486 : i32 to index
        %get3A_488 = arith.constant 0 : index
        %get3A_489 = tpu.vector_load %arg8[%get3A_487, %get3A_488] {strides = array<i32>} : memref<160x128xf32, #tpu.memory_space<vmem>>, vector<16xf32>,
        %add3A_490 = arith.constant 10 : i32
        %add3A_491 = arith.addi %mul3A_124, %add3A_490 : i32
        %get3A_492 = arith.index_cast %add3A_491 : i32 to index
        %get3A_493 = arith.constant 16 : index
        %get3A_494 = tpu.vector_load %arg8[%get3A_492, %get3A_493] {strides = array<i32>} : memref<160x128xf32, #tpu.memory_space<vmem>>, vector<16xf32>,
        %add3A_495 = arith.constant 10 : i32
        %add3A_496 = arith.addi %mul3A_124, %add3A_495 : i32
        %get3A_497 = arith.index_cast %add3A_496 : i32 to index
        %get3A_498 = arith.constant 32 : index
        %get3A_499 = tpu.vector_load %arg8[%get3A_497, %get3A_498] {strides = array<i32>} : memref<160x128xf32, #tpu.memory_space<vmem>>, vector<16xf32>,
        %add3A_500 = arith.constant 10 : i32
        %add3A_501 = arith.addi %mul3A_124, %add3A_500 : i32
        %get3A_502 = arith.index_cast %add3A_501 : i32 to index
        %get3A_503 = arith.constant 48 : index
        %get3A_504 = tpu.vector_load %arg8[%get3A_502, %get3A_503] {strides = array<i32>} : memref<160x128xf32, #tpu.memory_space<vmem>>, vector<16xf32>,
        %add3A_505 = arith.addf %get3A_489, %get3A_494 : vector<16xf32>
        %add3A_506 = arith.addf %get3A_499, %get3A_504 : vector<16xf32>
        %add3A_507 = arith.addf %add3A_505, %add3A_506 : vector<16xf32>
        %mul3A_508 = arith.mulf %get3A_489, %get3A_489 : vector<16xf32>
        %mul3A_509 = arith.mulf %get3A_494, %get3A_494 : vector<16xf32>
        %add3A_510 = arith.addf %mul3A_508, %mul3A_509 : vector<16xf32>
        %mul3A_511 = arith.mulf %get3A_499, %get3A_499 : vector<16xf32>
        %mul3A_512 = arith.mulf %get3A_504, %get3A_504 : vector<16xf32>
        %add3A_513 = arith.addf %mul3A_511, %mul3A_512 : vector<16xf32>
        %add3A_514 = arith.addf %add3A_510, %add3A_513 : vector<16xf32>
        %add3A_515 = arith.constant 170 : i32
        %add3A_516 = vector.broadcast %add3A_515 : i32 to vector<16xi32>
        %add3A_517 = arith.addi %iota3A, %add3A_516 : vector<16xi32>
        tpu.vector_store_idx %arg14[%add3A_517], %add3A_507 : memref<544xf32, #tpu.memory_space<vmem>>[vector<16xi32>], vector<16xf32>,
        %add3A_518 = arith.constant 272 : i32
        %add3A_519 = vector.broadcast %add3A_518 : i32 to vector<16xi32>
        %add3A_520 = arith.addi %add3A_517, %add3A_519 : vector<16xi32>
        tpu.vector_store_idx %arg14[%add3A_520], %add3A_514 : memref<544xf32, #tpu.memory_space<vmem>>[vector<16xi32>], vector<16xf32>,
        %add3A_521 = arith.constant 11 : i32
        %add3A_522 = arith.addi %mul3A_124, %add3A_521 : i32
        %get3A_523 = arith.index_cast %add3A_522 : i32 to index
        %get3A_524 = arith.constant 0 : index
        %get3A_525 = tpu.vector_load %arg8[%get3A_523, %get3A_524] {strides = array<i32>} : memref<160x128xf32, #tpu.memory_space<vmem>>, vector<16xf32>,
        %add3A_526 = arith.constant 11 : i32
        %add3A_527 = arith.addi %mul3A_124, %add3A_526 : i32
        %get3A_528 = arith.index_cast %add3A_527 : i32 to index
        %get3A_529 = arith.constant 16 : index
        %get3A_530 = tpu.vector_load %arg8[%get3A_528, %get3A_529] {strides = array<i32>} : memref<160x128xf32, #tpu.memory_space<vmem>>, vector<16xf32>,
        %add3A_531 = arith.constant 11 : i32
        %add3A_532 = arith.addi %mul3A_124, %add3A_531 : i32
        %get3A_533 = arith.index_cast %add3A_532 : i32 to index
        %get3A_534 = arith.constant 32 : index
        %get3A_535 = tpu.vector_load %arg8[%get3A_533, %get3A_534] {strides = array<i32>} : memref<160x128xf32, #tpu.memory_space<vmem>>, vector<16xf32>,
        %add3A_536 = arith.constant 11 : i32
        %add3A_537 = arith.addi %mul3A_124, %add3A_536 : i32
        %get3A_538 = arith.index_cast %add3A_537 : i32 to index
        %get3A_539 = arith.constant 48 : index
        %get3A_540 = tpu.vector_load %arg8[%get3A_538, %get3A_539] {strides = array<i32>} : memref<160x128xf32, #tpu.memory_space<vmem>>, vector<16xf32>,
        %add3A_541 = arith.addf %get3A_525, %get3A_530 : vector<16xf32>
        %add3A_542 = arith.addf %get3A_535, %get3A_540 : vector<16xf32>
        %add3A_543 = arith.addf %add3A_541, %add3A_542 : vector<16xf32>
        %mul3A_544 = arith.mulf %get3A_525, %get3A_525 : vector<16xf32>
        %mul3A_545 = arith.mulf %get3A_530, %get3A_530 : vector<16xf32>
        %add3A_546 = arith.addf %mul3A_544, %mul3A_545 : vector<16xf32>
        %mul3A_547 = arith.mulf %get3A_535, %get3A_535 : vector<16xf32>
        %mul3A_548 = arith.mulf %get3A_540, %get3A_540 : vector<16xf32>
        %add3A_549 = arith.addf %mul3A_547, %mul3A_548 : vector<16xf32>
        %add3A_550 = arith.addf %add3A_546, %add3A_549 : vector<16xf32>
        %add3A_551 = arith.constant 187 : i32
        %add3A_552 = vector.broadcast %add3A_551 : i32 to vector<16xi32>
        %add3A_553 = arith.addi %iota3A, %add3A_552 : vector<16xi32>
        tpu.vector_store_idx %arg14[%add3A_553], %add3A_543 : memref<544xf32, #tpu.memory_space<vmem>>[vector<16xi32>], vector<16xf32>,
        %add3A_554 = arith.constant 272 : i32
        %add3A_555 = vector.broadcast %add3A_554 : i32 to vector<16xi32>
        %add3A_556 = arith.addi %add3A_553, %add3A_555 : vector<16xi32>
        tpu.vector_store_idx %arg14[%add3A_556], %add3A_550 : memref<544xf32, #tpu.memory_space<vmem>>[vector<16xi32>], vector<16xf32>,
        %add3A_557 = arith.constant 12 : i32
        %add3A_558 = arith.addi %mul3A_124, %add3A_557 : i32
        %get3A_559 = arith.index_cast %add3A_558 : i32 to index
        %get3A_560 = arith.constant 0 : index
        %get3A_561 = tpu.vector_load %arg8[%get3A_559, %get3A_560] {strides = array<i32>} : memref<160x128xf32, #tpu.memory_space<vmem>>, vector<16xf32>,
        %add3A_562 = arith.constant 12 : i32
        %add3A_563 = arith.addi %mul3A_124, %add3A_562 : i32
        %get3A_564 = arith.index_cast %add3A_563 : i32 to index
        %get3A_565 = arith.constant 16 : index
        %get3A_566 = tpu.vector_load %arg8[%get3A_564, %get3A_565] {strides = array<i32>} : memref<160x128xf32, #tpu.memory_space<vmem>>, vector<16xf32>,
        %add3A_567 = arith.constant 12 : i32
        %add3A_568 = arith.addi %mul3A_124, %add3A_567 : i32
        %get3A_569 = arith.index_cast %add3A_568 : i32 to index
        %get3A_570 = arith.constant 32 : index
        %get3A_571 = tpu.vector_load %arg8[%get3A_569, %get3A_570] {strides = array<i32>} : memref<160x128xf32, #tpu.memory_space<vmem>>, vector<16xf32>,
        %add3A_572 = arith.constant 12 : i32
        %add3A_573 = arith.addi %mul3A_124, %add3A_572 : i32
        %get3A_574 = arith.index_cast %add3A_573 : i32 to index
        %get3A_575 = arith.constant 48 : index
        %get3A_576 = tpu.vector_load %arg8[%get3A_574, %get3A_575] {strides = array<i32>} : memref<160x128xf32, #tpu.memory_space<vmem>>, vector<16xf32>,
        %add3A_577 = arith.addf %get3A_561, %get3A_566 : vector<16xf32>
        %add3A_578 = arith.addf %get3A_571, %get3A_576 : vector<16xf32>
        %add3A_579 = arith.addf %add3A_577, %add3A_578 : vector<16xf32>
        %mul3A_580 = arith.mulf %get3A_561, %get3A_561 : vector<16xf32>
        %mul3A_581 = arith.mulf %get3A_566, %get3A_566 : vector<16xf32>
        %add3A_582 = arith.addf %mul3A_580, %mul3A_581 : vector<16xf32>
        %mul3A_583 = arith.mulf %get3A_571, %get3A_571 : vector<16xf32>
        %mul3A_584 = arith.mulf %get3A_576, %get3A_576 : vector<16xf32>
        %add3A_585 = arith.addf %mul3A_583, %mul3A_584 : vector<16xf32>
        %add3A_586 = arith.addf %add3A_582, %add3A_585 : vector<16xf32>
        %add3A_587 = arith.constant 204 : i32
        %add3A_588 = vector.broadcast %add3A_587 : i32 to vector<16xi32>
        %add3A_589 = arith.addi %iota3A, %add3A_588 : vector<16xi32>
        tpu.vector_store_idx %arg14[%add3A_589], %add3A_579 : memref<544xf32, #tpu.memory_space<vmem>>[vector<16xi32>], vector<16xf32>,
        %add3A_590 = arith.constant 272 : i32
        %add3A_591 = vector.broadcast %add3A_590 : i32 to vector<16xi32>
        %add3A_592 = arith.addi %add3A_589, %add3A_591 : vector<16xi32>
        tpu.vector_store_idx %arg14[%add3A_592], %add3A_586 : memref<544xf32, #tpu.memory_space<vmem>>[vector<16xi32>], vector<16xf32>,
        %add3A_593 = arith.constant 13 : i32
        %add3A_594 = arith.addi %mul3A_124, %add3A_593 : i32
        %get3A_595 = arith.index_cast %add3A_594 : i32 to index
        %get3A_596 = arith.constant 0 : index
        %get3A_597 = tpu.vector_load %arg8[%get3A_595, %get3A_596] {strides = array<i32>} : memref<160x128xf32, #tpu.memory_space<vmem>>, vector<16xf32>,
        %add3A_598 = arith.constant 13 : i32
        %add3A_599 = arith.addi %mul3A_124, %add3A_598 : i32
        %get3A_600 = arith.index_cast %add3A_599 : i32 to index
        %get3A_601 = arith.constant 16 : index
        %get3A_602 = tpu.vector_load %arg8[%get3A_600, %get3A_601] {strides = array<i32>} : memref<160x128xf32, #tpu.memory_space<vmem>>, vector<16xf32>,
        %add3A_603 = arith.constant 13 : i32
        %add3A_604 = arith.addi %mul3A_124, %add3A_603 : i32
        %get3A_605 = arith.index_cast %add3A_604 : i32 to index
        %get3A_606 = arith.constant 32 : index
        %get3A_607 = tpu.vector_load %arg8[%get3A_605, %get3A_606] {strides = array<i32>} : memref<160x128xf32, #tpu.memory_space<vmem>>, vector<16xf32>,
        %add3A_608 = arith.constant 13 : i32
        %add3A_609 = arith.addi %mul3A_124, %add3A_608 : i32
        %get3A_610 = arith.index_cast %add3A_609 : i32 to index
        %get3A_611 = arith.constant 48 : index
        %get3A_612 = tpu.vector_load %arg8[%get3A_610, %get3A_611] {strides = array<i32>} : memref<160x128xf32, #tpu.memory_space<vmem>>, vector<16xf32>,
        %add3A_613 = arith.addf %get3A_597, %get3A_602 : vector<16xf32>
        %add3A_614 = arith.addf %get3A_607, %get3A_612 : vector<16xf32>
        %add3A_615 = arith.addf %add3A_613, %add3A_614 : vector<16xf32>
        %mul3A_616 = arith.mulf %get3A_597, %get3A_597 : vector<16xf32>
        %mul3A_617 = arith.mulf %get3A_602, %get3A_602 : vector<16xf32>
        %add3A_618 = arith.addf %mul3A_616, %mul3A_617 : vector<16xf32>
        %mul3A_619 = arith.mulf %get3A_607, %get3A_607 : vector<16xf32>
        %mul3A_620 = arith.mulf %get3A_612, %get3A_612 : vector<16xf32>
        %add3A_621 = arith.addf %mul3A_619, %mul3A_620 : vector<16xf32>
        %add3A_622 = arith.addf %add3A_618, %add3A_621 : vector<16xf32>
        %add3A_623 = arith.constant 221 : i32
        %add3A_624 = vector.broadcast %add3A_623 : i32 to vector<16xi32>
        %add3A_625 = arith.addi %iota3A, %add3A_624 : vector<16xi32>
        tpu.vector_store_idx %arg14[%add3A_625], %add3A_615 : memref<544xf32, #tpu.memory_space<vmem>>[vector<16xi32>], vector<16xf32>,
        %add3A_626 = arith.constant 272 : i32
        %add3A_627 = vector.broadcast %add3A_626 : i32 to vector<16xi32>
        %add3A_628 = arith.addi %add3A_625, %add3A_627 : vector<16xi32>
        tpu.vector_store_idx %arg14[%add3A_628], %add3A_622 : memref<544xf32, #tpu.memory_space<vmem>>[vector<16xi32>], vector<16xf32>,
        %add3A_629 = arith.constant 14 : i32
        %add3A_630 = arith.addi %mul3A_124, %add3A_629 : i32
        %get3A_631 = arith.index_cast %add3A_630 : i32 to index
        %get3A_632 = arith.constant 0 : index
        %get3A_633 = tpu.vector_load %arg8[%get3A_631, %get3A_632] {strides = array<i32>} : memref<160x128xf32, #tpu.memory_space<vmem>>, vector<16xf32>,
        %add3A_634 = arith.constant 14 : i32
        %add3A_635 = arith.addi %mul3A_124, %add3A_634 : i32
        %get3A_636 = arith.index_cast %add3A_635 : i32 to index
        %get3A_637 = arith.constant 16 : index
        %get3A_638 = tpu.vector_load %arg8[%get3A_636, %get3A_637] {strides = array<i32>} : memref<160x128xf32, #tpu.memory_space<vmem>>, vector<16xf32>,
        %add3A_639 = arith.constant 14 : i32
        %add3A_640 = arith.addi %mul3A_124, %add3A_639 : i32
        %get3A_641 = arith.index_cast %add3A_640 : i32 to index
        %get3A_642 = arith.constant 32 : index
        %get3A_643 = tpu.vector_load %arg8[%get3A_641, %get3A_642] {strides = array<i32>} : memref<160x128xf32, #tpu.memory_space<vmem>>, vector<16xf32>,
        %add3A_644 = arith.constant 14 : i32
        %add3A_645 = arith.addi %mul3A_124, %add3A_644 : i32
        %get3A_646 = arith.index_cast %add3A_645 : i32 to index
        %get3A_647 = arith.constant 48 : index
        %get3A_648 = tpu.vector_load %arg8[%get3A_646, %get3A_647] {strides = array<i32>} : memref<160x128xf32, #tpu.memory_space<vmem>>, vector<16xf32>,
        %add3A_649 = arith.addf %get3A_633, %get3A_638 : vector<16xf32>
        %add3A_650 = arith.addf %get3A_643, %get3A_648 : vector<16xf32>
        %add3A_651 = arith.addf %add3A_649, %add3A_650 : vector<16xf32>
        %mul3A_652 = arith.mulf %get3A_633, %get3A_633 : vector<16xf32>
        %mul3A_653 = arith.mulf %get3A_638, %get3A_638 : vector<16xf32>
        %add3A_654 = arith.addf %mul3A_652, %mul3A_653 : vector<16xf32>
        %mul3A_655 = arith.mulf %get3A_643, %get3A_643 : vector<16xf32>
        %mul3A_656 = arith.mulf %get3A_648, %get3A_648 : vector<16xf32>
        %add3A_657 = arith.addf %mul3A_655, %mul3A_656 : vector<16xf32>
        %add3A_658 = arith.addf %add3A_654, %add3A_657 : vector<16xf32>
        %add3A_659 = arith.constant 238 : i32
        %add3A_660 = vector.broadcast %add3A_659 : i32 to vector<16xi32>
        %add3A_661 = arith.addi %iota3A, %add3A_660 : vector<16xi32>
        tpu.vector_store_idx %arg14[%add3A_661], %add3A_651 : memref<544xf32, #tpu.memory_space<vmem>>[vector<16xi32>], vector<16xf32>,
        %add3A_662 = arith.constant 272 : i32
        %add3A_663 = vector.broadcast %add3A_662 : i32 to vector<16xi32>
        %add3A_664 = arith.addi %add3A_661, %add3A_663 : vector<16xi32>
        tpu.vector_store_idx %arg14[%add3A_664], %add3A_658 : memref<544xf32, #tpu.memory_space<vmem>>[vector<16xi32>], vector<16xf32>,
        %add3A_665 = arith.constant 15 : i32
        %add3A_666 = arith.addi %mul3A_124, %add3A_665 : i32
        %get3A_667 = arith.index_cast %add3A_666 : i32 to index
        %get3A_668 = arith.constant 0 : index
        %get3A_669 = tpu.vector_load %arg8[%get3A_667, %get3A_668] {strides = array<i32>} : memref<160x128xf32, #tpu.memory_space<vmem>>, vector<16xf32>,
        %add3A_670 = arith.constant 15 : i32
        %add3A_671 = arith.addi %mul3A_124, %add3A_670 : i32
        %get3A_672 = arith.index_cast %add3A_671 : i32 to index
        %get3A_673 = arith.constant 16 : index
        %get3A_674 = tpu.vector_load %arg8[%get3A_672, %get3A_673] {strides = array<i32>} : memref<160x128xf32, #tpu.memory_space<vmem>>, vector<16xf32>,
        %add3A_675 = arith.constant 15 : i32
        %add3A_676 = arith.addi %mul3A_124, %add3A_675 : i32
        %get3A_677 = arith.index_cast %add3A_676 : i32 to index
        %get3A_678 = arith.constant 32 : index
        %get3A_679 = tpu.vector_load %arg8[%get3A_677, %get3A_678] {strides = array<i32>} : memref<160x128xf32, #tpu.memory_space<vmem>>, vector<16xf32>,
        %add3A_680 = arith.constant 15 : i32
        %add3A_681 = arith.addi %mul3A_124, %add3A_680 : i32
        %get3A_682 = arith.index_cast %add3A_681 : i32 to index
        %get3A_683 = arith.constant 48 : index
        %get3A_684 = tpu.vector_load %arg8[%get3A_682, %get3A_683] {strides = array<i32>} : memref<160x128xf32, #tpu.memory_space<vmem>>, vector<16xf32>,
        %add3A_685 = arith.addf %get3A_669, %get3A_674 : vector<16xf32>
        %add3A_686 = arith.addf %get3A_679, %get3A_684 : vector<16xf32>
        %add3A_687 = arith.addf %add3A_685, %add3A_686 : vector<16xf32>
        %mul3A_688 = arith.mulf %get3A_669, %get3A_669 : vector<16xf32>
        %mul3A_689 = arith.mulf %get3A_674, %get3A_674 : vector<16xf32>
        %add3A_690 = arith.addf %mul3A_688, %mul3A_689 : vector<16xf32>
        %mul3A_691 = arith.mulf %get3A_679, %get3A_679 : vector<16xf32>
        %mul3A_692 = arith.mulf %get3A_684, %get3A_684 : vector<16xf32>
        %add3A_693 = arith.addf %mul3A_691, %mul3A_692 : vector<16xf32>
        %add3A_694 = arith.addf %add3A_690, %add3A_693 : vector<16xf32>
        %add3A_695 = arith.constant 255 : i32
        %add3A_696 = vector.broadcast %add3A_695 : i32 to vector<16xi32>
        %add3A_697 = arith.addi %iota3A, %add3A_696 : vector<16xi32>
        tpu.vector_store_idx %arg14[%add3A_697], %add3A_687 : memref<544xf32, #tpu.memory_space<vmem>>[vector<16xi32>], vector<16xf32>,
        %add3A_698 = arith.constant 272 : i32
        %add3A_699 = vector.broadcast %add3A_698 : i32 to vector<16xi32>
        %add3A_700 = arith.addi %add3A_697, %add3A_699 : vector<16xi32>
        tpu.vector_store_idx %arg14[%add3A_700], %add3A_694 : memref<544xf32, #tpu.memory_space<vmem>>[vector<16xi32>], vector<16xf32>,
        %broadcast_in_dim3A = arith.constant 0.000000e+00 : f32
        %broadcast_in_dim3A_701 = vector.broadcast %broadcast_in_dim3A : f32 to vector<16xf32>
        %broadcast_in_dim3A_702 = arith.constant 0.000000e+00 : f32
        %broadcast_in_dim3A_703 = vector.broadcast %broadcast_in_dim3A_702 : f32 to vector<16xf32>
        %broadcast_in_dim3A_704 = arith.constant 0.000000e+00 : f32
        %broadcast_in_dim3A_705 = vector.broadcast %broadcast_in_dim3A_704 : f32 to vector<16xf32>
        %broadcast_in_dim3A_706 = arith.constant 0.000000e+00 : f32
        %broadcast_in_dim3A_707 = vector.broadcast %broadcast_in_dim3A_706 : f32 to vector<16xf32>
        %broadcast_in_dim3A_708 = arith.constant 0.000000e+00 : f32
        %broadcast_in_dim3A_709 = vector.broadcast %broadcast_in_dim3A_708 : f32 to vector<16xf32>
        %broadcast_in_dim3A_710 = arith.constant 0.000000e+00 : f32
        %broadcast_in_dim3A_711 = vector.broadcast %broadcast_in_dim3A_710 : f32 to vector<16xf32>
        %broadcast_in_dim3A_712 = arith.constant 0.000000e+00 : f32
        %broadcast_in_dim3A_713 = vector.broadcast %broadcast_in_dim3A_712 : f32 to vector<16xf32>
        %broadcast_in_dim3A_714 = arith.constant 0.000000e+00 : f32
        %broadcast_in_dim3A_715 = vector.broadcast %broadcast_in_dim3A_714 : f32 to vector<16xf32>
        %add3A_716 = arith.constant 0 : i32
        %add3A_717 = vector.broadcast %add3A_716 : i32 to vector<16xi32>
        %add3A_718 = arith.addi %mul3A_18, %add3A_717 : vector<16xi32>
        %gather3A = tpu.vector_load_idx %arg14[%add3A_718] : memref<544xf32, #tpu.memory_space<vmem>>[vector<16xi32>], vector<16xf32>,
        %add3A_719 = arith.constant 272 : i32
        %add3A_720 = vector.broadcast %add3A_719 : i32 to vector<16xi32>
        %add3A_721 = arith.addi %mul3A_18, %add3A_720 : vector<16xi32>
        %gather3A_722 = tpu.vector_load_idx %arg14[%add3A_721] : memref<544xf32, #tpu.memory_space<vmem>>[vector<16xi32>], vector<16xf32>,
        %add3A_723 = arith.addf %broadcast_in_dim3A_701, %gather3A : vector<16xf32>
        %add3A_724 = arith.addf %broadcast_in_dim3A_709, %gather3A_722 : vector<16xf32>
        %add3A_725 = arith.constant 1 : i32
        %add3A_726 = vector.broadcast %add3A_725 : i32 to vector<16xi32>
        %add3A_727 = arith.addi %mul3A_18, %add3A_726 : vector<16xi32>
        %gather3A_728 = tpu.vector_load_idx %arg14[%add3A_727] : memref<544xf32, #tpu.memory_space<vmem>>[vector<16xi32>], vector<16xf32>,
        %add3A_729 = arith.constant 273 : i32
        %add3A_730 = vector.broadcast %add3A_729 : i32 to vector<16xi32>
        %add3A_731 = arith.addi %mul3A_18, %add3A_730 : vector<16xi32>
        %gather3A_732 = tpu.vector_load_idx %arg14[%add3A_731] : memref<544xf32, #tpu.memory_space<vmem>>[vector<16xi32>], vector<16xf32>,
        %add3A_733 = arith.addf %broadcast_in_dim3A_703, %gather3A_728 : vector<16xf32>
        %add3A_734 = arith.addf %broadcast_in_dim3A_711, %gather3A_732 : vector<16xf32>
        %add3A_735 = arith.constant 2 : i32
        %add3A_736 = vector.broadcast %add3A_735 : i32 to vector<16xi32>
        %add3A_737 = arith.addi %mul3A_18, %add3A_736 : vector<16xi32>
        %gather3A_738 = tpu.vector_load_idx %arg14[%add3A_737] : memref<544xf32, #tpu.memory_space<vmem>>[vector<16xi32>], vector<16xf32>,
        %add3A_739 = arith.constant 274 : i32
        %add3A_740 = vector.broadcast %add3A_739 : i32 to vector<16xi32>
        %add3A_741 = arith.addi %mul3A_18, %add3A_740 : vector<16xi32>
        %gather3A_742 = tpu.vector_load_idx %arg14[%add3A_741] : memref<544xf32, #tpu.memory_space<vmem>>[vector<16xi32>], vector<16xf32>,
        %add3A_743 = arith.addf %broadcast_in_dim3A_705, %gather3A_738 : vector<16xf32>
        %add3A_744 = arith.addf %broadcast_in_dim3A_713, %gather3A_742 : vector<16xf32>
        %add3A_745 = arith.constant 3 : i32
        %add3A_746 = vector.broadcast %add3A_745 : i32 to vector<16xi32>
        %add3A_747 = arith.addi %mul3A_18, %add3A_746 : vector<16xi32>
        %gather3A_748 = tpu.vector_load_idx %arg14[%add3A_747] : memref<544xf32, #tpu.memory_space<vmem>>[vector<16xi32>], vector<16xf32>,
        %add3A_749 = arith.constant 275 : i32
        %add3A_750 = vector.broadcast %add3A_749 : i32 to vector<16xi32>
        %add3A_751 = arith.addi %mul3A_18, %add3A_750 : vector<16xi32>
        %gather3A_752 = tpu.vector_load_idx %arg14[%add3A_751] : memref<544xf32, #tpu.memory_space<vmem>>[vector<16xi32>], vector<16xf32>,
        %add3A_753 = arith.addf %broadcast_in_dim3A_707, %gather3A_748 : vector<16xf32>
        %add3A_754 = arith.addf %broadcast_in_dim3A_715, %gather3A_752 : vector<16xf32>
        %add3A_755 = arith.constant 4 : i32
        %add3A_756 = vector.broadcast %add3A_755 : i32 to vector<16xi32>
        %add3A_757 = arith.addi %mul3A_18, %add3A_756 : vector<16xi32>
        %gather3A_758 = tpu.vector_load_idx %arg14[%add3A_757] : memref<544xf32, #tpu.memory_space<vmem>>[vector<16xi32>], vector<16xf32>,
        %add3A_759 = arith.constant 276 : i32
        %add3A_760 = vector.broadcast %add3A_759 : i32 to vector<16xi32>
        %add3A_761 = arith.addi %mul3A_18, %add3A_760 : vector<16xi32>
        %gather3A_762 = tpu.vector_load_idx %arg14[%add3A_761] : memref<544xf32, #tpu.memory_space<vmem>>[vector<16xi32>], vector<16xf32>,
        %add3A_763 = arith.addf %add3A_723, %gather3A_758 : vector<16xf32>
        %add3A_764 = arith.addf %add3A_724, %gather3A_762 : vector<16xf32>
        %add3A_765 = arith.constant 5 : i32
        %add3A_766 = vector.broadcast %add3A_765 : i32 to vector<16xi32>
        %add3A_767 = arith.addi %mul3A_18, %add3A_766 : vector<16xi32>
        %gather3A_768 = tpu.vector_load_idx %arg14[%add3A_767] : memref<544xf32, #tpu.memory_space<vmem>>[vector<16xi32>], vector<16xf32>,
        %add3A_769 = arith.constant 277 : i32
        %add3A_770 = vector.broadcast %add3A_769 : i32 to vector<16xi32>
        %add3A_771 = arith.addi %mul3A_18, %add3A_770 : vector<16xi32>
        %gather3A_772 = tpu.vector_load_idx %arg14[%add3A_771] : memref<544xf32, #tpu.memory_space<vmem>>[vector<16xi32>], vector<16xf32>,
        %add3A_773 = arith.addf %add3A_733, %gather3A_768 : vector<16xf32>
        %add3A_774 = arith.addf %add3A_734, %gather3A_772 : vector<16xf32>
        %add3A_775 = arith.constant 6 : i32
        %add3A_776 = vector.broadcast %add3A_775 : i32 to vector<16xi32>
        %add3A_777 = arith.addi %mul3A_18, %add3A_776 : vector<16xi32>
        %gather3A_778 = tpu.vector_load_idx %arg14[%add3A_777] : memref<544xf32, #tpu.memory_space<vmem>>[vector<16xi32>], vector<16xf32>,
        %add3A_779 = arith.constant 278 : i32
        %add3A_780 = vector.broadcast %add3A_779 : i32 to vector<16xi32>
        %add3A_781 = arith.addi %mul3A_18, %add3A_780 : vector<16xi32>
        %gather3A_782 = tpu.vector_load_idx %arg14[%add3A_781] : memref<544xf32, #tpu.memory_space<vmem>>[vector<16xi32>], vector<16xf32>,
        %add3A_783 = arith.addf %add3A_743, %gather3A_778 : vector<16xf32>
        %add3A_784 = arith.addf %add3A_744, %gather3A_782 : vector<16xf32>
        %add3A_785 = arith.constant 7 : i32
        %add3A_786 = vector.broadcast %add3A_785 : i32 to vector<16xi32>
        %add3A_787 = arith.addi %mul3A_18, %add3A_786 : vector<16xi32>
        %gather3A_788 = tpu.vector_load_idx %arg14[%add3A_787] : memref<544xf32, #tpu.memory_space<vmem>>[vector<16xi32>], vector<16xf32>,
        %add3A_789 = arith.constant 279 : i32
        %add3A_790 = vector.broadcast %add3A_789 : i32 to vector<16xi32>
        %add3A_791 = arith.addi %mul3A_18, %add3A_790 : vector<16xi32>
        %gather3A_792 = tpu.vector_load_idx %arg14[%add3A_791] : memref<544xf32, #tpu.memory_space<vmem>>[vector<16xi32>], vector<16xf32>,
        %add3A_793 = arith.addf %add3A_753, %gather3A_788 : vector<16xf32>
        %add3A_794 = arith.addf %add3A_754, %gather3A_792 : vector<16xf32>
        %add3A_795 = arith.constant 8 : i32
        %add3A_796 = vector.broadcast %add3A_795 : i32 to vector<16xi32>
        %add3A_797 = arith.addi %mul3A_18, %add3A_796 : vector<16xi32>
        %gather3A_798 = tpu.vector_load_idx %arg14[%add3A_797] : memref<544xf32, #tpu.memory_space<vmem>>[vector<16xi32>], vector<16xf32>,
        %add3A_799 = arith.constant 280 : i32
        %add3A_800 = vector.broadcast %add3A_799 : i32 to vector<16xi32>
        %add3A_801 = arith.addi %mul3A_18, %add3A_800 : vector<16xi32>
        %gather3A_802 = tpu.vector_load_idx %arg14[%add3A_801] : memref<544xf32, #tpu.memory_space<vmem>>[vector<16xi32>], vector<16xf32>,
        %add3A_803 = arith.addf %add3A_763, %gather3A_798 : vector<16xf32>
        %add3A_804 = arith.addf %add3A_764, %gather3A_802 : vector<16xf32>
        %add3A_805 = arith.constant 9 : i32
        %add3A_806 = vector.broadcast %add3A_805 : i32 to vector<16xi32>
        %add3A_807 = arith.addi %mul3A_18, %add3A_806 : vector<16xi32>
        %gather3A_808 = tpu.vector_load_idx %arg14[%add3A_807] : memref<544xf32, #tpu.memory_space<vmem>>[vector<16xi32>], vector<16xf32>,
        %add3A_809 = arith.constant 281 : i32
        %add3A_810 = vector.broadcast %add3A_809 : i32 to vector<16xi32>
        %add3A_811 = arith.addi %mul3A_18, %add3A_810 : vector<16xi32>
        %gather3A_812 = tpu.vector_load_idx %arg14[%add3A_811] : memref<544xf32, #tpu.memory_space<vmem>>[vector<16xi32>], vector<16xf32>,
        %add3A_813 = arith.addf %add3A_773, %gather3A_808 : vector<16xf32>
        %add3A_814 = arith.addf %add3A_774, %gather3A_812 : vector<16xf32>
        %add3A_815 = arith.constant 10 : i32
        %add3A_816 = vector.broadcast %add3A_815 : i32 to vector<16xi32>
        %add3A_817 = arith.addi %mul3A_18, %add3A_816 : vector<16xi32>
        %gather3A_818 = tpu.vector_load_idx %arg14[%add3A_817] : memref<544xf32, #tpu.memory_space<vmem>>[vector<16xi32>], vector<16xf32>,
        %add3A_819 = arith.constant 282 : i32
        %add3A_820 = vector.broadcast %add3A_819 : i32 to vector<16xi32>
        %add3A_821 = arith.addi %mul3A_18, %add3A_820 : vector<16xi32>
        %gather3A_822 = tpu.vector_load_idx %arg14[%add3A_821] : memref<544xf32, #tpu.memory_space<vmem>>[vector<16xi32>], vector<16xf32>,
        %add3A_823 = arith.addf %add3A_783, %gather3A_818 : vector<16xf32>
        %add3A_824 = arith.addf %add3A_784, %gather3A_822 : vector<16xf32>
        %add3A_825 = arith.constant 11 : i32
        %add3A_826 = vector.broadcast %add3A_825 : i32 to vector<16xi32>
        %add3A_827 = arith.addi %mul3A_18, %add3A_826 : vector<16xi32>
        %gather3A_828 = tpu.vector_load_idx %arg14[%add3A_827] : memref<544xf32, #tpu.memory_space<vmem>>[vector<16xi32>], vector<16xf32>,
        %add3A_829 = arith.constant 283 : i32
        %add3A_830 = vector.broadcast %add3A_829 : i32 to vector<16xi32>
        %add3A_831 = arith.addi %mul3A_18, %add3A_830 : vector<16xi32>
        %gather3A_832 = tpu.vector_load_idx %arg14[%add3A_831] : memref<544xf32, #tpu.memory_space<vmem>>[vector<16xi32>], vector<16xf32>,
        %add3A_833 = arith.addf %add3A_793, %gather3A_828 : vector<16xf32>
        %add3A_834 = arith.addf %add3A_794, %gather3A_832 : vector<16xf32>
        %add3A_835 = arith.constant 12 : i32
        %add3A_836 = vector.broadcast %add3A_835 : i32 to vector<16xi32>
        %add3A_837 = arith.addi %mul3A_18, %add3A_836 : vector<16xi32>
        %gather3A_838 = tpu.vector_load_idx %arg14[%add3A_837] : memref<544xf32, #tpu.memory_space<vmem>>[vector<16xi32>], vector<16xf32>,
        %add3A_839 = arith.constant 284 : i32
        %add3A_840 = vector.broadcast %add3A_839 : i32 to vector<16xi32>
        %add3A_841 = arith.addi %mul3A_18, %add3A_840 : vector<16xi32>
        %gather3A_842 = tpu.vector_load_idx %arg14[%add3A_841] : memref<544xf32, #tpu.memory_space<vmem>>[vector<16xi32>], vector<16xf32>,
        %add3A_843 = arith.addf %add3A_803, %gather3A_838 : vector<16xf32>
        %add3A_844 = arith.addf %add3A_804, %gather3A_842 : vector<16xf32>
        %add3A_845 = arith.constant 13 : i32
        %add3A_846 = vector.broadcast %add3A_845 : i32 to vector<16xi32>
        %add3A_847 = arith.addi %mul3A_18, %add3A_846 : vector<16xi32>
        %gather3A_848 = tpu.vector_load_idx %arg14[%add3A_847] : memref<544xf32, #tpu.memory_space<vmem>>[vector<16xi32>], vector<16xf32>,
        %add3A_849 = arith.constant 285 : i32
        %add3A_850 = vector.broadcast %add3A_849 : i32 to vector<16xi32>
        %add3A_851 = arith.addi %mul3A_18, %add3A_850 : vector<16xi32>
        %gather3A_852 = tpu.vector_load_idx %arg14[%add3A_851] : memref<544xf32, #tpu.memory_space<vmem>>[vector<16xi32>], vector<16xf32>,
        %add3A_853 = arith.addf %add3A_813, %gather3A_848 : vector<16xf32>
        %add3A_854 = arith.addf %add3A_814, %gather3A_852 : vector<16xf32>
        %add3A_855 = arith.constant 14 : i32
        %add3A_856 = vector.broadcast %add3A_855 : i32 to vector<16xi32>
        %add3A_857 = arith.addi %mul3A_18, %add3A_856 : vector<16xi32>
        %gather3A_858 = tpu.vector_load_idx %arg14[%add3A_857] : memref<544xf32, #tpu.memory_space<vmem>>[vector<16xi32>], vector<16xf32>,
        %add3A_859 = arith.constant 286 : i32
        %add3A_860 = vector.broadcast %add3A_859 : i32 to vector<16xi32>
        %add3A_861 = arith.addi %mul3A_18, %add3A_860 : vector<16xi32>
        %gather3A_862 = tpu.vector_load_idx %arg14[%add3A_861] : memref<544xf32, #tpu.memory_space<vmem>>[vector<16xi32>], vector<16xf32>,
        %add3A_863 = arith.addf %add3A_823, %gather3A_858 : vector<16xf32>
        %add3A_864 = arith.addf %add3A_824, %gather3A_862 : vector<16xf32>
        %add3A_865 = arith.constant 15 : i32
        %add3A_866 = vector.broadcast %add3A_865 : i32 to vector<16xi32>
        %add3A_867 = arith.addi %mul3A_18, %add3A_866 : vector<16xi32>
        %gather3A_868 = tpu.vector_load_idx %arg14[%add3A_867] : memref<544xf32, #tpu.memory_space<vmem>>[vector<16xi32>], vector<16xf32>,
        %add3A_869 = arith.constant 287 : i32
        %add3A_870 = vector.broadcast %add3A_869 : i32 to vector<16xi32>
        %add3A_871 = arith.addi %mul3A_18, %add3A_870 : vector<16xi32>
        %gather3A_872 = tpu.vector_load_idx %arg14[%add3A_871] : memref<544xf32, #tpu.memory_space<vmem>>[vector<16xi32>], vector<16xf32>,
        %add3A_873 = arith.addf %add3A_833, %gather3A_868 : vector<16xf32>
        %add3A_874 = arith.addf %add3A_834, %gather3A_872 : vector<16xf32>
        %add3A_875 = arith.addf %add3A_843, %add3A_853 : vector<16xf32>
        %add3A_876 = arith.addf %add3A_863, %add3A_873 : vector<16xf32>
        %add3A_877 = arith.addf %add3A_875, %add3A_876 : vector<16xf32>
        %add3A_878 = arith.addf %add3A_844, %add3A_854 : vector<16xf32>
        %add3A_879 = arith.addf %add3A_864, %add3A_874 : vector<16xf32>
        %add3A_880 = arith.addf %add3A_878, %add3A_879 : vector<16xf32>
        %mul3A_881 = arith.constant 1.562500e-02 : f32
        %mul3A_882 = vector.broadcast %mul3A_881 : f32 to vector<16xf32>
        %mul3A_883 = arith.mulf %add3A_877, %mul3A_882 : vector<16xf32>
        %mul3A_884 = arith.mulf %add3A_877, %mul3A_883 : vector<16xf32>
        %sub3A = arith.subf %add3A_880, %mul3A_884 : vector<16xf32>
        %mul3A_885 = arith.constant 0.0158730168 : f32
        %mul3A_886 = vector.broadcast %mul3A_885 : f32 to vector<16xf32>
        %mul3A_887 = arith.mulf %sub3A, %mul3A_886 : vector<16xf32>
        %max3A = arith.constant 0.000000e+00 : f32
        %max3A_888 = vector.broadcast %max3A : f32 to vector<16xf32>
        %max3A_889 = arith.maximumf %mul3A_887, %max3A_888 : vector<16xf32>
        %bitcast3A = vector.bitcast %max3A_889 : vector<16xf32> to vector<16xi32>
        %shift_right_arithmetic3A = arith.constant 1 : i32
        %shift_right_arithmetic3A_890 = vector.broadcast %shift_right_arithmetic3A : i32 to vector<16xi32>
        %shift_right_arithmetic3A_891 = arith.shrsi %bitcast3A, %shift_right_arithmetic3A_890 : vector<16xi32>
        %sub3A_892 = arith.constant 1597463007 : i32
        %sub3A_893 = vector.broadcast %sub3A_892 : i32 to vector<16xi32>
        %sub3A_894 = arith.subi %sub3A_893, %shift_right_arithmetic3A_891 : vector<16xi32>
        %bitcast3A_895 = vector.bitcast %sub3A_894 : vector<16xi32> to vector<16xf32>
        %mul3A_896 = arith.constant 5.000000e-01 : f32
        %mul3A_897 = vector.broadcast %mul3A_896 : f32 to vector<16xf32>
        %mul3A_898 = arith.mulf %mul3A_897, %max3A_889 : vector<16xf32>
        %mul3A_899 = arith.mulf %mul3A_898, %bitcast3A_895 : vector<16xf32>
        %mul3A_900 = arith.mulf %mul3A_899, %bitcast3A_895 : vector<16xf32>
        %sub3A_901 = arith.constant 1.500000e+00 : f32
        %sub3A_902 = vector.broadcast %sub3A_901 : f32 to vector<16xf32>
        %sub3A_903 = arith.subf %sub3A_902, %mul3A_900 : vector<16xf32>
        %mul3A_904 = arith.mulf %bitcast3A_895, %sub3A_903 : vector<16xf32>
        %mul3A_905 = arith.constant 5.000000e-01 : f32
        %mul3A_906 = vector.broadcast %mul3A_905 : f32 to vector<16xf32>
        %mul3A_907 = arith.mulf %mul3A_906, %max3A_889 : vector<16xf32>
        %mul3A_908 = arith.mulf %mul3A_907, %mul3A_904 : vector<16xf32>
        %mul3A_909 = arith.mulf %mul3A_908, %mul3A_904 : vector<16xf32>
        %sub3A_910 = arith.constant 1.500000e+00 : f32
        %sub3A_911 = vector.broadcast %sub3A_910 : f32 to vector<16xf32>
        %sub3A_912 = arith.subf %sub3A_911, %mul3A_909 : vector<16xf32>
        %mul3A_913 = arith.mulf %mul3A_904, %sub3A_912 : vector<16xf32>
        %mul3A_914 = arith.constant 5.000000e-01 : f32
        %mul3A_915 = vector.broadcast %mul3A_914 : f32 to vector<16xf32>
        %mul3A_916 = arith.mulf %mul3A_915, %max3A_889 : vector<16xf32>
        %mul3A_917 = arith.mulf %mul3A_916, %mul3A_913 : vector<16xf32>
        %mul3A_918 = arith.mulf %mul3A_917, %mul3A_913 : vector<16xf32>
        %sub3A_919 = arith.constant 1.500000e+00 : f32
        %sub3A_920 = vector.broadcast %sub3A_919 : f32 to vector<16xf32>
        %sub3A_921 = arith.subf %sub3A_920, %mul3A_918 : vector<16xf32>
        %mul3A_922 = arith.mulf %mul3A_913, %sub3A_921 : vector<16xf32>
        %mul3A_923 = arith.mulf %max3A_889, %mul3A_922 : vector<16xf32>
        %add3A_924 = arith.constant 9.99999997E-7 : f32
        %add3A_925 = vector.broadcast %add3A_924 : f32 to vector<16xf32>
        %add3A_926 = arith.addf %mul3A_923, %add3A_925 : vector<16xf32>
        %div3A = arith.constant 1.000000e+00 : f32
        %div3A_927 = vector.broadcast %div3A : f32 to vector<16xf32>
        %div3A_928 = arith.divf %div3A_927, %add3A_926 : vector<16xf32>
        %slice3A = vector.extract_strided_slice %mul3A_883 {offsets = [0], sizes = [1], strides = [1]} : vector<16xf32> to vector<1xf32>
        %squeeze3A = vector.extract %slice3A[0] : f32 from vector<1xf32>
        %slice3A_929 = vector.extract_strided_slice %div3A_928 {offsets = [0], sizes = [1], strides = [1]} : vector<16xf32> to vector<1xf32>
        %squeeze3A_930 = vector.extract %slice3A_929[0] : f32 from vector<1xf32>
        %add3A_931 = arith.constant 0 : i32
        %add3A_932 = arith.addi %mul3A_124, %add3A_931 : i32
        %get3A_933 = arith.index_cast %add3A_932 : i32 to index
        %get3A_934 = arith.constant 0 : index
        %get3A_935 = tpu.vector_load %arg8[%get3A_933, %get3A_934] {strides = array<i32>} : memref<160x128xf32, #tpu.memory_space<vmem>>, vector<16xf32>,
        %sub3A_936 = vector.broadcast %squeeze3A : f32 to vector<16xf32>
        %sub3A_937 = arith.subf %get3A_935, %sub3A_936 : vector<16xf32>
        %mul3A_938 = vector.broadcast %squeeze3A_930 : f32 to vector<16xf32>
        %mul3A_939 = arith.mulf %sub3A_937, %mul3A_938 : vector<16xf32>
        %add3A_940 = arith.addf %mul3A_939, %get3A_9 : vector<16xf32>
        %mul3A_941 = arith.mulf %get3A_1, %add3A_940 : vector<16xf32>
        %add3A_942 = arith.constant 0 : i32
        %add3A_943 = arith.addi %mul3A_124, %add3A_942 : i32
        %swap3A = arith.index_cast %add3A_943 : i32 to index
        %swap3A_944 = arith.constant 0 : index
        %swap3A_945 = tpu.vector_load %arg10[%swap3A, %swap3A_944] {strides = array<i32>} : memref<160x64xf32, #tpu.memory_space<vmem>>, vector<16xf32>,
        tpu.vector_store %arg10[%swap3A, %swap3A_944], %mul3A_941 {strides = array<i32>} : memref<160x64xf32, #tpu.memory_space<vmem>>, vector<16xf32>,
        %add3A_946 = arith.constant 0 : i32
        %add3A_947 = arith.addi %mul3A_124, %add3A_946 : i32
        %get3A_948 = arith.index_cast %add3A_947 : i32 to index
        %get3A_949 = arith.constant 16 : index
        %get3A_950 = tpu.vector_load %arg8[%get3A_948, %get3A_949] {strides = array<i32>} : memref<160x128xf32, #tpu.memory_space<vmem>>, vector<16xf32>,
        %sub3A_951 = vector.broadcast %squeeze3A : f32 to vector<16xf32>
        %sub3A_952 = arith.subf %get3A_950, %sub3A_951 : vector<16xf32>
        %mul3A_953 = vector.broadcast %squeeze3A_930 : f32 to vector<16xf32>
        %mul3A_954 = arith.mulf %sub3A_952, %mul3A_953 : vector<16xf32>
        %add3A_955 = arith.addf %mul3A_954, %get3A_11 : vector<16xf32>
        %mul3A_956 = arith.mulf %get3A_3, %add3A_955 : vector<16xf32>
        %add3A_957 = arith.constant 0 : i32
        %add3A_958 = arith.addi %mul3A_124, %add3A_957 : i32
        %swap3A_959 = arith.index_cast %add3A_958 : i32 to index
        %swap3A_960 = arith.constant 16 : index
        %swap3A_961 = tpu.vector_load %arg10[%swap3A_959, %swap3A_960] {strides = array<i32>} : memref<160x64xf32, #tpu.memory_space<vmem>>, vector<16xf32>,
        tpu.vector_store %arg10[%swap3A_959, %swap3A_960], %mul3A_956 {strides = array<i32>} : memref<160x64xf32, #tpu.memory_space<vmem>>, vector<16xf32>,
        %add3A_962 = arith.constant 0 : i32
        %add3A_963 = arith.addi %mul3A_124, %add3A_962 : i32
        %get3A_964 = arith.index_cast %add3A_963 : i32 to index
        %get3A_965 = arith.constant 32 : index
        %get3A_966 = tpu.vector_load %arg8[%get3A_964, %get3A_965] {strides = array<i32>} : memref<160x128xf32, #tpu.memory_space<vmem>>, vector<16xf32>,
        %sub3A_967 = vector.broadcast %squeeze3A : f32 to vector<16xf32>
        %sub3A_968 = arith.subf %get3A_966, %sub3A_967 : vector<16xf32>
        %mul3A_969 = vector.broadcast %squeeze3A_930 : f32 to vector<16xf32>
        %mul3A_970 = arith.mulf %sub3A_968, %mul3A_969 : vector<16xf32>
        %add3A_971 = arith.addf %mul3A_970, %get3A_13 : vector<16xf32>
        %mul3A_972 = arith.mulf %get3A_5, %add3A_971 : vector<16xf32>
        %add3A_973 = arith.constant 0 : i32
        %add3A_974 = arith.addi %mul3A_124, %add3A_973 : i32
        %swap3A_975 = arith.index_cast %add3A_974 : i32 to index
        %swap3A_976 = arith.constant 32 : index
        %swap3A_977 = tpu.vector_load %arg10[%swap3A_975, %swap3A_976] {strides = array<i32>} : memref<160x64xf32, #tpu.memory_space<vmem>>, vector<16xf32>,
        tpu.vector_store %arg10[%swap3A_975, %swap3A_976], %mul3A_972 {strides = array<i32>} : memref<160x64xf32, #tpu.memory_space<vmem>>, vector<16xf32>,
        %add3A_978 = arith.constant 0 : i32
        %add3A_979 = arith.addi %mul3A_124, %add3A_978 : i32
        %get3A_980 = arith.index_cast %add3A_979 : i32 to index
        %get3A_981 = arith.constant 48 : index
        %get3A_982 = tpu.vector_load %arg8[%get3A_980, %get3A_981] {strides = array<i32>} : memref<160x128xf32, #tpu.memory_space<vmem>>, vector<16xf32>,
        %sub3A_983 = vector.broadcast %squeeze3A : f32 to vector<16xf32>
        %sub3A_984 = arith.subf %get3A_982, %sub3A_983 : vector<16xf32>
        %mul3A_985 = vector.broadcast %squeeze3A_930 : f32 to vector<16xf32>
        %mul3A_986 = arith.mulf %sub3A_984, %mul3A_985 : vector<16xf32>
        %add3A_987 = arith.addf %mul3A_986, %get3A_15 : vector<16xf32>
        %mul3A_988 = arith.mulf %get3A_7, %add3A_987 : vector<16xf32>
        %add3A_989 = arith.constant 0 : i32
        %add3A_990 = arith.addi %mul3A_124, %add3A_989 : i32
        %swap3A_991 = arith.index_cast %add3A_990 : i32 to index
        %swap3A_992 = arith.constant 48 : index
        %swap3A_993 = tpu.vector_load %arg10[%swap3A_991, %swap3A_992] {strides = array<i32>} : memref<160x64xf32, #tpu.memory_space<vmem>>, vector<16xf32>,
        tpu.vector_store %arg10[%swap3A_991, %swap3A_992], %mul3A_988 {strides = array<i32>} : memref<160x64xf32, #tpu.memory_space<vmem>>, vector<16xf32>,
        %slice3A_994 = vector.extract_strided_slice %mul3A_883 {offsets = [1], sizes = [1], strides = [1]} : vector<16xf32> to vector<1xf32>
        %squeeze3A_995 = vector.extract %slice3A_994[0] : f32 from vector<1xf32>
        %slice3A_996 = vector.extract_strided_slice %div3A_928 {offsets = [1], sizes = [1], strides = [1]} : vector<16xf32> to vector<1xf32>
        %squeeze3A_997 = vector.extract %slice3A_996[0] : f32 from vector<1xf32>
        %add3A_998 = arith.constant 1 : i32
        %add3A_999 = arith.addi %mul3A_124, %add3A_998 : i32
        %get3A_1000 = arith.index_cast %add3A_999 : i32 to index
        %get3A_1001 = arith.constant 0 : index
        %get3A_1002 = tpu.vector_load %arg8[%get3A_1000, %get3A_1001] {strides = array<i32>} : memref<160x128xf32, #tpu.memory_space<vmem>>, vector<16xf32>,
        %sub3A_1003 = vector.broadcast %squeeze3A_995 : f32 to vector<16xf32>
        %sub3A_1004 = arith.subf %get3A_1002, %sub3A_1003 : vector<16xf32>
        %mul3A_1005 = vector.broadcast %squeeze3A_997 : f32 to vector<16xf32>
        %mul3A_1006 = arith.mulf %sub3A_1004, %mul3A_1005 : vector<16xf32>
        %add3A_1007 = arith.addf %mul3A_1006, %get3A_9 : vector<16xf32>
        %mul3A_1008 = arith.mulf %get3A_1, %add3A_1007 : vector<16xf32>
        %add3A_1009 = arith.constant 1 : i32
        %add3A_1010 = arith.addi %mul3A_124, %add3A_1009 : i32
        %swap3A_1011 = arith.index_cast %add3A_1010 : i32 to index
        %swap3A_1012 = arith.constant 0 : index
        %swap3A_1013 = tpu.vector_load %arg10[%swap3A_1011, %swap3A_1012] {strides = array<i32>} : memref<160x64xf32, #tpu.memory_space<vmem>>, vector<16xf32>,
        tpu.vector_store %arg10[%swap3A_1011, %swap3A_1012], %mul3A_1008 {strides = array<i32>} : memref<160x64xf32, #tpu.memory_space<vmem>>, vector<16xf32>,
        %add3A_1014 = arith.constant 1 : i32
        %add3A_1015 = arith.addi %mul3A_124, %add3A_1014 : i32
        %get3A_1016 = arith.index_cast %add3A_1015 : i32 to index
        %get3A_1017 = arith.constant 16 : index
        %get3A_1018 = tpu.vector_load %arg8[%get3A_1016, %get3A_1017] {strides = array<i32>} : memref<160x128xf32, #tpu.memory_space<vmem>>, vector<16xf32>,
        %sub3A_1019 = vector.broadcast %squeeze3A_995 : f32 to vector<16xf32>
        %sub3A_1020 = arith.subf %get3A_1018, %sub3A_1019 : vector<16xf32>
        %mul3A_1021 = vector.broadcast %squeeze3A_997 : f32 to vector<16xf32>
        %mul3A_1022 = arith.mulf %sub3A_1020, %mul3A_1021 : vector<16xf32>
        %add3A_1023 = arith.addf %mul3A_1022, %get3A_11 : vector<16xf32>
        %mul3A_1024 = arith.mulf %get3A_3, %add3A_1023 : vector<16xf32>
        %add3A_1025 = arith.constant 1 : i32
        %add3A_1026 = arith.addi %mul3A_124, %add3A_1025 : i32
        %swap3A_1027 = arith.index_cast %add3A_1026 : i32 to index
        %swap3A_1028 = arith.constant 16 : index
        %swap3A_1029 = tpu.vector_load %arg10[%swap3A_1027, %swap3A_1028] {strides = array<i32>} : memref<160x64xf32, #tpu.memory_space<vmem>>, vector<16xf32>,
        tpu.vector_store %arg10[%swap3A_1027, %swap3A_1028], %mul3A_1024 {strides = array<i32>} : memref<160x64xf32, #tpu.memory_space<vmem>>, vector<16xf32>,
        %add3A_1030 = arith.constant 1 : i32
        %add3A_1031 = arith.addi %mul3A_124, %add3A_1030 : i32
        %get3A_1032 = arith.index_cast %add3A_1031 : i32 to index
        %get3A_1033 = arith.constant 32 : index
        %get3A_1034 = tpu.vector_load %arg8[%get3A_1032, %get3A_1033] {strides = array<i32>} : memref<160x128xf32, #tpu.memory_space<vmem>>, vector<16xf32>,
        %sub3A_1035 = vector.broadcast %squeeze3A_995 : f32 to vector<16xf32>
        %sub3A_1036 = arith.subf %get3A_1034, %sub3A_1035 : vector<16xf32>
        %mul3A_1037 = vector.broadcast %squeeze3A_997 : f32 to vector<16xf32>
        %mul3A_1038 = arith.mulf %sub3A_1036, %mul3A_1037 : vector<16xf32>
        %add3A_1039 = arith.addf %mul3A_1038, %get3A_13 : vector<16xf32>
        %mul3A_1040 = arith.mulf %get3A_5, %add3A_1039 : vector<16xf32>
        %add3A_1041 = arith.constant 1 : i32
        %add3A_1042 = arith.addi %mul3A_124, %add3A_1041 : i32
        %swap3A_1043 = arith.index_cast %add3A_1042 : i32 to index
        %swap3A_1044 = arith.constant 32 : index
        %swap3A_1045 = tpu.vector_load %arg10[%swap3A_1043, %swap3A_1044] {strides = array<i32>} : memref<160x64xf32, #tpu.memory_space<vmem>>, vector<16xf32>,
        tpu.vector_store %arg10[%swap3A_1043, %swap3A_1044], %mul3A_1040 {strides = array<i32>} : memref<160x64xf32, #tpu.memory_space<vmem>>, vector<16xf32>,
        %add3A_1046 = arith.constant 1 : i32
        %add3A_1047 = arith.addi %mul3A_124, %add3A_1046 : i32
        %get3A_1048 = arith.index_cast %add3A_1047 : i32 to index
        %get3A_1049 = arith.constant 48 : index
        %get3A_1050 = tpu.vector_load %arg8[%get3A_1048, %get3A_1049] {strides = array<i32>} : memref<160x128xf32, #tpu.memory_space<vmem>>, vector<16xf32>,
        %sub3A_1051 = vector.broadcast %squeeze3A_995 : f32 to vector<16xf32>
        %sub3A_1052 = arith.subf %get3A_1050, %sub3A_1051 : vector<16xf32>
        %mul3A_1053 = vector.broadcast %squeeze3A_997 : f32 to vector<16xf32>
        %mul3A_1054 = arith.mulf %sub3A_1052, %mul3A_1053 : vector<16xf32>
        %add3A_1055 = arith.addf %mul3A_1054, %get3A_15 : vector<16xf32>
        %mul3A_1056 = arith.mulf %get3A_7, %add3A_1055 : vector<16xf32>
        %add3A_1057 = arith.constant 1 : i32
        %add3A_1058 = arith.addi %mul3A_124, %add3A_1057 : i32
        %swap3A_1059 = arith.index_cast %add3A_1058 : i32 to index
        %swap3A_1060 = arith.constant 48 : index
        %swap3A_1061 = tpu.vector_load %arg10[%swap3A_1059, %swap3A_1060] {strides = array<i32>} : memref<160x64xf32, #tpu.memory_space<vmem>>, vector<16xf32>,
        tpu.vector_store %arg10[%swap3A_1059, %swap3A_1060], %mul3A_1056 {strides = array<i32>} : memref<160x64xf32, #tpu.memory_space<vmem>>, vector<16xf32>,
        %slice3A_1062 = vector.extract_strided_slice %mul3A_883 {offsets = [2], sizes = [1], strides = [1]} : vector<16xf32> to vector<1xf32>
        %squeeze3A_1063 = vector.extract %slice3A_1062[0] : f32 from vector<1xf32>
        %slice3A_1064 = vector.extract_strided_slice %div3A_928 {offsets = [2], sizes = [1], strides = [1]} : vector<16xf32> to vector<1xf32>
        %squeeze3A_1065 = vector.extract %slice3A_1064[0] : f32 from vector<1xf32>
        %add3A_1066 = arith.constant 2 : i32
        %add3A_1067 = arith.addi %mul3A_124, %add3A_1066 : i32
        %get3A_1068 = arith.index_cast %add3A_1067 : i32 to index
        %get3A_1069 = arith.constant 0 : index
        %get3A_1070 = tpu.vector_load %arg8[%get3A_1068, %get3A_1069] {strides = array<i32>} : memref<160x128xf32, #tpu.memory_space<vmem>>, vector<16xf32>,
        %sub3A_1071 = vector.broadcast %squeeze3A_1063 : f32 to vector<16xf32>
        %sub3A_1072 = arith.subf %get3A_1070, %sub3A_1071 : vector<16xf32>
        %mul3A_1073 = vector.broadcast %squeeze3A_1065 : f32 to vector<16xf32>
        %mul3A_1074 = arith.mulf %sub3A_1072, %mul3A_1073 : vector<16xf32>
        %add3A_1075 = arith.addf %mul3A_1074, %get3A_9 : vector<16xf32>
        %mul3A_1076 = arith.mulf %get3A_1, %add3A_1075 : vector<16xf32>
        %add3A_1077 = arith.constant 2 : i32
        %add3A_1078 = arith.addi %mul3A_124, %add3A_1077 : i32
        %swap3A_1079 = arith.index_cast %add3A_1078 : i32 to index
        %swap3A_1080 = arith.constant 0 : index
        %swap3A_1081 = tpu.vector_load %arg10[%swap3A_1079, %swap3A_1080] {strides = array<i32>} : memref<160x64xf32, #tpu.memory_space<vmem>>, vector<16xf32>,
        tpu.vector_store %arg10[%swap3A_1079, %swap3A_1080], %mul3A_1076 {strides = array<i32>} : memref<160x64xf32, #tpu.memory_space<vmem>>, vector<16xf32>,
        %add3A_1082 = arith.constant 2 : i32
        %add3A_1083 = arith.addi %mul3A_124, %add3A_1082 : i32
        %get3A_1084 = arith.index_cast %add3A_1083 : i32 to index
        %get3A_1085 = arith.constant 16 : index
        %get3A_1086 = tpu.vector_load %arg8[%get3A_1084, %get3A_1085] {strides = array<i32>} : memref<160x128xf32, #tpu.memory_space<vmem>>, vector<16xf32>,
        %sub3A_1087 = vector.broadcast %squeeze3A_1063 : f32 to vector<16xf32>
        %sub3A_1088 = arith.subf %get3A_1086, %sub3A_1087 : vector<16xf32>
        %mul3A_1089 = vector.broadcast %squeeze3A_1065 : f32 to vector<16xf32>
        %mul3A_1090 = arith.mulf %sub3A_1088, %mul3A_1089 : vector<16xf32>
        %add3A_1091 = arith.addf %mul3A_1090, %get3A_11 : vector<16xf32>
        %mul3A_1092 = arith.mulf %get3A_3, %add3A_1091 : vector<16xf32>
        %add3A_1093 = arith.constant 2 : i32
        %add3A_1094 = arith.addi %mul3A_124, %add3A_1093 : i32
        %swap3A_1095 = arith.index_cast %add3A_1094 : i32 to index
        %swap3A_1096 = arith.constant 16 : index
        %swap3A_1097 = tpu.vector_load %arg10[%swap3A_1095, %swap3A_1096] {strides = array<i32>} : memref<160x64xf32, #tpu.memory_space<vmem>>, vector<16xf32>,
        tpu.vector_store %arg10[%swap3A_1095, %swap3A_1096], %mul3A_1092 {strides = array<i32>} : memref<160x64xf32, #tpu.memory_space<vmem>>, vector<16xf32>,
        %add3A_1098 = arith.constant 2 : i32
        %add3A_1099 = arith.addi %mul3A_124, %add3A_1098 : i32
        %get3A_1100 = arith.index_cast %add3A_1099 : i32 to index
        %get3A_1101 = arith.constant 32 : index
        %get3A_1102 = tpu.vector_load %arg8[%get3A_1100, %get3A_1101] {strides = array<i32>} : memref<160x128xf32, #tpu.memory_space<vmem>>, vector<16xf32>,
        %sub3A_1103 = vector.broadcast %squeeze3A_1063 : f32 to vector<16xf32>
        %sub3A_1104 = arith.subf %get3A_1102, %sub3A_1103 : vector<16xf32>
        %mul3A_1105 = vector.broadcast %squeeze3A_1065 : f32 to vector<16xf32>
        %mul3A_1106 = arith.mulf %sub3A_1104, %mul3A_1105 : vector<16xf32>
        %add3A_1107 = arith.addf %mul3A_1106, %get3A_13 : vector<16xf32>
        %mul3A_1108 = arith.mulf %get3A_5, %add3A_1107 : vector<16xf32>
        %add3A_1109 = arith.constant 2 : i32
        %add3A_1110 = arith.addi %mul3A_124, %add3A_1109 : i32
        %swap3A_1111 = arith.index_cast %add3A_1110 : i32 to index
        %swap3A_1112 = arith.constant 32 : index
        %swap3A_1113 = tpu.vector_load %arg10[%swap3A_1111, %swap3A_1112] {strides = array<i32>} : memref<160x64xf32, #tpu.memory_space<vmem>>, vector<16xf32>,
        tpu.vector_store %arg10[%swap3A_1111, %swap3A_1112], %mul3A_1108 {strides = array<i32>} : memref<160x64xf32, #tpu.memory_space<vmem>>, vector<16xf32>,
        %add3A_1114 = arith.constant 2 : i32
        %add3A_1115 = arith.addi %mul3A_124, %add3A_1114 : i32
        %get3A_1116 = arith.index_cast %add3A_1115 : i32 to index
        %get3A_1117 = arith.constant 48 : index
        %get3A_1118 = tpu.vector_load %arg8[%get3A_1116, %get3A_1117] {strides = array<i32>} : memref<160x128xf32, #tpu.memory_space<vmem>>, vector<16xf32>,
        %sub3A_1119 = vector.broadcast %squeeze3A_1063 : f32 to vector<16xf32>
        %sub3A_1120 = arith.subf %get3A_1118, %sub3A_1119 : vector<16xf32>
        %mul3A_1121 = vector.broadcast %squeeze3A_1065 : f32 to vector<16xf32>
        %mul3A_1122 = arith.mulf %sub3A_1120, %mul3A_1121 : vector<16xf32>
        %add3A_1123 = arith.addf %mul3A_1122, %get3A_15 : vector<16xf32>
        %mul3A_1124 = arith.mulf %get3A_7, %add3A_1123 : vector<16xf32>
        %add3A_1125 = arith.constant 2 : i32
        %add3A_1126 = arith.addi %mul3A_124, %add3A_1125 : i32
        %swap3A_1127 = arith.index_cast %add3A_1126 : i32 to index
        %swap3A_1128 = arith.constant 48 : index
        %swap3A_1129 = tpu.vector_load %arg10[%swap3A_1127, %swap3A_1128] {strides = array<i32>} : memref<160x64xf32, #tpu.memory_space<vmem>>, vector<16xf32>,
        tpu.vector_store %arg10[%swap3A_1127, %swap3A_1128], %mul3A_1124 {strides = array<i32>} : memref<160x64xf32, #tpu.memory_space<vmem>>, vector<16xf32>,
        %slice3A_1130 = vector.extract_strided_slice %mul3A_883 {offsets = [3], sizes = [1], strides = [1]} : vector<16xf32> to vector<1xf32>
        %squeeze3A_1131 = vector.extract %slice3A_1130[0] : f32 from vector<1xf32>
        %slice3A_1132 = vector.extract_strided_slice %div3A_928 {offsets = [3], sizes = [1], strides = [1]} : vector<16xf32> to vector<1xf32>
        %squeeze3A_1133 = vector.extract %slice3A_1132[0] : f32 from vector<1xf32>
        %add3A_1134 = arith.constant 3 : i32
        %add3A_1135 = arith.addi %mul3A_124, %add3A_1134 : i32
        %get3A_1136 = arith.index_cast %add3A_1135 : i32 to index
        %get3A_1137 = arith.constant 0 : index
        %get3A_1138 = tpu.vector_load %arg8[%get3A_1136, %get3A_1137] {strides = array<i32>} : memref<160x128xf32, #tpu.memory_space<vmem>>, vector<16xf32>,
        %sub3A_1139 = vector.broadcast %squeeze3A_1131 : f32 to vector<16xf32>
        %sub3A_1140 = arith.subf %get3A_1138, %sub3A_1139 : vector<16xf32>
        %mul3A_1141 = vector.broadcast %squeeze3A_1133 : f32 to vector<16xf32>
        %mul3A_1142 = arith.mulf %sub3A_1140, %mul3A_1141 : vector<16xf32>
        %add3A_1143 = arith.addf %mul3A_1142, %get3A_9 : vector<16xf32>
        %mul3A_1144 = arith.mulf %get3A_1, %add3A_1143 : vector<16xf32>
        %add3A_1145 = arith.constant 3 : i32
        %add3A_1146 = arith.addi %mul3A_124, %add3A_1145 : i32
        %swap3A_1147 = arith.index_cast %add3A_1146 : i32 to index
        %swap3A_1148 = arith.constant 0 : index
        %swap3A_1149 = tpu.vector_load %arg10[%swap3A_1147, %swap3A_1148] {strides = array<i32>} : memref<160x64xf32, #tpu.memory_space<vmem>>, vector<16xf32>,
        tpu.vector_store %arg10[%swap3A_1147, %swap3A_1148], %mul3A_1144 {strides = array<i32>} : memref<160x64xf32, #tpu.memory_space<vmem>>, vector<16xf32>,
        %add3A_1150 = arith.constant 3 : i32
        %add3A_1151 = arith.addi %mul3A_124, %add3A_1150 : i32
        %get3A_1152 = arith.index_cast %add3A_1151 : i32 to index
        %get3A_1153 = arith.constant 16 : index
        %get3A_1154 = tpu.vector_load %arg8[%get3A_1152, %get3A_1153] {strides = array<i32>} : memref<160x128xf32, #tpu.memory_space<vmem>>, vector<16xf32>,
        %sub3A_1155 = vector.broadcast %squeeze3A_1131 : f32 to vector<16xf32>
        %sub3A_1156 = arith.subf %get3A_1154, %sub3A_1155 : vector<16xf32>
        %mul3A_1157 = vector.broadcast %squeeze3A_1133 : f32 to vector<16xf32>
        %mul3A_1158 = arith.mulf %sub3A_1156, %mul3A_1157 : vector<16xf32>
        %add3A_1159 = arith.addf %mul3A_1158, %get3A_11 : vector<16xf32>
        %mul3A_1160 = arith.mulf %get3A_3, %add3A_1159 : vector<16xf32>
        %add3A_1161 = arith.constant 3 : i32
        %add3A_1162 = arith.addi %mul3A_124, %add3A_1161 : i32
        %swap3A_1163 = arith.index_cast %add3A_1162 : i32 to index
        %swap3A_1164 = arith.constant 16 : index
        %swap3A_1165 = tpu.vector_load %arg10[%swap3A_1163, %swap3A_1164] {strides = array<i32>} : memref<160x64xf32, #tpu.memory_space<vmem>>, vector<16xf32>,
        tpu.vector_store %arg10[%swap3A_1163, %swap3A_1164], %mul3A_1160 {strides = array<i32>} : memref<160x64xf32, #tpu.memory_space<vmem>>, vector<16xf32>,
        %add3A_1166 = arith.constant 3 : i32
        %add3A_1167 = arith.addi %mul3A_124, %add3A_1166 : i32
        %get3A_1168 = arith.index_cast %add3A_1167 : i32 to index
        %get3A_1169 = arith.constant 32 : index
        %get3A_1170 = tpu.vector_load %arg8[%get3A_1168, %get3A_1169] {strides = array<i32>} : memref<160x128xf32, #tpu.memory_space<vmem>>, vector<16xf32>,
        %sub3A_1171 = vector.broadcast %squeeze3A_1131 : f32 to vector<16xf32>
        %sub3A_1172 = arith.subf %get3A_1170, %sub3A_1171 : vector<16xf32>
        %mul3A_1173 = vector.broadcast %squeeze3A_1133 : f32 to vector<16xf32>
        %mul3A_1174 = arith.mulf %sub3A_1172, %mul3A_1173 : vector<16xf32>
        %add3A_1175 = arith.addf %mul3A_1174, %get3A_13 : vector<16xf32>
        %mul3A_1176 = arith.mulf %get3A_5, %add3A_1175 : vector<16xf32>
        %add3A_1177 = arith.constant 3 : i32
        %add3A_1178 = arith.addi %mul3A_124, %add3A_1177 : i32
        %swap3A_1179 = arith.index_cast %add3A_1178 : i32 to index
        %swap3A_1180 = arith.constant 32 : index
        %swap3A_1181 = tpu.vector_load %arg10[%swap3A_1179, %swap3A_1180] {strides = array<i32>} : memref<160x64xf32, #tpu.memory_space<vmem>>, vector<16xf32>,
        tpu.vector_store %arg10[%swap3A_1179, %swap3A_1180], %mul3A_1176 {strides = array<i32>} : memref<160x64xf32, #tpu.memory_space<vmem>>, vector<16xf32>,
        %add3A_1182 = arith.constant 3 : i32
        %add3A_1183 = arith.addi %mul3A_124, %add3A_1182 : i32
        %get3A_1184 = arith.index_cast %add3A_1183 : i32 to index
        %get3A_1185 = arith.constant 48 : index
        %get3A_1186 = tpu.vector_load %arg8[%get3A_1184, %get3A_1185] {strides = array<i32>} : memref<160x128xf32, #tpu.memory_space<vmem>>, vector<16xf32>,
        %sub3A_1187 = vector.broadcast %squeeze3A_1131 : f32 to vector<16xf32>
        %sub3A_1188 = arith.subf %get3A_1186, %sub3A_1187 : vector<16xf32>
        %mul3A_1189 = vector.broadcast %squeeze3A_1133 : f32 to vector<16xf32>
        %mul3A_1190 = arith.mulf %sub3A_1188, %mul3A_1189 : vector<16xf32>
        %add3A_1191 = arith.addf %mul3A_1190, %get3A_15 : vector<16xf32>
        %mul3A_1192 = arith.mulf %get3A_7, %add3A_1191 : vector<16xf32>
        %add3A_1193 = arith.constant 3 : i32
        %add3A_1194 = arith.addi %mul3A_124, %add3A_1193 : i32
        %swap3A_1195 = arith.index_cast %add3A_1194 : i32 to index
        %swap3A_1196 = arith.constant 48 : index
        %swap3A_1197 = tpu.vector_load %arg10[%swap3A_1195, %swap3A_1196] {strides = array<i32>} : memref<160x64xf32, #tpu.memory_space<vmem>>, vector<16xf32>,
        tpu.vector_store %arg10[%swap3A_1195, %swap3A_1196], %mul3A_1192 {strides = array<i32>} : memref<160x64xf32, #tpu.memory_space<vmem>>, vector<16xf32>,
        %slice3A_1198 = vector.extract_strided_slice %mul3A_883 {offsets = [4], sizes = [1], strides = [1]} : vector<16xf32> to vector<1xf32>
        %squeeze3A_1199 = vector.extract %slice3A_1198[0] : f32 from vector<1xf32>
        %slice3A_1200 = vector.extract_strided_slice %div3A_928 {offsets = [4], sizes = [1], strides = [1]} : vector<16xf32> to vector<1xf32>
        %squeeze3A_1201 = vector.extract %slice3A_1200[0] : f32 from vector<1xf32>
        %add3A_1202 = arith.constant 4 : i32
        %add3A_1203 = arith.addi %mul3A_124, %add3A_1202 : i32
        %get3A_1204 = arith.index_cast %add3A_1203 : i32 to index
        %get3A_1205 = arith.constant 0 : index
        %get3A_1206 = tpu.vector_load %arg8[%get3A_1204, %get3A_1205] {strides = array<i32>} : memref<160x128xf32, #tpu.memory_space<vmem>>, vector<16xf32>,
        %sub3A_1207 = vector.broadcast %squeeze3A_1199 : f32 to vector<16xf32>
        %sub3A_1208 = arith.subf %get3A_1206, %sub3A_1207 : vector<16xf32>
        %mul3A_1209 = vector.broadcast %squeeze3A_1201 : f32 to vector<16xf32>
        %mul3A_1210 = arith.mulf %sub3A_1208, %mul3A_1209 : vector<16xf32>
        %add3A_1211 = arith.addf %mul3A_1210, %get3A_9 : vector<16xf32>
        %mul3A_1212 = arith.mulf %get3A_1, %add3A_1211 : vector<16xf32>
        %add3A_1213 = arith.constant 4 : i32
        %add3A_1214 = arith.addi %mul3A_124, %add3A_1213 : i32
        %swap3A_1215 = arith.index_cast %add3A_1214 : i32 to index
        %swap3A_1216 = arith.constant 0 : index
        %swap3A_1217 = tpu.vector_load %arg10[%swap3A_1215, %swap3A_1216] {strides = array<i32>} : memref<160x64xf32, #tpu.memory_space<vmem>>, vector<16xf32>,
        tpu.vector_store %arg10[%swap3A_1215, %swap3A_1216], %mul3A_1212 {strides = array<i32>} : memref<160x64xf32, #tpu.memory_space<vmem>>, vector<16xf32>,
        %add3A_1218 = arith.constant 4 : i32
        %add3A_1219 = arith.addi %mul3A_124, %add3A_1218 : i32
        %get3A_1220 = arith.index_cast %add3A_1219 : i32 to index
        %get3A_1221 = arith.constant 16 : index
        %get3A_1222 = tpu.vector_load %arg8[%get3A_1220, %get3A_1221] {strides = array<i32>} : memref<160x128xf32, #tpu.memory_space<vmem>>, vector<16xf32>,
        %sub3A_1223 = vector.broadcast %squeeze3A_1199 : f32 to vector<16xf32>
        %sub3A_1224 = arith.subf %get3A_1222, %sub3A_1223 : vector<16xf32>
        %mul3A_1225 = vector.broadcast %squeeze3A_1201 : f32 to vector<16xf32>
        %mul3A_1226 = arith.mulf %sub3A_1224, %mul3A_1225 : vector<16xf32>
        %add3A_1227 = arith.addf %mul3A_1226, %get3A_11 : vector<16xf32>
        %mul3A_1228 = arith.mulf %get3A_3, %add3A_1227 : vector<16xf32>
        %add3A_1229 = arith.constant 4 : i32
        %add3A_1230 = arith.addi %mul3A_124, %add3A_1229 : i32
        %swap3A_1231 = arith.index_cast %add3A_1230 : i32 to index
        %swap3A_1232 = arith.constant 16 : index
        %swap3A_1233 = tpu.vector_load %arg10[%swap3A_1231, %swap3A_1232] {strides = array<i32>} : memref<160x64xf32, #tpu.memory_space<vmem>>, vector<16xf32>,
        tpu.vector_store %arg10[%swap3A_1231, %swap3A_1232], %mul3A_1228 {strides = array<i32>} : memref<160x64xf32, #tpu.memory_space<vmem>>, vector<16xf32>,
        %add3A_1234 = arith.constant 4 : i32
        %add3A_1235 = arith.addi %mul3A_124, %add3A_1234 : i32
        %get3A_1236 = arith.index_cast %add3A_1235 : i32 to index
        %get3A_1237 = arith.constant 32 : index
        %get3A_1238 = tpu.vector_load %arg8[%get3A_1236, %get3A_1237] {strides = array<i32>} : memref<160x128xf32, #tpu.memory_space<vmem>>, vector<16xf32>,
        %sub3A_1239 = vector.broadcast %squeeze3A_1199 : f32 to vector<16xf32>
        %sub3A_1240 = arith.subf %get3A_1238, %sub3A_1239 : vector<16xf32>
        %mul3A_1241 = vector.broadcast %squeeze3A_1201 : f32 to vector<16xf32>
        %mul3A_1242 = arith.mulf %sub3A_1240, %mul3A_1241 : vector<16xf32>
        %add3A_1243 = arith.addf %mul3A_1242, %get3A_13 : vector<16xf32>
        %mul3A_1244 = arith.mulf %get3A_5, %add3A_1243 : vector<16xf32>
        %add3A_1245 = arith.constant 4 : i32
        %add3A_1246 = arith.addi %mul3A_124, %add3A_1245 : i32
        %swap3A_1247 = arith.index_cast %add3A_1246 : i32 to index
        %swap3A_1248 = arith.constant 32 : index
        %swap3A_1249 = tpu.vector_load %arg10[%swap3A_1247, %swap3A_1248] {strides = array<i32>} : memref<160x64xf32, #tpu.memory_space<vmem>>, vector<16xf32>,
        tpu.vector_store %arg10[%swap3A_1247, %swap3A_1248], %mul3A_1244 {strides = array<i32>} : memref<160x64xf32, #tpu.memory_space<vmem>>, vector<16xf32>,
        %add3A_1250 = arith.constant 4 : i32
        %add3A_1251 = arith.addi %mul3A_124, %add3A_1250 : i32
        %get3A_1252 = arith.index_cast %add3A_1251 : i32 to index
        %get3A_1253 = arith.constant 48 : index
        %get3A_1254 = tpu.vector_load %arg8[%get3A_1252, %get3A_1253] {strides = array<i32>} : memref<160x128xf32, #tpu.memory_space<vmem>>, vector<16xf32>,
        %sub3A_1255 = vector.broadcast %squeeze3A_1199 : f32 to vector<16xf32>
        %sub3A_1256 = arith.subf %get3A_1254, %sub3A_1255 : vector<16xf32>
        %mul3A_1257 = vector.broadcast %squeeze3A_1201 : f32 to vector<16xf32>
        %mul3A_1258 = arith.mulf %sub3A_1256, %mul3A_1257 : vector<16xf32>
        %add3A_1259 = arith.addf %mul3A_1258, %get3A_15 : vector<16xf32>
        %mul3A_1260 = arith.mulf %get3A_7, %add3A_1259 : vector<16xf32>
        %add3A_1261 = arith.constant 4 : i32
        %add3A_1262 = arith.addi %mul3A_124, %add3A_1261 : i32
        %swap3A_1263 = arith.index_cast %add3A_1262 : i32 to index
        %swap3A_1264 = arith.constant 48 : index
        %swap3A_1265 = tpu.vector_load %arg10[%swap3A_1263, %swap3A_1264] {strides = array<i32>} : memref<160x64xf32, #tpu.memory_space<vmem>>, vector<16xf32>,
        tpu.vector_store %arg10[%swap3A_1263, %swap3A_1264], %mul3A_1260 {strides = array<i32>} : memref<160x64xf32, #tpu.memory_space<vmem>>, vector<16xf32>,
        %slice3A_1266 = vector.extract_strided_slice %mul3A_883 {offsets = [5], sizes = [1], strides = [1]} : vector<16xf32> to vector<1xf32>
        %squeeze3A_1267 = vector.extract %slice3A_1266[0] : f32 from vector<1xf32>
        %slice3A_1268 = vector.extract_strided_slice %div3A_928 {offsets = [5], sizes = [1], strides = [1]} : vector<16xf32> to vector<1xf32>
        %squeeze3A_1269 = vector.extract %slice3A_1268[0] : f32 from vector<1xf32>
        %add3A_1270 = arith.constant 5 : i32
        %add3A_1271 = arith.addi %mul3A_124, %add3A_1270 : i32
        %get3A_1272 = arith.index_cast %add3A_1271 : i32 to index
        %get3A_1273 = arith.constant 0 : index
        %get3A_1274 = tpu.vector_load %arg8[%get3A_1272, %get3A_1273] {strides = array<i32>} : memref<160x128xf32, #tpu.memory_space<vmem>>, vector<16xf32>,
        %sub3A_1275 = vector.broadcast %squeeze3A_1267 : f32 to vector<16xf32>
        %sub3A_1276 = arith.subf %get3A_1274, %sub3A_1275 : vector<16xf32>
        %mul3A_1277 = vector.broadcast %squeeze3A_1269 : f32 to vector<16xf32>
        %mul3A_1278 = arith.mulf %sub3A_1276, %mul3A_1277 : vector<16xf32>
        %add3A_1279 = arith.addf %mul3A_1278, %get3A_9 : vector<16xf32>
        %mul3A_1280 = arith.mulf %get3A_1, %add3A_1279 : vector<16xf32>
        %add3A_1281 = arith.constant 5 : i32
        %add3A_1282 = arith.addi %mul3A_124, %add3A_1281 : i32
        %swap3A_1283 = arith.index_cast %add3A_1282 : i32 to index
        %swap3A_1284 = arith.constant 0 : index
        %swap3A_1285 = tpu.vector_load %arg10[%swap3A_1283, %swap3A_1284] {strides = array<i32>} : memref<160x64xf32, #tpu.memory_space<vmem>>, vector<16xf32>,
        tpu.vector_store %arg10[%swap3A_1283, %swap3A_1284], %mul3A_1280 {strides = array<i32>} : memref<160x64xf32, #tpu.memory_space<vmem>>, vector<16xf32>,
        %add3A_1286 = arith.constant 5 : i32
        %add3A_1287 = arith.addi %mul3A_124, %add3A_1286 : i32
        %get3A_1288 = arith.index_cast %add3A_1287 : i32 to index
        %get3A_1289 = arith.constant 16 : index
        %get3A_1290 = tpu.vector_load %arg8[%get3A_1288, %get3A_1289] {strides = array<i32>} : memref<160x128xf32, #tpu.memory_space<vmem>>, vector<16xf32>,
        %sub3A_1291 = vector.broadcast %squeeze3A_1267 : f32 to vector<16xf32>
        %sub3A_1292 = arith.subf %get3A_1290, %sub3A_1291 : vector<16xf32>
        %mul3A_1293 = vector.broadcast %squeeze3A_1269 : f32 to vector<16xf32>
        %mul3A_1294 = arith.mulf %sub3A_1292, %mul3A_1293 : vector<16xf32>
        %add3A_1295 = arith.addf %mul3A_1294, %get3A_11 : vector<16xf32>
        %mul3A_1296 = arith.mulf %get3A_3, %add3A_1295 : vector<16xf32>
        %add3A_1297 = arith.constant 5 : i32
        %add3A_1298 = arith.addi %mul3A_124, %add3A_1297 : i32
        %swap3A_1299 = arith.index_cast %add3A_1298 : i32 to index
        %swap3A_1300 = arith.constant 16 : index
        %swap3A_1301 = tpu.vector_load %arg10[%swap3A_1299, %swap3A_1300] {strides = array<i32>} : memref<160x64xf32, #tpu.memory_space<vmem>>, vector<16xf32>,
        tpu.vector_store %arg10[%swap3A_1299, %swap3A_1300], %mul3A_1296 {strides = array<i32>} : memref<160x64xf32, #tpu.memory_space<vmem>>, vector<16xf32>,
        %add3A_1302 = arith.constant 5 : i32
        %add3A_1303 = arith.addi %mul3A_124, %add3A_1302 : i32
        %get3A_1304 = arith.index_cast %add3A_1303 : i32 to index
        %get3A_1305 = arith.constant 32 : index
        %get3A_1306 = tpu.vector_load %arg8[%get3A_1304, %get3A_1305] {strides = array<i32>} : memref<160x128xf32, #tpu.memory_space<vmem>>, vector<16xf32>,
        %sub3A_1307 = vector.broadcast %squeeze3A_1267 : f32 to vector<16xf32>
        %sub3A_1308 = arith.subf %get3A_1306, %sub3A_1307 : vector<16xf32>
        %mul3A_1309 = vector.broadcast %squeeze3A_1269 : f32 to vector<16xf32>
        %mul3A_1310 = arith.mulf %sub3A_1308, %mul3A_1309 : vector<16xf32>
        %add3A_1311 = arith.addf %mul3A_1310, %get3A_13 : vector<16xf32>
        %mul3A_1312 = arith.mulf %get3A_5, %add3A_1311 : vector<16xf32>
        %add3A_1313 = arith.constant 5 : i32
        %add3A_1314 = arith.addi %mul3A_124, %add3A_1313 : i32
        %swap3A_1315 = arith.index_cast %add3A_1314 : i32 to index
        %swap3A_1316 = arith.constant 32 : index
        %swap3A_1317 = tpu.vector_load %arg10[%swap3A_1315, %swap3A_1316] {strides = array<i32>} : memref<160x64xf32, #tpu.memory_space<vmem>>, vector<16xf32>,
        tpu.vector_store %arg10[%swap3A_1315, %swap3A_1316], %mul3A_1312 {strides = array<i32>} : memref<160x64xf32, #tpu.memory_space<vmem>>, vector<16xf32>,
        %add3A_1318 = arith.constant 5 : i32
        %add3A_1319 = arith.addi %mul3A_124, %add3A_1318 : i32
        %get3A_1320 = arith.index_cast %add3A_1319 : i32 to index
        %get3A_1321 = arith.constant 48 : index
        %get3A_1322 = tpu.vector_load %arg8[%get3A_1320, %get3A_1321] {strides = array<i32>} : memref<160x128xf32, #tpu.memory_space<vmem>>, vector<16xf32>,
        %sub3A_1323 = vector.broadcast %squeeze3A_1267 : f32 to vector<16xf32>
        %sub3A_1324 = arith.subf %get3A_1322, %sub3A_1323 : vector<16xf32>
        %mul3A_1325 = vector.broadcast %squeeze3A_1269 : f32 to vector<16xf32>
        %mul3A_1326 = arith.mulf %sub3A_1324, %mul3A_1325 : vector<16xf32>
        %add3A_1327 = arith.addf %mul3A_1326, %get3A_15 : vector<16xf32>
        %mul3A_1328 = arith.mulf %get3A_7, %add3A_1327 : vector<16xf32>
        %add3A_1329 = arith.constant 5 : i32
        %add3A_1330 = arith.addi %mul3A_124, %add3A_1329 : i32
        %swap3A_1331 = arith.index_cast %add3A_1330 : i32 to index
        %swap3A_1332 = arith.constant 48 : index
        %swap3A_1333 = tpu.vector_load %arg10[%swap3A_1331, %swap3A_1332] {strides = array<i32>} : memref<160x64xf32, #tpu.memory_space<vmem>>, vector<16xf32>,
        tpu.vector_store %arg10[%swap3A_1331, %swap3A_1332], %mul3A_1328 {strides = array<i32>} : memref<160x64xf32, #tpu.memory_space<vmem>>, vector<16xf32>,
        %slice3A_1334 = vector.extract_strided_slice %mul3A_883 {offsets = [6], sizes = [1], strides = [1]} : vector<16xf32> to vector<1xf32>
        %squeeze3A_1335 = vector.extract %slice3A_1334[0] : f32 from vector<1xf32>
        %slice3A_1336 = vector.extract_strided_slice %div3A_928 {offsets = [6], sizes = [1], strides = [1]} : vector<16xf32> to vector<1xf32>
        %squeeze3A_1337 = vector.extract %slice3A_1336[0] : f32 from vector<1xf32>
        %add3A_1338 = arith.constant 6 : i32
        %add3A_1339 = arith.addi %mul3A_124, %add3A_1338 : i32
        %get3A_1340 = arith.index_cast %add3A_1339 : i32 to index
        %get3A_1341 = arith.constant 0 : index
        %get3A_1342 = tpu.vector_load %arg8[%get3A_1340, %get3A_1341] {strides = array<i32>} : memref<160x128xf32, #tpu.memory_space<vmem>>, vector<16xf32>,
        %sub3A_1343 = vector.broadcast %squeeze3A_1335 : f32 to vector<16xf32>
        %sub3A_1344 = arith.subf %get3A_1342, %sub3A_1343 : vector<16xf32>
        %mul3A_1345 = vector.broadcast %squeeze3A_1337 : f32 to vector<16xf32>
        %mul3A_1346 = arith.mulf %sub3A_1344, %mul3A_1345 : vector<16xf32>
        %add3A_1347 = arith.addf %mul3A_1346, %get3A_9 : vector<16xf32>
        %mul3A_1348 = arith.mulf %get3A_1, %add3A_1347 : vector<16xf32>
        %add3A_1349 = arith.constant 6 : i32
        %add3A_1350 = arith.addi %mul3A_124, %add3A_1349 : i32
        %swap3A_1351 = arith.index_cast %add3A_1350 : i32 to index
        %swap3A_1352 = arith.constant 0 : index
        %swap3A_1353 = tpu.vector_load %arg10[%swap3A_1351, %swap3A_1352] {strides = array<i32>} : memref<160x64xf32, #tpu.memory_space<vmem>>, vector<16xf32>,
        tpu.vector_store %arg10[%swap3A_1351, %swap3A_1352], %mul3A_1348 {strides = array<i32>} : memref<160x64xf32, #tpu.memory_space<vmem>>, vector<16xf32>,
        %add3A_1354 = arith.constant 6 : i32
        %add3A_1355 = arith.addi %mul3A_124, %add3A_1354 : i32
        %get3A_1356 = arith.index_cast %add3A_1355 : i32 to index
        %get3A_1357 = arith.constant 16 : index
        %get3A_1358 = tpu.vector_load %arg8[%get3A_1356, %get3A_1357] {strides = array<i32>} : memref<160x128xf32, #tpu.memory_space<vmem>>, vector<16xf32>,
        %sub3A_1359 = vector.broadcast %squeeze3A_1335 : f32 to vector<16xf32>
        %sub3A_1360 = arith.subf %get3A_1358, %sub3A_1359 : vector<16xf32>
        %mul3A_1361 = vector.broadcast %squeeze3A_1337 : f32 to vector<16xf32>
        %mul3A_1362 = arith.mulf %sub3A_1360, %mul3A_1361 : vector<16xf32>
        %add3A_1363 = arith.addf %mul3A_1362, %get3A_11 : vector<16xf32>
        %mul3A_1364 = arith.mulf %get3A_3, %add3A_1363 : vector<16xf32>
        %add3A_1365 = arith.constant 6 : i32
        %add3A_1366 = arith.addi %mul3A_124, %add3A_1365 : i32
        %swap3A_1367 = arith.index_cast %add3A_1366 : i32 to index
        %swap3A_1368 = arith.constant 16 : index
        %swap3A_1369 = tpu.vector_load %arg10[%swap3A_1367, %swap3A_1368] {strides = array<i32>} : memref<160x64xf32, #tpu.memory_space<vmem>>, vector<16xf32>,
        tpu.vector_store %arg10[%swap3A_1367, %swap3A_1368], %mul3A_1364 {strides = array<i32>} : memref<160x64xf32, #tpu.memory_space<vmem>>, vector<16xf32>,
        %add3A_1370 = arith.constant 6 : i32
        %add3A_1371 = arith.addi %mul3A_124, %add3A_1370 : i32
        %get3A_1372 = arith.index_cast %add3A_1371 : i32 to index
        %get3A_1373 = arith.constant 32 : index
        %get3A_1374 = tpu.vector_load %arg8[%get3A_1372, %get3A_1373] {strides = array<i32>} : memref<160x128xf32, #tpu.memory_space<vmem>>, vector<16xf32>,
        %sub3A_1375 = vector.broadcast %squeeze3A_1335 : f32 to vector<16xf32>
        %sub3A_1376 = arith.subf %get3A_1374, %sub3A_1375 : vector<16xf32>
        %mul3A_1377 = vector.broadcast %squeeze3A_1337 : f32 to vector<16xf32>
        %mul3A_1378 = arith.mulf %sub3A_1376, %mul3A_1377 : vector<16xf32>
        %add3A_1379 = arith.addf %mul3A_1378, %get3A_13 : vector<16xf32>
        %mul3A_1380 = arith.mulf %get3A_5, %add3A_1379 : vector<16xf32>
        %add3A_1381 = arith.constant 6 : i32
        %add3A_1382 = arith.addi %mul3A_124, %add3A_1381 : i32
        %swap3A_1383 = arith.index_cast %add3A_1382 : i32 to index
        %swap3A_1384 = arith.constant 32 : index
        %swap3A_1385 = tpu.vector_load %arg10[%swap3A_1383, %swap3A_1384] {strides = array<i32>} : memref<160x64xf32, #tpu.memory_space<vmem>>, vector<16xf32>,
        tpu.vector_store %arg10[%swap3A_1383, %swap3A_1384], %mul3A_1380 {strides = array<i32>} : memref<160x64xf32, #tpu.memory_space<vmem>>, vector<16xf32>,
        %add3A_1386 = arith.constant 6 : i32
        %add3A_1387 = arith.addi %mul3A_124, %add3A_1386 : i32
        %get3A_1388 = arith.index_cast %add3A_1387 : i32 to index
        %get3A_1389 = arith.constant 48 : index
        %get3A_1390 = tpu.vector_load %arg8[%get3A_1388, %get3A_1389] {strides = array<i32>} : memref<160x128xf32, #tpu.memory_space<vmem>>, vector<16xf32>,
        %sub3A_1391 = vector.broadcast %squeeze3A_1335 : f32 to vector<16xf32>
        %sub3A_1392 = arith.subf %get3A_1390, %sub3A_1391 : vector<16xf32>
        %mul3A_1393 = vector.broadcast %squeeze3A_1337 : f32 to vector<16xf32>
        %mul3A_1394 = arith.mulf %sub3A_1392, %mul3A_1393 : vector<16xf32>
        %add3A_1395 = arith.addf %mul3A_1394, %get3A_15 : vector<16xf32>
        %mul3A_1396 = arith.mulf %get3A_7, %add3A_1395 : vector<16xf32>
        %add3A_1397 = arith.constant 6 : i32
        %add3A_1398 = arith.addi %mul3A_124, %add3A_1397 : i32
        %swap3A_1399 = arith.index_cast %add3A_1398 : i32 to index
        %swap3A_1400 = arith.constant 48 : index
        %swap3A_1401 = tpu.vector_load %arg10[%swap3A_1399, %swap3A_1400] {strides = array<i32>} : memref<160x64xf32, #tpu.memory_space<vmem>>, vector<16xf32>,
        tpu.vector_store %arg10[%swap3A_1399, %swap3A_1400], %mul3A_1396 {strides = array<i32>} : memref<160x64xf32, #tpu.memory_space<vmem>>, vector<16xf32>,
        %slice3A_1402 = vector.extract_strided_slice %mul3A_883 {offsets = [7], sizes = [1], strides = [1]} : vector<16xf32> to vector<1xf32>
        %squeeze3A_1403 = vector.extract %slice3A_1402[0] : f32 from vector<1xf32>
        %slice3A_1404 = vector.extract_strided_slice %div3A_928 {offsets = [7], sizes = [1], strides = [1]} : vector<16xf32> to vector<1xf32>
        %squeeze3A_1405 = vector.extract %slice3A_1404[0] : f32 from vector<1xf32>
        %add3A_1406 = arith.constant 7 : i32
        %add3A_1407 = arith.addi %mul3A_124, %add3A_1406 : i32
        %get3A_1408 = arith.index_cast %add3A_1407 : i32 to index
        %get3A_1409 = arith.constant 0 : index
        %get3A_1410 = tpu.vector_load %arg8[%get3A_1408, %get3A_1409] {strides = array<i32>} : memref<160x128xf32, #tpu.memory_space<vmem>>, vector<16xf32>,
        %sub3A_1411 = vector.broadcast %squeeze3A_1403 : f32 to vector<16xf32>
        %sub3A_1412 = arith.subf %get3A_1410, %sub3A_1411 : vector<16xf32>
        %mul3A_1413 = vector.broadcast %squeeze3A_1405 : f32 to vector<16xf32>
        %mul3A_1414 = arith.mulf %sub3A_1412, %mul3A_1413 : vector<16xf32>
        %add3A_1415 = arith.addf %mul3A_1414, %get3A_9 : vector<16xf32>
        %mul3A_1416 = arith.mulf %get3A_1, %add3A_1415 : vector<16xf32>
        %add3A_1417 = arith.constant 7 : i32
        %add3A_1418 = arith.addi %mul3A_124, %add3A_1417 : i32
        %swap3A_1419 = arith.index_cast %add3A_1418 : i32 to index
        %swap3A_1420 = arith.constant 0 : index
        %swap3A_1421 = tpu.vector_load %arg10[%swap3A_1419, %swap3A_1420] {strides = array<i32>} : memref<160x64xf32, #tpu.memory_space<vmem>>, vector<16xf32>,
        tpu.vector_store %arg10[%swap3A_1419, %swap3A_1420], %mul3A_1416 {strides = array<i32>} : memref<160x64xf32, #tpu.memory_space<vmem>>, vector<16xf32>,
        %add3A_1422 = arith.constant 7 : i32
        %add3A_1423 = arith.addi %mul3A_124, %add3A_1422 : i32
        %get3A_1424 = arith.index_cast %add3A_1423 : i32 to index
        %get3A_1425 = arith.constant 16 : index
        %get3A_1426 = tpu.vector_load %arg8[%get3A_1424, %get3A_1425] {strides = array<i32>} : memref<160x128xf32, #tpu.memory_space<vmem>>, vector<16xf32>,
        %sub3A_1427 = vector.broadcast %squeeze3A_1403 : f32 to vector<16xf32>
        %sub3A_1428 = arith.subf %get3A_1426, %sub3A_1427 : vector<16xf32>
        %mul3A_1429 = vector.broadcast %squeeze3A_1405 : f32 to vector<16xf32>
        %mul3A_1430 = arith.mulf %sub3A_1428, %mul3A_1429 : vector<16xf32>
        %add3A_1431 = arith.addf %mul3A_1430, %get3A_11 : vector<16xf32>
        %mul3A_1432 = arith.mulf %get3A_3, %add3A_1431 : vector<16xf32>
        %add3A_1433 = arith.constant 7 : i32
        %add3A_1434 = arith.addi %mul3A_124, %add3A_1433 : i32
        %swap3A_1435 = arith.index_cast %add3A_1434 : i32 to index
        %swap3A_1436 = arith.constant 16 : index
        %swap3A_1437 = tpu.vector_load %arg10[%swap3A_1435, %swap3A_1436] {strides = array<i32>} : memref<160x64xf32, #tpu.memory_space<vmem>>, vector<16xf32>,
        tpu.vector_store %arg10[%swap3A_1435, %swap3A_1436], %mul3A_1432 {strides = array<i32>} : memref<160x64xf32, #tpu.memory_space<vmem>>, vector<16xf32>,
        %add3A_1438 = arith.constant 7 : i32
        %add3A_1439 = arith.addi %mul3A_124, %add3A_1438 : i32
        %get3A_1440 = arith.index_cast %add3A_1439 : i32 to index
        %get3A_1441 = arith.constant 32 : index
        %get3A_1442 = tpu.vector_load %arg8[%get3A_1440, %get3A_1441] {strides = array<i32>} : memref<160x128xf32, #tpu.memory_space<vmem>>, vector<16xf32>,
        %sub3A_1443 = vector.broadcast %squeeze3A_1403 : f32 to vector<16xf32>
        %sub3A_1444 = arith.subf %get3A_1442, %sub3A_1443 : vector<16xf32>
        %mul3A_1445 = vector.broadcast %squeeze3A_1405 : f32 to vector<16xf32>
        %mul3A_1446 = arith.mulf %sub3A_1444, %mul3A_1445 : vector<16xf32>
        %add3A_1447 = arith.addf %mul3A_1446, %get3A_13 : vector<16xf32>
        %mul3A_1448 = arith.mulf %get3A_5, %add3A_1447 : vector<16xf32>
        %add3A_1449 = arith.constant 7 : i32
        %add3A_1450 = arith.addi %mul3A_124, %add3A_1449 : i32
        %swap3A_1451 = arith.index_cast %add3A_1450 : i32 to index
        %swap3A_1452 = arith.constant 32 : index
        %swap3A_1453 = tpu.vector_load %arg10[%swap3A_1451, %swap3A_1452] {strides = array<i32>} : memref<160x64xf32, #tpu.memory_space<vmem>>, vector<16xf32>,
        tpu.vector_store %arg10[%swap3A_1451, %swap3A_1452], %mul3A_1448 {strides = array<i32>} : memref<160x64xf32, #tpu.memory_space<vmem>>, vector<16xf32>,
        %add3A_1454 = arith.constant 7 : i32
        %add3A_1455 = arith.addi %mul3A_124, %add3A_1454 : i32
        %get3A_1456 = arith.index_cast %add3A_1455 : i32 to index
        %get3A_1457 = arith.constant 48 : index
        %get3A_1458 = tpu.vector_load %arg8[%get3A_1456, %get3A_1457] {strides = array<i32>} : memref<160x128xf32, #tpu.memory_space<vmem>>, vector<16xf32>,
        %sub3A_1459 = vector.broadcast %squeeze3A_1403 : f32 to vector<16xf32>
        %sub3A_1460 = arith.subf %get3A_1458, %sub3A_1459 : vector<16xf32>
        %mul3A_1461 = vector.broadcast %squeeze3A_1405 : f32 to vector<16xf32>
        %mul3A_1462 = arith.mulf %sub3A_1460, %mul3A_1461 : vector<16xf32>
        %add3A_1463 = arith.addf %mul3A_1462, %get3A_15 : vector<16xf32>
        %mul3A_1464 = arith.mulf %get3A_7, %add3A_1463 : vector<16xf32>
        %add3A_1465 = arith.constant 7 : i32
        %add3A_1466 = arith.addi %mul3A_124, %add3A_1465 : i32
        %swap3A_1467 = arith.index_cast %add3A_1466 : i32 to index
        %swap3A_1468 = arith.constant 48 : index
        %swap3A_1469 = tpu.vector_load %arg10[%swap3A_1467, %swap3A_1468] {strides = array<i32>} : memref<160x64xf32, #tpu.memory_space<vmem>>, vector<16xf32>,
        tpu.vector_store %arg10[%swap3A_1467, %swap3A_1468], %mul3A_1464 {strides = array<i32>} : memref<160x64xf32, #tpu.memory_space<vmem>>, vector<16xf32>,
        %slice3A_1470 = vector.extract_strided_slice %mul3A_883 {offsets = [8], sizes = [1], strides = [1]} : vector<16xf32> to vector<1xf32>
        %squeeze3A_1471 = vector.extract %slice3A_1470[0] : f32 from vector<1xf32>
        %slice3A_1472 = vector.extract_strided_slice %div3A_928 {offsets = [8], sizes = [1], strides = [1]} : vector<16xf32> to vector<1xf32>
        %squeeze3A_1473 = vector.extract %slice3A_1472[0] : f32 from vector<1xf32>
        %add3A_1474 = arith.constant 8 : i32
        %add3A_1475 = arith.addi %mul3A_124, %add3A_1474 : i32
        %get3A_1476 = arith.index_cast %add3A_1475 : i32 to index
        %get3A_1477 = arith.constant 0 : index
        %get3A_1478 = tpu.vector_load %arg8[%get3A_1476, %get3A_1477] {strides = array<i32>} : memref<160x128xf32, #tpu.memory_space<vmem>>, vector<16xf32>,
        %sub3A_1479 = vector.broadcast %squeeze3A_1471 : f32 to vector<16xf32>
        %sub3A_1480 = arith.subf %get3A_1478, %sub3A_1479 : vector<16xf32>
        %mul3A_1481 = vector.broadcast %squeeze3A_1473 : f32 to vector<16xf32>
        %mul3A_1482 = arith.mulf %sub3A_1480, %mul3A_1481 : vector<16xf32>
        %add3A_1483 = arith.addf %mul3A_1482, %get3A_9 : vector<16xf32>
        %mul3A_1484 = arith.mulf %get3A_1, %add3A_1483 : vector<16xf32>
        %add3A_1485 = arith.constant 8 : i32
        %add3A_1486 = arith.addi %mul3A_124, %add3A_1485 : i32
        %swap3A_1487 = arith.index_cast %add3A_1486 : i32 to index
        %swap3A_1488 = arith.constant 0 : index
        %swap3A_1489 = tpu.vector_load %arg10[%swap3A_1487, %swap3A_1488] {strides = array<i32>} : memref<160x64xf32, #tpu.memory_space<vmem>>, vector<16xf32>,
        tpu.vector_store %arg10[%swap3A_1487, %swap3A_1488], %mul3A_1484 {strides = array<i32>} : memref<160x64xf32, #tpu.memory_space<vmem>>, vector<16xf32>,
        %add3A_1490 = arith.constant 8 : i32
        %add3A_1491 = arith.addi %mul3A_124, %add3A_1490 : i32
        %get3A_1492 = arith.index_cast %add3A_1491 : i32 to index
        %get3A_1493 = arith.constant 16 : index
        %get3A_1494 = tpu.vector_load %arg8[%get3A_1492, %get3A_1493] {strides = array<i32>} : memref<160x128xf32, #tpu.memory_space<vmem>>, vector<16xf32>,
        %sub3A_1495 = vector.broadcast %squeeze3A_1471 : f32 to vector<16xf32>
        %sub3A_1496 = arith.subf %get3A_1494, %sub3A_1495 : vector<16xf32>
        %mul3A_1497 = vector.broadcast %squeeze3A_1473 : f32 to vector<16xf32>
        %mul3A_1498 = arith.mulf %sub3A_1496, %mul3A_1497 : vector<16xf32>
        %add3A_1499 = arith.addf %mul3A_1498, %get3A_11 : vector<16xf32>
        %mul3A_1500 = arith.mulf %get3A_3, %add3A_1499 : vector<16xf32>
        %add3A_1501 = arith.constant 8 : i32
        %add3A_1502 = arith.addi %mul3A_124, %add3A_1501 : i32
        %swap3A_1503 = arith.index_cast %add3A_1502 : i32 to index
        %swap3A_1504 = arith.constant 16 : index
        %swap3A_1505 = tpu.vector_load %arg10[%swap3A_1503, %swap3A_1504] {strides = array<i32>} : memref<160x64xf32, #tpu.memory_space<vmem>>, vector<16xf32>,
        tpu.vector_store %arg10[%swap3A_1503, %swap3A_1504], %mul3A_1500 {strides = array<i32>} : memref<160x64xf32, #tpu.memory_space<vmem>>, vector<16xf32>,
        %add3A_1506 = arith.constant 8 : i32
        %add3A_1507 = arith.addi %mul3A_124, %add3A_1506 : i32
        %get3A_1508 = arith.index_cast %add3A_1507 : i32 to index
        %get3A_1509 = arith.constant 32 : index
        %get3A_1510 = tpu.vector_load %arg8[%get3A_1508, %get3A_1509] {strides = array<i32>} : memref<160x128xf32, #tpu.memory_space<vmem>>, vector<16xf32>,
        %sub3A_1511 = vector.broadcast %squeeze3A_1471 : f32 to vector<16xf32>
        %sub3A_1512 = arith.subf %get3A_1510, %sub3A_1511 : vector<16xf32>
        %mul3A_1513 = vector.broadcast %squeeze3A_1473 : f32 to vector<16xf32>
        %mul3A_1514 = arith.mulf %sub3A_1512, %mul3A_1513 : vector<16xf32>
        %add3A_1515 = arith.addf %mul3A_1514, %get3A_13 : vector<16xf32>
        %mul3A_1516 = arith.mulf %get3A_5, %add3A_1515 : vector<16xf32>
        %add3A_1517 = arith.constant 8 : i32
        %add3A_1518 = arith.addi %mul3A_124, %add3A_1517 : i32
        %swap3A_1519 = arith.index_cast %add3A_1518 : i32 to index
        %swap3A_1520 = arith.constant 32 : index
        %swap3A_1521 = tpu.vector_load %arg10[%swap3A_1519, %swap3A_1520] {strides = array<i32>} : memref<160x64xf32, #tpu.memory_space<vmem>>, vector<16xf32>,
        tpu.vector_store %arg10[%swap3A_1519, %swap3A_1520], %mul3A_1516 {strides = array<i32>} : memref<160x64xf32, #tpu.memory_space<vmem>>, vector<16xf32>,
        %add3A_1522 = arith.constant 8 : i32
        %add3A_1523 = arith.addi %mul3A_124, %add3A_1522 : i32
        %get3A_1524 = arith.index_cast %add3A_1523 : i32 to index
        %get3A_1525 = arith.constant 48 : index
        %get3A_1526 = tpu.vector_load %arg8[%get3A_1524, %get3A_1525] {strides = array<i32>} : memref<160x128xf32, #tpu.memory_space<vmem>>, vector<16xf32>,
        %sub3A_1527 = vector.broadcast %squeeze3A_1471 : f32 to vector<16xf32>
        %sub3A_1528 = arith.subf %get3A_1526, %sub3A_1527 : vector<16xf32>
        %mul3A_1529 = vector.broadcast %squeeze3A_1473 : f32 to vector<16xf32>
        %mul3A_1530 = arith.mulf %sub3A_1528, %mul3A_1529 : vector<16xf32>
        %add3A_1531 = arith.addf %mul3A_1530, %get3A_15 : vector<16xf32>
        %mul3A_1532 = arith.mulf %get3A_7, %add3A_1531 : vector<16xf32>
        %add3A_1533 = arith.constant 8 : i32
        %add3A_1534 = arith.addi %mul3A_124, %add3A_1533 : i32
        %swap3A_1535 = arith.index_cast %add3A_1534 : i32 to index
        %swap3A_1536 = arith.constant 48 : index
        %swap3A_1537 = tpu.vector_load %arg10[%swap3A_1535, %swap3A_1536] {strides = array<i32>} : memref<160x64xf32, #tpu.memory_space<vmem>>, vector<16xf32>,
        tpu.vector_store %arg10[%swap3A_1535, %swap3A_1536], %mul3A_1532 {strides = array<i32>} : memref<160x64xf32, #tpu.memory_space<vmem>>, vector<16xf32>,
        %slice3A_1538 = vector.extract_strided_slice %mul3A_883 {offsets = [9], sizes = [1], strides = [1]} : vector<16xf32> to vector<1xf32>
        %squeeze3A_1539 = vector.extract %slice3A_1538[0] : f32 from vector<1xf32>
        %slice3A_1540 = vector.extract_strided_slice %div3A_928 {offsets = [9], sizes = [1], strides = [1]} : vector<16xf32> to vector<1xf32>
        %squeeze3A_1541 = vector.extract %slice3A_1540[0] : f32 from vector<1xf32>
        %add3A_1542 = arith.constant 9 : i32
        %add3A_1543 = arith.addi %mul3A_124, %add3A_1542 : i32
        %get3A_1544 = arith.index_cast %add3A_1543 : i32 to index
        %get3A_1545 = arith.constant 0 : index
        %get3A_1546 = tpu.vector_load %arg8[%get3A_1544, %get3A_1545] {strides = array<i32>} : memref<160x128xf32, #tpu.memory_space<vmem>>, vector<16xf32>,
        %sub3A_1547 = vector.broadcast %squeeze3A_1539 : f32 to vector<16xf32>
        %sub3A_1548 = arith.subf %get3A_1546, %sub3A_1547 : vector<16xf32>
        %mul3A_1549 = vector.broadcast %squeeze3A_1541 : f32 to vector<16xf32>
        %mul3A_1550 = arith.mulf %sub3A_1548, %mul3A_1549 : vector<16xf32>
        %add3A_1551 = arith.addf %mul3A_1550, %get3A_9 : vector<16xf32>
        %mul3A_1552 = arith.mulf %get3A_1, %add3A_1551 : vector<16xf32>
        %add3A_1553 = arith.constant 9 : i32
        %add3A_1554 = arith.addi %mul3A_124, %add3A_1553 : i32
        %swap3A_1555 = arith.index_cast %add3A_1554 : i32 to index
        %swap3A_1556 = arith.constant 0 : index
        %swap3A_1557 = tpu.vector_load %arg10[%swap3A_1555, %swap3A_1556] {strides = array<i32>} : memref<160x64xf32, #tpu.memory_space<vmem>>, vector<16xf32>,
        tpu.vector_store %arg10[%swap3A_1555, %swap3A_1556], %mul3A_1552 {strides = array<i32>} : memref<160x64xf32, #tpu.memory_space<vmem>>, vector<16xf32>,
        %add3A_1558 = arith.constant 9 : i32
        %add3A_1559 = arith.addi %mul3A_124, %add3A_1558 : i32
        %get3A_1560 = arith.index_cast %add3A_1559 : i32 to index
        %get3A_1561 = arith.constant 16 : index
        %get3A_1562 = tpu.vector_load %arg8[%get3A_1560, %get3A_1561] {strides = array<i32>} : memref<160x128xf32, #tpu.memory_space<vmem>>, vector<16xf32>,
        %sub3A_1563 = vector.broadcast %squeeze3A_1539 : f32 to vector<16xf32>
        %sub3A_1564 = arith.subf %get3A_1562, %sub3A_1563 : vector<16xf32>
        %mul3A_1565 = vector.broadcast %squeeze3A_1541 : f32 to vector<16xf32>
        %mul3A_1566 = arith.mulf %sub3A_1564, %mul3A_1565 : vector<16xf32>
        %add3A_1567 = arith.addf %mul3A_1566, %get3A_11 : vector<16xf32>
        %mul3A_1568 = arith.mulf %get3A_3, %add3A_1567 : vector<16xf32>
        %add3A_1569 = arith.constant 9 : i32
        %add3A_1570 = arith.addi %mul3A_124, %add3A_1569 : i32
        %swap3A_1571 = arith.index_cast %add3A_1570 : i32 to index
        %swap3A_1572 = arith.constant 16 : index
        %swap3A_1573 = tpu.vector_load %arg10[%swap3A_1571, %swap3A_1572] {strides = array<i32>} : memref<160x64xf32, #tpu.memory_space<vmem>>, vector<16xf32>,
        tpu.vector_store %arg10[%swap3A_1571, %swap3A_1572], %mul3A_1568 {strides = array<i32>} : memref<160x64xf32, #tpu.memory_space<vmem>>, vector<16xf32>,
        %add3A_1574 = arith.constant 9 : i32
        %add3A_1575 = arith.addi %mul3A_124, %add3A_1574 : i32
        %get3A_1576 = arith.index_cast %add3A_1575 : i32 to index
        %get3A_1577 = arith.constant 32 : index
        %get3A_1578 = tpu.vector_load %arg8[%get3A_1576, %get3A_1577] {strides = array<i32>} : memref<160x128xf32, #tpu.memory_space<vmem>>, vector<16xf32>,
        %sub3A_1579 = vector.broadcast %squeeze3A_1539 : f32 to vector<16xf32>
        %sub3A_1580 = arith.subf %get3A_1578, %sub3A_1579 : vector<16xf32>
        %mul3A_1581 = vector.broadcast %squeeze3A_1541 : f32 to vector<16xf32>
        %mul3A_1582 = arith.mulf %sub3A_1580, %mul3A_1581 : vector<16xf32>
        %add3A_1583 = arith.addf %mul3A_1582, %get3A_13 : vector<16xf32>
        %mul3A_1584 = arith.mulf %get3A_5, %add3A_1583 : vector<16xf32>
        %add3A_1585 = arith.constant 9 : i32
        %add3A_1586 = arith.addi %mul3A_124, %add3A_1585 : i32
        %swap3A_1587 = arith.index_cast %add3A_1586 : i32 to index
        %swap3A_1588 = arith.constant 32 : index
        %swap3A_1589 = tpu.vector_load %arg10[%swap3A_1587, %swap3A_1588] {strides = array<i32>} : memref<160x64xf32, #tpu.memory_space<vmem>>, vector<16xf32>,
        tpu.vector_store %arg10[%swap3A_1587, %swap3A_1588], %mul3A_1584 {strides = array<i32>} : memref<160x64xf32, #tpu.memory_space<vmem>>, vector<16xf32>,
        %add3A_1590 = arith.constant 9 : i32
        %add3A_1591 = arith.addi %mul3A_124, %add3A_1590 : i32
        %get3A_1592 = arith.index_cast %add3A_1591 : i32 to index
        %get3A_1593 = arith.constant 48 : index
        %get3A_1594 = tpu.vector_load %arg8[%get3A_1592, %get3A_1593] {strides = array<i32>} : memref<160x128xf32, #tpu.memory_space<vmem>>, vector<16xf32>,
        %sub3A_1595 = vector.broadcast %squeeze3A_1539 : f32 to vector<16xf32>
        %sub3A_1596 = arith.subf %get3A_1594, %sub3A_1595 : vector<16xf32>
        %mul3A_1597 = vector.broadcast %squeeze3A_1541 : f32 to vector<16xf32>
        %mul3A_1598 = arith.mulf %sub3A_1596, %mul3A_1597 : vector<16xf32>
        %add3A_1599 = arith.addf %mul3A_1598, %get3A_15 : vector<16xf32>
        %mul3A_1600 = arith.mulf %get3A_7, %add3A_1599 : vector<16xf32>
        %add3A_1601 = arith.constant 9 : i32
        %add3A_1602 = arith.addi %mul3A_124, %add3A_1601 : i32
        %swap3A_1603 = arith.index_cast %add3A_1602 : i32 to index
        %swap3A_1604 = arith.constant 48 : index
        %swap3A_1605 = tpu.vector_load %arg10[%swap3A_1603, %swap3A_1604] {strides = array<i32>} : memref<160x64xf32, #tpu.memory_space<vmem>>, vector<16xf32>,
        tpu.vector_store %arg10[%swap3A_1603, %swap3A_1604], %mul3A_1600 {strides = array<i32>} : memref<160x64xf32, #tpu.memory_space<vmem>>, vector<16xf32>,
        %slice3A_1606 = vector.extract_strided_slice %mul3A_883 {offsets = [10], sizes = [1], strides = [1]} : vector<16xf32> to vector<1xf32>
        %squeeze3A_1607 = vector.extract %slice3A_1606[0] : f32 from vector<1xf32>
        %slice3A_1608 = vector.extract_strided_slice %div3A_928 {offsets = [10], sizes = [1], strides = [1]} : vector<16xf32> to vector<1xf32>
        %squeeze3A_1609 = vector.extract %slice3A_1608[0] : f32 from vector<1xf32>
        %add3A_1610 = arith.constant 10 : i32
        %add3A_1611 = arith.addi %mul3A_124, %add3A_1610 : i32
        %get3A_1612 = arith.index_cast %add3A_1611 : i32 to index
        %get3A_1613 = arith.constant 0 : index
        %get3A_1614 = tpu.vector_load %arg8[%get3A_1612, %get3A_1613] {strides = array<i32>} : memref<160x128xf32, #tpu.memory_space<vmem>>, vector<16xf32>,
        %sub3A_1615 = vector.broadcast %squeeze3A_1607 : f32 to vector<16xf32>
        %sub3A_1616 = arith.subf %get3A_1614, %sub3A_1615 : vector<16xf32>
        %mul3A_1617 = vector.broadcast %squeeze3A_1609 : f32 to vector<16xf32>
        %mul3A_1618 = arith.mulf %sub3A_1616, %mul3A_1617 : vector<16xf32>
        %add3A_1619 = arith.addf %mul3A_1618, %get3A_9 : vector<16xf32>
        %mul3A_1620 = arith.mulf %get3A_1, %add3A_1619 : vector<16xf32>
        %add3A_1621 = arith.constant 10 : i32
        %add3A_1622 = arith.addi %mul3A_124, %add3A_1621 : i32
        %swap3A_1623 = arith.index_cast %add3A_1622 : i32 to index
        %swap3A_1624 = arith.constant 0 : index
        %swap3A_1625 = tpu.vector_load %arg10[%swap3A_1623, %swap3A_1624] {strides = array<i32>} : memref<160x64xf32, #tpu.memory_space<vmem>>, vector<16xf32>,
        tpu.vector_store %arg10[%swap3A_1623, %swap3A_1624], %mul3A_1620 {strides = array<i32>} : memref<160x64xf32, #tpu.memory_space<vmem>>, vector<16xf32>,
        %add3A_1626 = arith.constant 10 : i32
        %add3A_1627 = arith.addi %mul3A_124, %add3A_1626 : i32
        %get3A_1628 = arith.index_cast %add3A_1627 : i32 to index
        %get3A_1629 = arith.constant 16 : index
        %get3A_1630 = tpu.vector_load %arg8[%get3A_1628, %get3A_1629] {strides = array<i32>} : memref<160x128xf32, #tpu.memory_space<vmem>>, vector<16xf32>,
        %sub3A_1631 = vector.broadcast %squeeze3A_1607 : f32 to vector<16xf32>
        %sub3A_1632 = arith.subf %get3A_1630, %sub3A_1631 : vector<16xf32>
        %mul3A_1633 = vector.broadcast %squeeze3A_1609 : f32 to vector<16xf32>
        %mul3A_1634 = arith.mulf %sub3A_1632, %mul3A_1633 : vector<16xf32>
        %add3A_1635 = arith.addf %mul3A_1634, %get3A_11 : vector<16xf32>
        %mul3A_1636 = arith.mulf %get3A_3, %add3A_1635 : vector<16xf32>
        %add3A_1637 = arith.constant 10 : i32
        %add3A_1638 = arith.addi %mul3A_124, %add3A_1637 : i32
        %swap3A_1639 = arith.index_cast %add3A_1638 : i32 to index
        %swap3A_1640 = arith.constant 16 : index
        %swap3A_1641 = tpu.vector_load %arg10[%swap3A_1639, %swap3A_1640] {strides = array<i32>} : memref<160x64xf32, #tpu.memory_space<vmem>>, vector<16xf32>,
        tpu.vector_store %arg10[%swap3A_1639, %swap3A_1640], %mul3A_1636 {strides = array<i32>} : memref<160x64xf32, #tpu.memory_space<vmem>>, vector<16xf32>,
        %add3A_1642 = arith.constant 10 : i32
        %add3A_1643 = arith.addi %mul3A_124, %add3A_1642 : i32
        %get3A_1644 = arith.index_cast %add3A_1643 : i32 to index
        %get3A_1645 = arith.constant 32 : index
        %get3A_1646 = tpu.vector_load %arg8[%get3A_1644, %get3A_1645] {strides = array<i32>} : memref<160x128xf32, #tpu.memory_space<vmem>>, vector<16xf32>,
        %sub3A_1647 = vector.broadcast %squeeze3A_1607 : f32 to vector<16xf32>
        %sub3A_1648 = arith.subf %get3A_1646, %sub3A_1647 : vector<16xf32>
        %mul3A_1649 = vector.broadcast %squeeze3A_1609 : f32 to vector<16xf32>
        %mul3A_1650 = arith.mulf %sub3A_1648, %mul3A_1649 : vector<16xf32>
        %add3A_1651 = arith.addf %mul3A_1650, %get3A_13 : vector<16xf32>
        %mul3A_1652 = arith.mulf %get3A_5, %add3A_1651 : vector<16xf32>
        %add3A_1653 = arith.constant 10 : i32
        %add3A_1654 = arith.addi %mul3A_124, %add3A_1653 : i32
        %swap3A_1655 = arith.index_cast %add3A_1654 : i32 to index
        %swap3A_1656 = arith.constant 32 : index
        %swap3A_1657 = tpu.vector_load %arg10[%swap3A_1655, %swap3A_1656] {strides = array<i32>} : memref<160x64xf32, #tpu.memory_space<vmem>>, vector<16xf32>,
        tpu.vector_store %arg10[%swap3A_1655, %swap3A_1656], %mul3A_1652 {strides = array<i32>} : memref<160x64xf32, #tpu.memory_space<vmem>>, vector<16xf32>,
        %add3A_1658 = arith.constant 10 : i32
        %add3A_1659 = arith.addi %mul3A_124, %add3A_1658 : i32
        %get3A_1660 = arith.index_cast %add3A_1659 : i32 to index
        %get3A_1661 = arith.constant 48 : index
        %get3A_1662 = tpu.vector_load %arg8[%get3A_1660, %get3A_1661] {strides = array<i32>} : memref<160x128xf32, #tpu.memory_space<vmem>>, vector<16xf32>,
        %sub3A_1663 = vector.broadcast %squeeze3A_1607 : f32 to vector<16xf32>
        %sub3A_1664 = arith.subf %get3A_1662, %sub3A_1663 : vector<16xf32>
        %mul3A_1665 = vector.broadcast %squeeze3A_1609 : f32 to vector<16xf32>
        %mul3A_1666 = arith.mulf %sub3A_1664, %mul3A_1665 : vector<16xf32>
        %add3A_1667 = arith.addf %mul3A_1666, %get3A_15 : vector<16xf32>
        %mul3A_1668 = arith.mulf %get3A_7, %add3A_1667 : vector<16xf32>
        %add3A_1669 = arith.constant 10 : i32
        %add3A_1670 = arith.addi %mul3A_124, %add3A_1669 : i32
        %swap3A_1671 = arith.index_cast %add3A_1670 : i32 to index
        %swap3A_1672 = arith.constant 48 : index
        %swap3A_1673 = tpu.vector_load %arg10[%swap3A_1671, %swap3A_1672] {strides = array<i32>} : memref<160x64xf32, #tpu.memory_space<vmem>>, vector<16xf32>,
        tpu.vector_store %arg10[%swap3A_1671, %swap3A_1672], %mul3A_1668 {strides = array<i32>} : memref<160x64xf32, #tpu.memory_space<vmem>>, vector<16xf32>,
        %slice3A_1674 = vector.extract_strided_slice %mul3A_883 {offsets = [11], sizes = [1], strides = [1]} : vector<16xf32> to vector<1xf32>
        %squeeze3A_1675 = vector.extract %slice3A_1674[0] : f32 from vector<1xf32>
        %slice3A_1676 = vector.extract_strided_slice %div3A_928 {offsets = [11], sizes = [1], strides = [1]} : vector<16xf32> to vector<1xf32>
        %squeeze3A_1677 = vector.extract %slice3A_1676[0] : f32 from vector<1xf32>
        %add3A_1678 = arith.constant 11 : i32
        %add3A_1679 = arith.addi %mul3A_124, %add3A_1678 : i32
        %get3A_1680 = arith.index_cast %add3A_1679 : i32 to index
        %get3A_1681 = arith.constant 0 : index
        %get3A_1682 = tpu.vector_load %arg8[%get3A_1680, %get3A_1681] {strides = array<i32>} : memref<160x128xf32, #tpu.memory_space<vmem>>, vector<16xf32>,
        %sub3A_1683 = vector.broadcast %squeeze3A_1675 : f32 to vector<16xf32>
        %sub3A_1684 = arith.subf %get3A_1682, %sub3A_1683 : vector<16xf32>
        %mul3A_1685 = vector.broadcast %squeeze3A_1677 : f32 to vector<16xf32>
        %mul3A_1686 = arith.mulf %sub3A_1684, %mul3A_1685 : vector<16xf32>
        %add3A_1687 = arith.addf %mul3A_1686, %get3A_9 : vector<16xf32>
        %mul3A_1688 = arith.mulf %get3A_1, %add3A_1687 : vector<16xf32>
        %add3A_1689 = arith.constant 11 : i32
        %add3A_1690 = arith.addi %mul3A_124, %add3A_1689 : i32
        %swap3A_1691 = arith.index_cast %add3A_1690 : i32 to index
        %swap3A_1692 = arith.constant 0 : index
        %swap3A_1693 = tpu.vector_load %arg10[%swap3A_1691, %swap3A_1692] {strides = array<i32>} : memref<160x64xf32, #tpu.memory_space<vmem>>, vector<16xf32>,
        tpu.vector_store %arg10[%swap3A_1691, %swap3A_1692], %mul3A_1688 {strides = array<i32>} : memref<160x64xf32, #tpu.memory_space<vmem>>, vector<16xf32>,
        %add3A_1694 = arith.constant 11 : i32
        %add3A_1695 = arith.addi %mul3A_124, %add3A_1694 : i32
        %get3A_1696 = arith.index_cast %add3A_1695 : i32 to index
        %get3A_1697 = arith.constant 16 : index
        %get3A_1698 = tpu.vector_load %arg8[%get3A_1696, %get3A_1697] {strides = array<i32>} : memref<160x128xf32, #tpu.memory_space<vmem>>, vector<16xf32>,
        %sub3A_1699 = vector.broadcast %squeeze3A_1675 : f32 to vector<16xf32>
        %sub3A_1700 = arith.subf %get3A_1698, %sub3A_1699 : vector<16xf32>
        %mul3A_1701 = vector.broadcast %squeeze3A_1677 : f32 to vector<16xf32>
        %mul3A_1702 = arith.mulf %sub3A_1700, %mul3A_1701 : vector<16xf32>
        %add3A_1703 = arith.addf %mul3A_1702, %get3A_11 : vector<16xf32>
        %mul3A_1704 = arith.mulf %get3A_3, %add3A_1703 : vector<16xf32>
        %add3A_1705 = arith.constant 11 : i32
        %add3A_1706 = arith.addi %mul3A_124, %add3A_1705 : i32
        %swap3A_1707 = arith.index_cast %add3A_1706 : i32 to index
        %swap3A_1708 = arith.constant 16 : index
        %swap3A_1709 = tpu.vector_load %arg10[%swap3A_1707, %swap3A_1708] {strides = array<i32>} : memref<160x64xf32, #tpu.memory_space<vmem>>, vector<16xf32>,
        tpu.vector_store %arg10[%swap3A_1707, %swap3A_1708], %mul3A_1704 {strides = array<i32>} : memref<160x64xf32, #tpu.memory_space<vmem>>, vector<16xf32>,
        %add3A_1710 = arith.constant 11 : i32
        %add3A_1711 = arith.addi %mul3A_124, %add3A_1710 : i32
        %get3A_1712 = arith.index_cast %add3A_1711 : i32 to index
        %get3A_1713 = arith.constant 32 : index
        %get3A_1714 = tpu.vector_load %arg8[%get3A_1712, %get3A_1713] {strides = array<i32>} : memref<160x128xf32, #tpu.memory_space<vmem>>, vector<16xf32>,
        %sub3A_1715 = vector.broadcast %squeeze3A_1675 : f32 to vector<16xf32>
        %sub3A_1716 = arith.subf %get3A_1714, %sub3A_1715 : vector<16xf32>
        %mul3A_1717 = vector.broadcast %squeeze3A_1677 : f32 to vector<16xf32>
        %mul3A_1718 = arith.mulf %sub3A_1716, %mul3A_1717 : vector<16xf32>
        %add3A_1719 = arith.addf %mul3A_1718, %get3A_13 : vector<16xf32>
        %mul3A_1720 = arith.mulf %get3A_5, %add3A_1719 : vector<16xf32>
        %add3A_1721 = arith.constant 11 : i32
        %add3A_1722 = arith.addi %mul3A_124, %add3A_1721 : i32
        %swap3A_1723 = arith.index_cast %add3A_1722 : i32 to index
        %swap3A_1724 = arith.constant 32 : index
        %swap3A_1725 = tpu.vector_load %arg10[%swap3A_1723, %swap3A_1724] {strides = array<i32>} : memref<160x64xf32, #tpu.memory_space<vmem>>, vector<16xf32>,
        tpu.vector_store %arg10[%swap3A_1723, %swap3A_1724], %mul3A_1720 {strides = array<i32>} : memref<160x64xf32, #tpu.memory_space<vmem>>, vector<16xf32>,
        %add3A_1726 = arith.constant 11 : i32
        %add3A_1727 = arith.addi %mul3A_124, %add3A_1726 : i32
        %get3A_1728 = arith.index_cast %add3A_1727 : i32 to index
        %get3A_1729 = arith.constant 48 : index
        %get3A_1730 = tpu.vector_load %arg8[%get3A_1728, %get3A_1729] {strides = array<i32>} : memref<160x128xf32, #tpu.memory_space<vmem>>, vector<16xf32>,
        %sub3A_1731 = vector.broadcast %squeeze3A_1675 : f32 to vector<16xf32>
        %sub3A_1732 = arith.subf %get3A_1730, %sub3A_1731 : vector<16xf32>
        %mul3A_1733 = vector.broadcast %squeeze3A_1677 : f32 to vector<16xf32>
        %mul3A_1734 = arith.mulf %sub3A_1732, %mul3A_1733 : vector<16xf32>
        %add3A_1735 = arith.addf %mul3A_1734, %get3A_15 : vector<16xf32>
        %mul3A_1736 = arith.mulf %get3A_7, %add3A_1735 : vector<16xf32>
        %add3A_1737 = arith.constant 11 : i32
        %add3A_1738 = arith.addi %mul3A_124, %add3A_1737 : i32
        %swap3A_1739 = arith.index_cast %add3A_1738 : i32 to index
        %swap3A_1740 = arith.constant 48 : index
        %swap3A_1741 = tpu.vector_load %arg10[%swap3A_1739, %swap3A_1740] {strides = array<i32>} : memref<160x64xf32, #tpu.memory_space<vmem>>, vector<16xf32>,
        tpu.vector_store %arg10[%swap3A_1739, %swap3A_1740], %mul3A_1736 {strides = array<i32>} : memref<160x64xf32, #tpu.memory_space<vmem>>, vector<16xf32>,
        %slice3A_1742 = vector.extract_strided_slice %mul3A_883 {offsets = [12], sizes = [1], strides = [1]} : vector<16xf32> to vector<1xf32>
        %squeeze3A_1743 = vector.extract %slice3A_1742[0] : f32 from vector<1xf32>
        %slice3A_1744 = vector.extract_strided_slice %div3A_928 {offsets = [12], sizes = [1], strides = [1]} : vector<16xf32> to vector<1xf32>
        %squeeze3A_1745 = vector.extract %slice3A_1744[0] : f32 from vector<1xf32>
        %add3A_1746 = arith.constant 12 : i32
        %add3A_1747 = arith.addi %mul3A_124, %add3A_1746 : i32
        %get3A_1748 = arith.index_cast %add3A_1747 : i32 to index
        %get3A_1749 = arith.constant 0 : index
        %get3A_1750 = tpu.vector_load %arg8[%get3A_1748, %get3A_1749] {strides = array<i32>} : memref<160x128xf32, #tpu.memory_space<vmem>>, vector<16xf32>,
        %sub3A_1751 = vector.broadcast %squeeze3A_1743 : f32 to vector<16xf32>
        %sub3A_1752 = arith.subf %get3A_1750, %sub3A_1751 : vector<16xf32>
        %mul3A_1753 = vector.broadcast %squeeze3A_1745 : f32 to vector<16xf32>
        %mul3A_1754 = arith.mulf %sub3A_1752, %mul3A_1753 : vector<16xf32>
        %add3A_1755 = arith.addf %mul3A_1754, %get3A_9 : vector<16xf32>
        %mul3A_1756 = arith.mulf %get3A_1, %add3A_1755 : vector<16xf32>
        %add3A_1757 = arith.constant 12 : i32
        %add3A_1758 = arith.addi %mul3A_124, %add3A_1757 : i32
        %swap3A_1759 = arith.index_cast %add3A_1758 : i32 to index
        %swap3A_1760 = arith.constant 0 : index
        %swap3A_1761 = tpu.vector_load %arg10[%swap3A_1759, %swap3A_1760] {strides = array<i32>} : memref<160x64xf32, #tpu.memory_space<vmem>>, vector<16xf32>,
        tpu.vector_store %arg10[%swap3A_1759, %swap3A_1760], %mul3A_1756 {strides = array<i32>} : memref<160x64xf32, #tpu.memory_space<vmem>>, vector<16xf32>,
        %add3A_1762 = arith.constant 12 : i32
        %add3A_1763 = arith.addi %mul3A_124, %add3A_1762 : i32
        %get3A_1764 = arith.index_cast %add3A_1763 : i32 to index
        %get3A_1765 = arith.constant 16 : index
        %get3A_1766 = tpu.vector_load %arg8[%get3A_1764, %get3A_1765] {strides = array<i32>} : memref<160x128xf32, #tpu.memory_space<vmem>>, vector<16xf32>,
        %sub3A_1767 = vector.broadcast %squeeze3A_1743 : f32 to vector<16xf32>
        %sub3A_1768 = arith.subf %get3A_1766, %sub3A_1767 : vector<16xf32>
        %mul3A_1769 = vector.broadcast %squeeze3A_1745 : f32 to vector<16xf32>
        %mul3A_1770 = arith.mulf %sub3A_1768, %mul3A_1769 : vector<16xf32>
        %add3A_1771 = arith.addf %mul3A_1770, %get3A_11 : vector<16xf32>
        %mul3A_1772 = arith.mulf %get3A_3, %add3A_1771 : vector<16xf32>
        %add3A_1773 = arith.constant 12 : i32
        %add3A_1774 = arith.addi %mul3A_124, %add3A_1773 : i32
        %swap3A_1775 = arith.index_cast %add3A_1774 : i32 to index
        %swap3A_1776 = arith.constant 16 : index
        %swap3A_1777 = tpu.vector_load %arg10[%swap3A_1775, %swap3A_1776] {strides = array<i32>} : memref<160x64xf32, #tpu.memory_space<vmem>>, vector<16xf32>,
        tpu.vector_store %arg10[%swap3A_1775, %swap3A_1776], %mul3A_1772 {strides = array<i32>} : memref<160x64xf32, #tpu.memory_space<vmem>>, vector<16xf32>,
        %add3A_1778 = arith.constant 12 : i32
        %add3A_1779 = arith.addi %mul3A_124, %add3A_1778 : i32
        %get3A_1780 = arith.index_cast %add3A_1779 : i32 to index
        %get3A_1781 = arith.constant 32 : index
        %get3A_1782 = tpu.vector_load %arg8[%get3A_1780, %get3A_1781] {strides = array<i32>} : memref<160x128xf32, #tpu.memory_space<vmem>>, vector<16xf32>,
        %sub3A_1783 = vector.broadcast %squeeze3A_1743 : f32 to vector<16xf32>
        %sub3A_1784 = arith.subf %get3A_1782, %sub3A_1783 : vector<16xf32>
        %mul3A_1785 = vector.broadcast %squeeze3A_1745 : f32 to vector<16xf32>
        %mul3A_1786 = arith.mulf %sub3A_1784, %mul3A_1785 : vector<16xf32>
        %add3A_1787 = arith.addf %mul3A_1786, %get3A_13 : vector<16xf32>
        %mul3A_1788 = arith.mulf %get3A_5, %add3A_1787 : vector<16xf32>
        %add3A_1789 = arith.constant 12 : i32
        %add3A_1790 = arith.addi %mul3A_124, %add3A_1789 : i32
        %swap3A_1791 = arith.index_cast %add3A_1790 : i32 to index
        %swap3A_1792 = arith.constant 32 : index
        %swap3A_1793 = tpu.vector_load %arg10[%swap3A_1791, %swap3A_1792] {strides = array<i32>} : memref<160x64xf32, #tpu.memory_space<vmem>>, vector<16xf32>,
        tpu.vector_store %arg10[%swap3A_1791, %swap3A_1792], %mul3A_1788 {strides = array<i32>} : memref<160x64xf32, #tpu.memory_space<vmem>>, vector<16xf32>,
        %add3A_1794 = arith.constant 12 : i32
        %add3A_1795 = arith.addi %mul3A_124, %add3A_1794 : i32
        %get3A_1796 = arith.index_cast %add3A_1795 : i32 to index
        %get3A_1797 = arith.constant 48 : index
        %get3A_1798 = tpu.vector_load %arg8[%get3A_1796, %get3A_1797] {strides = array<i32>} : memref<160x128xf32, #tpu.memory_space<vmem>>, vector<16xf32>,
        %sub3A_1799 = vector.broadcast %squeeze3A_1743 : f32 to vector<16xf32>
        %sub3A_1800 = arith.subf %get3A_1798, %sub3A_1799 : vector<16xf32>
        %mul3A_1801 = vector.broadcast %squeeze3A_1745 : f32 to vector<16xf32>
        %mul3A_1802 = arith.mulf %sub3A_1800, %mul3A_1801 : vector<16xf32>
        %add3A_1803 = arith.addf %mul3A_1802, %get3A_15 : vector<16xf32>
        %mul3A_1804 = arith.mulf %get3A_7, %add3A_1803 : vector<16xf32>
        %add3A_1805 = arith.constant 12 : i32
        %add3A_1806 = arith.addi %mul3A_124, %add3A_1805 : i32
        %swap3A_1807 = arith.index_cast %add3A_1806 : i32 to index
        %swap3A_1808 = arith.constant 48 : index
        %swap3A_1809 = tpu.vector_load %arg10[%swap3A_1807, %swap3A_1808] {strides = array<i32>} : memref<160x64xf32, #tpu.memory_space<vmem>>, vector<16xf32>,
        tpu.vector_store %arg10[%swap3A_1807, %swap3A_1808], %mul3A_1804 {strides = array<i32>} : memref<160x64xf32, #tpu.memory_space<vmem>>, vector<16xf32>,
        %slice3A_1810 = vector.extract_strided_slice %mul3A_883 {offsets = [13], sizes = [1], strides = [1]} : vector<16xf32> to vector<1xf32>
        %squeeze3A_1811 = vector.extract %slice3A_1810[0] : f32 from vector<1xf32>
        %slice3A_1812 = vector.extract_strided_slice %div3A_928 {offsets = [13], sizes = [1], strides = [1]} : vector<16xf32> to vector<1xf32>
        %squeeze3A_1813 = vector.extract %slice3A_1812[0] : f32 from vector<1xf32>
        %add3A_1814 = arith.constant 13 : i32
        %add3A_1815 = arith.addi %mul3A_124, %add3A_1814 : i32
        %get3A_1816 = arith.index_cast %add3A_1815 : i32 to index
        %get3A_1817 = arith.constant 0 : index
        %get3A_1818 = tpu.vector_load %arg8[%get3A_1816, %get3A_1817] {strides = array<i32>} : memref<160x128xf32, #tpu.memory_space<vmem>>, vector<16xf32>,
        %sub3A_1819 = vector.broadcast %squeeze3A_1811 : f32 to vector<16xf32>
        %sub3A_1820 = arith.subf %get3A_1818, %sub3A_1819 : vector<16xf32>
        %mul3A_1821 = vector.broadcast %squeeze3A_1813 : f32 to vector<16xf32>
        %mul3A_1822 = arith.mulf %sub3A_1820, %mul3A_1821 : vector<16xf32>
        %add3A_1823 = arith.addf %mul3A_1822, %get3A_9 : vector<16xf32>
        %mul3A_1824 = arith.mulf %get3A_1, %add3A_1823 : vector<16xf32>
        %add3A_1825 = arith.constant 13 : i32
        %add3A_1826 = arith.addi %mul3A_124, %add3A_1825 : i32
        %swap3A_1827 = arith.index_cast %add3A_1826 : i32 to index
        %swap3A_1828 = arith.constant 0 : index
        %swap3A_1829 = tpu.vector_load %arg10[%swap3A_1827, %swap3A_1828] {strides = array<i32>} : memref<160x64xf32, #tpu.memory_space<vmem>>, vector<16xf32>,
        tpu.vector_store %arg10[%swap3A_1827, %swap3A_1828], %mul3A_1824 {strides = array<i32>} : memref<160x64xf32, #tpu.memory_space<vmem>>, vector<16xf32>,
        %add3A_1830 = arith.constant 13 : i32
        %add3A_1831 = arith.addi %mul3A_124, %add3A_1830 : i32
        %get3A_1832 = arith.index_cast %add3A_1831 : i32 to index
        %get3A_1833 = arith.constant 16 : index
        %get3A_1834 = tpu.vector_load %arg8[%get3A_1832, %get3A_1833] {strides = array<i32>} : memref<160x128xf32, #tpu.memory_space<vmem>>, vector<16xf32>,
        %sub3A_1835 = vector.broadcast %squeeze3A_1811 : f32 to vector<16xf32>
        %sub3A_1836 = arith.subf %get3A_1834, %sub3A_1835 : vector<16xf32>
        %mul3A_1837 = vector.broadcast %squeeze3A_1813 : f32 to vector<16xf32>
        %mul3A_1838 = arith.mulf %sub3A_1836, %mul3A_1837 : vector<16xf32>
        %add3A_1839 = arith.addf %mul3A_1838, %get3A_11 : vector<16xf32>
        %mul3A_1840 = arith.mulf %get3A_3, %add3A_1839 : vector<16xf32>
        %add3A_1841 = arith.constant 13 : i32
        %add3A_1842 = arith.addi %mul3A_124, %add3A_1841 : i32
        %swap3A_1843 = arith.index_cast %add3A_1842 : i32 to index
        %swap3A_1844 = arith.constant 16 : index
        %swap3A_1845 = tpu.vector_load %arg10[%swap3A_1843, %swap3A_1844] {strides = array<i32>} : memref<160x64xf32, #tpu.memory_space<vmem>>, vector<16xf32>,
        tpu.vector_store %arg10[%swap3A_1843, %swap3A_1844], %mul3A_1840 {strides = array<i32>} : memref<160x64xf32, #tpu.memory_space<vmem>>, vector<16xf32>,
        %add3A_1846 = arith.constant 13 : i32
        %add3A_1847 = arith.addi %mul3A_124, %add3A_1846 : i32
        %get3A_1848 = arith.index_cast %add3A_1847 : i32 to index
        %get3A_1849 = arith.constant 32 : index
        %get3A_1850 = tpu.vector_load %arg8[%get3A_1848, %get3A_1849] {strides = array<i32>} : memref<160x128xf32, #tpu.memory_space<vmem>>, vector<16xf32>,
        %sub3A_1851 = vector.broadcast %squeeze3A_1811 : f32 to vector<16xf32>
        %sub3A_1852 = arith.subf %get3A_1850, %sub3A_1851 : vector<16xf32>
        %mul3A_1853 = vector.broadcast %squeeze3A_1813 : f32 to vector<16xf32>
        %mul3A_1854 = arith.mulf %sub3A_1852, %mul3A_1853 : vector<16xf32>
        %add3A_1855 = arith.addf %mul3A_1854, %get3A_13 : vector<16xf32>
        %mul3A_1856 = arith.mulf %get3A_5, %add3A_1855 : vector<16xf32>
        %add3A_1857 = arith.constant 13 : i32
        %add3A_1858 = arith.addi %mul3A_124, %add3A_1857 : i32
        %swap3A_1859 = arith.index_cast %add3A_1858 : i32 to index
        %swap3A_1860 = arith.constant 32 : index
        %swap3A_1861 = tpu.vector_load %arg10[%swap3A_1859, %swap3A_1860] {strides = array<i32>} : memref<160x64xf32, #tpu.memory_space<vmem>>, vector<16xf32>,
        tpu.vector_store %arg10[%swap3A_1859, %swap3A_1860], %mul3A_1856 {strides = array<i32>} : memref<160x64xf32, #tpu.memory_space<vmem>>, vector<16xf32>,
        %add3A_1862 = arith.constant 13 : i32
        %add3A_1863 = arith.addi %mul3A_124, %add3A_1862 : i32
        %get3A_1864 = arith.index_cast %add3A_1863 : i32 to index
        %get3A_1865 = arith.constant 48 : index
        %get3A_1866 = tpu.vector_load %arg8[%get3A_1864, %get3A_1865] {strides = array<i32>} : memref<160x128xf32, #tpu.memory_space<vmem>>, vector<16xf32>,
        %sub3A_1867 = vector.broadcast %squeeze3A_1811 : f32 to vector<16xf32>
        %sub3A_1868 = arith.subf %get3A_1866, %sub3A_1867 : vector<16xf32>
        %mul3A_1869 = vector.broadcast %squeeze3A_1813 : f32 to vector<16xf32>
        %mul3A_1870 = arith.mulf %sub3A_1868, %mul3A_1869 : vector<16xf32>
        %add3A_1871 = arith.addf %mul3A_1870, %get3A_15 : vector<16xf32>
        %mul3A_1872 = arith.mulf %get3A_7, %add3A_1871 : vector<16xf32>
        %add3A_1873 = arith.constant 13 : i32
        %add3A_1874 = arith.addi %mul3A_124, %add3A_1873 : i32
        %swap3A_1875 = arith.index_cast %add3A_1874 : i32 to index
        %swap3A_1876 = arith.constant 48 : index
        %swap3A_1877 = tpu.vector_load %arg10[%swap3A_1875, %swap3A_1876] {strides = array<i32>} : memref<160x64xf32, #tpu.memory_space<vmem>>, vector<16xf32>,
        tpu.vector_store %arg10[%swap3A_1875, %swap3A_1876], %mul3A_1872 {strides = array<i32>} : memref<160x64xf32, #tpu.memory_space<vmem>>, vector<16xf32>,
        %slice3A_1878 = vector.extract_strided_slice %mul3A_883 {offsets = [14], sizes = [1], strides = [1]} : vector<16xf32> to vector<1xf32>
        %squeeze3A_1879 = vector.extract %slice3A_1878[0] : f32 from vector<1xf32>
        %slice3A_1880 = vector.extract_strided_slice %div3A_928 {offsets = [14], sizes = [1], strides = [1]} : vector<16xf32> to vector<1xf32>
        %squeeze3A_1881 = vector.extract %slice3A_1880[0] : f32 from vector<1xf32>
        %add3A_1882 = arith.constant 14 : i32
        %add3A_1883 = arith.addi %mul3A_124, %add3A_1882 : i32
        %get3A_1884 = arith.index_cast %add3A_1883 : i32 to index
        %get3A_1885 = arith.constant 0 : index
        %get3A_1886 = tpu.vector_load %arg8[%get3A_1884, %get3A_1885] {strides = array<i32>} : memref<160x128xf32, #tpu.memory_space<vmem>>, vector<16xf32>,
        %sub3A_1887 = vector.broadcast %squeeze3A_1879 : f32 to vector<16xf32>
        %sub3A_1888 = arith.subf %get3A_1886, %sub3A_1887 : vector<16xf32>
        %mul3A_1889 = vector.broadcast %squeeze3A_1881 : f32 to vector<16xf32>
        %mul3A_1890 = arith.mulf %sub3A_1888, %mul3A_1889 : vector<16xf32>
        %add3A_1891 = arith.addf %mul3A_1890, %get3A_9 : vector<16xf32>
        %mul3A_1892 = arith.mulf %get3A_1, %add3A_1891 : vector<16xf32>
        %add3A_1893 = arith.constant 14 : i32
        %add3A_1894 = arith.addi %mul3A_124, %add3A_1893 : i32
        %swap3A_1895 = arith.index_cast %add3A_1894 : i32 to index
        %swap3A_1896 = arith.constant 0 : index
        %swap3A_1897 = tpu.vector_load %arg10[%swap3A_1895, %swap3A_1896] {strides = array<i32>} : memref<160x64xf32, #tpu.memory_space<vmem>>, vector<16xf32>,
        tpu.vector_store %arg10[%swap3A_1895, %swap3A_1896], %mul3A_1892 {strides = array<i32>} : memref<160x64xf32, #tpu.memory_space<vmem>>, vector<16xf32>,
        %add3A_1898 = arith.constant 14 : i32
        %add3A_1899 = arith.addi %mul3A_124, %add3A_1898 : i32
        %get3A_1900 = arith.index_cast %add3A_1899 : i32 to index
        %get3A_1901 = arith.constant 16 : index
        %get3A_1902 = tpu.vector_load %arg8[%get3A_1900, %get3A_1901] {strides = array<i32>} : memref<160x128xf32, #tpu.memory_space<vmem>>, vector<16xf32>,
        %sub3A_1903 = vector.broadcast %squeeze3A_1879 : f32 to vector<16xf32>
        %sub3A_1904 = arith.subf %get3A_1902, %sub3A_1903 : vector<16xf32>
        %mul3A_1905 = vector.broadcast %squeeze3A_1881 : f32 to vector<16xf32>
        %mul3A_1906 = arith.mulf %sub3A_1904, %mul3A_1905 : vector<16xf32>
        %add3A_1907 = arith.addf %mul3A_1906, %get3A_11 : vector<16xf32>
        %mul3A_1908 = arith.mulf %get3A_3, %add3A_1907 : vector<16xf32>
        %add3A_1909 = arith.constant 14 : i32
        %add3A_1910 = arith.addi %mul3A_124, %add3A_1909 : i32
        %swap3A_1911 = arith.index_cast %add3A_1910 : i32 to index
        %swap3A_1912 = arith.constant 16 : index
        %swap3A_1913 = tpu.vector_load %arg10[%swap3A_1911, %swap3A_1912] {strides = array<i32>} : memref<160x64xf32, #tpu.memory_space<vmem>>, vector<16xf32>,
        tpu.vector_store %arg10[%swap3A_1911, %swap3A_1912], %mul3A_1908 {strides = array<i32>} : memref<160x64xf32, #tpu.memory_space<vmem>>, vector<16xf32>,
        %add3A_1914 = arith.constant 14 : i32
        %add3A_1915 = arith.addi %mul3A_124, %add3A_1914 : i32
        %get3A_1916 = arith.index_cast %add3A_1915 : i32 to index
        %get3A_1917 = arith.constant 32 : index
        %get3A_1918 = tpu.vector_load %arg8[%get3A_1916, %get3A_1917] {strides = array<i32>} : memref<160x128xf32, #tpu.memory_space<vmem>>, vector<16xf32>,
        %sub3A_1919 = vector.broadcast %squeeze3A_1879 : f32 to vector<16xf32>
        %sub3A_1920 = arith.subf %get3A_1918, %sub3A_1919 : vector<16xf32>
        %mul3A_1921 = vector.broadcast %squeeze3A_1881 : f32 to vector<16xf32>
        %mul3A_1922 = arith.mulf %sub3A_1920, %mul3A_1921 : vector<16xf32>
        %add3A_1923 = arith.addf %mul3A_1922, %get3A_13 : vector<16xf32>
        %mul3A_1924 = arith.mulf %get3A_5, %add3A_1923 : vector<16xf32>
        %add3A_1925 = arith.constant 14 : i32
        %add3A_1926 = arith.addi %mul3A_124, %add3A_1925 : i32
        %swap3A_1927 = arith.index_cast %add3A_1926 : i32 to index
        %swap3A_1928 = arith.constant 32 : index
        %swap3A_1929 = tpu.vector_load %arg10[%swap3A_1927, %swap3A_1928] {strides = array<i32>} : memref<160x64xf32, #tpu.memory_space<vmem>>, vector<16xf32>,
        tpu.vector_store %arg10[%swap3A_1927, %swap3A_1928], %mul3A_1924 {strides = array<i32>} : memref<160x64xf32, #tpu.memory_space<vmem>>, vector<16xf32>,
        %add3A_1930 = arith.constant 14 : i32
        %add3A_1931 = arith.addi %mul3A_124, %add3A_1930 : i32
        %get3A_1932 = arith.index_cast %add3A_1931 : i32 to index
        %get3A_1933 = arith.constant 48 : index
        %get3A_1934 = tpu.vector_load %arg8[%get3A_1932, %get3A_1933] {strides = array<i32>} : memref<160x128xf32, #tpu.memory_space<vmem>>, vector<16xf32>,
        %sub3A_1935 = vector.broadcast %squeeze3A_1879 : f32 to vector<16xf32>
        %sub3A_1936 = arith.subf %get3A_1934, %sub3A_1935 : vector<16xf32>
        %mul3A_1937 = vector.broadcast %squeeze3A_1881 : f32 to vector<16xf32>
        %mul3A_1938 = arith.mulf %sub3A_1936, %mul3A_1937 : vector<16xf32>
        %add3A_1939 = arith.addf %mul3A_1938, %get3A_15 : vector<16xf32>
        %mul3A_1940 = arith.mulf %get3A_7, %add3A_1939 : vector<16xf32>
        %add3A_1941 = arith.constant 14 : i32
        %add3A_1942 = arith.addi %mul3A_124, %add3A_1941 : i32
        %swap3A_1943 = arith.index_cast %add3A_1942 : i32 to index
        %swap3A_1944 = arith.constant 48 : index
        %swap3A_1945 = tpu.vector_load %arg10[%swap3A_1943, %swap3A_1944] {strides = array<i32>} : memref<160x64xf32, #tpu.memory_space<vmem>>, vector<16xf32>,
        tpu.vector_store %arg10[%swap3A_1943, %swap3A_1944], %mul3A_1940 {strides = array<i32>} : memref<160x64xf32, #tpu.memory_space<vmem>>, vector<16xf32>,
        %slice3A_1946 = vector.extract_strided_slice %mul3A_883 {offsets = [15], sizes = [1], strides = [1]} : vector<16xf32> to vector<1xf32>
        %squeeze3A_1947 = vector.extract %slice3A_1946[0] : f32 from vector<1xf32>
        %slice3A_1948 = vector.extract_strided_slice %div3A_928 {offsets = [15], sizes = [1], strides = [1]} : vector<16xf32> to vector<1xf32>
        %squeeze3A_1949 = vector.extract %slice3A_1948[0] : f32 from vector<1xf32>
        %add3A_1950 = arith.constant 15 : i32
        %add3A_1951 = arith.addi %mul3A_124, %add3A_1950 : i32
        %get3A_1952 = arith.index_cast %add3A_1951 : i32 to index
        %get3A_1953 = arith.constant 0 : index
        %get3A_1954 = tpu.vector_load %arg8[%get3A_1952, %get3A_1953] {strides = array<i32>} : memref<160x128xf32, #tpu.memory_space<vmem>>, vector<16xf32>,
        %sub3A_1955 = vector.broadcast %squeeze3A_1947 : f32 to vector<16xf32>
        %sub3A_1956 = arith.subf %get3A_1954, %sub3A_1955 : vector<16xf32>
        %mul3A_1957 = vector.broadcast %squeeze3A_1949 : f32 to vector<16xf32>
        %mul3A_1958 = arith.mulf %sub3A_1956, %mul3A_1957 : vector<16xf32>
        %add3A_1959 = arith.addf %mul3A_1958, %get3A_9 : vector<16xf32>
        %mul3A_1960 = arith.mulf %get3A_1, %add3A_1959 : vector<16xf32>
        %add3A_1961 = arith.constant 15 : i32
        %add3A_1962 = arith.addi %mul3A_124, %add3A_1961 : i32
        %swap3A_1963 = arith.index_cast %add3A_1962 : i32 to index
        %swap3A_1964 = arith.constant 0 : index
        %swap3A_1965 = tpu.vector_load %arg10[%swap3A_1963, %swap3A_1964] {strides = array<i32>} : memref<160x64xf32, #tpu.memory_space<vmem>>, vector<16xf32>,
        tpu.vector_store %arg10[%swap3A_1963, %swap3A_1964], %mul3A_1960 {strides = array<i32>} : memref<160x64xf32, #tpu.memory_space<vmem>>, vector<16xf32>,
        %add3A_1966 = arith.constant 15 : i32
        %add3A_1967 = arith.addi %mul3A_124, %add3A_1966 : i32
        %get3A_1968 = arith.index_cast %add3A_1967 : i32 to index
        %get3A_1969 = arith.constant 16 : index
        %get3A_1970 = tpu.vector_load %arg8[%get3A_1968, %get3A_1969] {strides = array<i32>} : memref<160x128xf32, #tpu.memory_space<vmem>>, vector<16xf32>,
        %sub3A_1971 = vector.broadcast %squeeze3A_1947 : f32 to vector<16xf32>
        %sub3A_1972 = arith.subf %get3A_1970, %sub3A_1971 : vector<16xf32>
        %mul3A_1973 = vector.broadcast %squeeze3A_1949 : f32 to vector<16xf32>
        %mul3A_1974 = arith.mulf %sub3A_1972, %mul3A_1973 : vector<16xf32>
        %add3A_1975 = arith.addf %mul3A_1974, %get3A_11 : vector<16xf32>
        %mul3A_1976 = arith.mulf %get3A_3, %add3A_1975 : vector<16xf32>
        %add3A_1977 = arith.constant 15 : i32
        %add3A_1978 = arith.addi %mul3A_124, %add3A_1977 : i32
        %swap3A_1979 = arith.index_cast %add3A_1978 : i32 to index
        %swap3A_1980 = arith.constant 16 : index
        %swap3A_1981 = tpu.vector_load %arg10[%swap3A_1979, %swap3A_1980] {strides = array<i32>} : memref<160x64xf32, #tpu.memory_space<vmem>>, vector<16xf32>,
        tpu.vector_store %arg10[%swap3A_1979, %swap3A_1980], %mul3A_1976 {strides = array<i32>} : memref<160x64xf32, #tpu.memory_space<vmem>>, vector<16xf32>,
        %add3A_1982 = arith.constant 15 : i32
        %add3A_1983 = arith.addi %mul3A_124, %add3A_1982 : i32
        %get3A_1984 = arith.index_cast %add3A_1983 : i32 to index
        %get3A_1985 = arith.constant 32 : index
        %get3A_1986 = tpu.vector_load %arg8[%get3A_1984, %get3A_1985] {strides = array<i32>} : memref<160x128xf32, #tpu.memory_space<vmem>>, vector<16xf32>,
        %sub3A_1987 = vector.broadcast %squeeze3A_1947 : f32 to vector<16xf32>
        %sub3A_1988 = arith.subf %get3A_1986, %sub3A_1987 : vector<16xf32>
        %mul3A_1989 = vector.broadcast %squeeze3A_1949 : f32 to vector<16xf32>
        %mul3A_1990 = arith.mulf %sub3A_1988, %mul3A_1989 : vector<16xf32>
        %add3A_1991 = arith.addf %mul3A_1990, %get3A_13 : vector<16xf32>
        %mul3A_1992 = arith.mulf %get3A_5, %add3A_1991 : vector<16xf32>
        %add3A_1993 = arith.constant 15 : i32
        %add3A_1994 = arith.addi %mul3A_124, %add3A_1993 : i32
        %swap3A_1995 = arith.index_cast %add3A_1994 : i32 to index
        %swap3A_1996 = arith.constant 32 : index
        %swap3A_1997 = tpu.vector_load %arg10[%swap3A_1995, %swap3A_1996] {strides = array<i32>} : memref<160x64xf32, #tpu.memory_space<vmem>>, vector<16xf32>,
        tpu.vector_store %arg10[%swap3A_1995, %swap3A_1996], %mul3A_1992 {strides = array<i32>} : memref<160x64xf32, #tpu.memory_space<vmem>>, vector<16xf32>,
        %add3A_1998 = arith.constant 15 : i32
        %add3A_1999 = arith.addi %mul3A_124, %add3A_1998 : i32
        %get3A_2000 = arith.index_cast %add3A_1999 : i32 to index
        %get3A_2001 = arith.constant 48 : index
        %get3A_2002 = tpu.vector_load %arg8[%get3A_2000, %get3A_2001] {strides = array<i32>} : memref<160x128xf32, #tpu.memory_space<vmem>>, vector<16xf32>,
        %sub3A_2003 = vector.broadcast %squeeze3A_1947 : f32 to vector<16xf32>
        %sub3A_2004 = arith.subf %get3A_2002, %sub3A_2003 : vector<16xf32>
        %mul3A_2005 = vector.broadcast %squeeze3A_1949 : f32 to vector<16xf32>
        %mul3A_2006 = arith.mulf %sub3A_2004, %mul3A_2005 : vector<16xf32>
        %add3A_2007 = arith.addf %mul3A_2006, %get3A_15 : vector<16xf32>
        %mul3A_2008 = arith.mulf %get3A_7, %add3A_2007 : vector<16xf32>
        %add3A_2009 = arith.constant 15 : i32
        %add3A_2010 = arith.addi %mul3A_124, %add3A_2009 : i32
        %swap3A_2011 = arith.index_cast %add3A_2010 : i32 to index
        %swap3A_2012 = arith.constant 48 : index
        %swap3A_2013 = tpu.vector_load %arg10[%swap3A_2011, %swap3A_2012] {strides = array<i32>} : memref<160x64xf32, #tpu.memory_space<vmem>>, vector<16xf32>,
        tpu.vector_store %arg10[%swap3A_2011, %swap3A_2012], %mul3A_2008 {strides = array<i32>} : memref<160x64xf32, #tpu.memory_space<vmem>>, vector<16xf32>,
      }
      %scan3A_81 = arith.constant 10 : i32
      %dma_start3A_82 = arith.constant 0 : i32
      %dma_start3A_83 = tpu.memref_slice %arg6[%add3A_29, %dma_start3A_82] : memref<819200x64xf32, #tpu.memory_space<hbm>> -> memref<160x64xf32, #tpu.memory_space<hbm>>
      %dma_start3A_84 = arith.constant 0 : i32
      %dma_start3A_85 = tpu.memref_slice %arg6[%add3A_29, %dma_start3A_84] : memref<819200x64xf32, #tpu.memory_space<hbm>> -> memref<160x64xf32, #tpu.memory_space<hbm>>
      tpu.enqueue_dma source(%arg10 : memref<160x64xf32, #tpu.memory_space<vmem>>) target(%dma_start3A_85 : memref<160x64xf32, #tpu.memory_space<hbm>>) target_semaphore(%arg16 : memref<!tpu.dma_semaphore, #tpu.memory_space<semaphore_mem>>)
      %dma_wait3A_86 = arith.constant 0 : i32
      %dma_wait3A_87 = arith.constant 0 : i32
      %dma_wait3A_88 = tpu.memref_slice %arg9[%dma_wait3A_86, %dma_wait3A_87] : memref<160x128xf32, #tpu.memory_space<vmem>> -> memref<128x128xf32, #tpu.memory_space<vmem>>
      %dma_wait3A_89 = arith.constant 160 : i32
      %dma_wait3A_90 = tpu.memref_slice %arg7[%dma_wait3A_89] : memref<320xi32, #tpu.memory_space<vmem>> -> memref<128xi32, #tpu.memory_space<vmem>>
      %dma_wait3A_91 = arith.constant 0 : i32
      %dma_wait3A_92 = arith.constant 0 : i32
      %dma_wait3A_93 = tpu.memref_slice %arg3[%dma_wait3A_91, %dma_wait3A_92] : memref<100000x128xf32, #tpu.memory_space<hbm>> -> memref<100000x128xf32, #tpu.memory_space<hbm>>
      tpu.wait_indirect_dma semaphore(%arg15 : memref<!tpu.dma_semaphore, #tpu.memory_space<semaphore_mem>>) src(%dma_wait3A_93 : memref<100000x128xf32, #tpu.memory_space<hbm>>) dst(%dma_wait3A_88 : memref<128x128xf32, #tpu.memory_space<vmem>>)
      %dma_wait3A_94 = arith.constant 128 : i32
      %dma_wait3A_95 = arith.constant 0 : i32
      %dma_wait3A_96 = tpu.memref_slice %arg9[%dma_wait3A_94, %dma_wait3A_95] : memref<160x128xf32, #tpu.memory_space<vmem>> -> memref<32x128xf32, #tpu.memory_space<vmem>>
      %dma_wait3A_97 = arith.constant 288 : i32
      %dma_wait3A_98 = tpu.memref_slice %arg7[%dma_wait3A_97] : memref<320xi32, #tpu.memory_space<vmem>> -> memref<32xi32, #tpu.memory_space<vmem>>
      %dma_wait3A_99 = arith.constant 0 : i32
      %dma_wait3A_100 = arith.constant 0 : i32
      %dma_wait3A_101 = tpu.memref_slice %arg3[%dma_wait3A_99, %dma_wait3A_100] : memref<100000x128xf32, #tpu.memory_space<hbm>> -> memref<100000x128xf32, #tpu.memory_space<hbm>>
      tpu.wait_indirect_dma semaphore(%arg15 : memref<!tpu.dma_semaphore, #tpu.memory_space<semaphore_mem>>) src(%dma_wait3A_101 : memref<100000x128xf32, #tpu.memory_space<hbm>>) dst(%dma_wait3A_96 : memref<32x128xf32, #tpu.memory_space<vmem>>)
      %scan3A_102 = arith.constant 0 : i32
      %scan3A_103 = arith.constant 0 : i32
      %scan3A_104 = arith.constant 10 : i32
      %scan3A_105 = arith.addi %scan3A_103, %scan3A_104 : i32
      %scan3A_106 = arith.constant 1 : i32
      scf.for %scan3A_122 = %scan3A_103 to %scan3A_105 step %scan3A_106  : i32 {
        %mul3A_123 = arith.constant 16 : i32
        %mul3A_124 = arith.muli %scan3A_122, %mul3A_123 : i32
        %add3A_125 = arith.constant 0 : i32
        %add3A_126 = arith.addi %mul3A_124, %add3A_125 : i32
        %get3A_127 = arith.index_cast %add3A_126 : i32 to index
        %get3A_128 = arith.constant 0 : index
        %get3A_129 = tpu.vector_load %arg9[%get3A_127, %get3A_128] {strides = array<i32>} : memref<160x128xf32, #tpu.memory_space<vmem>>, vector<16xf32>,
        %add3A_130 = arith.constant 0 : i32
        %add3A_131 = arith.addi %mul3A_124, %add3A_130 : i32
        %get3A_132 = arith.index_cast %add3A_131 : i32 to index
        %get3A_133 = arith.constant 16 : index
        %get3A_134 = tpu.vector_load %arg9[%get3A_132, %get3A_133] {strides = array<i32>} : memref<160x128xf32, #tpu.memory_space<vmem>>, vector<16xf32>,
        %add3A_135 = arith.constant 0 : i32
        %add3A_136 = arith.addi %mul3A_124, %add3A_135 : i32
        %get3A_137 = arith.index_cast %add3A_136 : i32 to index
        %get3A_138 = arith.constant 32 : index
        %get3A_139 = tpu.vector_load %arg9[%get3A_137, %get3A_138] {strides = array<i32>} : memref<160x128xf32, #tpu.memory_space<vmem>>, vector<16xf32>,
        %add3A_140 = arith.constant 0 : i32
        %add3A_141 = arith.addi %mul3A_124, %add3A_140 : i32
        %get3A_142 = arith.index_cast %add3A_141 : i32 to index
        %get3A_143 = arith.constant 48 : index
        %get3A_144 = tpu.vector_load %arg9[%get3A_142, %get3A_143] {strides = array<i32>} : memref<160x128xf32, #tpu.memory_space<vmem>>, vector<16xf32>,
        %add3A_145 = arith.addf %get3A_129, %get3A_134 : vector<16xf32>
        %add3A_146 = arith.addf %get3A_139, %get3A_144 : vector<16xf32>
        %add3A_147 = arith.addf %add3A_145, %add3A_146 : vector<16xf32>
        %mul3A_148 = arith.mulf %get3A_129, %get3A_129 : vector<16xf32>
        %mul3A_149 = arith.mulf %get3A_134, %get3A_134 : vector<16xf32>
        %add3A_150 = arith.addf %mul3A_148, %mul3A_149 : vector<16xf32>
        %mul3A_151 = arith.mulf %get3A_139, %get3A_139 : vector<16xf32>
        %mul3A_152 = arith.mulf %get3A_144, %get3A_144 : vector<16xf32>
        %add3A_153 = arith.addf %mul3A_151, %mul3A_152 : vector<16xf32>
        %add3A_154 = arith.addf %add3A_150, %add3A_153 : vector<16xf32>
        %add3A_155 = arith.constant 0 : i32
        %add3A_156 = vector.broadcast %add3A_155 : i32 to vector<16xi32>
        %add3A_157 = arith.addi %iota3A, %add3A_156 : vector<16xi32>
        tpu.vector_store_idx %arg14[%add3A_157], %add3A_147 : memref<544xf32, #tpu.memory_space<vmem>>[vector<16xi32>], vector<16xf32>,
        %add3A_158 = arith.constant 272 : i32
        %add3A_159 = vector.broadcast %add3A_158 : i32 to vector<16xi32>
        %add3A_160 = arith.addi %add3A_157, %add3A_159 : vector<16xi32>
        tpu.vector_store_idx %arg14[%add3A_160], %add3A_154 : memref<544xf32, #tpu.memory_space<vmem>>[vector<16xi32>], vector<16xf32>,
        %add3A_161 = arith.constant 1 : i32
        %add3A_162 = arith.addi %mul3A_124, %add3A_161 : i32
        %get3A_163 = arith.index_cast %add3A_162 : i32 to index
        %get3A_164 = arith.constant 0 : index
        %get3A_165 = tpu.vector_load %arg9[%get3A_163, %get3A_164] {strides = array<i32>} : memref<160x128xf32, #tpu.memory_space<vmem>>, vector<16xf32>,
        %add3A_166 = arith.constant 1 : i32
        %add3A_167 = arith.addi %mul3A_124, %add3A_166 : i32
        %get3A_168 = arith.index_cast %add3A_167 : i32 to index
        %get3A_169 = arith.constant 16 : index
        %get3A_170 = tpu.vector_load %arg9[%get3A_168, %get3A_169] {strides = array<i32>} : memref<160x128xf32, #tpu.memory_space<vmem>>, vector<16xf32>,
        %add3A_171 = arith.constant 1 : i32
        %add3A_172 = arith.addi %mul3A_124, %add3A_171 : i32
        %get3A_173 = arith.index_cast %add3A_172 : i32 to index
        %get3A_174 = arith.constant 32 : index
        %get3A_175 = tpu.vector_load %arg9[%get3A_173, %get3A_174] {strides = array<i32>} : memref<160x128xf32, #tpu.memory_space<vmem>>, vector<16xf32>,
        %add3A_176 = arith.constant 1 : i32
        %add3A_177 = arith.addi %mul3A_124, %add3A_176 : i32
        %get3A_178 = arith.index_cast %add3A_177 : i32 to index
        %get3A_179 = arith.constant 48 : index
        %get3A_180 = tpu.vector_load %arg9[%get3A_178, %get3A_179] {strides = array<i32>} : memref<160x128xf32, #tpu.memory_space<vmem>>, vector<16xf32>,
        %add3A_181 = arith.addf %get3A_165, %get3A_170 : vector<16xf32>
        %add3A_182 = arith.addf %get3A_175, %get3A_180 : vector<16xf32>
        %add3A_183 = arith.addf %add3A_181, %add3A_182 : vector<16xf32>
        %mul3A_184 = arith.mulf %get3A_165, %get3A_165 : vector<16xf32>
        %mul3A_185 = arith.mulf %get3A_170, %get3A_170 : vector<16xf32>
        %add3A_186 = arith.addf %mul3A_184, %mul3A_185 : vector<16xf32>
        %mul3A_187 = arith.mulf %get3A_175, %get3A_175 : vector<16xf32>
        %mul3A_188 = arith.mulf %get3A_180, %get3A_180 : vector<16xf32>
        %add3A_189 = arith.addf %mul3A_187, %mul3A_188 : vector<16xf32>
        %add3A_190 = arith.addf %add3A_186, %add3A_189 : vector<16xf32>
        %add3A_191 = arith.constant 17 : i32
        %add3A_192 = vector.broadcast %add3A_191 : i32 to vector<16xi32>
        %add3A_193 = arith.addi %iota3A, %add3A_192 : vector<16xi32>
        tpu.vector_store_idx %arg14[%add3A_193], %add3A_183 : memref<544xf32, #tpu.memory_space<vmem>>[vector<16xi32>], vector<16xf32>,
        %add3A_194 = arith.constant 272 : i32
        %add3A_195 = vector.broadcast %add3A_194 : i32 to vector<16xi32>
        %add3A_196 = arith.addi %add3A_193, %add3A_195 : vector<16xi32>
        tpu.vector_store_idx %arg14[%add3A_196], %add3A_190 : memref<544xf32, #tpu.memory_space<vmem>>[vector<16xi32>], vector<16xf32>,
        %add3A_197 = arith.constant 2 : i32
        %add3A_198 = arith.addi %mul3A_124, %add3A_197 : i32
        %get3A_199 = arith.index_cast %add3A_198 : i32 to index
        %get3A_200 = arith.constant 0 : index
        %get3A_201 = tpu.vector_load %arg9[%get3A_199, %get3A_200] {strides = array<i32>} : memref<160x128xf32, #tpu.memory_space<vmem>>, vector<16xf32>,
        %add3A_202 = arith.constant 2 : i32
        %add3A_203 = arith.addi %mul3A_124, %add3A_202 : i32
        %get3A_204 = arith.index_cast %add3A_203 : i32 to index
        %get3A_205 = arith.constant 16 : index
        %get3A_206 = tpu.vector_load %arg9[%get3A_204, %get3A_205] {strides = array<i32>} : memref<160x128xf32, #tpu.memory_space<vmem>>, vector<16xf32>,
        %add3A_207 = arith.constant 2 : i32
        %add3A_208 = arith.addi %mul3A_124, %add3A_207 : i32
        %get3A_209 = arith.index_cast %add3A_208 : i32 to index
        %get3A_210 = arith.constant 32 : index
        %get3A_211 = tpu.vector_load %arg9[%get3A_209, %get3A_210] {strides = array<i32>} : memref<160x128xf32, #tpu.memory_space<vmem>>, vector<16xf32>,
        %add3A_212 = arith.constant 2 : i32
        %add3A_213 = arith.addi %mul3A_124, %add3A_212 : i32
        %get3A_214 = arith.index_cast %add3A_213 : i32 to index
        %get3A_215 = arith.constant 48 : index
        %get3A_216 = tpu.vector_load %arg9[%get3A_214, %get3A_215] {strides = array<i32>} : memref<160x128xf32, #tpu.memory_space<vmem>>, vector<16xf32>,
        %add3A_217 = arith.addf %get3A_201, %get3A_206 : vector<16xf32>
        %add3A_218 = arith.addf %get3A_211, %get3A_216 : vector<16xf32>
        %add3A_219 = arith.addf %add3A_217, %add3A_218 : vector<16xf32>
        %mul3A_220 = arith.mulf %get3A_201, %get3A_201 : vector<16xf32>
        %mul3A_221 = arith.mulf %get3A_206, %get3A_206 : vector<16xf32>
        %add3A_222 = arith.addf %mul3A_220, %mul3A_221 : vector<16xf32>
        %mul3A_223 = arith.mulf %get3A_211, %get3A_211 : vector<16xf32>
        %mul3A_224 = arith.mulf %get3A_216, %get3A_216 : vector<16xf32>
        %add3A_225 = arith.addf %mul3A_223, %mul3A_224 : vector<16xf32>
        %add3A_226 = arith.addf %add3A_222, %add3A_225 : vector<16xf32>
        %add3A_227 = arith.constant 34 : i32
        %add3A_228 = vector.broadcast %add3A_227 : i32 to vector<16xi32>
        %add3A_229 = arith.addi %iota3A, %add3A_228 : vector<16xi32>
        tpu.vector_store_idx %arg14[%add3A_229], %add3A_219 : memref<544xf32, #tpu.memory_space<vmem>>[vector<16xi32>], vector<16xf32>,
        %add3A_230 = arith.constant 272 : i32
        %add3A_231 = vector.broadcast %add3A_230 : i32 to vector<16xi32>
        %add3A_232 = arith.addi %add3A_229, %add3A_231 : vector<16xi32>
        tpu.vector_store_idx %arg14[%add3A_232], %add3A_226 : memref<544xf32, #tpu.memory_space<vmem>>[vector<16xi32>], vector<16xf32>,
        %add3A_233 = arith.constant 3 : i32
        %add3A_234 = arith.addi %mul3A_124, %add3A_233 : i32
        %get3A_235 = arith.index_cast %add3A_234 : i32 to index
        %get3A_236 = arith.constant 0 : index
        %get3A_237 = tpu.vector_load %arg9[%get3A_235, %get3A_236] {strides = array<i32>} : memref<160x128xf32, #tpu.memory_space<vmem>>, vector<16xf32>,
        %add3A_238 = arith.constant 3 : i32
        %add3A_239 = arith.addi %mul3A_124, %add3A_238 : i32
        %get3A_240 = arith.index_cast %add3A_239 : i32 to index
        %get3A_241 = arith.constant 16 : index
        %get3A_242 = tpu.vector_load %arg9[%get3A_240, %get3A_241] {strides = array<i32>} : memref<160x128xf32, #tpu.memory_space<vmem>>, vector<16xf32>,
        %add3A_243 = arith.constant 3 : i32
        %add3A_244 = arith.addi %mul3A_124, %add3A_243 : i32
        %get3A_245 = arith.index_cast %add3A_244 : i32 to index
        %get3A_246 = arith.constant 32 : index
        %get3A_247 = tpu.vector_load %arg9[%get3A_245, %get3A_246] {strides = array<i32>} : memref<160x128xf32, #tpu.memory_space<vmem>>, vector<16xf32>,
        %add3A_248 = arith.constant 3 : i32
        %add3A_249 = arith.addi %mul3A_124, %add3A_248 : i32
        %get3A_250 = arith.index_cast %add3A_249 : i32 to index
        %get3A_251 = arith.constant 48 : index
        %get3A_252 = tpu.vector_load %arg9[%get3A_250, %get3A_251] {strides = array<i32>} : memref<160x128xf32, #tpu.memory_space<vmem>>, vector<16xf32>,
        %add3A_253 = arith.addf %get3A_237, %get3A_242 : vector<16xf32>
        %add3A_254 = arith.addf %get3A_247, %get3A_252 : vector<16xf32>
        %add3A_255 = arith.addf %add3A_253, %add3A_254 : vector<16xf32>
        %mul3A_256 = arith.mulf %get3A_237, %get3A_237 : vector<16xf32>
        %mul3A_257 = arith.mulf %get3A_242, %get3A_242 : vector<16xf32>
        %add3A_258 = arith.addf %mul3A_256, %mul3A_257 : vector<16xf32>
        %mul3A_259 = arith.mulf %get3A_247, %get3A_247 : vector<16xf32>
        %mul3A_260 = arith.mulf %get3A_252, %get3A_252 : vector<16xf32>
        %add3A_261 = arith.addf %mul3A_259, %mul3A_260 : vector<16xf32>
        %add3A_262 = arith.addf %add3A_258, %add3A_261 : vector<16xf32>
        %add3A_263 = arith.constant 51 : i32
        %add3A_264 = vector.broadcast %add3A_263 : i32 to vector<16xi32>
        %add3A_265 = arith.addi %iota3A, %add3A_264 : vector<16xi32>
        tpu.vector_store_idx %arg14[%add3A_265], %add3A_255 : memref<544xf32, #tpu.memory_space<vmem>>[vector<16xi32>], vector<16xf32>,
        %add3A_266 = arith.constant 272 : i32
        %add3A_267 = vector.broadcast %add3A_266 : i32 to vector<16xi32>
        %add3A_268 = arith.addi %add3A_265, %add3A_267 : vector<16xi32>
        tpu.vector_store_idx %arg14[%add3A_268], %add3A_262 : memref<544xf32, #tpu.memory_space<vmem>>[vector<16xi32>], vector<16xf32>,
        %add3A_269 = arith.constant 4 : i32
        %add3A_270 = arith.addi %mul3A_124, %add3A_269 : i32
        %get3A_271 = arith.index_cast %add3A_270 : i32 to index
        %get3A_272 = arith.constant 0 : index
        %get3A_273 = tpu.vector_load %arg9[%get3A_271, %get3A_272] {strides = array<i32>} : memref<160x128xf32, #tpu.memory_space<vmem>>, vector<16xf32>,
        %add3A_274 = arith.constant 4 : i32
        %add3A_275 = arith.addi %mul3A_124, %add3A_274 : i32
        %get3A_276 = arith.index_cast %add3A_275 : i32 to index
        %get3A_277 = arith.constant 16 : index
        %get3A_278 = tpu.vector_load %arg9[%get3A_276, %get3A_277] {strides = array<i32>} : memref<160x128xf32, #tpu.memory_space<vmem>>, vector<16xf32>,
        %add3A_279 = arith.constant 4 : i32
        %add3A_280 = arith.addi %mul3A_124, %add3A_279 : i32
        %get3A_281 = arith.index_cast %add3A_280 : i32 to index
        %get3A_282 = arith.constant 32 : index
        %get3A_283 = tpu.vector_load %arg9[%get3A_281, %get3A_282] {strides = array<i32>} : memref<160x128xf32, #tpu.memory_space<vmem>>, vector<16xf32>,
        %add3A_284 = arith.constant 4 : i32
        %add3A_285 = arith.addi %mul3A_124, %add3A_284 : i32
        %get3A_286 = arith.index_cast %add3A_285 : i32 to index
        %get3A_287 = arith.constant 48 : index
        %get3A_288 = tpu.vector_load %arg9[%get3A_286, %get3A_287] {strides = array<i32>} : memref<160x128xf32, #tpu.memory_space<vmem>>, vector<16xf32>,
        %add3A_289 = arith.addf %get3A_273, %get3A_278 : vector<16xf32>
        %add3A_290 = arith.addf %get3A_283, %get3A_288 : vector<16xf32>
        %add3A_291 = arith.addf %add3A_289, %add3A_290 : vector<16xf32>
        %mul3A_292 = arith.mulf %get3A_273, %get3A_273 : vector<16xf32>
        %mul3A_293 = arith.mulf %get3A_278, %get3A_278 : vector<16xf32>
        %add3A_294 = arith.addf %mul3A_292, %mul3A_293 : vector<16xf32>
        %mul3A_295 = arith.mulf %get3A_283, %get3A_283 : vector<16xf32>
        %mul3A_296 = arith.mulf %get3A_288, %get3A_288 : vector<16xf32>
        %add3A_297 = arith.addf %mul3A_295, %mul3A_296 : vector<16xf32>
        %add3A_298 = arith.addf %add3A_294, %add3A_297 : vector<16xf32>
        %add3A_299 = arith.constant 68 : i32
        %add3A_300 = vector.broadcast %add3A_299 : i32 to vector<16xi32>
        %add3A_301 = arith.addi %iota3A, %add3A_300 : vector<16xi32>
        tpu.vector_store_idx %arg14[%add3A_301], %add3A_291 : memref<544xf32, #tpu.memory_space<vmem>>[vector<16xi32>], vector<16xf32>,
        %add3A_302 = arith.constant 272 : i32
        %add3A_303 = vector.broadcast %add3A_302 : i32 to vector<16xi32>
        %add3A_304 = arith.addi %add3A_301, %add3A_303 : vector<16xi32>
        tpu.vector_store_idx %arg14[%add3A_304], %add3A_298 : memref<544xf32, #tpu.memory_space<vmem>>[vector<16xi32>], vector<16xf32>,
        %add3A_305 = arith.constant 5 : i32
        %add3A_306 = arith.addi %mul3A_124, %add3A_305 : i32
        %get3A_307 = arith.index_cast %add3A_306 : i32 to index
        %get3A_308 = arith.constant 0 : index
        %get3A_309 = tpu.vector_load %arg9[%get3A_307, %get3A_308] {strides = array<i32>} : memref<160x128xf32, #tpu.memory_space<vmem>>, vector<16xf32>,
        %add3A_310 = arith.constant 5 : i32
        %add3A_311 = arith.addi %mul3A_124, %add3A_310 : i32
        %get3A_312 = arith.index_cast %add3A_311 : i32 to index
        %get3A_313 = arith.constant 16 : index
        %get3A_314 = tpu.vector_load %arg9[%get3A_312, %get3A_313] {strides = array<i32>} : memref<160x128xf32, #tpu.memory_space<vmem>>, vector<16xf32>,
        %add3A_315 = arith.constant 5 : i32
        %add3A_316 = arith.addi %mul3A_124, %add3A_315 : i32
        %get3A_317 = arith.index_cast %add3A_316 : i32 to index
        %get3A_318 = arith.constant 32 : index
        %get3A_319 = tpu.vector_load %arg9[%get3A_317, %get3A_318] {strides = array<i32>} : memref<160x128xf32, #tpu.memory_space<vmem>>, vector<16xf32>,
        %add3A_320 = arith.constant 5 : i32
        %add3A_321 = arith.addi %mul3A_124, %add3A_320 : i32
        %get3A_322 = arith.index_cast %add3A_321 : i32 to index
        %get3A_323 = arith.constant 48 : index
        %get3A_324 = tpu.vector_load %arg9[%get3A_322, %get3A_323] {strides = array<i32>} : memref<160x128xf32, #tpu.memory_space<vmem>>, vector<16xf32>,
        %add3A_325 = arith.addf %get3A_309, %get3A_314 : vector<16xf32>
        %add3A_326 = arith.addf %get3A_319, %get3A_324 : vector<16xf32>
        %add3A_327 = arith.addf %add3A_325, %add3A_326 : vector<16xf32>
        %mul3A_328 = arith.mulf %get3A_309, %get3A_309 : vector<16xf32>
        %mul3A_329 = arith.mulf %get3A_314, %get3A_314 : vector<16xf32>
        %add3A_330 = arith.addf %mul3A_328, %mul3A_329 : vector<16xf32>
        %mul3A_331 = arith.mulf %get3A_319, %get3A_319 : vector<16xf32>
        %mul3A_332 = arith.mulf %get3A_324, %get3A_324 : vector<16xf32>
        %add3A_333 = arith.addf %mul3A_331, %mul3A_332 : vector<16xf32>
        %add3A_334 = arith.addf %add3A_330, %add3A_333 : vector<16xf32>
        %add3A_335 = arith.constant 85 : i32
        %add3A_336 = vector.broadcast %add3A_335 : i32 to vector<16xi32>
        %add3A_337 = arith.addi %iota3A, %add3A_336 : vector<16xi32>
        tpu.vector_store_idx %arg14[%add3A_337], %add3A_327 : memref<544xf32, #tpu.memory_space<vmem>>[vector<16xi32>], vector<16xf32>,
        %add3A_338 = arith.constant 272 : i32
        %add3A_339 = vector.broadcast %add3A_338 : i32 to vector<16xi32>
        %add3A_340 = arith.addi %add3A_337, %add3A_339 : vector<16xi32>
        tpu.vector_store_idx %arg14[%add3A_340], %add3A_334 : memref<544xf32, #tpu.memory_space<vmem>>[vector<16xi32>], vector<16xf32>,
        %add3A_341 = arith.constant 6 : i32
        %add3A_342 = arith.addi %mul3A_124, %add3A_341 : i32
        %get3A_343 = arith.index_cast %add3A_342 : i32 to index
        %get3A_344 = arith.constant 0 : index
        %get3A_345 = tpu.vector_load %arg9[%get3A_343, %get3A_344] {strides = array<i32>} : memref<160x128xf32, #tpu.memory_space<vmem>>, vector<16xf32>,
        %add3A_346 = arith.constant 6 : i32
        %add3A_347 = arith.addi %mul3A_124, %add3A_346 : i32
        %get3A_348 = arith.index_cast %add3A_347 : i32 to index
        %get3A_349 = arith.constant 16 : index
        %get3A_350 = tpu.vector_load %arg9[%get3A_348, %get3A_349] {strides = array<i32>} : memref<160x128xf32, #tpu.memory_space<vmem>>, vector<16xf32>,
        %add3A_351 = arith.constant 6 : i32
        %add3A_352 = arith.addi %mul3A_124, %add3A_351 : i32
        %get3A_353 = arith.index_cast %add3A_352 : i32 to index
        %get3A_354 = arith.constant 32 : index
        %get3A_355 = tpu.vector_load %arg9[%get3A_353, %get3A_354] {strides = array<i32>} : memref<160x128xf32, #tpu.memory_space<vmem>>, vector<16xf32>,
        %add3A_356 = arith.constant 6 : i32
        %add3A_357 = arith.addi %mul3A_124, %add3A_356 : i32
        %get3A_358 = arith.index_cast %add3A_357 : i32 to index
        %get3A_359 = arith.constant 48 : index
        %get3A_360 = tpu.vector_load %arg9[%get3A_358, %get3A_359] {strides = array<i32>} : memref<160x128xf32, #tpu.memory_space<vmem>>, vector<16xf32>,
        %add3A_361 = arith.addf %get3A_345, %get3A_350 : vector<16xf32>
        %add3A_362 = arith.addf %get3A_355, %get3A_360 : vector<16xf32>
        %add3A_363 = arith.addf %add3A_361, %add3A_362 : vector<16xf32>
        %mul3A_364 = arith.mulf %get3A_345, %get3A_345 : vector<16xf32>
        %mul3A_365 = arith.mulf %get3A_350, %get3A_350 : vector<16xf32>
        %add3A_366 = arith.addf %mul3A_364, %mul3A_365 : vector<16xf32>
        %mul3A_367 = arith.mulf %get3A_355, %get3A_355 : vector<16xf32>
        %mul3A_368 = arith.mulf %get3A_360, %get3A_360 : vector<16xf32>
        %add3A_369 = arith.addf %mul3A_367, %mul3A_368 : vector<16xf32>
        %add3A_370 = arith.addf %add3A_366, %add3A_369 : vector<16xf32>
        %add3A_371 = arith.constant 102 : i32
        %add3A_372 = vector.broadcast %add3A_371 : i32 to vector<16xi32>
        %add3A_373 = arith.addi %iota3A, %add3A_372 : vector<16xi32>
        tpu.vector_store_idx %arg14[%add3A_373], %add3A_363 : memref<544xf32, #tpu.memory_space<vmem>>[vector<16xi32>], vector<16xf32>,
        %add3A_374 = arith.constant 272 : i32
        %add3A_375 = vector.broadcast %add3A_374 : i32 to vector<16xi32>
        %add3A_376 = arith.addi %add3A_373, %add3A_375 : vector<16xi32>
        tpu.vector_store_idx %arg14[%add3A_376], %add3A_370 : memref<544xf32, #tpu.memory_space<vmem>>[vector<16xi32>], vector<16xf32>,
        %add3A_377 = arith.constant 7 : i32
        %add3A_378 = arith.addi %mul3A_124, %add3A_377 : i32
        %get3A_379 = arith.index_cast %add3A_378 : i32 to index
        %get3A_380 = arith.constant 0 : index
        %get3A_381 = tpu.vector_load %arg9[%get3A_379, %get3A_380] {strides = array<i32>} : memref<160x128xf32, #tpu.memory_space<vmem>>, vector<16xf32>,
        %add3A_382 = arith.constant 7 : i32
        %add3A_383 = arith.addi %mul3A_124, %add3A_382 : i32
        %get3A_384 = arith.index_cast %add3A_383 : i32 to index
        %get3A_385 = arith.constant 16 : index
        %get3A_386 = tpu.vector_load %arg9[%get3A_384, %get3A_385] {strides = array<i32>} : memref<160x128xf32, #tpu.memory_space<vmem>>, vector<16xf32>,
        %add3A_387 = arith.constant 7 : i32
        %add3A_388 = arith.addi %mul3A_124, %add3A_387 : i32
        %get3A_389 = arith.index_cast %add3A_388 : i32 to index
        %get3A_390 = arith.constant 32 : index
        %get3A_391 = tpu.vector_load %arg9[%get3A_389, %get3A_390] {strides = array<i32>} : memref<160x128xf32, #tpu.memory_space<vmem>>, vector<16xf32>,
        %add3A_392 = arith.constant 7 : i32
        %add3A_393 = arith.addi %mul3A_124, %add3A_392 : i32
        %get3A_394 = arith.index_cast %add3A_393 : i32 to index
        %get3A_395 = arith.constant 48 : index
        %get3A_396 = tpu.vector_load %arg9[%get3A_394, %get3A_395] {strides = array<i32>} : memref<160x128xf32, #tpu.memory_space<vmem>>, vector<16xf32>,
        %add3A_397 = arith.addf %get3A_381, %get3A_386 : vector<16xf32>
        %add3A_398 = arith.addf %get3A_391, %get3A_396 : vector<16xf32>
        %add3A_399 = arith.addf %add3A_397, %add3A_398 : vector<16xf32>
        %mul3A_400 = arith.mulf %get3A_381, %get3A_381 : vector<16xf32>
        %mul3A_401 = arith.mulf %get3A_386, %get3A_386 : vector<16xf32>
        %add3A_402 = arith.addf %mul3A_400, %mul3A_401 : vector<16xf32>
        %mul3A_403 = arith.mulf %get3A_391, %get3A_391 : vector<16xf32>
        %mul3A_404 = arith.mulf %get3A_396, %get3A_396 : vector<16xf32>
        %add3A_405 = arith.addf %mul3A_403, %mul3A_404 : vector<16xf32>
        %add3A_406 = arith.addf %add3A_402, %add3A_405 : vector<16xf32>
        %add3A_407 = arith.constant 119 : i32
        %add3A_408 = vector.broadcast %add3A_407 : i32 to vector<16xi32>
        %add3A_409 = arith.addi %iota3A, %add3A_408 : vector<16xi32>
        tpu.vector_store_idx %arg14[%add3A_409], %add3A_399 : memref<544xf32, #tpu.memory_space<vmem>>[vector<16xi32>], vector<16xf32>,
        %add3A_410 = arith.constant 272 : i32
        %add3A_411 = vector.broadcast %add3A_410 : i32 to vector<16xi32>
        %add3A_412 = arith.addi %add3A_409, %add3A_411 : vector<16xi32>
        tpu.vector_store_idx %arg14[%add3A_412], %add3A_406 : memref<544xf32, #tpu.memory_space<vmem>>[vector<16xi32>], vector<16xf32>,
        %add3A_413 = arith.constant 8 : i32
        %add3A_414 = arith.addi %mul3A_124, %add3A_413 : i32
        %get3A_415 = arith.index_cast %add3A_414 : i32 to index
        %get3A_416 = arith.constant 0 : index
        %get3A_417 = tpu.vector_load %arg9[%get3A_415, %get3A_416] {strides = array<i32>} : memref<160x128xf32, #tpu.memory_space<vmem>>, vector<16xf32>,
        %add3A_418 = arith.constant 8 : i32
        %add3A_419 = arith.addi %mul3A_124, %add3A_418 : i32
        %get3A_420 = arith.index_cast %add3A_419 : i32 to index
        %get3A_421 = arith.constant 16 : index
        %get3A_422 = tpu.vector_load %arg9[%get3A_420, %get3A_421] {strides = array<i32>} : memref<160x128xf32, #tpu.memory_space<vmem>>, vector<16xf32>,
        %add3A_423 = arith.constant 8 : i32
        %add3A_424 = arith.addi %mul3A_124, %add3A_423 : i32
        %get3A_425 = arith.index_cast %add3A_424 : i32 to index
        %get3A_426 = arith.constant 32 : index
        %get3A_427 = tpu.vector_load %arg9[%get3A_425, %get3A_426] {strides = array<i32>} : memref<160x128xf32, #tpu.memory_space<vmem>>, vector<16xf32>,
        %add3A_428 = arith.constant 8 : i32
        %add3A_429 = arith.addi %mul3A_124, %add3A_428 : i32
        %get3A_430 = arith.index_cast %add3A_429 : i32 to index
        %get3A_431 = arith.constant 48 : index
        %get3A_432 = tpu.vector_load %arg9[%get3A_430, %get3A_431] {strides = array<i32>} : memref<160x128xf32, #tpu.memory_space<vmem>>, vector<16xf32>,
        %add3A_433 = arith.addf %get3A_417, %get3A_422 : vector<16xf32>
        %add3A_434 = arith.addf %get3A_427, %get3A_432 : vector<16xf32>
        %add3A_435 = arith.addf %add3A_433, %add3A_434 : vector<16xf32>
        %mul3A_436 = arith.mulf %get3A_417, %get3A_417 : vector<16xf32>
        %mul3A_437 = arith.mulf %get3A_422, %get3A_422 : vector<16xf32>
        %add3A_438 = arith.addf %mul3A_436, %mul3A_437 : vector<16xf32>
        %mul3A_439 = arith.mulf %get3A_427, %get3A_427 : vector<16xf32>
        %mul3A_440 = arith.mulf %get3A_432, %get3A_432 : vector<16xf32>
        %add3A_441 = arith.addf %mul3A_439, %mul3A_440 : vector<16xf32>
        %add3A_442 = arith.addf %add3A_438, %add3A_441 : vector<16xf32>
        %add3A_443 = arith.constant 136 : i32
        %add3A_444 = vector.broadcast %add3A_443 : i32 to vector<16xi32>
        %add3A_445 = arith.addi %iota3A, %add3A_444 : vector<16xi32>
        tpu.vector_store_idx %arg14[%add3A_445], %add3A_435 : memref<544xf32, #tpu.memory_space<vmem>>[vector<16xi32>], vector<16xf32>,
        %add3A_446 = arith.constant 272 : i32
        %add3A_447 = vector.broadcast %add3A_446 : i32 to vector<16xi32>
        %add3A_448 = arith.addi %add3A_445, %add3A_447 : vector<16xi32>
        tpu.vector_store_idx %arg14[%add3A_448], %add3A_442 : memref<544xf32, #tpu.memory_space<vmem>>[vector<16xi32>], vector<16xf32>,
        %add3A_449 = arith.constant 9 : i32
        %add3A_450 = arith.addi %mul3A_124, %add3A_449 : i32
        %get3A_451 = arith.index_cast %add3A_450 : i32 to index
        %get3A_452 = arith.constant 0 : index
        %get3A_453 = tpu.vector_load %arg9[%get3A_451, %get3A_452] {strides = array<i32>} : memref<160x128xf32, #tpu.memory_space<vmem>>, vector<16xf32>,
        %add3A_454 = arith.constant 9 : i32
        %add3A_455 = arith.addi %mul3A_124, %add3A_454 : i32
        %get3A_456 = arith.index_cast %add3A_455 : i32 to index
        %get3A_457 = arith.constant 16 : index
        %get3A_458 = tpu.vector_load %arg9[%get3A_456, %get3A_457] {strides = array<i32>} : memref<160x128xf32, #tpu.memory_space<vmem>>, vector<16xf32>,
        %add3A_459 = arith.constant 9 : i32
        %add3A_460 = arith.addi %mul3A_124, %add3A_459 : i32
        %get3A_461 = arith.index_cast %add3A_460 : i32 to index
        %get3A_462 = arith.constant 32 : index
        %get3A_463 = tpu.vector_load %arg9[%get3A_461, %get3A_462] {strides = array<i32>} : memref<160x128xf32, #tpu.memory_space<vmem>>, vector<16xf32>,
        %add3A_464 = arith.constant 9 : i32
        %add3A_465 = arith.addi %mul3A_124, %add3A_464 : i32
        %get3A_466 = arith.index_cast %add3A_465 : i32 to index
        %get3A_467 = arith.constant 48 : index
        %get3A_468 = tpu.vector_load %arg9[%get3A_466, %get3A_467] {strides = array<i32>} : memref<160x128xf32, #tpu.memory_space<vmem>>, vector<16xf32>,
        %add3A_469 = arith.addf %get3A_453, %get3A_458 : vector<16xf32>
        %add3A_470 = arith.addf %get3A_463, %get3A_468 : vector<16xf32>
        %add3A_471 = arith.addf %add3A_469, %add3A_470 : vector<16xf32>
        %mul3A_472 = arith.mulf %get3A_453, %get3A_453 : vector<16xf32>
        %mul3A_473 = arith.mulf %get3A_458, %get3A_458 : vector<16xf32>
        %add3A_474 = arith.addf %mul3A_472, %mul3A_473 : vector<16xf32>
        %mul3A_475 = arith.mulf %get3A_463, %get3A_463 : vector<16xf32>
        %mul3A_476 = arith.mulf %get3A_468, %get3A_468 : vector<16xf32>
        %add3A_477 = arith.addf %mul3A_475, %mul3A_476 : vector<16xf32>
        %add3A_478 = arith.addf %add3A_474, %add3A_477 : vector<16xf32>
        %add3A_479 = arith.constant 153 : i32
        %add3A_480 = vector.broadcast %add3A_479 : i32 to vector<16xi32>
        %add3A_481 = arith.addi %iota3A, %add3A_480 : vector<16xi32>
        tpu.vector_store_idx %arg14[%add3A_481], %add3A_471 : memref<544xf32, #tpu.memory_space<vmem>>[vector<16xi32>], vector<16xf32>,
        %add3A_482 = arith.constant 272 : i32
        %add3A_483 = vector.broadcast %add3A_482 : i32 to vector<16xi32>
        %add3A_484 = arith.addi %add3A_481, %add3A_483 : vector<16xi32>
        tpu.vector_store_idx %arg14[%add3A_484], %add3A_478 : memref<544xf32, #tpu.memory_space<vmem>>[vector<16xi32>], vector<16xf32>,
        %add3A_485 = arith.constant 10 : i32
        %add3A_486 = arith.addi %mul3A_124, %add3A_485 : i32
        %get3A_487 = arith.index_cast %add3A_486 : i32 to index
        %get3A_488 = arith.constant 0 : index
        %get3A_489 = tpu.vector_load %arg9[%get3A_487, %get3A_488] {strides = array<i32>} : memref<160x128xf32, #tpu.memory_space<vmem>>, vector<16xf32>,
        %add3A_490 = arith.constant 10 : i32
        %add3A_491 = arith.addi %mul3A_124, %add3A_490 : i32
        %get3A_492 = arith.index_cast %add3A_491 : i32 to index
        %get3A_493 = arith.constant 16 : index
        %get3A_494 = tpu.vector_load %arg9[%get3A_492, %get3A_493] {strides = array<i32>} : memref<160x128xf32, #tpu.memory_space<vmem>>, vector<16xf32>,
        %add3A_495 = arith.constant 10 : i32
        %add3A_496 = arith.addi %mul3A_124, %add3A_495 : i32
        %get3A_497 = arith.index_cast %add3A_496 : i32 to index
        %get3A_498 = arith.constant 32 : index
        %get3A_499 = tpu.vector_load %arg9[%get3A_497, %get3A_498] {strides = array<i32>} : memref<160x128xf32, #tpu.memory_space<vmem>>, vector<16xf32>,
        %add3A_500 = arith.constant 10 : i32
        %add3A_501 = arith.addi %mul3A_124, %add3A_500 : i32
        %get3A_502 = arith.index_cast %add3A_501 : i32 to index
        %get3A_503 = arith.constant 48 : index
        %get3A_504 = tpu.vector_load %arg9[%get3A_502, %get3A_503] {strides = array<i32>} : memref<160x128xf32, #tpu.memory_space<vmem>>, vector<16xf32>,
        %add3A_505 = arith.addf %get3A_489, %get3A_494 : vector<16xf32>
        %add3A_506 = arith.addf %get3A_499, %get3A_504 : vector<16xf32>
        %add3A_507 = arith.addf %add3A_505, %add3A_506 : vector<16xf32>
        %mul3A_508 = arith.mulf %get3A_489, %get3A_489 : vector<16xf32>
        %mul3A_509 = arith.mulf %get3A_494, %get3A_494 : vector<16xf32>
        %add3A_510 = arith.addf %mul3A_508, %mul3A_509 : vector<16xf32>
        %mul3A_511 = arith.mulf %get3A_499, %get3A_499 : vector<16xf32>
        %mul3A_512 = arith.mulf %get3A_504, %get3A_504 : vector<16xf32>
        %add3A_513 = arith.addf %mul3A_511, %mul3A_512 : vector<16xf32>
        %add3A_514 = arith.addf %add3A_510, %add3A_513 : vector<16xf32>
        %add3A_515 = arith.constant 170 : i32
        %add3A_516 = vector.broadcast %add3A_515 : i32 to vector<16xi32>
        %add3A_517 = arith.addi %iota3A, %add3A_516 : vector<16xi32>
        tpu.vector_store_idx %arg14[%add3A_517], %add3A_507 : memref<544xf32, #tpu.memory_space<vmem>>[vector<16xi32>], vector<16xf32>,
        %add3A_518 = arith.constant 272 : i32
        %add3A_519 = vector.broadcast %add3A_518 : i32 to vector<16xi32>
        %add3A_520 = arith.addi %add3A_517, %add3A_519 : vector<16xi32>
        tpu.vector_store_idx %arg14[%add3A_520], %add3A_514 : memref<544xf32, #tpu.memory_space<vmem>>[vector<16xi32>], vector<16xf32>,
        %add3A_521 = arith.constant 11 : i32
        %add3A_522 = arith.addi %mul3A_124, %add3A_521 : i32
        %get3A_523 = arith.index_cast %add3A_522 : i32 to index
        %get3A_524 = arith.constant 0 : index
        %get3A_525 = tpu.vector_load %arg9[%get3A_523, %get3A_524] {strides = array<i32>} : memref<160x128xf32, #tpu.memory_space<vmem>>, vector<16xf32>,
        %add3A_526 = arith.constant 11 : i32
        %add3A_527 = arith.addi %mul3A_124, %add3A_526 : i32
        %get3A_528 = arith.index_cast %add3A_527 : i32 to index
        %get3A_529 = arith.constant 16 : index
        %get3A_530 = tpu.vector_load %arg9[%get3A_528, %get3A_529] {strides = array<i32>} : memref<160x128xf32, #tpu.memory_space<vmem>>, vector<16xf32>,
        %add3A_531 = arith.constant 11 : i32
        %add3A_532 = arith.addi %mul3A_124, %add3A_531 : i32
        %get3A_533 = arith.index_cast %add3A_532 : i32 to index
        %get3A_534 = arith.constant 32 : index
        %get3A_535 = tpu.vector_load %arg9[%get3A_533, %get3A_534] {strides = array<i32>} : memref<160x128xf32, #tpu.memory_space<vmem>>, vector<16xf32>,
        %add3A_536 = arith.constant 11 : i32
        %add3A_537 = arith.addi %mul3A_124, %add3A_536 : i32
        %get3A_538 = arith.index_cast %add3A_537 : i32 to index
        %get3A_539 = arith.constant 48 : index
        %get3A_540 = tpu.vector_load %arg9[%get3A_538, %get3A_539] {strides = array<i32>} : memref<160x128xf32, #tpu.memory_space<vmem>>, vector<16xf32>,
        %add3A_541 = arith.addf %get3A_525, %get3A_530 : vector<16xf32>
        %add3A_542 = arith.addf %get3A_535, %get3A_540 : vector<16xf32>
        %add3A_543 = arith.addf %add3A_541, %add3A_542 : vector<16xf32>
        %mul3A_544 = arith.mulf %get3A_525, %get3A_525 : vector<16xf32>
        %mul3A_545 = arith.mulf %get3A_530, %get3A_530 : vector<16xf32>
        %add3A_546 = arith.addf %mul3A_544, %mul3A_545 : vector<16xf32>
        %mul3A_547 = arith.mulf %get3A_535, %get3A_535 : vector<16xf32>
        %mul3A_548 = arith.mulf %get3A_540, %get3A_540 : vector<16xf32>
        %add3A_549 = arith.addf %mul3A_547, %mul3A_548 : vector<16xf32>
        %add3A_550 = arith.addf %add3A_546, %add3A_549 : vector<16xf32>
        %add3A_551 = arith.constant 187 : i32
        %add3A_552 = vector.broadcast %add3A_551 : i32 to vector<16xi32>
        %add3A_553 = arith.addi %iota3A, %add3A_552 : vector<16xi32>
        tpu.vector_store_idx %arg14[%add3A_553], %add3A_543 : memref<544xf32, #tpu.memory_space<vmem>>[vector<16xi32>], vector<16xf32>,
        %add3A_554 = arith.constant 272 : i32
        %add3A_555 = vector.broadcast %add3A_554 : i32 to vector<16xi32>
        %add3A_556 = arith.addi %add3A_553, %add3A_555 : vector<16xi32>
        tpu.vector_store_idx %arg14[%add3A_556], %add3A_550 : memref<544xf32, #tpu.memory_space<vmem>>[vector<16xi32>], vector<16xf32>,
        %add3A_557 = arith.constant 12 : i32
        %add3A_558 = arith.addi %mul3A_124, %add3A_557 : i32
        %get3A_559 = arith.index_cast %add3A_558 : i32 to index
        %get3A_560 = arith.constant 0 : index
        %get3A_561 = tpu.vector_load %arg9[%get3A_559, %get3A_560] {strides = array<i32>} : memref<160x128xf32, #tpu.memory_space<vmem>>, vector<16xf32>,
        %add3A_562 = arith.constant 12 : i32
        %add3A_563 = arith.addi %mul3A_124, %add3A_562 : i32
        %get3A_564 = arith.index_cast %add3A_563 : i32 to index
        %get3A_565 = arith.constant 16 : index
        %get3A_566 = tpu.vector_load %arg9[%get3A_564, %get3A_565] {strides = array<i32>} : memref<160x128xf32, #tpu.memory_space<vmem>>, vector<16xf32>,
        %add3A_567 = arith.constant 12 : i32
        %add3A_568 = arith.addi %mul3A_124, %add3A_567 : i32
        %get3A_569 = arith.index_cast %add3A_568 : i32 to index
        %get3A_570 = arith.constant 32 : index
        %get3A_571 = tpu.vector_load %arg9[%get3A_569, %get3A_570] {strides = array<i32>} : memref<160x128xf32, #tpu.memory_space<vmem>>, vector<16xf32>,
        %add3A_572 = arith.constant 12 : i32
        %add3A_573 = arith.addi %mul3A_124, %add3A_572 : i32
        %get3A_574 = arith.index_cast %add3A_573 : i32 to index
        %get3A_575 = arith.constant 48 : index
        %get3A_576 = tpu.vector_load %arg9[%get3A_574, %get3A_575] {strides = array<i32>} : memref<160x128xf32, #tpu.memory_space<vmem>>, vector<16xf32>,
        %add3A_577 = arith.addf %get3A_561, %get3A_566 : vector<16xf32>
        %add3A_578 = arith.addf %get3A_571, %get3A_576 : vector<16xf32>
        %add3A_579 = arith.addf %add3A_577, %add3A_578 : vector<16xf32>
        %mul3A_580 = arith.mulf %get3A_561, %get3A_561 : vector<16xf32>
        %mul3A_581 = arith.mulf %get3A_566, %get3A_566 : vector<16xf32>
        %add3A_582 = arith.addf %mul3A_580, %mul3A_581 : vector<16xf32>
        %mul3A_583 = arith.mulf %get3A_571, %get3A_571 : vector<16xf32>
        %mul3A_584 = arith.mulf %get3A_576, %get3A_576 : vector<16xf32>
        %add3A_585 = arith.addf %mul3A_583, %mul3A_584 : vector<16xf32>
        %add3A_586 = arith.addf %add3A_582, %add3A_585 : vector<16xf32>
        %add3A_587 = arith.constant 204 : i32
        %add3A_588 = vector.broadcast %add3A_587 : i32 to vector<16xi32>
        %add3A_589 = arith.addi %iota3A, %add3A_588 : vector<16xi32>
        tpu.vector_store_idx %arg14[%add3A_589], %add3A_579 : memref<544xf32, #tpu.memory_space<vmem>>[vector<16xi32>], vector<16xf32>,
        %add3A_590 = arith.constant 272 : i32
        %add3A_591 = vector.broadcast %add3A_590 : i32 to vector<16xi32>
        %add3A_592 = arith.addi %add3A_589, %add3A_591 : vector<16xi32>
        tpu.vector_store_idx %arg14[%add3A_592], %add3A_586 : memref<544xf32, #tpu.memory_space<vmem>>[vector<16xi32>], vector<16xf32>,
        %add3A_593 = arith.constant 13 : i32
        %add3A_594 = arith.addi %mul3A_124, %add3A_593 : i32
        %get3A_595 = arith.index_cast %add3A_594 : i32 to index
        %get3A_596 = arith.constant 0 : index
        %get3A_597 = tpu.vector_load %arg9[%get3A_595, %get3A_596] {strides = array<i32>} : memref<160x128xf32, #tpu.memory_space<vmem>>, vector<16xf32>,
        %add3A_598 = arith.constant 13 : i32
        %add3A_599 = arith.addi %mul3A_124, %add3A_598 : i32
        %get3A_600 = arith.index_cast %add3A_599 : i32 to index
        %get3A_601 = arith.constant 16 : index
        %get3A_602 = tpu.vector_load %arg9[%get3A_600, %get3A_601] {strides = array<i32>} : memref<160x128xf32, #tpu.memory_space<vmem>>, vector<16xf32>,
        %add3A_603 = arith.constant 13 : i32
        %add3A_604 = arith.addi %mul3A_124, %add3A_603 : i32
        %get3A_605 = arith.index_cast %add3A_604 : i32 to index
        %get3A_606 = arith.constant 32 : index
        %get3A_607 = tpu.vector_load %arg9[%get3A_605, %get3A_606] {strides = array<i32>} : memref<160x128xf32, #tpu.memory_space<vmem>>, vector<16xf32>,
        %add3A_608 = arith.constant 13 : i32
        %add3A_609 = arith.addi %mul3A_124, %add3A_608 : i32
        %get3A_610 = arith.index_cast %add3A_609 : i32 to index
        %get3A_611 = arith.constant 48 : index
        %get3A_612 = tpu.vector_load %arg9[%get3A_610, %get3A_611] {strides = array<i32>} : memref<160x128xf32, #tpu.memory_space<vmem>>, vector<16xf32>,
        %add3A_613 = arith.addf %get3A_597, %get3A_602 : vector<16xf32>
        %add3A_614 = arith.addf %get3A_607, %get3A_612 : vector<16xf32>
        %add3A_615 = arith.addf %add3A_613, %add3A_614 : vector<16xf32>
        %mul3A_616 = arith.mulf %get3A_597, %get3A_597 : vector<16xf32>
        %mul3A_617 = arith.mulf %get3A_602, %get3A_602 : vector<16xf32>
        %add3A_618 = arith.addf %mul3A_616, %mul3A_617 : vector<16xf32>
        %mul3A_619 = arith.mulf %get3A_607, %get3A_607 : vector<16xf32>
        %mul3A_620 = arith.mulf %get3A_612, %get3A_612 : vector<16xf32>
        %add3A_621 = arith.addf %mul3A_619, %mul3A_620 : vector<16xf32>
        %add3A_622 = arith.addf %add3A_618, %add3A_621 : vector<16xf32>
        %add3A_623 = arith.constant 221 : i32
        %add3A_624 = vector.broadcast %add3A_623 : i32 to vector<16xi32>
        %add3A_625 = arith.addi %iota3A, %add3A_624 : vector<16xi32>
        tpu.vector_store_idx %arg14[%add3A_625], %add3A_615 : memref<544xf32, #tpu.memory_space<vmem>>[vector<16xi32>], vector<16xf32>,
        %add3A_626 = arith.constant 272 : i32
        %add3A_627 = vector.broadcast %add3A_626 : i32 to vector<16xi32>
        %add3A_628 = arith.addi %add3A_625, %add3A_627 : vector<16xi32>
        tpu.vector_store_idx %arg14[%add3A_628], %add3A_622 : memref<544xf32, #tpu.memory_space<vmem>>[vector<16xi32>], vector<16xf32>,
        %add3A_629 = arith.constant 14 : i32
        %add3A_630 = arith.addi %mul3A_124, %add3A_629 : i32
        %get3A_631 = arith.index_cast %add3A_630 : i32 to index
        %get3A_632 = arith.constant 0 : index
        %get3A_633 = tpu.vector_load %arg9[%get3A_631, %get3A_632] {strides = array<i32>} : memref<160x128xf32, #tpu.memory_space<vmem>>, vector<16xf32>,
        %add3A_634 = arith.constant 14 : i32
        %add3A_635 = arith.addi %mul3A_124, %add3A_634 : i32
        %get3A_636 = arith.index_cast %add3A_635 : i32 to index
        %get3A_637 = arith.constant 16 : index
        %get3A_638 = tpu.vector_load %arg9[%get3A_636, %get3A_637] {strides = array<i32>} : memref<160x128xf32, #tpu.memory_space<vmem>>, vector<16xf32>,
        %add3A_639 = arith.constant 14 : i32
        %add3A_640 = arith.addi %mul3A_124, %add3A_639 : i32
        %get3A_641 = arith.index_cast %add3A_640 : i32 to index
        %get3A_642 = arith.constant 32 : index
        %get3A_643 = tpu.vector_load %arg9[%get3A_641, %get3A_642] {strides = array<i32>} : memref<160x128xf32, #tpu.memory_space<vmem>>, vector<16xf32>,
        %add3A_644 = arith.constant 14 : i32
        %add3A_645 = arith.addi %mul3A_124, %add3A_644 : i32
        %get3A_646 = arith.index_cast %add3A_645 : i32 to index
        %get3A_647 = arith.constant 48 : index
        %get3A_648 = tpu.vector_load %arg9[%get3A_646, %get3A_647] {strides = array<i32>} : memref<160x128xf32, #tpu.memory_space<vmem>>, vector<16xf32>,
        %add3A_649 = arith.addf %get3A_633, %get3A_638 : vector<16xf32>
        %add3A_650 = arith.addf %get3A_643, %get3A_648 : vector<16xf32>
        %add3A_651 = arith.addf %add3A_649, %add3A_650 : vector<16xf32>
        %mul3A_652 = arith.mulf %get3A_633, %get3A_633 : vector<16xf32>
        %mul3A_653 = arith.mulf %get3A_638, %get3A_638 : vector<16xf32>
        %add3A_654 = arith.addf %mul3A_652, %mul3A_653 : vector<16xf32>
        %mul3A_655 = arith.mulf %get3A_643, %get3A_643 : vector<16xf32>
        %mul3A_656 = arith.mulf %get3A_648, %get3A_648 : vector<16xf32>
        %add3A_657 = arith.addf %mul3A_655, %mul3A_656 : vector<16xf32>
        %add3A_658 = arith.addf %add3A_654, %add3A_657 : vector<16xf32>
        %add3A_659 = arith.constant 238 : i32
        %add3A_660 = vector.broadcast %add3A_659 : i32 to vector<16xi32>
        %add3A_661 = arith.addi %iota3A, %add3A_660 : vector<16xi32>
        tpu.vector_store_idx %arg14[%add3A_661], %add3A_651 : memref<544xf32, #tpu.memory_space<vmem>>[vector<16xi32>], vector<16xf32>,
        %add3A_662 = arith.constant 272 : i32
        %add3A_663 = vector.broadcast %add3A_662 : i32 to vector<16xi32>
        %add3A_664 = arith.addi %add3A_661, %add3A_663 : vector<16xi32>
        tpu.vector_store_idx %arg14[%add3A_664], %add3A_658 : memref<544xf32, #tpu.memory_space<vmem>>[vector<16xi32>], vector<16xf32>,
        %add3A_665 = arith.constant 15 : i32
        %add3A_666 = arith.addi %mul3A_124, %add3A_665 : i32
        %get3A_667 = arith.index_cast %add3A_666 : i32 to index
        %get3A_668 = arith.constant 0 : index
        %get3A_669 = tpu.vector_load %arg9[%get3A_667, %get3A_668] {strides = array<i32>} : memref<160x128xf32, #tpu.memory_space<vmem>>, vector<16xf32>,
        %add3A_670 = arith.constant 15 : i32
        %add3A_671 = arith.addi %mul3A_124, %add3A_670 : i32
        %get3A_672 = arith.index_cast %add3A_671 : i32 to index
        %get3A_673 = arith.constant 16 : index
        %get3A_674 = tpu.vector_load %arg9[%get3A_672, %get3A_673] {strides = array<i32>} : memref<160x128xf32, #tpu.memory_space<vmem>>, vector<16xf32>,
        %add3A_675 = arith.constant 15 : i32
        %add3A_676 = arith.addi %mul3A_124, %add3A_675 : i32
        %get3A_677 = arith.index_cast %add3A_676 : i32 to index
        %get3A_678 = arith.constant 32 : index
        %get3A_679 = tpu.vector_load %arg9[%get3A_677, %get3A_678] {strides = array<i32>} : memref<160x128xf32, #tpu.memory_space<vmem>>, vector<16xf32>,
        %add3A_680 = arith.constant 15 : i32
        %add3A_681 = arith.addi %mul3A_124, %add3A_680 : i32
        %get3A_682 = arith.index_cast %add3A_681 : i32 to index
        %get3A_683 = arith.constant 48 : index
        %get3A_684 = tpu.vector_load %arg9[%get3A_682, %get3A_683] {strides = array<i32>} : memref<160x128xf32, #tpu.memory_space<vmem>>, vector<16xf32>,
        %add3A_685 = arith.addf %get3A_669, %get3A_674 : vector<16xf32>
        %add3A_686 = arith.addf %get3A_679, %get3A_684 : vector<16xf32>
        %add3A_687 = arith.addf %add3A_685, %add3A_686 : vector<16xf32>
        %mul3A_688 = arith.mulf %get3A_669, %get3A_669 : vector<16xf32>
        %mul3A_689 = arith.mulf %get3A_674, %get3A_674 : vector<16xf32>
        %add3A_690 = arith.addf %mul3A_688, %mul3A_689 : vector<16xf32>
        %mul3A_691 = arith.mulf %get3A_679, %get3A_679 : vector<16xf32>
        %mul3A_692 = arith.mulf %get3A_684, %get3A_684 : vector<16xf32>
        %add3A_693 = arith.addf %mul3A_691, %mul3A_692 : vector<16xf32>
        %add3A_694 = arith.addf %add3A_690, %add3A_693 : vector<16xf32>
        %add3A_695 = arith.constant 255 : i32
        %add3A_696 = vector.broadcast %add3A_695 : i32 to vector<16xi32>
        %add3A_697 = arith.addi %iota3A, %add3A_696 : vector<16xi32>
        tpu.vector_store_idx %arg14[%add3A_697], %add3A_687 : memref<544xf32, #tpu.memory_space<vmem>>[vector<16xi32>], vector<16xf32>,
        %add3A_698 = arith.constant 272 : i32
        %add3A_699 = vector.broadcast %add3A_698 : i32 to vector<16xi32>
        %add3A_700 = arith.addi %add3A_697, %add3A_699 : vector<16xi32>
        tpu.vector_store_idx %arg14[%add3A_700], %add3A_694 : memref<544xf32, #tpu.memory_space<vmem>>[vector<16xi32>], vector<16xf32>,
        %broadcast_in_dim3A = arith.constant 0.000000e+00 : f32
        %broadcast_in_dim3A_701 = vector.broadcast %broadcast_in_dim3A : f32 to vector<16xf32>
        %broadcast_in_dim3A_702 = arith.constant 0.000000e+00 : f32
        %broadcast_in_dim3A_703 = vector.broadcast %broadcast_in_dim3A_702 : f32 to vector<16xf32>
        %broadcast_in_dim3A_704 = arith.constant 0.000000e+00 : f32
        %broadcast_in_dim3A_705 = vector.broadcast %broadcast_in_dim3A_704 : f32 to vector<16xf32>
        %broadcast_in_dim3A_706 = arith.constant 0.000000e+00 : f32
        %broadcast_in_dim3A_707 = vector.broadcast %broadcast_in_dim3A_706 : f32 to vector<16xf32>
        %broadcast_in_dim3A_708 = arith.constant 0.000000e+00 : f32
        %broadcast_in_dim3A_709 = vector.broadcast %broadcast_in_dim3A_708 : f32 to vector<16xf32>
        %broadcast_in_dim3A_710 = arith.constant 0.000000e+00 : f32
        %broadcast_in_dim3A_711 = vector.broadcast %broadcast_in_dim3A_710 : f32 to vector<16xf32>
        %broadcast_in_dim3A_712 = arith.constant 0.000000e+00 : f32
        %broadcast_in_dim3A_713 = vector.broadcast %broadcast_in_dim3A_712 : f32 to vector<16xf32>
        %broadcast_in_dim3A_714 = arith.constant 0.000000e+00 : f32
        %broadcast_in_dim3A_715 = vector.broadcast %broadcast_in_dim3A_714 : f32 to vector<16xf32>
        %add3A_716 = arith.constant 0 : i32
        %add3A_717 = vector.broadcast %add3A_716 : i32 to vector<16xi32>
        %add3A_718 = arith.addi %mul3A_18, %add3A_717 : vector<16xi32>
        %gather3A = tpu.vector_load_idx %arg14[%add3A_718] : memref<544xf32, #tpu.memory_space<vmem>>[vector<16xi32>], vector<16xf32>,
        %add3A_719 = arith.constant 272 : i32
        %add3A_720 = vector.broadcast %add3A_719 : i32 to vector<16xi32>
        %add3A_721 = arith.addi %mul3A_18, %add3A_720 : vector<16xi32>
        %gather3A_722 = tpu.vector_load_idx %arg14[%add3A_721] : memref<544xf32, #tpu.memory_space<vmem>>[vector<16xi32>], vector<16xf32>,
        %add3A_723 = arith.addf %broadcast_in_dim3A_701, %gather3A : vector<16xf32>
        %add3A_724 = arith.addf %broadcast_in_dim3A_709, %gather3A_722 : vector<16xf32>
        %add3A_725 = arith.constant 1 : i32
        %add3A_726 = vector.broadcast %add3A_725 : i32 to vector<16xi32>
        %add3A_727 = arith.addi %mul3A_18, %add3A_726 : vector<16xi32>
        %gather3A_728 = tpu.vector_load_idx %arg14[%add3A_727] : memref<544xf32, #tpu.memory_space<vmem>>[vector<16xi32>], vector<16xf32>,
        %add3A_729 = arith.constant 273 : i32
        %add3A_730 = vector.broadcast %add3A_729 : i32 to vector<16xi32>
        %add3A_731 = arith.addi %mul3A_18, %add3A_730 : vector<16xi32>
        %gather3A_732 = tpu.vector_load_idx %arg14[%add3A_731] : memref<544xf32, #tpu.memory_space<vmem>>[vector<16xi32>], vector<16xf32>,
        %add3A_733 = arith.addf %broadcast_in_dim3A_703, %gather3A_728 : vector<16xf32>
        %add3A_734 = arith.addf %broadcast_in_dim3A_711, %gather3A_732 : vector<16xf32>
        %add3A_735 = arith.constant 2 : i32
        %add3A_736 = vector.broadcast %add3A_735 : i32 to vector<16xi32>
        %add3A_737 = arith.addi %mul3A_18, %add3A_736 : vector<16xi32>
        %gather3A_738 = tpu.vector_load_idx %arg14[%add3A_737] : memref<544xf32, #tpu.memory_space<vmem>>[vector<16xi32>], vector<16xf32>,
        %add3A_739 = arith.constant 274 : i32
        %add3A_740 = vector.broadcast %add3A_739 : i32 to vector<16xi32>
        %add3A_741 = arith.addi %mul3A_18, %add3A_740 : vector<16xi32>
        %gather3A_742 = tpu.vector_load_idx %arg14[%add3A_741] : memref<544xf32, #tpu.memory_space<vmem>>[vector<16xi32>], vector<16xf32>,
        %add3A_743 = arith.addf %broadcast_in_dim3A_705, %gather3A_738 : vector<16xf32>
        %add3A_744 = arith.addf %broadcast_in_dim3A_713, %gather3A_742 : vector<16xf32>
        %add3A_745 = arith.constant 3 : i32
        %add3A_746 = vector.broadcast %add3A_745 : i32 to vector<16xi32>
        %add3A_747 = arith.addi %mul3A_18, %add3A_746 : vector<16xi32>
        %gather3A_748 = tpu.vector_load_idx %arg14[%add3A_747] : memref<544xf32, #tpu.memory_space<vmem>>[vector<16xi32>], vector<16xf32>,
        %add3A_749 = arith.constant 275 : i32
        %add3A_750 = vector.broadcast %add3A_749 : i32 to vector<16xi32>
        %add3A_751 = arith.addi %mul3A_18, %add3A_750 : vector<16xi32>
        %gather3A_752 = tpu.vector_load_idx %arg14[%add3A_751] : memref<544xf32, #tpu.memory_space<vmem>>[vector<16xi32>], vector<16xf32>,
        %add3A_753 = arith.addf %broadcast_in_dim3A_707, %gather3A_748 : vector<16xf32>
        %add3A_754 = arith.addf %broadcast_in_dim3A_715, %gather3A_752 : vector<16xf32>
        %add3A_755 = arith.constant 4 : i32
        %add3A_756 = vector.broadcast %add3A_755 : i32 to vector<16xi32>
        %add3A_757 = arith.addi %mul3A_18, %add3A_756 : vector<16xi32>
        %gather3A_758 = tpu.vector_load_idx %arg14[%add3A_757] : memref<544xf32, #tpu.memory_space<vmem>>[vector<16xi32>], vector<16xf32>,
        %add3A_759 = arith.constant 276 : i32
        %add3A_760 = vector.broadcast %add3A_759 : i32 to vector<16xi32>
        %add3A_761 = arith.addi %mul3A_18, %add3A_760 : vector<16xi32>
        %gather3A_762 = tpu.vector_load_idx %arg14[%add3A_761] : memref<544xf32, #tpu.memory_space<vmem>>[vector<16xi32>], vector<16xf32>,
        %add3A_763 = arith.addf %add3A_723, %gather3A_758 : vector<16xf32>
        %add3A_764 = arith.addf %add3A_724, %gather3A_762 : vector<16xf32>
        %add3A_765 = arith.constant 5 : i32
        %add3A_766 = vector.broadcast %add3A_765 : i32 to vector<16xi32>
        %add3A_767 = arith.addi %mul3A_18, %add3A_766 : vector<16xi32>
        %gather3A_768 = tpu.vector_load_idx %arg14[%add3A_767] : memref<544xf32, #tpu.memory_space<vmem>>[vector<16xi32>], vector<16xf32>,
        %add3A_769 = arith.constant 277 : i32
        %add3A_770 = vector.broadcast %add3A_769 : i32 to vector<16xi32>
        %add3A_771 = arith.addi %mul3A_18, %add3A_770 : vector<16xi32>
        %gather3A_772 = tpu.vector_load_idx %arg14[%add3A_771] : memref<544xf32, #tpu.memory_space<vmem>>[vector<16xi32>], vector<16xf32>,
        %add3A_773 = arith.addf %add3A_733, %gather3A_768 : vector<16xf32>
        %add3A_774 = arith.addf %add3A_734, %gather3A_772 : vector<16xf32>
        %add3A_775 = arith.constant 6 : i32
        %add3A_776 = vector.broadcast %add3A_775 : i32 to vector<16xi32>
        %add3A_777 = arith.addi %mul3A_18, %add3A_776 : vector<16xi32>
        %gather3A_778 = tpu.vector_load_idx %arg14[%add3A_777] : memref<544xf32, #tpu.memory_space<vmem>>[vector<16xi32>], vector<16xf32>,
        %add3A_779 = arith.constant 278 : i32
        %add3A_780 = vector.broadcast %add3A_779 : i32 to vector<16xi32>
        %add3A_781 = arith.addi %mul3A_18, %add3A_780 : vector<16xi32>
        %gather3A_782 = tpu.vector_load_idx %arg14[%add3A_781] : memref<544xf32, #tpu.memory_space<vmem>>[vector<16xi32>], vector<16xf32>,
        %add3A_783 = arith.addf %add3A_743, %gather3A_778 : vector<16xf32>
        %add3A_784 = arith.addf %add3A_744, %gather3A_782 : vector<16xf32>
        %add3A_785 = arith.constant 7 : i32
        %add3A_786 = vector.broadcast %add3A_785 : i32 to vector<16xi32>
        %add3A_787 = arith.addi %mul3A_18, %add3A_786 : vector<16xi32>
        %gather3A_788 = tpu.vector_load_idx %arg14[%add3A_787] : memref<544xf32, #tpu.memory_space<vmem>>[vector<16xi32>], vector<16xf32>,
        %add3A_789 = arith.constant 279 : i32
        %add3A_790 = vector.broadcast %add3A_789 : i32 to vector<16xi32>
        %add3A_791 = arith.addi %mul3A_18, %add3A_790 : vector<16xi32>
        %gather3A_792 = tpu.vector_load_idx %arg14[%add3A_791] : memref<544xf32, #tpu.memory_space<vmem>>[vector<16xi32>], vector<16xf32>,
        %add3A_793 = arith.addf %add3A_753, %gather3A_788 : vector<16xf32>
        %add3A_794 = arith.addf %add3A_754, %gather3A_792 : vector<16xf32>
        %add3A_795 = arith.constant 8 : i32
        %add3A_796 = vector.broadcast %add3A_795 : i32 to vector<16xi32>
        %add3A_797 = arith.addi %mul3A_18, %add3A_796 : vector<16xi32>
        %gather3A_798 = tpu.vector_load_idx %arg14[%add3A_797] : memref<544xf32, #tpu.memory_space<vmem>>[vector<16xi32>], vector<16xf32>,
        %add3A_799 = arith.constant 280 : i32
        %add3A_800 = vector.broadcast %add3A_799 : i32 to vector<16xi32>
        %add3A_801 = arith.addi %mul3A_18, %add3A_800 : vector<16xi32>
        %gather3A_802 = tpu.vector_load_idx %arg14[%add3A_801] : memref<544xf32, #tpu.memory_space<vmem>>[vector<16xi32>], vector<16xf32>,
        %add3A_803 = arith.addf %add3A_763, %gather3A_798 : vector<16xf32>
        %add3A_804 = arith.addf %add3A_764, %gather3A_802 : vector<16xf32>
        %add3A_805 = arith.constant 9 : i32
        %add3A_806 = vector.broadcast %add3A_805 : i32 to vector<16xi32>
        %add3A_807 = arith.addi %mul3A_18, %add3A_806 : vector<16xi32>
        %gather3A_808 = tpu.vector_load_idx %arg14[%add3A_807] : memref<544xf32, #tpu.memory_space<vmem>>[vector<16xi32>], vector<16xf32>,
        %add3A_809 = arith.constant 281 : i32
        %add3A_810 = vector.broadcast %add3A_809 : i32 to vector<16xi32>
        %add3A_811 = arith.addi %mul3A_18, %add3A_810 : vector<16xi32>
        %gather3A_812 = tpu.vector_load_idx %arg14[%add3A_811] : memref<544xf32, #tpu.memory_space<vmem>>[vector<16xi32>], vector<16xf32>,
        %add3A_813 = arith.addf %add3A_773, %gather3A_808 : vector<16xf32>
        %add3A_814 = arith.addf %add3A_774, %gather3A_812 : vector<16xf32>
        %add3A_815 = arith.constant 10 : i32
        %add3A_816 = vector.broadcast %add3A_815 : i32 to vector<16xi32>
        %add3A_817 = arith.addi %mul3A_18, %add3A_816 : vector<16xi32>
        %gather3A_818 = tpu.vector_load_idx %arg14[%add3A_817] : memref<544xf32, #tpu.memory_space<vmem>>[vector<16xi32>], vector<16xf32>,
        %add3A_819 = arith.constant 282 : i32
        %add3A_820 = vector.broadcast %add3A_819 : i32 to vector<16xi32>
        %add3A_821 = arith.addi %mul3A_18, %add3A_820 : vector<16xi32>
        %gather3A_822 = tpu.vector_load_idx %arg14[%add3A_821] : memref<544xf32, #tpu.memory_space<vmem>>[vector<16xi32>], vector<16xf32>,
        %add3A_823 = arith.addf %add3A_783, %gather3A_818 : vector<16xf32>
        %add3A_824 = arith.addf %add3A_784, %gather3A_822 : vector<16xf32>
        %add3A_825 = arith.constant 11 : i32
        %add3A_826 = vector.broadcast %add3A_825 : i32 to vector<16xi32>
        %add3A_827 = arith.addi %mul3A_18, %add3A_826 : vector<16xi32>
        %gather3A_828 = tpu.vector_load_idx %arg14[%add3A_827] : memref<544xf32, #tpu.memory_space<vmem>>[vector<16xi32>], vector<16xf32>,
        %add3A_829 = arith.constant 283 : i32
        %add3A_830 = vector.broadcast %add3A_829 : i32 to vector<16xi32>
        %add3A_831 = arith.addi %mul3A_18, %add3A_830 : vector<16xi32>
        %gather3A_832 = tpu.vector_load_idx %arg14[%add3A_831] : memref<544xf32, #tpu.memory_space<vmem>>[vector<16xi32>], vector<16xf32>,
        %add3A_833 = arith.addf %add3A_793, %gather3A_828 : vector<16xf32>
        %add3A_834 = arith.addf %add3A_794, %gather3A_832 : vector<16xf32>
        %add3A_835 = arith.constant 12 : i32
        %add3A_836 = vector.broadcast %add3A_835 : i32 to vector<16xi32>
        %add3A_837 = arith.addi %mul3A_18, %add3A_836 : vector<16xi32>
        %gather3A_838 = tpu.vector_load_idx %arg14[%add3A_837] : memref<544xf32, #tpu.memory_space<vmem>>[vector<16xi32>], vector<16xf32>,
        %add3A_839 = arith.constant 284 : i32
        %add3A_840 = vector.broadcast %add3A_839 : i32 to vector<16xi32>
        %add3A_841 = arith.addi %mul3A_18, %add3A_840 : vector<16xi32>
        %gather3A_842 = tpu.vector_load_idx %arg14[%add3A_841] : memref<544xf32, #tpu.memory_space<vmem>>[vector<16xi32>], vector<16xf32>,
        %add3A_843 = arith.addf %add3A_803, %gather3A_838 : vector<16xf32>
        %add3A_844 = arith.addf %add3A_804, %gather3A_842 : vector<16xf32>
        %add3A_845 = arith.constant 13 : i32
        %add3A_846 = vector.broadcast %add3A_845 : i32 to vector<16xi32>
        %add3A_847 = arith.addi %mul3A_18, %add3A_846 : vector<16xi32>
        %gather3A_848 = tpu.vector_load_idx %arg14[%add3A_847] : memref<544xf32, #tpu.memory_space<vmem>>[vector<16xi32>], vector<16xf32>,
        %add3A_849 = arith.constant 285 : i32
        %add3A_850 = vector.broadcast %add3A_849 : i32 to vector<16xi32>
        %add3A_851 = arith.addi %mul3A_18, %add3A_850 : vector<16xi32>
        %gather3A_852 = tpu.vector_load_idx %arg14[%add3A_851] : memref<544xf32, #tpu.memory_space<vmem>>[vector<16xi32>], vector<16xf32>,
        %add3A_853 = arith.addf %add3A_813, %gather3A_848 : vector<16xf32>
        %add3A_854 = arith.addf %add3A_814, %gather3A_852 : vector<16xf32>
        %add3A_855 = arith.constant 14 : i32
        %add3A_856 = vector.broadcast %add3A_855 : i32 to vector<16xi32>
        %add3A_857 = arith.addi %mul3A_18, %add3A_856 : vector<16xi32>
        %gather3A_858 = tpu.vector_load_idx %arg14[%add3A_857] : memref<544xf32, #tpu.memory_space<vmem>>[vector<16xi32>], vector<16xf32>,
        %add3A_859 = arith.constant 286 : i32
        %add3A_860 = vector.broadcast %add3A_859 : i32 to vector<16xi32>
        %add3A_861 = arith.addi %mul3A_18, %add3A_860 : vector<16xi32>
        %gather3A_862 = tpu.vector_load_idx %arg14[%add3A_861] : memref<544xf32, #tpu.memory_space<vmem>>[vector<16xi32>], vector<16xf32>,
        %add3A_863 = arith.addf %add3A_823, %gather3A_858 : vector<16xf32>
        %add3A_864 = arith.addf %add3A_824, %gather3A_862 : vector<16xf32>
        %add3A_865 = arith.constant 15 : i32
        %add3A_866 = vector.broadcast %add3A_865 : i32 to vector<16xi32>
        %add3A_867 = arith.addi %mul3A_18, %add3A_866 : vector<16xi32>
        %gather3A_868 = tpu.vector_load_idx %arg14[%add3A_867] : memref<544xf32, #tpu.memory_space<vmem>>[vector<16xi32>], vector<16xf32>,
        %add3A_869 = arith.constant 287 : i32
        %add3A_870 = vector.broadcast %add3A_869 : i32 to vector<16xi32>
        %add3A_871 = arith.addi %mul3A_18, %add3A_870 : vector<16xi32>
        %gather3A_872 = tpu.vector_load_idx %arg14[%add3A_871] : memref<544xf32, #tpu.memory_space<vmem>>[vector<16xi32>], vector<16xf32>,
        %add3A_873 = arith.addf %add3A_833, %gather3A_868 : vector<16xf32>
        %add3A_874 = arith.addf %add3A_834, %gather3A_872 : vector<16xf32>
        %add3A_875 = arith.addf %add3A_843, %add3A_853 : vector<16xf32>
        %add3A_876 = arith.addf %add3A_863, %add3A_873 : vector<16xf32>
        %add3A_877 = arith.addf %add3A_875, %add3A_876 : vector<16xf32>
        %add3A_878 = arith.addf %add3A_844, %add3A_854 : vector<16xf32>
        %add3A_879 = arith.addf %add3A_864, %add3A_874 : vector<16xf32>
        %add3A_880 = arith.addf %add3A_878, %add3A_879 : vector<16xf32>
        %mul3A_881 = arith.constant 1.562500e-02 : f32
        %mul3A_882 = vector.broadcast %mul3A_881 : f32 to vector<16xf32>
        %mul3A_883 = arith.mulf %add3A_877, %mul3A_882 : vector<16xf32>
        %mul3A_884 = arith.mulf %add3A_877, %mul3A_883 : vector<16xf32>
        %sub3A = arith.subf %add3A_880, %mul3A_884 : vector<16xf32>
        %mul3A_885 = arith.constant 0.0158730168 : f32
        %mul3A_886 = vector.broadcast %mul3A_885 : f32 to vector<16xf32>
        %mul3A_887 = arith.mulf %sub3A, %mul3A_886 : vector<16xf32>
        %max3A = arith.constant 0.000000e+00 : f32
        %max3A_888 = vector.broadcast %max3A : f32 to vector<16xf32>
        %max3A_889 = arith.maximumf %mul3A_887, %max3A_888 : vector<16xf32>
        %bitcast3A = vector.bitcast %max3A_889 : vector<16xf32> to vector<16xi32>
        %shift_right_arithmetic3A = arith.constant 1 : i32
        %shift_right_arithmetic3A_890 = vector.broadcast %shift_right_arithmetic3A : i32 to vector<16xi32>
        %shift_right_arithmetic3A_891 = arith.shrsi %bitcast3A, %shift_right_arithmetic3A_890 : vector<16xi32>
        %sub3A_892 = arith.constant 1597463007 : i32
        %sub3A_893 = vector.broadcast %sub3A_892 : i32 to vector<16xi32>
        %sub3A_894 = arith.subi %sub3A_893, %shift_right_arithmetic3A_891 : vector<16xi32>
        %bitcast3A_895 = vector.bitcast %sub3A_894 : vector<16xi32> to vector<16xf32>
        %mul3A_896 = arith.constant 5.000000e-01 : f32
        %mul3A_897 = vector.broadcast %mul3A_896 : f32 to vector<16xf32>
        %mul3A_898 = arith.mulf %mul3A_897, %max3A_889 : vector<16xf32>
        %mul3A_899 = arith.mulf %mul3A_898, %bitcast3A_895 : vector<16xf32>
        %mul3A_900 = arith.mulf %mul3A_899, %bitcast3A_895 : vector<16xf32>
        %sub3A_901 = arith.constant 1.500000e+00 : f32
        %sub3A_902 = vector.broadcast %sub3A_901 : f32 to vector<16xf32>
        %sub3A_903 = arith.subf %sub3A_902, %mul3A_900 : vector<16xf32>
        %mul3A_904 = arith.mulf %bitcast3A_895, %sub3A_903 : vector<16xf32>
        %mul3A_905 = arith.constant 5.000000e-01 : f32
        %mul3A_906 = vector.broadcast %mul3A_905 : f32 to vector<16xf32>
        %mul3A_907 = arith.mulf %mul3A_906, %max3A_889 : vector<16xf32>
        %mul3A_908 = arith.mulf %mul3A_907, %mul3A_904 : vector<16xf32>
        %mul3A_909 = arith.mulf %mul3A_908, %mul3A_904 : vector<16xf32>
        %sub3A_910 = arith.constant 1.500000e+00 : f32
        %sub3A_911 = vector.broadcast %sub3A_910 : f32 to vector<16xf32>
        %sub3A_912 = arith.subf %sub3A_911, %mul3A_909 : vector<16xf32>
        %mul3A_913 = arith.mulf %mul3A_904, %sub3A_912 : vector<16xf32>
        %mul3A_914 = arith.constant 5.000000e-01 : f32
        %mul3A_915 = vector.broadcast %mul3A_914 : f32 to vector<16xf32>
        %mul3A_916 = arith.mulf %mul3A_915, %max3A_889 : vector<16xf32>
        %mul3A_917 = arith.mulf %mul3A_916, %mul3A_913 : vector<16xf32>
        %mul3A_918 = arith.mulf %mul3A_917, %mul3A_913 : vector<16xf32>
        %sub3A_919 = arith.constant 1.500000e+00 : f32
        %sub3A_920 = vector.broadcast %sub3A_919 : f32 to vector<16xf32>
        %sub3A_921 = arith.subf %sub3A_920, %mul3A_918 : vector<16xf32>
        %mul3A_922 = arith.mulf %mul3A_913, %sub3A_921 : vector<16xf32>
        %mul3A_923 = arith.mulf %max3A_889, %mul3A_922 : vector<16xf32>
        %add3A_924 = arith.constant 9.99999997E-7 : f32
        %add3A_925 = vector.broadcast %add3A_924 : f32 to vector<16xf32>
        %add3A_926 = arith.addf %mul3A_923, %add3A_925 : vector<16xf32>
        %div3A = arith.constant 1.000000e+00 : f32
        %div3A_927 = vector.broadcast %div3A : f32 to vector<16xf32>
        %div3A_928 = arith.divf %div3A_927, %add3A_926 : vector<16xf32>
        %slice3A = vector.extract_strided_slice %mul3A_883 {offsets = [0], sizes = [1], strides = [1]} : vector<16xf32> to vector<1xf32>
        %squeeze3A = vector.extract %slice3A[0] : f32 from vector<1xf32>
        %slice3A_929 = vector.extract_strided_slice %div3A_928 {offsets = [0], sizes = [1], strides = [1]} : vector<16xf32> to vector<1xf32>
        %squeeze3A_930 = vector.extract %slice3A_929[0] : f32 from vector<1xf32>
        %add3A_931 = arith.constant 0 : i32
        %add3A_932 = arith.addi %mul3A_124, %add3A_931 : i32
        %get3A_933 = arith.index_cast %add3A_932 : i32 to index
        %get3A_934 = arith.constant 0 : index
        %get3A_935 = tpu.vector_load %arg9[%get3A_933, %get3A_934] {strides = array<i32>} : memref<160x128xf32, #tpu.memory_space<vmem>>, vector<16xf32>,
        %sub3A_936 = vector.broadcast %squeeze3A : f32 to vector<16xf32>
        %sub3A_937 = arith.subf %get3A_935, %sub3A_936 : vector<16xf32>
        %mul3A_938 = vector.broadcast %squeeze3A_930 : f32 to vector<16xf32>
        %mul3A_939 = arith.mulf %sub3A_937, %mul3A_938 : vector<16xf32>
        %add3A_940 = arith.addf %mul3A_939, %get3A_9 : vector<16xf32>
        %mul3A_941 = arith.mulf %get3A_1, %add3A_940 : vector<16xf32>
        %add3A_942 = arith.constant 0 : i32
        %add3A_943 = arith.addi %mul3A_124, %add3A_942 : i32
        %swap3A = arith.index_cast %add3A_943 : i32 to index
        %swap3A_944 = arith.constant 0 : index
        %swap3A_945 = tpu.vector_load %arg11[%swap3A, %swap3A_944] {strides = array<i32>} : memref<160x64xf32, #tpu.memory_space<vmem>>, vector<16xf32>,
        tpu.vector_store %arg11[%swap3A, %swap3A_944], %mul3A_941 {strides = array<i32>} : memref<160x64xf32, #tpu.memory_space<vmem>>, vector<16xf32>,
        %add3A_946 = arith.constant 0 : i32
        %add3A_947 = arith.addi %mul3A_124, %add3A_946 : i32
        %get3A_948 = arith.index_cast %add3A_947 : i32 to index
        %get3A_949 = arith.constant 16 : index
        %get3A_950 = tpu.vector_load %arg9[%get3A_948, %get3A_949] {strides = array<i32>} : memref<160x128xf32, #tpu.memory_space<vmem>>, vector<16xf32>,
        %sub3A_951 = vector.broadcast %squeeze3A : f32 to vector<16xf32>
        %sub3A_952 = arith.subf %get3A_950, %sub3A_951 : vector<16xf32>
        %mul3A_953 = vector.broadcast %squeeze3A_930 : f32 to vector<16xf32>
        %mul3A_954 = arith.mulf %sub3A_952, %mul3A_953 : vector<16xf32>
        %add3A_955 = arith.addf %mul3A_954, %get3A_11 : vector<16xf32>
        %mul3A_956 = arith.mulf %get3A_3, %add3A_955 : vector<16xf32>
        %add3A_957 = arith.constant 0 : i32
        %add3A_958 = arith.addi %mul3A_124, %add3A_957 : i32
        %swap3A_959 = arith.index_cast %add3A_958 : i32 to index
        %swap3A_960 = arith.constant 16 : index
        %swap3A_961 = tpu.vector_load %arg11[%swap3A_959, %swap3A_960] {strides = array<i32>} : memref<160x64xf32, #tpu.memory_space<vmem>>, vector<16xf32>,
        tpu.vector_store %arg11[%swap3A_959, %swap3A_960], %mul3A_956 {strides = array<i32>} : memref<160x64xf32, #tpu.memory_space<vmem>>, vector<16xf32>,
        %add3A_962 = arith.constant 0 : i32
        %add3A_963 = arith.addi %mul3A_124, %add3A_962 : i32
        %get3A_964 = arith.index_cast %add3A_963 : i32 to index
        %get3A_965 = arith.constant 32 : index
        %get3A_966 = tpu.vector_load %arg9[%get3A_964, %get3A_965] {strides = array<i32>} : memref<160x128xf32, #tpu.memory_space<vmem>>, vector<16xf32>,
        %sub3A_967 = vector.broadcast %squeeze3A : f32 to vector<16xf32>
        %sub3A_968 = arith.subf %get3A_966, %sub3A_967 : vector<16xf32>
        %mul3A_969 = vector.broadcast %squeeze3A_930 : f32 to vector<16xf32>
        %mul3A_970 = arith.mulf %sub3A_968, %mul3A_969 : vector<16xf32>
        %add3A_971 = arith.addf %mul3A_970, %get3A_13 : vector<16xf32>
        %mul3A_972 = arith.mulf %get3A_5, %add3A_971 : vector<16xf32>
        %add3A_973 = arith.constant 0 : i32
        %add3A_974 = arith.addi %mul3A_124, %add3A_973 : i32
        %swap3A_975 = arith.index_cast %add3A_974 : i32 to index
        %swap3A_976 = arith.constant 32 : index
        %swap3A_977 = tpu.vector_load %arg11[%swap3A_975, %swap3A_976] {strides = array<i32>} : memref<160x64xf32, #tpu.memory_space<vmem>>, vector<16xf32>,
        tpu.vector_store %arg11[%swap3A_975, %swap3A_976], %mul3A_972 {strides = array<i32>} : memref<160x64xf32, #tpu.memory_space<vmem>>, vector<16xf32>,
        %add3A_978 = arith.constant 0 : i32
        %add3A_979 = arith.addi %mul3A_124, %add3A_978 : i32
        %get3A_980 = arith.index_cast %add3A_979 : i32 to index
        %get3A_981 = arith.constant 48 : index
        %get3A_982 = tpu.vector_load %arg9[%get3A_980, %get3A_981] {strides = array<i32>} : memref<160x128xf32, #tpu.memory_space<vmem>>, vector<16xf32>,
        %sub3A_983 = vector.broadcast %squeeze3A : f32 to vector<16xf32>
        %sub3A_984 = arith.subf %get3A_982, %sub3A_983 : vector<16xf32>
        %mul3A_985 = vector.broadcast %squeeze3A_930 : f32 to vector<16xf32>
        %mul3A_986 = arith.mulf %sub3A_984, %mul3A_985 : vector<16xf32>
        %add3A_987 = arith.addf %mul3A_986, %get3A_15 : vector<16xf32>
        %mul3A_988 = arith.mulf %get3A_7, %add3A_987 : vector<16xf32>
        %add3A_989 = arith.constant 0 : i32
        %add3A_990 = arith.addi %mul3A_124, %add3A_989 : i32
        %swap3A_991 = arith.index_cast %add3A_990 : i32 to index
        %swap3A_992 = arith.constant 48 : index
        %swap3A_993 = tpu.vector_load %arg11[%swap3A_991, %swap3A_992] {strides = array<i32>} : memref<160x64xf32, #tpu.memory_space<vmem>>, vector<16xf32>,
        tpu.vector_store %arg11[%swap3A_991, %swap3A_992], %mul3A_988 {strides = array<i32>} : memref<160x64xf32, #tpu.memory_space<vmem>>, vector<16xf32>,
        %slice3A_994 = vector.extract_strided_slice %mul3A_883 {offsets = [1], sizes = [1], strides = [1]} : vector<16xf32> to vector<1xf32>
        %squeeze3A_995 = vector.extract %slice3A_994[0] : f32 from vector<1xf32>
        %slice3A_996 = vector.extract_strided_slice %div3A_928 {offsets = [1], sizes = [1], strides = [1]} : vector<16xf32> to vector<1xf32>
        %squeeze3A_997 = vector.extract %slice3A_996[0] : f32 from vector<1xf32>
        %add3A_998 = arith.constant 1 : i32
        %add3A_999 = arith.addi %mul3A_124, %add3A_998 : i32
        %get3A_1000 = arith.index_cast %add3A_999 : i32 to index
        %get3A_1001 = arith.constant 0 : index
        %get3A_1002 = tpu.vector_load %arg9[%get3A_1000, %get3A_1001] {strides = array<i32>} : memref<160x128xf32, #tpu.memory_space<vmem>>, vector<16xf32>,
        %sub3A_1003 = vector.broadcast %squeeze3A_995 : f32 to vector<16xf32>
        %sub3A_1004 = arith.subf %get3A_1002, %sub3A_1003 : vector<16xf32>
        %mul3A_1005 = vector.broadcast %squeeze3A_997 : f32 to vector<16xf32>
        %mul3A_1006 = arith.mulf %sub3A_1004, %mul3A_1005 : vector<16xf32>
        %add3A_1007 = arith.addf %mul3A_1006, %get3A_9 : vector<16xf32>
        %mul3A_1008 = arith.mulf %get3A_1, %add3A_1007 : vector<16xf32>
        %add3A_1009 = arith.constant 1 : i32
        %add3A_1010 = arith.addi %mul3A_124, %add3A_1009 : i32
        %swap3A_1011 = arith.index_cast %add3A_1010 : i32 to index
        %swap3A_1012 = arith.constant 0 : index
        %swap3A_1013 = tpu.vector_load %arg11[%swap3A_1011, %swap3A_1012] {strides = array<i32>} : memref<160x64xf32, #tpu.memory_space<vmem>>, vector<16xf32>,
        tpu.vector_store %arg11[%swap3A_1011, %swap3A_1012], %mul3A_1008 {strides = array<i32>} : memref<160x64xf32, #tpu.memory_space<vmem>>, vector<16xf32>,
        %add3A_1014 = arith.constant 1 : i32
        %add3A_1015 = arith.addi %mul3A_124, %add3A_1014 : i32
        %get3A_1016 = arith.index_cast %add3A_1015 : i32 to index
        %get3A_1017 = arith.constant 16 : index
        %get3A_1018 = tpu.vector_load %arg9[%get3A_1016, %get3A_1017] {strides = array<i32>} : memref<160x128xf32, #tpu.memory_space<vmem>>, vector<16xf32>,
        %sub3A_1019 = vector.broadcast %squeeze3A_995 : f32 to vector<16xf32>
        %sub3A_1020 = arith.subf %get3A_1018, %sub3A_1019 : vector<16xf32>
        %mul3A_1021 = vector.broadcast %squeeze3A_997 : f32 to vector<16xf32>
        %mul3A_1022 = arith.mulf %sub3A_1020, %mul3A_1021 : vector<16xf32>
        %add3A_1023 = arith.addf %mul3A_1022, %get3A_11 : vector<16xf32>
        %mul3A_1024 = arith.mulf %get3A_3, %add3A_1023 : vector<16xf32>
        %add3A_1025 = arith.constant 1 : i32
        %add3A_1026 = arith.addi %mul3A_124, %add3A_1025 : i32
        %swap3A_1027 = arith.index_cast %add3A_1026 : i32 to index
        %swap3A_1028 = arith.constant 16 : index
        %swap3A_1029 = tpu.vector_load %arg11[%swap3A_1027, %swap3A_1028] {strides = array<i32>} : memref<160x64xf32, #tpu.memory_space<vmem>>, vector<16xf32>,
        tpu.vector_store %arg11[%swap3A_1027, %swap3A_1028], %mul3A_1024 {strides = array<i32>} : memref<160x64xf32, #tpu.memory_space<vmem>>, vector<16xf32>,
        %add3A_1030 = arith.constant 1 : i32
        %add3A_1031 = arith.addi %mul3A_124, %add3A_1030 : i32
        %get3A_1032 = arith.index_cast %add3A_1031 : i32 to index
        %get3A_1033 = arith.constant 32 : index
        %get3A_1034 = tpu.vector_load %arg9[%get3A_1032, %get3A_1033] {strides = array<i32>} : memref<160x128xf32, #tpu.memory_space<vmem>>, vector<16xf32>,
        %sub3A_1035 = vector.broadcast %squeeze3A_995 : f32 to vector<16xf32>
        %sub3A_1036 = arith.subf %get3A_1034, %sub3A_1035 : vector<16xf32>
        %mul3A_1037 = vector.broadcast %squeeze3A_997 : f32 to vector<16xf32>
        %mul3A_1038 = arith.mulf %sub3A_1036, %mul3A_1037 : vector<16xf32>
        %add3A_1039 = arith.addf %mul3A_1038, %get3A_13 : vector<16xf32>
        %mul3A_1040 = arith.mulf %get3A_5, %add3A_1039 : vector<16xf32>
        %add3A_1041 = arith.constant 1 : i32
        %add3A_1042 = arith.addi %mul3A_124, %add3A_1041 : i32
        %swap3A_1043 = arith.index_cast %add3A_1042 : i32 to index
        %swap3A_1044 = arith.constant 32 : index
        %swap3A_1045 = tpu.vector_load %arg11[%swap3A_1043, %swap3A_1044] {strides = array<i32>} : memref<160x64xf32, #tpu.memory_space<vmem>>, vector<16xf32>,
        tpu.vector_store %arg11[%swap3A_1043, %swap3A_1044], %mul3A_1040 {strides = array<i32>} : memref<160x64xf32, #tpu.memory_space<vmem>>, vector<16xf32>,
        %add3A_1046 = arith.constant 1 : i32
        %add3A_1047 = arith.addi %mul3A_124, %add3A_1046 : i32
        %get3A_1048 = arith.index_cast %add3A_1047 : i32 to index
        %get3A_1049 = arith.constant 48 : index
        %get3A_1050 = tpu.vector_load %arg9[%get3A_1048, %get3A_1049] {strides = array<i32>} : memref<160x128xf32, #tpu.memory_space<vmem>>, vector<16xf32>,
        %sub3A_1051 = vector.broadcast %squeeze3A_995 : f32 to vector<16xf32>
        %sub3A_1052 = arith.subf %get3A_1050, %sub3A_1051 : vector<16xf32>
        %mul3A_1053 = vector.broadcast %squeeze3A_997 : f32 to vector<16xf32>
        %mul3A_1054 = arith.mulf %sub3A_1052, %mul3A_1053 : vector<16xf32>
        %add3A_1055 = arith.addf %mul3A_1054, %get3A_15 : vector<16xf32>
        %mul3A_1056 = arith.mulf %get3A_7, %add3A_1055 : vector<16xf32>
        %add3A_1057 = arith.constant 1 : i32
        %add3A_1058 = arith.addi %mul3A_124, %add3A_1057 : i32
        %swap3A_1059 = arith.index_cast %add3A_1058 : i32 to index
        %swap3A_1060 = arith.constant 48 : index
        %swap3A_1061 = tpu.vector_load %arg11[%swap3A_1059, %swap3A_1060] {strides = array<i32>} : memref<160x64xf32, #tpu.memory_space<vmem>>, vector<16xf32>,
        tpu.vector_store %arg11[%swap3A_1059, %swap3A_1060], %mul3A_1056 {strides = array<i32>} : memref<160x64xf32, #tpu.memory_space<vmem>>, vector<16xf32>,
        %slice3A_1062 = vector.extract_strided_slice %mul3A_883 {offsets = [2], sizes = [1], strides = [1]} : vector<16xf32> to vector<1xf32>
        %squeeze3A_1063 = vector.extract %slice3A_1062[0] : f32 from vector<1xf32>
        %slice3A_1064 = vector.extract_strided_slice %div3A_928 {offsets = [2], sizes = [1], strides = [1]} : vector<16xf32> to vector<1xf32>
        %squeeze3A_1065 = vector.extract %slice3A_1064[0] : f32 from vector<1xf32>
        %add3A_1066 = arith.constant 2 : i32
        %add3A_1067 = arith.addi %mul3A_124, %add3A_1066 : i32
        %get3A_1068 = arith.index_cast %add3A_1067 : i32 to index
        %get3A_1069 = arith.constant 0 : index
        %get3A_1070 = tpu.vector_load %arg9[%get3A_1068, %get3A_1069] {strides = array<i32>} : memref<160x128xf32, #tpu.memory_space<vmem>>, vector<16xf32>,
        %sub3A_1071 = vector.broadcast %squeeze3A_1063 : f32 to vector<16xf32>
        %sub3A_1072 = arith.subf %get3A_1070, %sub3A_1071 : vector<16xf32>
        %mul3A_1073 = vector.broadcast %squeeze3A_1065 : f32 to vector<16xf32>
        %mul3A_1074 = arith.mulf %sub3A_1072, %mul3A_1073 : vector<16xf32>
        %add3A_1075 = arith.addf %mul3A_1074, %get3A_9 : vector<16xf32>
        %mul3A_1076 = arith.mulf %get3A_1, %add3A_1075 : vector<16xf32>
        %add3A_1077 = arith.constant 2 : i32
        %add3A_1078 = arith.addi %mul3A_124, %add3A_1077 : i32
        %swap3A_1079 = arith.index_cast %add3A_1078 : i32 to index
        %swap3A_1080 = arith.constant 0 : index
        %swap3A_1081 = tpu.vector_load %arg11[%swap3A_1079, %swap3A_1080] {strides = array<i32>} : memref<160x64xf32, #tpu.memory_space<vmem>>, vector<16xf32>,
        tpu.vector_store %arg11[%swap3A_1079, %swap3A_1080], %mul3A_1076 {strides = array<i32>} : memref<160x64xf32, #tpu.memory_space<vmem>>, vector<16xf32>,
        %add3A_1082 = arith.constant 2 : i32
        %add3A_1083 = arith.addi %mul3A_124, %add3A_1082 : i32
        %get3A_1084 = arith.index_cast %add3A_1083 : i32 to index
        %get3A_1085 = arith.constant 16 : index
        %get3A_1086 = tpu.vector_load %arg9[%get3A_1084, %get3A_1085] {strides = array<i32>} : memref<160x128xf32, #tpu.memory_space<vmem>>, vector<16xf32>,
        %sub3A_1087 = vector.broadcast %squeeze3A_1063 : f32 to vector<16xf32>
        %sub3A_1088 = arith.subf %get3A_1086, %sub3A_1087 : vector<16xf32>
        %mul3A_1089 = vector.broadcast %squeeze3A_1065 : f32 to vector<16xf32>
        %mul3A_1090 = arith.mulf %sub3A_1088, %mul3A_1089 : vector<16xf32>
        %add3A_1091 = arith.addf %mul3A_1090, %get3A_11 : vector<16xf32>
        %mul3A_1092 = arith.mulf %get3A_3, %add3A_1091 : vector<16xf32>
        %add3A_1093 = arith.constant 2 : i32
        %add3A_1094 = arith.addi %mul3A_124, %add3A_1093 : i32
        %swap3A_1095 = arith.index_cast %add3A_1094 : i32 to index
        %swap3A_1096 = arith.constant 16 : index
        %swap3A_1097 = tpu.vector_load %arg11[%swap3A_1095, %swap3A_1096] {strides = array<i32>} : memref<160x64xf32, #tpu.memory_space<vmem>>, vector<16xf32>,
        tpu.vector_store %arg11[%swap3A_1095, %swap3A_1096], %mul3A_1092 {strides = array<i32>} : memref<160x64xf32, #tpu.memory_space<vmem>>, vector<16xf32>,
        %add3A_1098 = arith.constant 2 : i32
        %add3A_1099 = arith.addi %mul3A_124, %add3A_1098 : i32
        %get3A_1100 = arith.index_cast %add3A_1099 : i32 to index
        %get3A_1101 = arith.constant 32 : index
        %get3A_1102 = tpu.vector_load %arg9[%get3A_1100, %get3A_1101] {strides = array<i32>} : memref<160x128xf32, #tpu.memory_space<vmem>>, vector<16xf32>,
        %sub3A_1103 = vector.broadcast %squeeze3A_1063 : f32 to vector<16xf32>
        %sub3A_1104 = arith.subf %get3A_1102, %sub3A_1103 : vector<16xf32>
        %mul3A_1105 = vector.broadcast %squeeze3A_1065 : f32 to vector<16xf32>
        %mul3A_1106 = arith.mulf %sub3A_1104, %mul3A_1105 : vector<16xf32>
        %add3A_1107 = arith.addf %mul3A_1106, %get3A_13 : vector<16xf32>
        %mul3A_1108 = arith.mulf %get3A_5, %add3A_1107 : vector<16xf32>
        %add3A_1109 = arith.constant 2 : i32
        %add3A_1110 = arith.addi %mul3A_124, %add3A_1109 : i32
        %swap3A_1111 = arith.index_cast %add3A_1110 : i32 to index
        %swap3A_1112 = arith.constant 32 : index
        %swap3A_1113 = tpu.vector_load %arg11[%swap3A_1111, %swap3A_1112] {strides = array<i32>} : memref<160x64xf32, #tpu.memory_space<vmem>>, vector<16xf32>,
        tpu.vector_store %arg11[%swap3A_1111, %swap3A_1112], %mul3A_1108 {strides = array<i32>} : memref<160x64xf32, #tpu.memory_space<vmem>>, vector<16xf32>,
        %add3A_1114 = arith.constant 2 : i32
        %add3A_1115 = arith.addi %mul3A_124, %add3A_1114 : i32
        %get3A_1116 = arith.index_cast %add3A_1115 : i32 to index
        %get3A_1117 = arith.constant 48 : index
        %get3A_1118 = tpu.vector_load %arg9[%get3A_1116, %get3A_1117] {strides = array<i32>} : memref<160x128xf32, #tpu.memory_space<vmem>>, vector<16xf32>,
        %sub3A_1119 = vector.broadcast %squeeze3A_1063 : f32 to vector<16xf32>
        %sub3A_1120 = arith.subf %get3A_1118, %sub3A_1119 : vector<16xf32>
        %mul3A_1121 = vector.broadcast %squeeze3A_1065 : f32 to vector<16xf32>
        %mul3A_1122 = arith.mulf %sub3A_1120, %mul3A_1121 : vector<16xf32>
        %add3A_1123 = arith.addf %mul3A_1122, %get3A_15 : vector<16xf32>
        %mul3A_1124 = arith.mulf %get3A_7, %add3A_1123 : vector<16xf32>
        %add3A_1125 = arith.constant 2 : i32
        %add3A_1126 = arith.addi %mul3A_124, %add3A_1125 : i32
        %swap3A_1127 = arith.index_cast %add3A_1126 : i32 to index
        %swap3A_1128 = arith.constant 48 : index
        %swap3A_1129 = tpu.vector_load %arg11[%swap3A_1127, %swap3A_1128] {strides = array<i32>} : memref<160x64xf32, #tpu.memory_space<vmem>>, vector<16xf32>,
        tpu.vector_store %arg11[%swap3A_1127, %swap3A_1128], %mul3A_1124 {strides = array<i32>} : memref<160x64xf32, #tpu.memory_space<vmem>>, vector<16xf32>,
        %slice3A_1130 = vector.extract_strided_slice %mul3A_883 {offsets = [3], sizes = [1], strides = [1]} : vector<16xf32> to vector<1xf32>
        %squeeze3A_1131 = vector.extract %slice3A_1130[0] : f32 from vector<1xf32>
        %slice3A_1132 = vector.extract_strided_slice %div3A_928 {offsets = [3], sizes = [1], strides = [1]} : vector<16xf32> to vector<1xf32>
        %squeeze3A_1133 = vector.extract %slice3A_1132[0] : f32 from vector<1xf32>
        %add3A_1134 = arith.constant 3 : i32
        %add3A_1135 = arith.addi %mul3A_124, %add3A_1134 : i32
        %get3A_1136 = arith.index_cast %add3A_1135 : i32 to index
        %get3A_1137 = arith.constant 0 : index
        %get3A_1138 = tpu.vector_load %arg9[%get3A_1136, %get3A_1137] {strides = array<i32>} : memref<160x128xf32, #tpu.memory_space<vmem>>, vector<16xf32>,
        %sub3A_1139 = vector.broadcast %squeeze3A_1131 : f32 to vector<16xf32>
        %sub3A_1140 = arith.subf %get3A_1138, %sub3A_1139 : vector<16xf32>
        %mul3A_1141 = vector.broadcast %squeeze3A_1133 : f32 to vector<16xf32>
        %mul3A_1142 = arith.mulf %sub3A_1140, %mul3A_1141 : vector<16xf32>
        %add3A_1143 = arith.addf %mul3A_1142, %get3A_9 : vector<16xf32>
        %mul3A_1144 = arith.mulf %get3A_1, %add3A_1143 : vector<16xf32>
        %add3A_1145 = arith.constant 3 : i32
        %add3A_1146 = arith.addi %mul3A_124, %add3A_1145 : i32
        %swap3A_1147 = arith.index_cast %add3A_1146 : i32 to index
        %swap3A_1148 = arith.constant 0 : index
        %swap3A_1149 = tpu.vector_load %arg11[%swap3A_1147, %swap3A_1148] {strides = array<i32>} : memref<160x64xf32, #tpu.memory_space<vmem>>, vector<16xf32>,
        tpu.vector_store %arg11[%swap3A_1147, %swap3A_1148], %mul3A_1144 {strides = array<i32>} : memref<160x64xf32, #tpu.memory_space<vmem>>, vector<16xf32>,
        %add3A_1150 = arith.constant 3 : i32
        %add3A_1151 = arith.addi %mul3A_124, %add3A_1150 : i32
        %get3A_1152 = arith.index_cast %add3A_1151 : i32 to index
        %get3A_1153 = arith.constant 16 : index
        %get3A_1154 = tpu.vector_load %arg9[%get3A_1152, %get3A_1153] {strides = array<i32>} : memref<160x128xf32, #tpu.memory_space<vmem>>, vector<16xf32>,
        %sub3A_1155 = vector.broadcast %squeeze3A_1131 : f32 to vector<16xf32>
        %sub3A_1156 = arith.subf %get3A_1154, %sub3A_1155 : vector<16xf32>
        %mul3A_1157 = vector.broadcast %squeeze3A_1133 : f32 to vector<16xf32>
        %mul3A_1158 = arith.mulf %sub3A_1156, %mul3A_1157 : vector<16xf32>
        %add3A_1159 = arith.addf %mul3A_1158, %get3A_11 : vector<16xf32>
        %mul3A_1160 = arith.mulf %get3A_3, %add3A_1159 : vector<16xf32>
        %add3A_1161 = arith.constant 3 : i32
        %add3A_1162 = arith.addi %mul3A_124, %add3A_1161 : i32
        %swap3A_1163 = arith.index_cast %add3A_1162 : i32 to index
        %swap3A_1164 = arith.constant 16 : index
        %swap3A_1165 = tpu.vector_load %arg11[%swap3A_1163, %swap3A_1164] {strides = array<i32>} : memref<160x64xf32, #tpu.memory_space<vmem>>, vector<16xf32>,
        tpu.vector_store %arg11[%swap3A_1163, %swap3A_1164], %mul3A_1160 {strides = array<i32>} : memref<160x64xf32, #tpu.memory_space<vmem>>, vector<16xf32>,
        %add3A_1166 = arith.constant 3 : i32
        %add3A_1167 = arith.addi %mul3A_124, %add3A_1166 : i32
        %get3A_1168 = arith.index_cast %add3A_1167 : i32 to index
        %get3A_1169 = arith.constant 32 : index
        %get3A_1170 = tpu.vector_load %arg9[%get3A_1168, %get3A_1169] {strides = array<i32>} : memref<160x128xf32, #tpu.memory_space<vmem>>, vector<16xf32>,
        %sub3A_1171 = vector.broadcast %squeeze3A_1131 : f32 to vector<16xf32>
        %sub3A_1172 = arith.subf %get3A_1170, %sub3A_1171 : vector<16xf32>
        %mul3A_1173 = vector.broadcast %squeeze3A_1133 : f32 to vector<16xf32>
        %mul3A_1174 = arith.mulf %sub3A_1172, %mul3A_1173 : vector<16xf32>
        %add3A_1175 = arith.addf %mul3A_1174, %get3A_13 : vector<16xf32>
        %mul3A_1176 = arith.mulf %get3A_5, %add3A_1175 : vector<16xf32>
        %add3A_1177 = arith.constant 3 : i32
        %add3A_1178 = arith.addi %mul3A_124, %add3A_1177 : i32
        %swap3A_1179 = arith.index_cast %add3A_1178 : i32 to index
        %swap3A_1180 = arith.constant 32 : index
        %swap3A_1181 = tpu.vector_load %arg11[%swap3A_1179, %swap3A_1180] {strides = array<i32>} : memref<160x64xf32, #tpu.memory_space<vmem>>, vector<16xf32>,
        tpu.vector_store %arg11[%swap3A_1179, %swap3A_1180], %mul3A_1176 {strides = array<i32>} : memref<160x64xf32, #tpu.memory_space<vmem>>, vector<16xf32>,
        %add3A_1182 = arith.constant 3 : i32
        %add3A_1183 = arith.addi %mul3A_124, %add3A_1182 : i32
        %get3A_1184 = arith.index_cast %add3A_1183 : i32 to index
        %get3A_1185 = arith.constant 48 : index
        %get3A_1186 = tpu.vector_load %arg9[%get3A_1184, %get3A_1185] {strides = array<i32>} : memref<160x128xf32, #tpu.memory_space<vmem>>, vector<16xf32>,
        %sub3A_1187 = vector.broadcast %squeeze3A_1131 : f32 to vector<16xf32>
        %sub3A_1188 = arith.subf %get3A_1186, %sub3A_1187 : vector<16xf32>
        %mul3A_1189 = vector.broadcast %squeeze3A_1133 : f32 to vector<16xf32>
        %mul3A_1190 = arith.mulf %sub3A_1188, %mul3A_1189 : vector<16xf32>
        %add3A_1191 = arith.addf %mul3A_1190, %get3A_15 : vector<16xf32>
        %mul3A_1192 = arith.mulf %get3A_7, %add3A_1191 : vector<16xf32>
        %add3A_1193 = arith.constant 3 : i32
        %add3A_1194 = arith.addi %mul3A_124, %add3A_1193 : i32
        %swap3A_1195 = arith.index_cast %add3A_1194 : i32 to index
        %swap3A_1196 = arith.constant 48 : index
        %swap3A_1197 = tpu.vector_load %arg11[%swap3A_1195, %swap3A_1196] {strides = array<i32>} : memref<160x64xf32, #tpu.memory_space<vmem>>, vector<16xf32>,
        tpu.vector_store %arg11[%swap3A_1195, %swap3A_1196], %mul3A_1192 {strides = array<i32>} : memref<160x64xf32, #tpu.memory_space<vmem>>, vector<16xf32>,
        %slice3A_1198 = vector.extract_strided_slice %mul3A_883 {offsets = [4], sizes = [1], strides = [1]} : vector<16xf32> to vector<1xf32>
        %squeeze3A_1199 = vector.extract %slice3A_1198[0] : f32 from vector<1xf32>
        %slice3A_1200 = vector.extract_strided_slice %div3A_928 {offsets = [4], sizes = [1], strides = [1]} : vector<16xf32> to vector<1xf32>
        %squeeze3A_1201 = vector.extract %slice3A_1200[0] : f32 from vector<1xf32>
        %add3A_1202 = arith.constant 4 : i32
        %add3A_1203 = arith.addi %mul3A_124, %add3A_1202 : i32
        %get3A_1204 = arith.index_cast %add3A_1203 : i32 to index
        %get3A_1205 = arith.constant 0 : index
        %get3A_1206 = tpu.vector_load %arg9[%get3A_1204, %get3A_1205] {strides = array<i32>} : memref<160x128xf32, #tpu.memory_space<vmem>>, vector<16xf32>,
        %sub3A_1207 = vector.broadcast %squeeze3A_1199 : f32 to vector<16xf32>
        %sub3A_1208 = arith.subf %get3A_1206, %sub3A_1207 : vector<16xf32>
        %mul3A_1209 = vector.broadcast %squeeze3A_1201 : f32 to vector<16xf32>
        %mul3A_1210 = arith.mulf %sub3A_1208, %mul3A_1209 : vector<16xf32>
        %add3A_1211 = arith.addf %mul3A_1210, %get3A_9 : vector<16xf32>
        %mul3A_1212 = arith.mulf %get3A_1, %add3A_1211 : vector<16xf32>
        %add3A_1213 = arith.constant 4 : i32
        %add3A_1214 = arith.addi %mul3A_124, %add3A_1213 : i32
        %swap3A_1215 = arith.index_cast %add3A_1214 : i32 to index
        %swap3A_1216 = arith.constant 0 : index
        %swap3A_1217 = tpu.vector_load %arg11[%swap3A_1215, %swap3A_1216] {strides = array<i32>} : memref<160x64xf32, #tpu.memory_space<vmem>>, vector<16xf32>,
        tpu.vector_store %arg11[%swap3A_1215, %swap3A_1216], %mul3A_1212 {strides = array<i32>} : memref<160x64xf32, #tpu.memory_space<vmem>>, vector<16xf32>,
        %add3A_1218 = arith.constant 4 : i32
        %add3A_1219 = arith.addi %mul3A_124, %add3A_1218 : i32
        %get3A_1220 = arith.index_cast %add3A_1219 : i32 to index
        %get3A_1221 = arith.constant 16 : index
        %get3A_1222 = tpu.vector_load %arg9[%get3A_1220, %get3A_1221] {strides = array<i32>} : memref<160x128xf32, #tpu.memory_space<vmem>>, vector<16xf32>,
        %sub3A_1223 = vector.broadcast %squeeze3A_1199 : f32 to vector<16xf32>
        %sub3A_1224 = arith.subf %get3A_1222, %sub3A_1223 : vector<16xf32>
        %mul3A_1225 = vector.broadcast %squeeze3A_1201 : f32 to vector<16xf32>
        %mul3A_1226 = arith.mulf %sub3A_1224, %mul3A_1225 : vector<16xf32>
        %add3A_1227 = arith.addf %mul3A_1226, %get3A_11 : vector<16xf32>
        %mul3A_1228 = arith.mulf %get3A_3, %add3A_1227 : vector<16xf32>
        %add3A_1229 = arith.constant 4 : i32
        %add3A_1230 = arith.addi %mul3A_124, %add3A_1229 : i32
        %swap3A_1231 = arith.index_cast %add3A_1230 : i32 to index
        %swap3A_1232 = arith.constant 16 : index
        %swap3A_1233 = tpu.vector_load %arg11[%swap3A_1231, %swap3A_1232] {strides = array<i32>} : memref<160x64xf32, #tpu.memory_space<vmem>>, vector<16xf32>,
        tpu.vector_store %arg11[%swap3A_1231, %swap3A_1232], %mul3A_1228 {strides = array<i32>} : memref<160x64xf32, #tpu.memory_space<vmem>>, vector<16xf32>,
        %add3A_1234 = arith.constant 4 : i32
        %add3A_1235 = arith.addi %mul3A_124, %add3A_1234 : i32
        %get3A_1236 = arith.index_cast %add3A_1235 : i32 to index
        %get3A_1237 = arith.constant 32 : index
        %get3A_1238 = tpu.vector_load %arg9[%get3A_1236, %get3A_1237] {strides = array<i32>} : memref<160x128xf32, #tpu.memory_space<vmem>>, vector<16xf32>,
        %sub3A_1239 = vector.broadcast %squeeze3A_1199 : f32 to vector<16xf32>
        %sub3A_1240 = arith.subf %get3A_1238, %sub3A_1239 : vector<16xf32>
        %mul3A_1241 = vector.broadcast %squeeze3A_1201 : f32 to vector<16xf32>
        %mul3A_1242 = arith.mulf %sub3A_1240, %mul3A_1241 : vector<16xf32>
        %add3A_1243 = arith.addf %mul3A_1242, %get3A_13 : vector<16xf32>
        %mul3A_1244 = arith.mulf %get3A_5, %add3A_1243 : vector<16xf32>
        %add3A_1245 = arith.constant 4 : i32
        %add3A_1246 = arith.addi %mul3A_124, %add3A_1245 : i32
        %swap3A_1247 = arith.index_cast %add3A_1246 : i32 to index
        %swap3A_1248 = arith.constant 32 : index
        %swap3A_1249 = tpu.vector_load %arg11[%swap3A_1247, %swap3A_1248] {strides = array<i32>} : memref<160x64xf32, #tpu.memory_space<vmem>>, vector<16xf32>,
        tpu.vector_store %arg11[%swap3A_1247, %swap3A_1248], %mul3A_1244 {strides = array<i32>} : memref<160x64xf32, #tpu.memory_space<vmem>>, vector<16xf32>,
        %add3A_1250 = arith.constant 4 : i32
        %add3A_1251 = arith.addi %mul3A_124, %add3A_1250 : i32
        %get3A_1252 = arith.index_cast %add3A_1251 : i32 to index
        %get3A_1253 = arith.constant 48 : index
        %get3A_1254 = tpu.vector_load %arg9[%get3A_1252, %get3A_1253] {strides = array<i32>} : memref<160x128xf32, #tpu.memory_space<vmem>>, vector<16xf32>,
        %sub3A_1255 = vector.broadcast %squeeze3A_1199 : f32 to vector<16xf32>
        %sub3A_1256 = arith.subf %get3A_1254, %sub3A_1255 : vector<16xf32>
        %mul3A_1257 = vector.broadcast %squeeze3A_1201 : f32 to vector<16xf32>
        %mul3A_1258 = arith.mulf %sub3A_1256, %mul3A_1257 : vector<16xf32>
        %add3A_1259 = arith.addf %mul3A_1258, %get3A_15 : vector<16xf32>
        %mul3A_1260 = arith.mulf %get3A_7, %add3A_1259 : vector<16xf32>
        %add3A_1261 = arith.constant 4 : i32
        %add3A_1262 = arith.addi %mul3A_124, %add3A_1261 : i32
        %swap3A_1263 = arith.index_cast %add3A_1262 : i32 to index
        %swap3A_1264 = arith.constant 48 : index
        %swap3A_1265 = tpu.vector_load %arg11[%swap3A_1263, %swap3A_1264] {strides = array<i32>} : memref<160x64xf32, #tpu.memory_space<vmem>>, vector<16xf32>,
        tpu.vector_store %arg11[%swap3A_1263, %swap3A_1264], %mul3A_1260 {strides = array<i32>} : memref<160x64xf32, #tpu.memory_space<vmem>>, vector<16xf32>,
        %slice3A_1266 = vector.extract_strided_slice %mul3A_883 {offsets = [5], sizes = [1], strides = [1]} : vector<16xf32> to vector<1xf32>
        %squeeze3A_1267 = vector.extract %slice3A_1266[0] : f32 from vector<1xf32>
        %slice3A_1268 = vector.extract_strided_slice %div3A_928 {offsets = [5], sizes = [1], strides = [1]} : vector<16xf32> to vector<1xf32>
        %squeeze3A_1269 = vector.extract %slice3A_1268[0] : f32 from vector<1xf32>
        %add3A_1270 = arith.constant 5 : i32
        %add3A_1271 = arith.addi %mul3A_124, %add3A_1270 : i32
        %get3A_1272 = arith.index_cast %add3A_1271 : i32 to index
        %get3A_1273 = arith.constant 0 : index
        %get3A_1274 = tpu.vector_load %arg9[%get3A_1272, %get3A_1273] {strides = array<i32>} : memref<160x128xf32, #tpu.memory_space<vmem>>, vector<16xf32>,
        %sub3A_1275 = vector.broadcast %squeeze3A_1267 : f32 to vector<16xf32>
        %sub3A_1276 = arith.subf %get3A_1274, %sub3A_1275 : vector<16xf32>
        %mul3A_1277 = vector.broadcast %squeeze3A_1269 : f32 to vector<16xf32>
        %mul3A_1278 = arith.mulf %sub3A_1276, %mul3A_1277 : vector<16xf32>
        %add3A_1279 = arith.addf %mul3A_1278, %get3A_9 : vector<16xf32>
        %mul3A_1280 = arith.mulf %get3A_1, %add3A_1279 : vector<16xf32>
        %add3A_1281 = arith.constant 5 : i32
        %add3A_1282 = arith.addi %mul3A_124, %add3A_1281 : i32
        %swap3A_1283 = arith.index_cast %add3A_1282 : i32 to index
        %swap3A_1284 = arith.constant 0 : index
        %swap3A_1285 = tpu.vector_load %arg11[%swap3A_1283, %swap3A_1284] {strides = array<i32>} : memref<160x64xf32, #tpu.memory_space<vmem>>, vector<16xf32>,
        tpu.vector_store %arg11[%swap3A_1283, %swap3A_1284], %mul3A_1280 {strides = array<i32>} : memref<160x64xf32, #tpu.memory_space<vmem>>, vector<16xf32>,
        %add3A_1286 = arith.constant 5 : i32
        %add3A_1287 = arith.addi %mul3A_124, %add3A_1286 : i32
        %get3A_1288 = arith.index_cast %add3A_1287 : i32 to index
        %get3A_1289 = arith.constant 16 : index
        %get3A_1290 = tpu.vector_load %arg9[%get3A_1288, %get3A_1289] {strides = array<i32>} : memref<160x128xf32, #tpu.memory_space<vmem>>, vector<16xf32>,
        %sub3A_1291 = vector.broadcast %squeeze3A_1267 : f32 to vector<16xf32>
        %sub3A_1292 = arith.subf %get3A_1290, %sub3A_1291 : vector<16xf32>
        %mul3A_1293 = vector.broadcast %squeeze3A_1269 : f32 to vector<16xf32>
        %mul3A_1294 = arith.mulf %sub3A_1292, %mul3A_1293 : vector<16xf32>
        %add3A_1295 = arith.addf %mul3A_1294, %get3A_11 : vector<16xf32>
        %mul3A_1296 = arith.mulf %get3A_3, %add3A_1295 : vector<16xf32>
        %add3A_1297 = arith.constant 5 : i32
        %add3A_1298 = arith.addi %mul3A_124, %add3A_1297 : i32
        %swap3A_1299 = arith.index_cast %add3A_1298 : i32 to index
        %swap3A_1300 = arith.constant 16 : index
        %swap3A_1301 = tpu.vector_load %arg11[%swap3A_1299, %swap3A_1300] {strides = array<i32>} : memref<160x64xf32, #tpu.memory_space<vmem>>, vector<16xf32>,
        tpu.vector_store %arg11[%swap3A_1299, %swap3A_1300], %mul3A_1296 {strides = array<i32>} : memref<160x64xf32, #tpu.memory_space<vmem>>, vector<16xf32>,
        %add3A_1302 = arith.constant 5 : i32
        %add3A_1303 = arith.addi %mul3A_124, %add3A_1302 : i32
        %get3A_1304 = arith.index_cast %add3A_1303 : i32 to index
        %get3A_1305 = arith.constant 32 : index
        %get3A_1306 = tpu.vector_load %arg9[%get3A_1304, %get3A_1305] {strides = array<i32>} : memref<160x128xf32, #tpu.memory_space<vmem>>, vector<16xf32>,
        %sub3A_1307 = vector.broadcast %squeeze3A_1267 : f32 to vector<16xf32>
        %sub3A_1308 = arith.subf %get3A_1306, %sub3A_1307 : vector<16xf32>
        %mul3A_1309 = vector.broadcast %squeeze3A_1269 : f32 to vector<16xf32>
        %mul3A_1310 = arith.mulf %sub3A_1308, %mul3A_1309 : vector<16xf32>
        %add3A_1311 = arith.addf %mul3A_1310, %get3A_13 : vector<16xf32>
        %mul3A_1312 = arith.mulf %get3A_5, %add3A_1311 : vector<16xf32>
        %add3A_1313 = arith.constant 5 : i32
        %add3A_1314 = arith.addi %mul3A_124, %add3A_1313 : i32
        %swap3A_1315 = arith.index_cast %add3A_1314 : i32 to index
        %swap3A_1316 = arith.constant 32 : index
        %swap3A_1317 = tpu.vector_load %arg11[%swap3A_1315, %swap3A_1316] {strides = array<i32>} : memref<160x64xf32, #tpu.memory_space<vmem>>, vector<16xf32>,
        tpu.vector_store %arg11[%swap3A_1315, %swap3A_1316], %mul3A_1312 {strides = array<i32>} : memref<160x64xf32, #tpu.memory_space<vmem>>, vector<16xf32>,
        %add3A_1318 = arith.constant 5 : i32
        %add3A_1319 = arith.addi %mul3A_124, %add3A_1318 : i32
        %get3A_1320 = arith.index_cast %add3A_1319 : i32 to index
        %get3A_1321 = arith.constant 48 : index
        %get3A_1322 = tpu.vector_load %arg9[%get3A_1320, %get3A_1321] {strides = array<i32>} : memref<160x128xf32, #tpu.memory_space<vmem>>, vector<16xf32>,
        %sub3A_1323 = vector.broadcast %squeeze3A_1267 : f32 to vector<16xf32>
        %sub3A_1324 = arith.subf %get3A_1322, %sub3A_1323 : vector<16xf32>
        %mul3A_1325 = vector.broadcast %squeeze3A_1269 : f32 to vector<16xf32>
        %mul3A_1326 = arith.mulf %sub3A_1324, %mul3A_1325 : vector<16xf32>
        %add3A_1327 = arith.addf %mul3A_1326, %get3A_15 : vector<16xf32>
        %mul3A_1328 = arith.mulf %get3A_7, %add3A_1327 : vector<16xf32>
        %add3A_1329 = arith.constant 5 : i32
        %add3A_1330 = arith.addi %mul3A_124, %add3A_1329 : i32
        %swap3A_1331 = arith.index_cast %add3A_1330 : i32 to index
        %swap3A_1332 = arith.constant 48 : index
        %swap3A_1333 = tpu.vector_load %arg11[%swap3A_1331, %swap3A_1332] {strides = array<i32>} : memref<160x64xf32, #tpu.memory_space<vmem>>, vector<16xf32>,
        tpu.vector_store %arg11[%swap3A_1331, %swap3A_1332], %mul3A_1328 {strides = array<i32>} : memref<160x64xf32, #tpu.memory_space<vmem>>, vector<16xf32>,
        %slice3A_1334 = vector.extract_strided_slice %mul3A_883 {offsets = [6], sizes = [1], strides = [1]} : vector<16xf32> to vector<1xf32>
        %squeeze3A_1335 = vector.extract %slice3A_1334[0] : f32 from vector<1xf32>
        %slice3A_1336 = vector.extract_strided_slice %div3A_928 {offsets = [6], sizes = [1], strides = [1]} : vector<16xf32> to vector<1xf32>
        %squeeze3A_1337 = vector.extract %slice3A_1336[0] : f32 from vector<1xf32>
        %add3A_1338 = arith.constant 6 : i32
        %add3A_1339 = arith.addi %mul3A_124, %add3A_1338 : i32
        %get3A_1340 = arith.index_cast %add3A_1339 : i32 to index
        %get3A_1341 = arith.constant 0 : index
        %get3A_1342 = tpu.vector_load %arg9[%get3A_1340, %get3A_1341] {strides = array<i32>} : memref<160x128xf32, #tpu.memory_space<vmem>>, vector<16xf32>,
        %sub3A_1343 = vector.broadcast %squeeze3A_1335 : f32 to vector<16xf32>
        %sub3A_1344 = arith.subf %get3A_1342, %sub3A_1343 : vector<16xf32>
        %mul3A_1345 = vector.broadcast %squeeze3A_1337 : f32 to vector<16xf32>
        %mul3A_1346 = arith.mulf %sub3A_1344, %mul3A_1345 : vector<16xf32>
        %add3A_1347 = arith.addf %mul3A_1346, %get3A_9 : vector<16xf32>
        %mul3A_1348 = arith.mulf %get3A_1, %add3A_1347 : vector<16xf32>
        %add3A_1349 = arith.constant 6 : i32
        %add3A_1350 = arith.addi %mul3A_124, %add3A_1349 : i32
        %swap3A_1351 = arith.index_cast %add3A_1350 : i32 to index
        %swap3A_1352 = arith.constant 0 : index
        %swap3A_1353 = tpu.vector_load %arg11[%swap3A_1351, %swap3A_1352] {strides = array<i32>} : memref<160x64xf32, #tpu.memory_space<vmem>>, vector<16xf32>,
        tpu.vector_store %arg11[%swap3A_1351, %swap3A_1352], %mul3A_1348 {strides = array<i32>} : memref<160x64xf32, #tpu.memory_space<vmem>>, vector<16xf32>,
        %add3A_1354 = arith.constant 6 : i32
        %add3A_1355 = arith.addi %mul3A_124, %add3A_1354 : i32
        %get3A_1356 = arith.index_cast %add3A_1355 : i32 to index
        %get3A_1357 = arith.constant 16 : index
        %get3A_1358 = tpu.vector_load %arg9[%get3A_1356, %get3A_1357] {strides = array<i32>} : memref<160x128xf32, #tpu.memory_space<vmem>>, vector<16xf32>,
        %sub3A_1359 = vector.broadcast %squeeze3A_1335 : f32 to vector<16xf32>
        %sub3A_1360 = arith.subf %get3A_1358, %sub3A_1359 : vector<16xf32>
        %mul3A_1361 = vector.broadcast %squeeze3A_1337 : f32 to vector<16xf32>
        %mul3A_1362 = arith.mulf %sub3A_1360, %mul3A_1361 : vector<16xf32>
        %add3A_1363 = arith.addf %mul3A_1362, %get3A_11 : vector<16xf32>
        %mul3A_1364 = arith.mulf %get3A_3, %add3A_1363 : vector<16xf32>
        %add3A_1365 = arith.constant 6 : i32
        %add3A_1366 = arith.addi %mul3A_124, %add3A_1365 : i32
        %swap3A_1367 = arith.index_cast %add3A_1366 : i32 to index
        %swap3A_1368 = arith.constant 16 : index
        %swap3A_1369 = tpu.vector_load %arg11[%swap3A_1367, %swap3A_1368] {strides = array<i32>} : memref<160x64xf32, #tpu.memory_space<vmem>>, vector<16xf32>,
        tpu.vector_store %arg11[%swap3A_1367, %swap3A_1368], %mul3A_1364 {strides = array<i32>} : memref<160x64xf32, #tpu.memory_space<vmem>>, vector<16xf32>,
        %add3A_1370 = arith.constant 6 : i32
        %add3A_1371 = arith.addi %mul3A_124, %add3A_1370 : i32
        %get3A_1372 = arith.index_cast %add3A_1371 : i32 to index
        %get3A_1373 = arith.constant 32 : index
        %get3A_1374 = tpu.vector_load %arg9[%get3A_1372, %get3A_1373] {strides = array<i32>} : memref<160x128xf32, #tpu.memory_space<vmem>>, vector<16xf32>,
        %sub3A_1375 = vector.broadcast %squeeze3A_1335 : f32 to vector<16xf32>
        %sub3A_1376 = arith.subf %get3A_1374, %sub3A_1375 : vector<16xf32>
        %mul3A_1377 = vector.broadcast %squeeze3A_1337 : f32 to vector<16xf32>
        %mul3A_1378 = arith.mulf %sub3A_1376, %mul3A_1377 : vector<16xf32>
        %add3A_1379 = arith.addf %mul3A_1378, %get3A_13 : vector<16xf32>
        %mul3A_1380 = arith.mulf %get3A_5, %add3A_1379 : vector<16xf32>
        %add3A_1381 = arith.constant 6 : i32
        %add3A_1382 = arith.addi %mul3A_124, %add3A_1381 : i32
        %swap3A_1383 = arith.index_cast %add3A_1382 : i32 to index
        %swap3A_1384 = arith.constant 32 : index
        %swap3A_1385 = tpu.vector_load %arg11[%swap3A_1383, %swap3A_1384] {strides = array<i32>} : memref<160x64xf32, #tpu.memory_space<vmem>>, vector<16xf32>,
        tpu.vector_store %arg11[%swap3A_1383, %swap3A_1384], %mul3A_1380 {strides = array<i32>} : memref<160x64xf32, #tpu.memory_space<vmem>>, vector<16xf32>,
        %add3A_1386 = arith.constant 6 : i32
        %add3A_1387 = arith.addi %mul3A_124, %add3A_1386 : i32
        %get3A_1388 = arith.index_cast %add3A_1387 : i32 to index
        %get3A_1389 = arith.constant 48 : index
        %get3A_1390 = tpu.vector_load %arg9[%get3A_1388, %get3A_1389] {strides = array<i32>} : memref<160x128xf32, #tpu.memory_space<vmem>>, vector<16xf32>,
        %sub3A_1391 = vector.broadcast %squeeze3A_1335 : f32 to vector<16xf32>
        %sub3A_1392 = arith.subf %get3A_1390, %sub3A_1391 : vector<16xf32>
        %mul3A_1393 = vector.broadcast %squeeze3A_1337 : f32 to vector<16xf32>
        %mul3A_1394 = arith.mulf %sub3A_1392, %mul3A_1393 : vector<16xf32>
        %add3A_1395 = arith.addf %mul3A_1394, %get3A_15 : vector<16xf32>
        %mul3A_1396 = arith.mulf %get3A_7, %add3A_1395 : vector<16xf32>
        %add3A_1397 = arith.constant 6 : i32
        %add3A_1398 = arith.addi %mul3A_124, %add3A_1397 : i32
        %swap3A_1399 = arith.index_cast %add3A_1398 : i32 to index
        %swap3A_1400 = arith.constant 48 : index
        %swap3A_1401 = tpu.vector_load %arg11[%swap3A_1399, %swap3A_1400] {strides = array<i32>} : memref<160x64xf32, #tpu.memory_space<vmem>>, vector<16xf32>,
        tpu.vector_store %arg11[%swap3A_1399, %swap3A_1400], %mul3A_1396 {strides = array<i32>} : memref<160x64xf32, #tpu.memory_space<vmem>>, vector<16xf32>,
        %slice3A_1402 = vector.extract_strided_slice %mul3A_883 {offsets = [7], sizes = [1], strides = [1]} : vector<16xf32> to vector<1xf32>
        %squeeze3A_1403 = vector.extract %slice3A_1402[0] : f32 from vector<1xf32>
        %slice3A_1404 = vector.extract_strided_slice %div3A_928 {offsets = [7], sizes = [1], strides = [1]} : vector<16xf32> to vector<1xf32>
        %squeeze3A_1405 = vector.extract %slice3A_1404[0] : f32 from vector<1xf32>
        %add3A_1406 = arith.constant 7 : i32
        %add3A_1407 = arith.addi %mul3A_124, %add3A_1406 : i32
        %get3A_1408 = arith.index_cast %add3A_1407 : i32 to index
        %get3A_1409 = arith.constant 0 : index
        %get3A_1410 = tpu.vector_load %arg9[%get3A_1408, %get3A_1409] {strides = array<i32>} : memref<160x128xf32, #tpu.memory_space<vmem>>, vector<16xf32>,
        %sub3A_1411 = vector.broadcast %squeeze3A_1403 : f32 to vector<16xf32>
        %sub3A_1412 = arith.subf %get3A_1410, %sub3A_1411 : vector<16xf32>
        %mul3A_1413 = vector.broadcast %squeeze3A_1405 : f32 to vector<16xf32>
        %mul3A_1414 = arith.mulf %sub3A_1412, %mul3A_1413 : vector<16xf32>
        %add3A_1415 = arith.addf %mul3A_1414, %get3A_9 : vector<16xf32>
        %mul3A_1416 = arith.mulf %get3A_1, %add3A_1415 : vector<16xf32>
        %add3A_1417 = arith.constant 7 : i32
        %add3A_1418 = arith.addi %mul3A_124, %add3A_1417 : i32
        %swap3A_1419 = arith.index_cast %add3A_1418 : i32 to index
        %swap3A_1420 = arith.constant 0 : index
        %swap3A_1421 = tpu.vector_load %arg11[%swap3A_1419, %swap3A_1420] {strides = array<i32>} : memref<160x64xf32, #tpu.memory_space<vmem>>, vector<16xf32>,
        tpu.vector_store %arg11[%swap3A_1419, %swap3A_1420], %mul3A_1416 {strides = array<i32>} : memref<160x64xf32, #tpu.memory_space<vmem>>, vector<16xf32>,
        %add3A_1422 = arith.constant 7 : i32
        %add3A_1423 = arith.addi %mul3A_124, %add3A_1422 : i32
        %get3A_1424 = arith.index_cast %add3A_1423 : i32 to index
        %get3A_1425 = arith.constant 16 : index
        %get3A_1426 = tpu.vector_load %arg9[%get3A_1424, %get3A_1425] {strides = array<i32>} : memref<160x128xf32, #tpu.memory_space<vmem>>, vector<16xf32>,
        %sub3A_1427 = vector.broadcast %squeeze3A_1403 : f32 to vector<16xf32>
        %sub3A_1428 = arith.subf %get3A_1426, %sub3A_1427 : vector<16xf32>
        %mul3A_1429 = vector.broadcast %squeeze3A_1405 : f32 to vector<16xf32>
        %mul3A_1430 = arith.mulf %sub3A_1428, %mul3A_1429 : vector<16xf32>
        %add3A_1431 = arith.addf %mul3A_1430, %get3A_11 : vector<16xf32>
        %mul3A_1432 = arith.mulf %get3A_3, %add3A_1431 : vector<16xf32>
        %add3A_1433 = arith.constant 7 : i32
        %add3A_1434 = arith.addi %mul3A_124, %add3A_1433 : i32
        %swap3A_1435 = arith.index_cast %add3A_1434 : i32 to index
        %swap3A_1436 = arith.constant 16 : index
        %swap3A_1437 = tpu.vector_load %arg11[%swap3A_1435, %swap3A_1436] {strides = array<i32>} : memref<160x64xf32, #tpu.memory_space<vmem>>, vector<16xf32>,
        tpu.vector_store %arg11[%swap3A_1435, %swap3A_1436], %mul3A_1432 {strides = array<i32>} : memref<160x64xf32, #tpu.memory_space<vmem>>, vector<16xf32>,
        %add3A_1438 = arith.constant 7 : i32
        %add3A_1439 = arith.addi %mul3A_124, %add3A_1438 : i32
        %get3A_1440 = arith.index_cast %add3A_1439 : i32 to index
        %get3A_1441 = arith.constant 32 : index
        %get3A_1442 = tpu.vector_load %arg9[%get3A_1440, %get3A_1441] {strides = array<i32>} : memref<160x128xf32, #tpu.memory_space<vmem>>, vector<16xf32>,
        %sub3A_1443 = vector.broadcast %squeeze3A_1403 : f32 to vector<16xf32>
        %sub3A_1444 = arith.subf %get3A_1442, %sub3A_1443 : vector<16xf32>
        %mul3A_1445 = vector.broadcast %squeeze3A_1405 : f32 to vector<16xf32>
        %mul3A_1446 = arith.mulf %sub3A_1444, %mul3A_1445 : vector<16xf32>
        %add3A_1447 = arith.addf %mul3A_1446, %get3A_13 : vector<16xf32>
        %mul3A_1448 = arith.mulf %get3A_5, %add3A_1447 : vector<16xf32>
        %add3A_1449 = arith.constant 7 : i32
        %add3A_1450 = arith.addi %mul3A_124, %add3A_1449 : i32
        %swap3A_1451 = arith.index_cast %add3A_1450 : i32 to index
        %swap3A_1452 = arith.constant 32 : index
        %swap3A_1453 = tpu.vector_load %arg11[%swap3A_1451, %swap3A_1452] {strides = array<i32>} : memref<160x64xf32, #tpu.memory_space<vmem>>, vector<16xf32>,
        tpu.vector_store %arg11[%swap3A_1451, %swap3A_1452], %mul3A_1448 {strides = array<i32>} : memref<160x64xf32, #tpu.memory_space<vmem>>, vector<16xf32>,
        %add3A_1454 = arith.constant 7 : i32
        %add3A_1455 = arith.addi %mul3A_124, %add3A_1454 : i32
        %get3A_1456 = arith.index_cast %add3A_1455 : i32 to index
        %get3A_1457 = arith.constant 48 : index
        %get3A_1458 = tpu.vector_load %arg9[%get3A_1456, %get3A_1457] {strides = array<i32>} : memref<160x128xf32, #tpu.memory_space<vmem>>, vector<16xf32>,
        %sub3A_1459 = vector.broadcast %squeeze3A_1403 : f32 to vector<16xf32>
        %sub3A_1460 = arith.subf %get3A_1458, %sub3A_1459 : vector<16xf32>
        %mul3A_1461 = vector.broadcast %squeeze3A_1405 : f32 to vector<16xf32>
        %mul3A_1462 = arith.mulf %sub3A_1460, %mul3A_1461 : vector<16xf32>
        %add3A_1463 = arith.addf %mul3A_1462, %get3A_15 : vector<16xf32>
        %mul3A_1464 = arith.mulf %get3A_7, %add3A_1463 : vector<16xf32>
        %add3A_1465 = arith.constant 7 : i32
        %add3A_1466 = arith.addi %mul3A_124, %add3A_1465 : i32
        %swap3A_1467 = arith.index_cast %add3A_1466 : i32 to index
        %swap3A_1468 = arith.constant 48 : index
        %swap3A_1469 = tpu.vector_load %arg11[%swap3A_1467, %swap3A_1468] {strides = array<i32>} : memref<160x64xf32, #tpu.memory_space<vmem>>, vector<16xf32>,
        tpu.vector_store %arg11[%swap3A_1467, %swap3A_1468], %mul3A_1464 {strides = array<i32>} : memref<160x64xf32, #tpu.memory_space<vmem>>, vector<16xf32>,
        %slice3A_1470 = vector.extract_strided_slice %mul3A_883 {offsets = [8], sizes = [1], strides = [1]} : vector<16xf32> to vector<1xf32>
        %squeeze3A_1471 = vector.extract %slice3A_1470[0] : f32 from vector<1xf32>
        %slice3A_1472 = vector.extract_strided_slice %div3A_928 {offsets = [8], sizes = [1], strides = [1]} : vector<16xf32> to vector<1xf32>
        %squeeze3A_1473 = vector.extract %slice3A_1472[0] : f32 from vector<1xf32>
        %add3A_1474 = arith.constant 8 : i32
        %add3A_1475 = arith.addi %mul3A_124, %add3A_1474 : i32
        %get3A_1476 = arith.index_cast %add3A_1475 : i32 to index
        %get3A_1477 = arith.constant 0 : index
        %get3A_1478 = tpu.vector_load %arg9[%get3A_1476, %get3A_1477] {strides = array<i32>} : memref<160x128xf32, #tpu.memory_space<vmem>>, vector<16xf32>,
        %sub3A_1479 = vector.broadcast %squeeze3A_1471 : f32 to vector<16xf32>
        %sub3A_1480 = arith.subf %get3A_1478, %sub3A_1479 : vector<16xf32>
        %mul3A_1481 = vector.broadcast %squeeze3A_1473 : f32 to vector<16xf32>
        %mul3A_1482 = arith.mulf %sub3A_1480, %mul3A_1481 : vector<16xf32>
        %add3A_1483 = arith.addf %mul3A_1482, %get3A_9 : vector<16xf32>
        %mul3A_1484 = arith.mulf %get3A_1, %add3A_1483 : vector<16xf32>
        %add3A_1485 = arith.constant 8 : i32
        %add3A_1486 = arith.addi %mul3A_124, %add3A_1485 : i32
        %swap3A_1487 = arith.index_cast %add3A_1486 : i32 to index
        %swap3A_1488 = arith.constant 0 : index
        %swap3A_1489 = tpu.vector_load %arg11[%swap3A_1487, %swap3A_1488] {strides = array<i32>} : memref<160x64xf32, #tpu.memory_space<vmem>>, vector<16xf32>,
        tpu.vector_store %arg11[%swap3A_1487, %swap3A_1488], %mul3A_1484 {strides = array<i32>} : memref<160x64xf32, #tpu.memory_space<vmem>>, vector<16xf32>,
        %add3A_1490 = arith.constant 8 : i32
        %add3A_1491 = arith.addi %mul3A_124, %add3A_1490 : i32
        %get3A_1492 = arith.index_cast %add3A_1491 : i32 to index
        %get3A_1493 = arith.constant 16 : index
        %get3A_1494 = tpu.vector_load %arg9[%get3A_1492, %get3A_1493] {strides = array<i32>} : memref<160x128xf32, #tpu.memory_space<vmem>>, vector<16xf32>,
        %sub3A_1495 = vector.broadcast %squeeze3A_1471 : f32 to vector<16xf32>
        %sub3A_1496 = arith.subf %get3A_1494, %sub3A_1495 : vector<16xf32>
        %mul3A_1497 = vector.broadcast %squeeze3A_1473 : f32 to vector<16xf32>
        %mul3A_1498 = arith.mulf %sub3A_1496, %mul3A_1497 : vector<16xf32>
        %add3A_1499 = arith.addf %mul3A_1498, %get3A_11 : vector<16xf32>
        %mul3A_1500 = arith.mulf %get3A_3, %add3A_1499 : vector<16xf32>
        %add3A_1501 = arith.constant 8 : i32
        %add3A_1502 = arith.addi %mul3A_124, %add3A_1501 : i32
        %swap3A_1503 = arith.index_cast %add3A_1502 : i32 to index
        %swap3A_1504 = arith.constant 16 : index
        %swap3A_1505 = tpu.vector_load %arg11[%swap3A_1503, %swap3A_1504] {strides = array<i32>} : memref<160x64xf32, #tpu.memory_space<vmem>>, vector<16xf32>,
        tpu.vector_store %arg11[%swap3A_1503, %swap3A_1504], %mul3A_1500 {strides = array<i32>} : memref<160x64xf32, #tpu.memory_space<vmem>>, vector<16xf32>,
        %add3A_1506 = arith.constant 8 : i32
        %add3A_1507 = arith.addi %mul3A_124, %add3A_1506 : i32
        %get3A_1508 = arith.index_cast %add3A_1507 : i32 to index
        %get3A_1509 = arith.constant 32 : index
        %get3A_1510 = tpu.vector_load %arg9[%get3A_1508, %get3A_1509] {strides = array<i32>} : memref<160x128xf32, #tpu.memory_space<vmem>>, vector<16xf32>,
        %sub3A_1511 = vector.broadcast %squeeze3A_1471 : f32 to vector<16xf32>
        %sub3A_1512 = arith.subf %get3A_1510, %sub3A_1511 : vector<16xf32>
        %mul3A_1513 = vector.broadcast %squeeze3A_1473 : f32 to vector<16xf32>
        %mul3A_1514 = arith.mulf %sub3A_1512, %mul3A_1513 : vector<16xf32>
        %add3A_1515 = arith.addf %mul3A_1514, %get3A_13 : vector<16xf32>
        %mul3A_1516 = arith.mulf %get3A_5, %add3A_1515 : vector<16xf32>
        %add3A_1517 = arith.constant 8 : i32
        %add3A_1518 = arith.addi %mul3A_124, %add3A_1517 : i32
        %swap3A_1519 = arith.index_cast %add3A_1518 : i32 to index
        %swap3A_1520 = arith.constant 32 : index
        %swap3A_1521 = tpu.vector_load %arg11[%swap3A_1519, %swap3A_1520] {strides = array<i32>} : memref<160x64xf32, #tpu.memory_space<vmem>>, vector<16xf32>,
        tpu.vector_store %arg11[%swap3A_1519, %swap3A_1520], %mul3A_1516 {strides = array<i32>} : memref<160x64xf32, #tpu.memory_space<vmem>>, vector<16xf32>,
        %add3A_1522 = arith.constant 8 : i32
        %add3A_1523 = arith.addi %mul3A_124, %add3A_1522 : i32
        %get3A_1524 = arith.index_cast %add3A_1523 : i32 to index
        %get3A_1525 = arith.constant 48 : index
        %get3A_1526 = tpu.vector_load %arg9[%get3A_1524, %get3A_1525] {strides = array<i32>} : memref<160x128xf32, #tpu.memory_space<vmem>>, vector<16xf32>,
        %sub3A_1527 = vector.broadcast %squeeze3A_1471 : f32 to vector<16xf32>
        %sub3A_1528 = arith.subf %get3A_1526, %sub3A_1527 : vector<16xf32>
        %mul3A_1529 = vector.broadcast %squeeze3A_1473 : f32 to vector<16xf32>
        %mul3A_1530 = arith.mulf %sub3A_1528, %mul3A_1529 : vector<16xf32>
        %add3A_1531 = arith.addf %mul3A_1530, %get3A_15 : vector<16xf32>
        %mul3A_1532 = arith.mulf %get3A_7, %add3A_1531 : vector<16xf32>
        %add3A_1533 = arith.constant 8 : i32
        %add3A_1534 = arith.addi %mul3A_124, %add3A_1533 : i32
        %swap3A_1535 = arith.index_cast %add3A_1534 : i32 to index
        %swap3A_1536 = arith.constant 48 : index
        %swap3A_1537 = tpu.vector_load %arg11[%swap3A_1535, %swap3A_1536] {strides = array<i32>} : memref<160x64xf32, #tpu.memory_space<vmem>>, vector<16xf32>,
        tpu.vector_store %arg11[%swap3A_1535, %swap3A_1536], %mul3A_1532 {strides = array<i32>} : memref<160x64xf32, #tpu.memory_space<vmem>>, vector<16xf32>,
        %slice3A_1538 = vector.extract_strided_slice %mul3A_883 {offsets = [9], sizes = [1], strides = [1]} : vector<16xf32> to vector<1xf32>
        %squeeze3A_1539 = vector.extract %slice3A_1538[0] : f32 from vector<1xf32>
        %slice3A_1540 = vector.extract_strided_slice %div3A_928 {offsets = [9], sizes = [1], strides = [1]} : vector<16xf32> to vector<1xf32>
        %squeeze3A_1541 = vector.extract %slice3A_1540[0] : f32 from vector<1xf32>
        %add3A_1542 = arith.constant 9 : i32
        %add3A_1543 = arith.addi %mul3A_124, %add3A_1542 : i32
        %get3A_1544 = arith.index_cast %add3A_1543 : i32 to index
        %get3A_1545 = arith.constant 0 : index
        %get3A_1546 = tpu.vector_load %arg9[%get3A_1544, %get3A_1545] {strides = array<i32>} : memref<160x128xf32, #tpu.memory_space<vmem>>, vector<16xf32>,
        %sub3A_1547 = vector.broadcast %squeeze3A_1539 : f32 to vector<16xf32>
        %sub3A_1548 = arith.subf %get3A_1546, %sub3A_1547 : vector<16xf32>
        %mul3A_1549 = vector.broadcast %squeeze3A_1541 : f32 to vector<16xf32>
        %mul3A_1550 = arith.mulf %sub3A_1548, %mul3A_1549 : vector<16xf32>
        %add3A_1551 = arith.addf %mul3A_1550, %get3A_9 : vector<16xf32>
        %mul3A_1552 = arith.mulf %get3A_1, %add3A_1551 : vector<16xf32>
        %add3A_1553 = arith.constant 9 : i32
        %add3A_1554 = arith.addi %mul3A_124, %add3A_1553 : i32
        %swap3A_1555 = arith.index_cast %add3A_1554 : i32 to index
        %swap3A_1556 = arith.constant 0 : index
        %swap3A_1557 = tpu.vector_load %arg11[%swap3A_1555, %swap3A_1556] {strides = array<i32>} : memref<160x64xf32, #tpu.memory_space<vmem>>, vector<16xf32>,
        tpu.vector_store %arg11[%swap3A_1555, %swap3A_1556], %mul3A_1552 {strides = array<i32>} : memref<160x64xf32, #tpu.memory_space<vmem>>, vector<16xf32>,
        %add3A_1558 = arith.constant 9 : i32
        %add3A_1559 = arith.addi %mul3A_124, %add3A_1558 : i32
        %get3A_1560 = arith.index_cast %add3A_1559 : i32 to index
        %get3A_1561 = arith.constant 16 : index
        %get3A_1562 = tpu.vector_load %arg9[%get3A_1560, %get3A_1561] {strides = array<i32>} : memref<160x128xf32, #tpu.memory_space<vmem>>, vector<16xf32>,
        %sub3A_1563 = vector.broadcast %squeeze3A_1539 : f32 to vector<16xf32>
        %sub3A_1564 = arith.subf %get3A_1562, %sub3A_1563 : vector<16xf32>
        %mul3A_1565 = vector.broadcast %squeeze3A_1541 : f32 to vector<16xf32>
        %mul3A_1566 = arith.mulf %sub3A_1564, %mul3A_1565 : vector<16xf32>
        %add3A_1567 = arith.addf %mul3A_1566, %get3A_11 : vector<16xf32>
        %mul3A_1568 = arith.mulf %get3A_3, %add3A_1567 : vector<16xf32>
        %add3A_1569 = arith.constant 9 : i32
        %add3A_1570 = arith.addi %mul3A_124, %add3A_1569 : i32
        %swap3A_1571 = arith.index_cast %add3A_1570 : i32 to index
        %swap3A_1572 = arith.constant 16 : index
        %swap3A_1573 = tpu.vector_load %arg11[%swap3A_1571, %swap3A_1572] {strides = array<i32>} : memref<160x64xf32, #tpu.memory_space<vmem>>, vector<16xf32>,
        tpu.vector_store %arg11[%swap3A_1571, %swap3A_1572], %mul3A_1568 {strides = array<i32>} : memref<160x64xf32, #tpu.memory_space<vmem>>, vector<16xf32>,
        %add3A_1574 = arith.constant 9 : i32
        %add3A_1575 = arith.addi %mul3A_124, %add3A_1574 : i32
        %get3A_1576 = arith.index_cast %add3A_1575 : i32 to index
        %get3A_1577 = arith.constant 32 : index
        %get3A_1578 = tpu.vector_load %arg9[%get3A_1576, %get3A_1577] {strides = array<i32>} : memref<160x128xf32, #tpu.memory_space<vmem>>, vector<16xf32>,
        %sub3A_1579 = vector.broadcast %squeeze3A_1539 : f32 to vector<16xf32>
        %sub3A_1580 = arith.subf %get3A_1578, %sub3A_1579 : vector<16xf32>
        %mul3A_1581 = vector.broadcast %squeeze3A_1541 : f32 to vector<16xf32>
        %mul3A_1582 = arith.mulf %sub3A_1580, %mul3A_1581 : vector<16xf32>
        %add3A_1583 = arith.addf %mul3A_1582, %get3A_13 : vector<16xf32>
        %mul3A_1584 = arith.mulf %get3A_5, %add3A_1583 : vector<16xf32>
        %add3A_1585 = arith.constant 9 : i32
        %add3A_1586 = arith.addi %mul3A_124, %add3A_1585 : i32
        %swap3A_1587 = arith.index_cast %add3A_1586 : i32 to index
        %swap3A_1588 = arith.constant 32 : index
        %swap3A_1589 = tpu.vector_load %arg11[%swap3A_1587, %swap3A_1588] {strides = array<i32>} : memref<160x64xf32, #tpu.memory_space<vmem>>, vector<16xf32>,
        tpu.vector_store %arg11[%swap3A_1587, %swap3A_1588], %mul3A_1584 {strides = array<i32>} : memref<160x64xf32, #tpu.memory_space<vmem>>, vector<16xf32>,
        %add3A_1590 = arith.constant 9 : i32
        %add3A_1591 = arith.addi %mul3A_124, %add3A_1590 : i32
        %get3A_1592 = arith.index_cast %add3A_1591 : i32 to index
        %get3A_1593 = arith.constant 48 : index
        %get3A_1594 = tpu.vector_load %arg9[%get3A_1592, %get3A_1593] {strides = array<i32>} : memref<160x128xf32, #tpu.memory_space<vmem>>, vector<16xf32>,
        %sub3A_1595 = vector.broadcast %squeeze3A_1539 : f32 to vector<16xf32>
        %sub3A_1596 = arith.subf %get3A_1594, %sub3A_1595 : vector<16xf32>
        %mul3A_1597 = vector.broadcast %squeeze3A_1541 : f32 to vector<16xf32>
        %mul3A_1598 = arith.mulf %sub3A_1596, %mul3A_1597 : vector<16xf32>
        %add3A_1599 = arith.addf %mul3A_1598, %get3A_15 : vector<16xf32>
        %mul3A_1600 = arith.mulf %get3A_7, %add3A_1599 : vector<16xf32>
        %add3A_1601 = arith.constant 9 : i32
        %add3A_1602 = arith.addi %mul3A_124, %add3A_1601 : i32
        %swap3A_1603 = arith.index_cast %add3A_1602 : i32 to index
        %swap3A_1604 = arith.constant 48 : index
        %swap3A_1605 = tpu.vector_load %arg11[%swap3A_1603, %swap3A_1604] {strides = array<i32>} : memref<160x64xf32, #tpu.memory_space<vmem>>, vector<16xf32>,
        tpu.vector_store %arg11[%swap3A_1603, %swap3A_1604], %mul3A_1600 {strides = array<i32>} : memref<160x64xf32, #tpu.memory_space<vmem>>, vector<16xf32>,
        %slice3A_1606 = vector.extract_strided_slice %mul3A_883 {offsets = [10], sizes = [1], strides = [1]} : vector<16xf32> to vector<1xf32>
        %squeeze3A_1607 = vector.extract %slice3A_1606[0] : f32 from vector<1xf32>
        %slice3A_1608 = vector.extract_strided_slice %div3A_928 {offsets = [10], sizes = [1], strides = [1]} : vector<16xf32> to vector<1xf32>
        %squeeze3A_1609 = vector.extract %slice3A_1608[0] : f32 from vector<1xf32>
        %add3A_1610 = arith.constant 10 : i32
        %add3A_1611 = arith.addi %mul3A_124, %add3A_1610 : i32
        %get3A_1612 = arith.index_cast %add3A_1611 : i32 to index
        %get3A_1613 = arith.constant 0 : index
        %get3A_1614 = tpu.vector_load %arg9[%get3A_1612, %get3A_1613] {strides = array<i32>} : memref<160x128xf32, #tpu.memory_space<vmem>>, vector<16xf32>,
        %sub3A_1615 = vector.broadcast %squeeze3A_1607 : f32 to vector<16xf32>
        %sub3A_1616 = arith.subf %get3A_1614, %sub3A_1615 : vector<16xf32>
        %mul3A_1617 = vector.broadcast %squeeze3A_1609 : f32 to vector<16xf32>
        %mul3A_1618 = arith.mulf %sub3A_1616, %mul3A_1617 : vector<16xf32>
        %add3A_1619 = arith.addf %mul3A_1618, %get3A_9 : vector<16xf32>
        %mul3A_1620 = arith.mulf %get3A_1, %add3A_1619 : vector<16xf32>
        %add3A_1621 = arith.constant 10 : i32
        %add3A_1622 = arith.addi %mul3A_124, %add3A_1621 : i32
        %swap3A_1623 = arith.index_cast %add3A_1622 : i32 to index
        %swap3A_1624 = arith.constant 0 : index
        %swap3A_1625 = tpu.vector_load %arg11[%swap3A_1623, %swap3A_1624] {strides = array<i32>} : memref<160x64xf32, #tpu.memory_space<vmem>>, vector<16xf32>,
        tpu.vector_store %arg11[%swap3A_1623, %swap3A_1624], %mul3A_1620 {strides = array<i32>} : memref<160x64xf32, #tpu.memory_space<vmem>>, vector<16xf32>,
        %add3A_1626 = arith.constant 10 : i32
        %add3A_1627 = arith.addi %mul3A_124, %add3A_1626 : i32
        %get3A_1628 = arith.index_cast %add3A_1627 : i32 to index
        %get3A_1629 = arith.constant 16 : index
        %get3A_1630 = tpu.vector_load %arg9[%get3A_1628, %get3A_1629] {strides = array<i32>} : memref<160x128xf32, #tpu.memory_space<vmem>>, vector<16xf32>,
        %sub3A_1631 = vector.broadcast %squeeze3A_1607 : f32 to vector<16xf32>
        %sub3A_1632 = arith.subf %get3A_1630, %sub3A_1631 : vector<16xf32>
        %mul3A_1633 = vector.broadcast %squeeze3A_1609 : f32 to vector<16xf32>
        %mul3A_1634 = arith.mulf %sub3A_1632, %mul3A_1633 : vector<16xf32>
        %add3A_1635 = arith.addf %mul3A_1634, %get3A_11 : vector<16xf32>
        %mul3A_1636 = arith.mulf %get3A_3, %add3A_1635 : vector<16xf32>
        %add3A_1637 = arith.constant 10 : i32
        %add3A_1638 = arith.addi %mul3A_124, %add3A_1637 : i32
        %swap3A_1639 = arith.index_cast %add3A_1638 : i32 to index
        %swap3A_1640 = arith.constant 16 : index
        %swap3A_1641 = tpu.vector_load %arg11[%swap3A_1639, %swap3A_1640] {strides = array<i32>} : memref<160x64xf32, #tpu.memory_space<vmem>>, vector<16xf32>,
        tpu.vector_store %arg11[%swap3A_1639, %swap3A_1640], %mul3A_1636 {strides = array<i32>} : memref<160x64xf32, #tpu.memory_space<vmem>>, vector<16xf32>,
        %add3A_1642 = arith.constant 10 : i32
        %add3A_1643 = arith.addi %mul3A_124, %add3A_1642 : i32
        %get3A_1644 = arith.index_cast %add3A_1643 : i32 to index
        %get3A_1645 = arith.constant 32 : index
        %get3A_1646 = tpu.vector_load %arg9[%get3A_1644, %get3A_1645] {strides = array<i32>} : memref<160x128xf32, #tpu.memory_space<vmem>>, vector<16xf32>,
        %sub3A_1647 = vector.broadcast %squeeze3A_1607 : f32 to vector<16xf32>
        %sub3A_1648 = arith.subf %get3A_1646, %sub3A_1647 : vector<16xf32>
        %mul3A_1649 = vector.broadcast %squeeze3A_1609 : f32 to vector<16xf32>
        %mul3A_1650 = arith.mulf %sub3A_1648, %mul3A_1649 : vector<16xf32>
        %add3A_1651 = arith.addf %mul3A_1650, %get3A_13 : vector<16xf32>
        %mul3A_1652 = arith.mulf %get3A_5, %add3A_1651 : vector<16xf32>
        %add3A_1653 = arith.constant 10 : i32
        %add3A_1654 = arith.addi %mul3A_124, %add3A_1653 : i32
        %swap3A_1655 = arith.index_cast %add3A_1654 : i32 to index
        %swap3A_1656 = arith.constant 32 : index
        %swap3A_1657 = tpu.vector_load %arg11[%swap3A_1655, %swap3A_1656] {strides = array<i32>} : memref<160x64xf32, #tpu.memory_space<vmem>>, vector<16xf32>,
        tpu.vector_store %arg11[%swap3A_1655, %swap3A_1656], %mul3A_1652 {strides = array<i32>} : memref<160x64xf32, #tpu.memory_space<vmem>>, vector<16xf32>,
        %add3A_1658 = arith.constant 10 : i32
        %add3A_1659 = arith.addi %mul3A_124, %add3A_1658 : i32
        %get3A_1660 = arith.index_cast %add3A_1659 : i32 to index
        %get3A_1661 = arith.constant 48 : index
        %get3A_1662 = tpu.vector_load %arg9[%get3A_1660, %get3A_1661] {strides = array<i32>} : memref<160x128xf32, #tpu.memory_space<vmem>>, vector<16xf32>,
        %sub3A_1663 = vector.broadcast %squeeze3A_1607 : f32 to vector<16xf32>
        %sub3A_1664 = arith.subf %get3A_1662, %sub3A_1663 : vector<16xf32>
        %mul3A_1665 = vector.broadcast %squeeze3A_1609 : f32 to vector<16xf32>
        %mul3A_1666 = arith.mulf %sub3A_1664, %mul3A_1665 : vector<16xf32>
        %add3A_1667 = arith.addf %mul3A_1666, %get3A_15 : vector<16xf32>
        %mul3A_1668 = arith.mulf %get3A_7, %add3A_1667 : vector<16xf32>
        %add3A_1669 = arith.constant 10 : i32
        %add3A_1670 = arith.addi %mul3A_124, %add3A_1669 : i32
        %swap3A_1671 = arith.index_cast %add3A_1670 : i32 to index
        %swap3A_1672 = arith.constant 48 : index
        %swap3A_1673 = tpu.vector_load %arg11[%swap3A_1671, %swap3A_1672] {strides = array<i32>} : memref<160x64xf32, #tpu.memory_space<vmem>>, vector<16xf32>,
        tpu.vector_store %arg11[%swap3A_1671, %swap3A_1672], %mul3A_1668 {strides = array<i32>} : memref<160x64xf32, #tpu.memory_space<vmem>>, vector<16xf32>,
        %slice3A_1674 = vector.extract_strided_slice %mul3A_883 {offsets = [11], sizes = [1], strides = [1]} : vector<16xf32> to vector<1xf32>
        %squeeze3A_1675 = vector.extract %slice3A_1674[0] : f32 from vector<1xf32>
        %slice3A_1676 = vector.extract_strided_slice %div3A_928 {offsets = [11], sizes = [1], strides = [1]} : vector<16xf32> to vector<1xf32>
        %squeeze3A_1677 = vector.extract %slice3A_1676[0] : f32 from vector<1xf32>
        %add3A_1678 = arith.constant 11 : i32
        %add3A_1679 = arith.addi %mul3A_124, %add3A_1678 : i32
        %get3A_1680 = arith.index_cast %add3A_1679 : i32 to index
        %get3A_1681 = arith.constant 0 : index
        %get3A_1682 = tpu.vector_load %arg9[%get3A_1680, %get3A_1681] {strides = array<i32>} : memref<160x128xf32, #tpu.memory_space<vmem>>, vector<16xf32>,
        %sub3A_1683 = vector.broadcast %squeeze3A_1675 : f32 to vector<16xf32>
        %sub3A_1684 = arith.subf %get3A_1682, %sub3A_1683 : vector<16xf32>
        %mul3A_1685 = vector.broadcast %squeeze3A_1677 : f32 to vector<16xf32>
        %mul3A_1686 = arith.mulf %sub3A_1684, %mul3A_1685 : vector<16xf32>
        %add3A_1687 = arith.addf %mul3A_1686, %get3A_9 : vector<16xf32>
        %mul3A_1688 = arith.mulf %get3A_1, %add3A_1687 : vector<16xf32>
        %add3A_1689 = arith.constant 11 : i32
        %add3A_1690 = arith.addi %mul3A_124, %add3A_1689 : i32
        %swap3A_1691 = arith.index_cast %add3A_1690 : i32 to index
        %swap3A_1692 = arith.constant 0 : index
        %swap3A_1693 = tpu.vector_load %arg11[%swap3A_1691, %swap3A_1692] {strides = array<i32>} : memref<160x64xf32, #tpu.memory_space<vmem>>, vector<16xf32>,
        tpu.vector_store %arg11[%swap3A_1691, %swap3A_1692], %mul3A_1688 {strides = array<i32>} : memref<160x64xf32, #tpu.memory_space<vmem>>, vector<16xf32>,
        %add3A_1694 = arith.constant 11 : i32
        %add3A_1695 = arith.addi %mul3A_124, %add3A_1694 : i32
        %get3A_1696 = arith.index_cast %add3A_1695 : i32 to index
        %get3A_1697 = arith.constant 16 : index
        %get3A_1698 = tpu.vector_load %arg9[%get3A_1696, %get3A_1697] {strides = array<i32>} : memref<160x128xf32, #tpu.memory_space<vmem>>, vector<16xf32>,
        %sub3A_1699 = vector.broadcast %squeeze3A_1675 : f32 to vector<16xf32>
        %sub3A_1700 = arith.subf %get3A_1698, %sub3A_1699 : vector<16xf32>
        %mul3A_1701 = vector.broadcast %squeeze3A_1677 : f32 to vector<16xf32>
        %mul3A_1702 = arith.mulf %sub3A_1700, %mul3A_1701 : vector<16xf32>
        %add3A_1703 = arith.addf %mul3A_1702, %get3A_11 : vector<16xf32>
        %mul3A_1704 = arith.mulf %get3A_3, %add3A_1703 : vector<16xf32>
        %add3A_1705 = arith.constant 11 : i32
        %add3A_1706 = arith.addi %mul3A_124, %add3A_1705 : i32
        %swap3A_1707 = arith.index_cast %add3A_1706 : i32 to index
        %swap3A_1708 = arith.constant 16 : index
        %swap3A_1709 = tpu.vector_load %arg11[%swap3A_1707, %swap3A_1708] {strides = array<i32>} : memref<160x64xf32, #tpu.memory_space<vmem>>, vector<16xf32>,
        tpu.vector_store %arg11[%swap3A_1707, %swap3A_1708], %mul3A_1704 {strides = array<i32>} : memref<160x64xf32, #tpu.memory_space<vmem>>, vector<16xf32>,
        %add3A_1710 = arith.constant 11 : i32
        %add3A_1711 = arith.addi %mul3A_124, %add3A_1710 : i32
        %get3A_1712 = arith.index_cast %add3A_1711 : i32 to index
        %get3A_1713 = arith.constant 32 : index
        %get3A_1714 = tpu.vector_load %arg9[%get3A_1712, %get3A_1713] {strides = array<i32>} : memref<160x128xf32, #tpu.memory_space<vmem>>, vector<16xf32>,
        %sub3A_1715 = vector.broadcast %squeeze3A_1675 : f32 to vector<16xf32>
        %sub3A_1716 = arith.subf %get3A_1714, %sub3A_1715 : vector<16xf32>
        %mul3A_1717 = vector.broadcast %squeeze3A_1677 : f32 to vector<16xf32>
        %mul3A_1718 = arith.mulf %sub3A_1716, %mul3A_1717 : vector<16xf32>
        %add3A_1719 = arith.addf %mul3A_1718, %get3A_13 : vector<16xf32>
        %mul3A_1720 = arith.mulf %get3A_5, %add3A_1719 : vector<16xf32>
        %add3A_1721 = arith.constant 11 : i32
        %add3A_1722 = arith.addi %mul3A_124, %add3A_1721 : i32
        %swap3A_1723 = arith.index_cast %add3A_1722 : i32 to index
        %swap3A_1724 = arith.constant 32 : index
        %swap3A_1725 = tpu.vector_load %arg11[%swap3A_1723, %swap3A_1724] {strides = array<i32>} : memref<160x64xf32, #tpu.memory_space<vmem>>, vector<16xf32>,
        tpu.vector_store %arg11[%swap3A_1723, %swap3A_1724], %mul3A_1720 {strides = array<i32>} : memref<160x64xf32, #tpu.memory_space<vmem>>, vector<16xf32>,
        %add3A_1726 = arith.constant 11 : i32
        %add3A_1727 = arith.addi %mul3A_124, %add3A_1726 : i32
        %get3A_1728 = arith.index_cast %add3A_1727 : i32 to index
        %get3A_1729 = arith.constant 48 : index
        %get3A_1730 = tpu.vector_load %arg9[%get3A_1728, %get3A_1729] {strides = array<i32>} : memref<160x128xf32, #tpu.memory_space<vmem>>, vector<16xf32>,
        %sub3A_1731 = vector.broadcast %squeeze3A_1675 : f32 to vector<16xf32>
        %sub3A_1732 = arith.subf %get3A_1730, %sub3A_1731 : vector<16xf32>
        %mul3A_1733 = vector.broadcast %squeeze3A_1677 : f32 to vector<16xf32>
        %mul3A_1734 = arith.mulf %sub3A_1732, %mul3A_1733 : vector<16xf32>
        %add3A_1735 = arith.addf %mul3A_1734, %get3A_15 : vector<16xf32>
        %mul3A_1736 = arith.mulf %get3A_7, %add3A_1735 : vector<16xf32>
        %add3A_1737 = arith.constant 11 : i32
        %add3A_1738 = arith.addi %mul3A_124, %add3A_1737 : i32
        %swap3A_1739 = arith.index_cast %add3A_1738 : i32 to index
        %swap3A_1740 = arith.constant 48 : index
        %swap3A_1741 = tpu.vector_load %arg11[%swap3A_1739, %swap3A_1740] {strides = array<i32>} : memref<160x64xf32, #tpu.memory_space<vmem>>, vector<16xf32>,
        tpu.vector_store %arg11[%swap3A_1739, %swap3A_1740], %mul3A_1736 {strides = array<i32>} : memref<160x64xf32, #tpu.memory_space<vmem>>, vector<16xf32>,
        %slice3A_1742 = vector.extract_strided_slice %mul3A_883 {offsets = [12], sizes = [1], strides = [1]} : vector<16xf32> to vector<1xf32>
        %squeeze3A_1743 = vector.extract %slice3A_1742[0] : f32 from vector<1xf32>
        %slice3A_1744 = vector.extract_strided_slice %div3A_928 {offsets = [12], sizes = [1], strides = [1]} : vector<16xf32> to vector<1xf32>
        %squeeze3A_1745 = vector.extract %slice3A_1744[0] : f32 from vector<1xf32>
        %add3A_1746 = arith.constant 12 : i32
        %add3A_1747 = arith.addi %mul3A_124, %add3A_1746 : i32
        %get3A_1748 = arith.index_cast %add3A_1747 : i32 to index
        %get3A_1749 = arith.constant 0 : index
        %get3A_1750 = tpu.vector_load %arg9[%get3A_1748, %get3A_1749] {strides = array<i32>} : memref<160x128xf32, #tpu.memory_space<vmem>>, vector<16xf32>,
        %sub3A_1751 = vector.broadcast %squeeze3A_1743 : f32 to vector<16xf32>
        %sub3A_1752 = arith.subf %get3A_1750, %sub3A_1751 : vector<16xf32>
        %mul3A_1753 = vector.broadcast %squeeze3A_1745 : f32 to vector<16xf32>
        %mul3A_1754 = arith.mulf %sub3A_1752, %mul3A_1753 : vector<16xf32>
        %add3A_1755 = arith.addf %mul3A_1754, %get3A_9 : vector<16xf32>
        %mul3A_1756 = arith.mulf %get3A_1, %add3A_1755 : vector<16xf32>
        %add3A_1757 = arith.constant 12 : i32
        %add3A_1758 = arith.addi %mul3A_124, %add3A_1757 : i32
        %swap3A_1759 = arith.index_cast %add3A_1758 : i32 to index
        %swap3A_1760 = arith.constant 0 : index
        %swap3A_1761 = tpu.vector_load %arg11[%swap3A_1759, %swap3A_1760] {strides = array<i32>} : memref<160x64xf32, #tpu.memory_space<vmem>>, vector<16xf32>,
        tpu.vector_store %arg11[%swap3A_1759, %swap3A_1760], %mul3A_1756 {strides = array<i32>} : memref<160x64xf32, #tpu.memory_space<vmem>>, vector<16xf32>,
        %add3A_1762 = arith.constant 12 : i32
        %add3A_1763 = arith.addi %mul3A_124, %add3A_1762 : i32
        %get3A_1764 = arith.index_cast %add3A_1763 : i32 to index
        %get3A_1765 = arith.constant 16 : index
        %get3A_1766 = tpu.vector_load %arg9[%get3A_1764, %get3A_1765] {strides = array<i32>} : memref<160x128xf32, #tpu.memory_space<vmem>>, vector<16xf32>,
        %sub3A_1767 = vector.broadcast %squeeze3A_1743 : f32 to vector<16xf32>
        %sub3A_1768 = arith.subf %get3A_1766, %sub3A_1767 : vector<16xf32>
        %mul3A_1769 = vector.broadcast %squeeze3A_1745 : f32 to vector<16xf32>
        %mul3A_1770 = arith.mulf %sub3A_1768, %mul3A_1769 : vector<16xf32>
        %add3A_1771 = arith.addf %mul3A_1770, %get3A_11 : vector<16xf32>
        %mul3A_1772 = arith.mulf %get3A_3, %add3A_1771 : vector<16xf32>
        %add3A_1773 = arith.constant 12 : i32
        %add3A_1774 = arith.addi %mul3A_124, %add3A_1773 : i32
        %swap3A_1775 = arith.index_cast %add3A_1774 : i32 to index
        %swap3A_1776 = arith.constant 16 : index
        %swap3A_1777 = tpu.vector_load %arg11[%swap3A_1775, %swap3A_1776] {strides = array<i32>} : memref<160x64xf32, #tpu.memory_space<vmem>>, vector<16xf32>,
        tpu.vector_store %arg11[%swap3A_1775, %swap3A_1776], %mul3A_1772 {strides = array<i32>} : memref<160x64xf32, #tpu.memory_space<vmem>>, vector<16xf32>,
        %add3A_1778 = arith.constant 12 : i32
        %add3A_1779 = arith.addi %mul3A_124, %add3A_1778 : i32
        %get3A_1780 = arith.index_cast %add3A_1779 : i32 to index
        %get3A_1781 = arith.constant 32 : index
        %get3A_1782 = tpu.vector_load %arg9[%get3A_1780, %get3A_1781] {strides = array<i32>} : memref<160x128xf32, #tpu.memory_space<vmem>>, vector<16xf32>,
        %sub3A_1783 = vector.broadcast %squeeze3A_1743 : f32 to vector<16xf32>
        %sub3A_1784 = arith.subf %get3A_1782, %sub3A_1783 : vector<16xf32>
        %mul3A_1785 = vector.broadcast %squeeze3A_1745 : f32 to vector<16xf32>
        %mul3A_1786 = arith.mulf %sub3A_1784, %mul3A_1785 : vector<16xf32>
        %add3A_1787 = arith.addf %mul3A_1786, %get3A_13 : vector<16xf32>
        %mul3A_1788 = arith.mulf %get3A_5, %add3A_1787 : vector<16xf32>
        %add3A_1789 = arith.constant 12 : i32
        %add3A_1790 = arith.addi %mul3A_124, %add3A_1789 : i32
        %swap3A_1791 = arith.index_cast %add3A_1790 : i32 to index
        %swap3A_1792 = arith.constant 32 : index
        %swap3A_1793 = tpu.vector_load %arg11[%swap3A_1791, %swap3A_1792] {strides = array<i32>} : memref<160x64xf32, #tpu.memory_space<vmem>>, vector<16xf32>,
        tpu.vector_store %arg11[%swap3A_1791, %swap3A_1792], %mul3A_1788 {strides = array<i32>} : memref<160x64xf32, #tpu.memory_space<vmem>>, vector<16xf32>,
        %add3A_1794 = arith.constant 12 : i32
        %add3A_1795 = arith.addi %mul3A_124, %add3A_1794 : i32
        %get3A_1796 = arith.index_cast %add3A_1795 : i32 to index
        %get3A_1797 = arith.constant 48 : index
        %get3A_1798 = tpu.vector_load %arg9[%get3A_1796, %get3A_1797] {strides = array<i32>} : memref<160x128xf32, #tpu.memory_space<vmem>>, vector<16xf32>,
        %sub3A_1799 = vector.broadcast %squeeze3A_1743 : f32 to vector<16xf32>
        %sub3A_1800 = arith.subf %get3A_1798, %sub3A_1799 : vector<16xf32>
        %mul3A_1801 = vector.broadcast %squeeze3A_1745 : f32 to vector<16xf32>
        %mul3A_1802 = arith.mulf %sub3A_1800, %mul3A_1801 : vector<16xf32>
        %add3A_1803 = arith.addf %mul3A_1802, %get3A_15 : vector<16xf32>
        %mul3A_1804 = arith.mulf %get3A_7, %add3A_1803 : vector<16xf32>
        %add3A_1805 = arith.constant 12 : i32
        %add3A_1806 = arith.addi %mul3A_124, %add3A_1805 : i32
        %swap3A_1807 = arith.index_cast %add3A_1806 : i32 to index
        %swap3A_1808 = arith.constant 48 : index
        %swap3A_1809 = tpu.vector_load %arg11[%swap3A_1807, %swap3A_1808] {strides = array<i32>} : memref<160x64xf32, #tpu.memory_space<vmem>>, vector<16xf32>,
        tpu.vector_store %arg11[%swap3A_1807, %swap3A_1808], %mul3A_1804 {strides = array<i32>} : memref<160x64xf32, #tpu.memory_space<vmem>>, vector<16xf32>,
        %slice3A_1810 = vector.extract_strided_slice %mul3A_883 {offsets = [13], sizes = [1], strides = [1]} : vector<16xf32> to vector<1xf32>
        %squeeze3A_1811 = vector.extract %slice3A_1810[0] : f32 from vector<1xf32>
        %slice3A_1812 = vector.extract_strided_slice %div3A_928 {offsets = [13], sizes = [1], strides = [1]} : vector<16xf32> to vector<1xf32>
        %squeeze3A_1813 = vector.extract %slice3A_1812[0] : f32 from vector<1xf32>
        %add3A_1814 = arith.constant 13 : i32
        %add3A_1815 = arith.addi %mul3A_124, %add3A_1814 : i32
        %get3A_1816 = arith.index_cast %add3A_1815 : i32 to index
        %get3A_1817 = arith.constant 0 : index
        %get3A_1818 = tpu.vector_load %arg9[%get3A_1816, %get3A_1817] {strides = array<i32>} : memref<160x128xf32, #tpu.memory_space<vmem>>, vector<16xf32>,
        %sub3A_1819 = vector.broadcast %squeeze3A_1811 : f32 to vector<16xf32>
        %sub3A_1820 = arith.subf %get3A_1818, %sub3A_1819 : vector<16xf32>
        %mul3A_1821 = vector.broadcast %squeeze3A_1813 : f32 to vector<16xf32>
        %mul3A_1822 = arith.mulf %sub3A_1820, %mul3A_1821 : vector<16xf32>
        %add3A_1823 = arith.addf %mul3A_1822, %get3A_9 : vector<16xf32>
        %mul3A_1824 = arith.mulf %get3A_1, %add3A_1823 : vector<16xf32>
        %add3A_1825 = arith.constant 13 : i32
        %add3A_1826 = arith.addi %mul3A_124, %add3A_1825 : i32
        %swap3A_1827 = arith.index_cast %add3A_1826 : i32 to index
        %swap3A_1828 = arith.constant 0 : index
        %swap3A_1829 = tpu.vector_load %arg11[%swap3A_1827, %swap3A_1828] {strides = array<i32>} : memref<160x64xf32, #tpu.memory_space<vmem>>, vector<16xf32>,
        tpu.vector_store %arg11[%swap3A_1827, %swap3A_1828], %mul3A_1824 {strides = array<i32>} : memref<160x64xf32, #tpu.memory_space<vmem>>, vector<16xf32>,
        %add3A_1830 = arith.constant 13 : i32
        %add3A_1831 = arith.addi %mul3A_124, %add3A_1830 : i32
        %get3A_1832 = arith.index_cast %add3A_1831 : i32 to index
        %get3A_1833 = arith.constant 16 : index
        %get3A_1834 = tpu.vector_load %arg9[%get3A_1832, %get3A_1833] {strides = array<i32>} : memref<160x128xf32, #tpu.memory_space<vmem>>, vector<16xf32>,
        %sub3A_1835 = vector.broadcast %squeeze3A_1811 : f32 to vector<16xf32>
        %sub3A_1836 = arith.subf %get3A_1834, %sub3A_1835 : vector<16xf32>
        %mul3A_1837 = vector.broadcast %squeeze3A_1813 : f32 to vector<16xf32>
        %mul3A_1838 = arith.mulf %sub3A_1836, %mul3A_1837 : vector<16xf32>
        %add3A_1839 = arith.addf %mul3A_1838, %get3A_11 : vector<16xf32>
        %mul3A_1840 = arith.mulf %get3A_3, %add3A_1839 : vector<16xf32>
        %add3A_1841 = arith.constant 13 : i32
        %add3A_1842 = arith.addi %mul3A_124, %add3A_1841 : i32
        %swap3A_1843 = arith.index_cast %add3A_1842 : i32 to index
        %swap3A_1844 = arith.constant 16 : index
        %swap3A_1845 = tpu.vector_load %arg11[%swap3A_1843, %swap3A_1844] {strides = array<i32>} : memref<160x64xf32, #tpu.memory_space<vmem>>, vector<16xf32>,
        tpu.vector_store %arg11[%swap3A_1843, %swap3A_1844], %mul3A_1840 {strides = array<i32>} : memref<160x64xf32, #tpu.memory_space<vmem>>, vector<16xf32>,
        %add3A_1846 = arith.constant 13 : i32
        %add3A_1847 = arith.addi %mul3A_124, %add3A_1846 : i32
        %get3A_1848 = arith.index_cast %add3A_1847 : i32 to index
        %get3A_1849 = arith.constant 32 : index
        %get3A_1850 = tpu.vector_load %arg9[%get3A_1848, %get3A_1849] {strides = array<i32>} : memref<160x128xf32, #tpu.memory_space<vmem>>, vector<16xf32>,
        %sub3A_1851 = vector.broadcast %squeeze3A_1811 : f32 to vector<16xf32>
        %sub3A_1852 = arith.subf %get3A_1850, %sub3A_1851 : vector<16xf32>
        %mul3A_1853 = vector.broadcast %squeeze3A_1813 : f32 to vector<16xf32>
        %mul3A_1854 = arith.mulf %sub3A_1852, %mul3A_1853 : vector<16xf32>
        %add3A_1855 = arith.addf %mul3A_1854, %get3A_13 : vector<16xf32>
        %mul3A_1856 = arith.mulf %get3A_5, %add3A_1855 : vector<16xf32>
        %add3A_1857 = arith.constant 13 : i32
        %add3A_1858 = arith.addi %mul3A_124, %add3A_1857 : i32
        %swap3A_1859 = arith.index_cast %add3A_1858 : i32 to index
        %swap3A_1860 = arith.constant 32 : index
        %swap3A_1861 = tpu.vector_load %arg11[%swap3A_1859, %swap3A_1860] {strides = array<i32>} : memref<160x64xf32, #tpu.memory_space<vmem>>, vector<16xf32>,
        tpu.vector_store %arg11[%swap3A_1859, %swap3A_1860], %mul3A_1856 {strides = array<i32>} : memref<160x64xf32, #tpu.memory_space<vmem>>, vector<16xf32>,
        %add3A_1862 = arith.constant 13 : i32
        %add3A_1863 = arith.addi %mul3A_124, %add3A_1862 : i32
        %get3A_1864 = arith.index_cast %add3A_1863 : i32 to index
        %get3A_1865 = arith.constant 48 : index
        %get3A_1866 = tpu.vector_load %arg9[%get3A_1864, %get3A_1865] {strides = array<i32>} : memref<160x128xf32, #tpu.memory_space<vmem>>, vector<16xf32>,
        %sub3A_1867 = vector.broadcast %squeeze3A_1811 : f32 to vector<16xf32>
        %sub3A_1868 = arith.subf %get3A_1866, %sub3A_1867 : vector<16xf32>
        %mul3A_1869 = vector.broadcast %squeeze3A_1813 : f32 to vector<16xf32>
        %mul3A_1870 = arith.mulf %sub3A_1868, %mul3A_1869 : vector<16xf32>
        %add3A_1871 = arith.addf %mul3A_1870, %get3A_15 : vector<16xf32>
        %mul3A_1872 = arith.mulf %get3A_7, %add3A_1871 : vector<16xf32>
        %add3A_1873 = arith.constant 13 : i32
        %add3A_1874 = arith.addi %mul3A_124, %add3A_1873 : i32
        %swap3A_1875 = arith.index_cast %add3A_1874 : i32 to index
        %swap3A_1876 = arith.constant 48 : index
        %swap3A_1877 = tpu.vector_load %arg11[%swap3A_1875, %swap3A_1876] {strides = array<i32>} : memref<160x64xf32, #tpu.memory_space<vmem>>, vector<16xf32>,
        tpu.vector_store %arg11[%swap3A_1875, %swap3A_1876], %mul3A_1872 {strides = array<i32>} : memref<160x64xf32, #tpu.memory_space<vmem>>, vector<16xf32>,
        %slice3A_1878 = vector.extract_strided_slice %mul3A_883 {offsets = [14], sizes = [1], strides = [1]} : vector<16xf32> to vector<1xf32>
        %squeeze3A_1879 = vector.extract %slice3A_1878[0] : f32 from vector<1xf32>
        %slice3A_1880 = vector.extract_strided_slice %div3A_928 {offsets = [14], sizes = [1], strides = [1]} : vector<16xf32> to vector<1xf32>
        %squeeze3A_1881 = vector.extract %slice3A_1880[0] : f32 from vector<1xf32>
        %add3A_1882 = arith.constant 14 : i32
        %add3A_1883 = arith.addi %mul3A_124, %add3A_1882 : i32
        %get3A_1884 = arith.index_cast %add3A_1883 : i32 to index
        %get3A_1885 = arith.constant 0 : index
        %get3A_1886 = tpu.vector_load %arg9[%get3A_1884, %get3A_1885] {strides = array<i32>} : memref<160x128xf32, #tpu.memory_space<vmem>>, vector<16xf32>,
        %sub3A_1887 = vector.broadcast %squeeze3A_1879 : f32 to vector<16xf32>
        %sub3A_1888 = arith.subf %get3A_1886, %sub3A_1887 : vector<16xf32>
        %mul3A_1889 = vector.broadcast %squeeze3A_1881 : f32 to vector<16xf32>
        %mul3A_1890 = arith.mulf %sub3A_1888, %mul3A_1889 : vector<16xf32>
        %add3A_1891 = arith.addf %mul3A_1890, %get3A_9 : vector<16xf32>
        %mul3A_1892 = arith.mulf %get3A_1, %add3A_1891 : vector<16xf32>
        %add3A_1893 = arith.constant 14 : i32
        %add3A_1894 = arith.addi %mul3A_124, %add3A_1893 : i32
        %swap3A_1895 = arith.index_cast %add3A_1894 : i32 to index
        %swap3A_1896 = arith.constant 0 : index
        %swap3A_1897 = tpu.vector_load %arg11[%swap3A_1895, %swap3A_1896] {strides = array<i32>} : memref<160x64xf32, #tpu.memory_space<vmem>>, vector<16xf32>,
        tpu.vector_store %arg11[%swap3A_1895, %swap3A_1896], %mul3A_1892 {strides = array<i32>} : memref<160x64xf32, #tpu.memory_space<vmem>>, vector<16xf32>,
        %add3A_1898 = arith.constant 14 : i32
        %add3A_1899 = arith.addi %mul3A_124, %add3A_1898 : i32
        %get3A_1900 = arith.index_cast %add3A_1899 : i32 to index
        %get3A_1901 = arith.constant 16 : index
        %get3A_1902 = tpu.vector_load %arg9[%get3A_1900, %get3A_1901] {strides = array<i32>} : memref<160x128xf32, #tpu.memory_space<vmem>>, vector<16xf32>,
        %sub3A_1903 = vector.broadcast %squeeze3A_1879 : f32 to vector<16xf32>
        %sub3A_1904 = arith.subf %get3A_1902, %sub3A_1903 : vector<16xf32>
        %mul3A_1905 = vector.broadcast %squeeze3A_1881 : f32 to vector<16xf32>
        %mul3A_1906 = arith.mulf %sub3A_1904, %mul3A_1905 : vector<16xf32>
        %add3A_1907 = arith.addf %mul3A_1906, %get3A_11 : vector<16xf32>
        %mul3A_1908 = arith.mulf %get3A_3, %add3A_1907 : vector<16xf32>
        %add3A_1909 = arith.constant 14 : i32
        %add3A_1910 = arith.addi %mul3A_124, %add3A_1909 : i32
        %swap3A_1911 = arith.index_cast %add3A_1910 : i32 to index
        %swap3A_1912 = arith.constant 16 : index
        %swap3A_1913 = tpu.vector_load %arg11[%swap3A_1911, %swap3A_1912] {strides = array<i32>} : memref<160x64xf32, #tpu.memory_space<vmem>>, vector<16xf32>,
        tpu.vector_store %arg11[%swap3A_1911, %swap3A_1912], %mul3A_1908 {strides = array<i32>} : memref<160x64xf32, #tpu.memory_space<vmem>>, vector<16xf32>,
        %add3A_1914 = arith.constant 14 : i32
        %add3A_1915 = arith.addi %mul3A_124, %add3A_1914 : i32
        %get3A_1916 = arith.index_cast %add3A_1915 : i32 to index
        %get3A_1917 = arith.constant 32 : index
        %get3A_1918 = tpu.vector_load %arg9[%get3A_1916, %get3A_1917] {strides = array<i32>} : memref<160x128xf32, #tpu.memory_space<vmem>>, vector<16xf32>,
        %sub3A_1919 = vector.broadcast %squeeze3A_1879 : f32 to vector<16xf32>
        %sub3A_1920 = arith.subf %get3A_1918, %sub3A_1919 : vector<16xf32>
        %mul3A_1921 = vector.broadcast %squeeze3A_1881 : f32 to vector<16xf32>
        %mul3A_1922 = arith.mulf %sub3A_1920, %mul3A_1921 : vector<16xf32>
        %add3A_1923 = arith.addf %mul3A_1922, %get3A_13 : vector<16xf32>
        %mul3A_1924 = arith.mulf %get3A_5, %add3A_1923 : vector<16xf32>
        %add3A_1925 = arith.constant 14 : i32
        %add3A_1926 = arith.addi %mul3A_124, %add3A_1925 : i32
        %swap3A_1927 = arith.index_cast %add3A_1926 : i32 to index
        %swap3A_1928 = arith.constant 32 : index
        %swap3A_1929 = tpu.vector_load %arg11[%swap3A_1927, %swap3A_1928] {strides = array<i32>} : memref<160x64xf32, #tpu.memory_space<vmem>>, vector<16xf32>,
        tpu.vector_store %arg11[%swap3A_1927, %swap3A_1928], %mul3A_1924 {strides = array<i32>} : memref<160x64xf32, #tpu.memory_space<vmem>>, vector<16xf32>,
        %add3A_1930 = arith.constant 14 : i32
        %add3A_1931 = arith.addi %mul3A_124, %add3A_1930 : i32
        %get3A_1932 = arith.index_cast %add3A_1931 : i32 to index
        %get3A_1933 = arith.constant 48 : index
        %get3A_1934 = tpu.vector_load %arg9[%get3A_1932, %get3A_1933] {strides = array<i32>} : memref<160x128xf32, #tpu.memory_space<vmem>>, vector<16xf32>,
        %sub3A_1935 = vector.broadcast %squeeze3A_1879 : f32 to vector<16xf32>
        %sub3A_1936 = arith.subf %get3A_1934, %sub3A_1935 : vector<16xf32>
        %mul3A_1937 = vector.broadcast %squeeze3A_1881 : f32 to vector<16xf32>
        %mul3A_1938 = arith.mulf %sub3A_1936, %mul3A_1937 : vector<16xf32>
        %add3A_1939 = arith.addf %mul3A_1938, %get3A_15 : vector<16xf32>
        %mul3A_1940 = arith.mulf %get3A_7, %add3A_1939 : vector<16xf32>
        %add3A_1941 = arith.constant 14 : i32
        %add3A_1942 = arith.addi %mul3A_124, %add3A_1941 : i32
        %swap3A_1943 = arith.index_cast %add3A_1942 : i32 to index
        %swap3A_1944 = arith.constant 48 : index
        %swap3A_1945 = tpu.vector_load %arg11[%swap3A_1943, %swap3A_1944] {strides = array<i32>} : memref<160x64xf32, #tpu.memory_space<vmem>>, vector<16xf32>,
        tpu.vector_store %arg11[%swap3A_1943, %swap3A_1944], %mul3A_1940 {strides = array<i32>} : memref<160x64xf32, #tpu.memory_space<vmem>>, vector<16xf32>,
        %slice3A_1946 = vector.extract_strided_slice %mul3A_883 {offsets = [15], sizes = [1], strides = [1]} : vector<16xf32> to vector<1xf32>
        %squeeze3A_1947 = vector.extract %slice3A_1946[0] : f32 from vector<1xf32>
        %slice3A_1948 = vector.extract_strided_slice %div3A_928 {offsets = [15], sizes = [1], strides = [1]} : vector<16xf32> to vector<1xf32>
        %squeeze3A_1949 = vector.extract %slice3A_1948[0] : f32 from vector<1xf32>
        %add3A_1950 = arith.constant 15 : i32
        %add3A_1951 = arith.addi %mul3A_124, %add3A_1950 : i32
        %get3A_1952 = arith.index_cast %add3A_1951 : i32 to index
        %get3A_1953 = arith.constant 0 : index
        %get3A_1954 = tpu.vector_load %arg9[%get3A_1952, %get3A_1953] {strides = array<i32>} : memref<160x128xf32, #tpu.memory_space<vmem>>, vector<16xf32>,
        %sub3A_1955 = vector.broadcast %squeeze3A_1947 : f32 to vector<16xf32>
        %sub3A_1956 = arith.subf %get3A_1954, %sub3A_1955 : vector<16xf32>
        %mul3A_1957 = vector.broadcast %squeeze3A_1949 : f32 to vector<16xf32>
        %mul3A_1958 = arith.mulf %sub3A_1956, %mul3A_1957 : vector<16xf32>
        %add3A_1959 = arith.addf %mul3A_1958, %get3A_9 : vector<16xf32>
        %mul3A_1960 = arith.mulf %get3A_1, %add3A_1959 : vector<16xf32>
        %add3A_1961 = arith.constant 15 : i32
        %add3A_1962 = arith.addi %mul3A_124, %add3A_1961 : i32
        %swap3A_1963 = arith.index_cast %add3A_1962 : i32 to index
        %swap3A_1964 = arith.constant 0 : index
        %swap3A_1965 = tpu.vector_load %arg11[%swap3A_1963, %swap3A_1964] {strides = array<i32>} : memref<160x64xf32, #tpu.memory_space<vmem>>, vector<16xf32>,
        tpu.vector_store %arg11[%swap3A_1963, %swap3A_1964], %mul3A_1960 {strides = array<i32>} : memref<160x64xf32, #tpu.memory_space<vmem>>, vector<16xf32>,
        %add3A_1966 = arith.constant 15 : i32
        %add3A_1967 = arith.addi %mul3A_124, %add3A_1966 : i32
        %get3A_1968 = arith.index_cast %add3A_1967 : i32 to index
        %get3A_1969 = arith.constant 16 : index
        %get3A_1970 = tpu.vector_load %arg9[%get3A_1968, %get3A_1969] {strides = array<i32>} : memref<160x128xf32, #tpu.memory_space<vmem>>, vector<16xf32>,
        %sub3A_1971 = vector.broadcast %squeeze3A_1947 : f32 to vector<16xf32>
        %sub3A_1972 = arith.subf %get3A_1970, %sub3A_1971 : vector<16xf32>
        %mul3A_1973 = vector.broadcast %squeeze3A_1949 : f32 to vector<16xf32>
        %mul3A_1974 = arith.mulf %sub3A_1972, %mul3A_1973 : vector<16xf32>
        %add3A_1975 = arith.addf %mul3A_1974, %get3A_11 : vector<16xf32>
        %mul3A_1976 = arith.mulf %get3A_3, %add3A_1975 : vector<16xf32>
        %add3A_1977 = arith.constant 15 : i32
        %add3A_1978 = arith.addi %mul3A_124, %add3A_1977 : i32
        %swap3A_1979 = arith.index_cast %add3A_1978 : i32 to index
        %swap3A_1980 = arith.constant 16 : index
        %swap3A_1981 = tpu.vector_load %arg11[%swap3A_1979, %swap3A_1980] {strides = array<i32>} : memref<160x64xf32, #tpu.memory_space<vmem>>, vector<16xf32>,
        tpu.vector_store %arg11[%swap3A_1979, %swap3A_1980], %mul3A_1976 {strides = array<i32>} : memref<160x64xf32, #tpu.memory_space<vmem>>, vector<16xf32>,
        %add3A_1982 = arith.constant 15 : i32
        %add3A_1983 = arith.addi %mul3A_124, %add3A_1982 : i32
        %get3A_1984 = arith.index_cast %add3A_1983 : i32 to index
        %get3A_1985 = arith.constant 32 : index
        %get3A_1986 = tpu.vector_load %arg9[%get3A_1984, %get3A_1985] {strides = array<i32>} : memref<160x128xf32, #tpu.memory_space<vmem>>, vector<16xf32>,
        %sub3A_1987 = vector.broadcast %squeeze3A_1947 : f32 to vector<16xf32>
        %sub3A_1988 = arith.subf %get3A_1986, %sub3A_1987 : vector<16xf32>
        %mul3A_1989 = vector.broadcast %squeeze3A_1949 : f32 to vector<16xf32>
        %mul3A_1990 = arith.mulf %sub3A_1988, %mul3A_1989 : vector<16xf32>
        %add3A_1991 = arith.addf %mul3A_1990, %get3A_13 : vector<16xf32>
        %mul3A_1992 = arith.mulf %get3A_5, %add3A_1991 : vector<16xf32>
        %add3A_1993 = arith.constant 15 : i32
        %add3A_1994 = arith.addi %mul3A_124, %add3A_1993 : i32
        %swap3A_1995 = arith.index_cast %add3A_1994 : i32 to index
        %swap3A_1996 = arith.constant 32 : index
        %swap3A_1997 = tpu.vector_load %arg11[%swap3A_1995, %swap3A_1996] {strides = array<i32>} : memref<160x64xf32, #tpu.memory_space<vmem>>, vector<16xf32>,
        tpu.vector_store %arg11[%swap3A_1995, %swap3A_1996], %mul3A_1992 {strides = array<i32>} : memref<160x64xf32, #tpu.memory_space<vmem>>, vector<16xf32>,
        %add3A_1998 = arith.constant 15 : i32
        %add3A_1999 = arith.addi %mul3A_124, %add3A_1998 : i32
        %get3A_2000 = arith.index_cast %add3A_1999 : i32 to index
        %get3A_2001 = arith.constant 48 : index
        %get3A_2002 = tpu.vector_load %arg9[%get3A_2000, %get3A_2001] {strides = array<i32>} : memref<160x128xf32, #tpu.memory_space<vmem>>, vector<16xf32>,
        %sub3A_2003 = vector.broadcast %squeeze3A_1947 : f32 to vector<16xf32>
        %sub3A_2004 = arith.subf %get3A_2002, %sub3A_2003 : vector<16xf32>
        %mul3A_2005 = vector.broadcast %squeeze3A_1949 : f32 to vector<16xf32>
        %mul3A_2006 = arith.mulf %sub3A_2004, %mul3A_2005 : vector<16xf32>
        %add3A_2007 = arith.addf %mul3A_2006, %get3A_15 : vector<16xf32>
        %mul3A_2008 = arith.mulf %get3A_7, %add3A_2007 : vector<16xf32>
        %add3A_2009 = arith.constant 15 : i32
        %add3A_2010 = arith.addi %mul3A_124, %add3A_2009 : i32
        %swap3A_2011 = arith.index_cast %add3A_2010 : i32 to index
        %swap3A_2012 = arith.constant 48 : index
        %swap3A_2013 = tpu.vector_load %arg11[%swap3A_2011, %swap3A_2012] {strides = array<i32>} : memref<160x64xf32, #tpu.memory_space<vmem>>, vector<16xf32>,
        tpu.vector_store %arg11[%swap3A_2011, %swap3A_2012], %mul3A_2008 {strides = array<i32>} : memref<160x64xf32, #tpu.memory_space<vmem>>, vector<16xf32>,
      }
      %scan3A_107 = arith.constant 10 : i32
      %add3A_108 = arith.constant 160 : i32
      %add3A_109 = arith.addi %add3A_29, %add3A_108 : i32
      %dma_start3A_110 = arith.constant 0 : i32
      %dma_start3A_111 = tpu.memref_slice %arg6[%add3A_109, %dma_start3A_110] : memref<819200x64xf32, #tpu.memory_space<hbm>> -> memref<160x64xf32, #tpu.memory_space<hbm>>
      %dma_start3A_112 = arith.constant 0 : i32
      %dma_start3A_113 = tpu.memref_slice %arg6[%add3A_109, %dma_start3A_112] : memref<819200x64xf32, #tpu.memory_space<hbm>> -> memref<160x64xf32, #tpu.memory_space<hbm>>
      tpu.enqueue_dma source(%arg11 : memref<160x64xf32, #tpu.memory_space<vmem>>) target(%dma_start3A_113 : memref<160x64xf32, #tpu.memory_space<hbm>>) target_semaphore(%arg16 : memref<!tpu.dma_semaphore, #tpu.memory_space<semaphore_mem>>)
      %dma_wait3A_114 = arith.constant 0 : i32
      %dma_wait3A_115 = tpu.memref_slice %arg6[%add3A_29, %dma_wait3A_114] : memref<819200x64xf32, #tpu.memory_space<hbm>> -> memref<160x64xf32, #tpu.memory_space<hbm>>
      %dma_wait3A_116 = arith.constant 0 : i32
      %dma_wait3A_117 = tpu.memref_slice %arg6[%add3A_29, %dma_wait3A_116] : memref<819200x64xf32, #tpu.memory_space<hbm>> -> memref<160x64xf32, #tpu.memory_space<hbm>>
      tpu.wait_dma2 semaphore(%arg16 : memref<!tpu.dma_semaphore, #tpu.memory_space<semaphore_mem>>) src(%arg10 : memref<160x64xf32, #tpu.memory_space<vmem>>) dst(%dma_wait3A_117 : memref<160x64xf32, #tpu.memory_space<hbm>>)
      %dma_wait3A_118 = arith.constant 0 : i32
      %dma_wait3A_119 = tpu.memref_slice %arg6[%add3A_109, %dma_wait3A_118] : memref<819200x64xf32, #tpu.memory_space<hbm>> -> memref<160x64xf32, #tpu.memory_space<hbm>>
      %dma_wait3A_120 = arith.constant 0 : i32
      %dma_wait3A_121 = tpu.memref_slice %arg6[%add3A_109, %dma_wait3A_120] : memref<819200x64xf32, #tpu.memory_space<hbm>> -> memref<160x64xf32, #tpu.memory_space<hbm>>
      tpu.wait_dma2 semaphore(%arg16 : memref<!tpu.dma_semaphore, #tpu.memory_space<semaphore_mem>>) src(%arg11 : memref<160x64xf32, #tpu.memory_space<vmem>>) dst(%dma_wait3A_121 : memref<160x64xf32, #tpu.memory_space<hbm>>)
    }
    %scan3A_23 = arith.constant 80 : i32
    return
  }
}

module attributes {stable_mosaic.version = 14 : i64} {
  func.func @_pad_block(%arg0: i32, %arg1: memref<2000x64xf32, #tpu.memory_space<vmem>>, %arg2: memref<2000x128xf32, #tpu.memory_space<vmem>>) attributes {dimension_semantics = [#tpu.dimension_semantics<arbitrary>], iteration_bounds = array<i64: 50>, scalar_prefetch = 0 : i64, scratch_operands = 0 : i64, tpu.core_type = #tpu.core_type<tc>, window_params = [{transform_indices = @transform_0, window_bounds = array<i64: 2000, 64>}, {transform_indices = @transform_1, window_bounds = array<i64: 2000, 128>}]} {
    %get3A = arith.constant 0 : index
    %get3A_0 = arith.constant 0 : index
    %get3A_1 = vector.load %arg1[%get3A, %get3A_0] : memref<2000x64xf32, #tpu.memory_space<vmem>>, vector<2000x64xf32>
    %broadcast_in_dim3A = arith.constant 0.000000e+00 : f32
    %broadcast_in_dim3A_2 = vector.broadcast %broadcast_in_dim3A : f32 to vector<2000x64xf32>
    %concatenate3A = tpu.concatenate %get3A_1, %broadcast_in_dim3A_2 in 1 : vector<2000x64xf32>, vector<2000x64xf32> -> vector<2000x128xf32>
    %swap3A = arith.constant 0 : index
    %swap3A_3 = arith.constant 0 : index
    %swap3A_4 = vector.load %arg2[%swap3A, %swap3A_3] : memref<2000x128xf32, #tpu.memory_space<vmem>>, vector<2000x128xf32>
    tpu.vector_store %arg2[%swap3A, %swap3A_3], %concatenate3A {strides = array<i32>} : memref<2000x128xf32, #tpu.memory_space<vmem>>, vector<2000x128xf32>,
    return
  }
  func.func @transform_0(%arg0: i32) -> (i32, i32) {
    %c0_i32 = arith.constant 0 : i32
    %c0_i32_0 = arith.constant 0 : i32
    return %arg0, %c0_i32 : i32, i32
  }
  func.func @transform_1(%arg0: i32) -> (i32, i32) {
    %c0_i32 = arith.constant 0 : i32
    %c0_i32_0 = arith.constant 0 : i32
    return %arg0, %c0_i32 : i32, i32
  }
}

</mosaic_0001>

<sc_bundles>
// kernel: kernel.4.cloned.1.call-start
scs
__scs_entry_jumppad:
0x0: {  	(pc) =	sbr.rel $0x88, $3  }
0x1: {  	(tag) =	ssettag $0x0;
	lr =	simm.s32 $0x1  }
0x2: {  	[smem:$0x3F9D] =	sst lr;
	_ =	strace $0xD0000000  }
0x3: {  	_ = 	snop  }
0x4: {  	_ = 	snop  }
0x5: {  	_ = 	snop  }
0x6: {  	_ = 	snop  }
0x7: {  	_ = 	snop  }
__scs_overlays_trampoline_lowered:
0x8: {  	[smem:$0x3FAC] =	sst s0  }
0x9: {  	[smem:$0x3FAD] =	sst s1  }
0xa: {  	[smem:$0x3FAE] =	sst s2  }
0xb: {  	[smem:$0x3FAF] =	sst s3  }
0xc: {  	[smem:$0x3FB0] =	sst s4  }
0xd: {  	[smem:$0x3FB1] =	sst s5  }
0xe: {  	[smem:$0x3FB2] =	sst s6  }
0xf: {  	[smem:$0x3FB3] =	sst s7  }
0x10: {  	[smem:$0x3FB4] =	sst s8  }
0x11: {  	[smem:$0x3FB5] =	sst s9;
	s0 =	simm.s32 @!p0 $0x0  }
0x12: {  	s1 =	sld [smem:$0x3F9B];
	s0 =	simm.s32 @p0 $0x1  }
0x13: {  	[smem:$0x3FB6] =	sst s0;
	s0 =	simm.s32 @!p1 $0x0  }
0x14: {  	s2 =	sld [smem:$0x3F9A];
	s0 =	simm.s32 @p1 $0x1  }
0x15: {  	[smem:$0x3FB7] =	sst s0;
	s0 =	simm.s32 @!p2 $0x0  }
0x16: {  	s3 =	sld [smem:$0x3FDB];
	s0 =	simm.s32 @p2 $0x1  }
0x17: {  	s4 =	simm.s32 $0x1BF5;
	[smem:$0x3FB9] =	sst s0  }
0x18: {  	s0 =	sld [smem:$0x3F9C];
	_ =	swait.ge [sflag:s4], $0x0  }
0x19: {  	s7 =	sld [smem:$0x3F9D]  }
0x1a: {  	s8 =	sadd.s32 $0xFFFFE003, lr  }
0x1b: {  	s9 =	sadd.s32 $0xFFFFFEF7, lr;
	s5 =	simm.s32 $0xFFFFFFFF;
	p2 =	slt.u32 s8, $0xFFFFF086  }
0x1c: {  	p1 =	slt.u32 s9, $0xF7A;
	s5 =	simm.s32 @!p2 $0x0  }
0x1d: {  	s5 =	simm.s32 @p1 $0x1;
	p0 =	seq.s32 s7, s2  }
0x1e: {  	s7 =	smul.u32 @!p0 $0xF7A, s2;
	p2 =	seq.s32 @!p0 s5, $0x0  }
0x1f: {  	s9 =	smul.u32 $0xF7A, s1;
	s8 =	simm.s32 @!p0 $0x1BF5;
	p2 =	por !p2, p0  }
0x20: {  	[sflag:s8] =	ssyncset.s32 @!p0 $0xFFFFF086;
	s6 =	sadd.s32 @!p0 s3, s7;
	s7 =	simm.s32 @!p0 $0x108  }
0x21: {  	s3 =	sadd.s32 s3, s9;
	s6 =	sadd.s32 @!p0 $0x88, s6;
	s7 =	simm.s32 @p2 $0x1082  }
0x22: {  	[simem:s7], [sflag:s8] =	dma.local @!p0 [hbm:s6], $0xF7A  }
0x23: {  	s9 =	sor.u32 $0xD0000000, s2;
	s6 =	simm.s32 $0x108;
	_ =	swait.ge @!p0 [sflag:s8], $0x0  }
0x24: {  	s3 =	sadd.s32 $0x88, s3;
	s6 =	simm.s32 @!p1 $0x1082;
	[sflag:s4] =	ssyncset.s32 $0xFFFFF086  }
0x25: {  	[simem:s6], [sflag:s4] =	dma.local [hbm:s3], $0xF7A  }
0x26: {  	[smem:$0x3F9D] =	sst s1;
	(tag) =	ssettag s2;
	_ =	strace s9  }
0x27: {  	s1 =	sld [smem:$0x3FAD]  }
0x28: {  	s2 =	sld [smem:$0x3FAE]  }
0x29: {  	s4 =	sld [smem:$0x3FB0]  }
0x2a: {  	p0 =	seq.s32 s5, $0x0;
	s5 =	sld [smem:$0x3FB1]  }
0x2b: {  	s6 =	sld [smem:$0x3FB2]  }
0x2c: {  	s7 =	sld [smem:$0x3FB3]  }
0x2d: {  	s3 =	simm.s32 $0x108;
	s8 =	sld [smem:$0x3FB4]  }
0x2e: {  	s3 =	simm.s32 @!p0 $0x1082;
	s9 =	sld [smem:$0x3FB5]  }
0x2f: {  	lr =	sadd.s32 s0, s3;
	s0 =	sld [smem:$0x3FAC]  }
0x30: {  	s3 =	sld [smem:$0x3FAF]  }
0x31: {  	[smem:$0x3FB8] =	sst s10  }
0x32: {  	s10 =	sld [smem:$0x3FB6];
	_ =	sdelay $0x3  }
0x33: {  	p0 =	seq.s32 s10, $0x1;
	s10 =	sld [smem:$0x3FB8];
	_ =	sdelay $0x3  }
0x34: {  	[smem:$0x3FB8] =	sst s10  }
0x35: {  	s10 =	sld [smem:$0x3FB7];
	_ =	sdelay $0x3  }
0x36: {  	p1 =	seq.s32 s10, $0x1;
	s10 =	sld [smem:$0x3FB8];
	_ =	sdelay $0x3  }
0x37: {  	[smem:$0x3FB8] =	sst s10  }
0x38: {  	s10 =	sld [smem:$0x3FB9]  }
0x39: {  	_ = 	snop;
	(pc) =	sbr.ind lr, $3  }
0x3a: {  	_ = 	snop  }
0x3b: {  	_ = 	snop  }
0x3c: {  	p2 =	seq.s32 s10, $0x1;
	s10 =	sld [smem:$0x3FB8]  }
0x3d: {  	_ =	shalt  }
0x3e: {  	_ =	shalt  }
0x3f: {  	_ =	shalt  }
0x40: {  	_ =	shalt  }
0x41: {  	_ =	shalt  }
0x42: {  	_ =	shalt  }
0x43: {  	_ =	shalt  }
0x44: {  	_ =	shalt  }
0x45: {  	_ =	shalt  }
0x46: {  	_ =	shalt  }
0x47: {  	_ =	shalt  }
0x48: {  	_ =	shalt  }
0x49: {  	_ =	shalt  }
0x4a: {  	_ =	shalt  }
0x4b: {  	_ =	shalt  }
0x4c: {  	_ =	shalt  }
0x4d: {  	_ =	shalt  }
0x4e: {  	_ =	shalt  }
0x4f: {  	_ =	shalt  }
0x50: {  	_ =	shalt  }
0x51: {  	_ =	shalt  }
0x52: {  	_ =	shalt  }
0x53: {  	_ =	shalt  }
0x54: {  	_ =	shalt  }
0x55: {  	_ =	shalt  }
0x56: {  	_ =	shalt  }
0x57: {  	_ =	shalt  }
0x58: {  	_ =	shalt  }
0x59: {  	_ =	shalt  }
0x5a: {  	_ =	shalt  }
0x5b: {  	_ =	shalt  }
0x5c: {  	_ =	shalt  }
0x5d: {  	_ =	shalt  }
0x5e: {  	_ =	shalt  }
0x5f: {  	_ =	shalt  }
0x60: {  	_ =	shalt  }
0x61: {  	_ =	shalt  }
0x62: {  	_ =	shalt  }
0x63: {  	_ =	shalt  }
0x64: {  	_ =	shalt  }
0x65: {  	_ =	shalt  }
0x66: {  	_ =	shalt  }
0x67: {  	_ =	shalt  }
0x68: {  	_ =	shalt  }
0x69: {  	_ =	shalt  }
0x6a: {  	_ =	shalt  }
0x6b: {  	_ =	shalt  }
0x6c: {  	_ =	shalt  }
0x6d: {  	_ =	shalt  }
0x6e: {  	_ =	shalt  }
0x6f: {  	_ =	shalt  }
0x70: {  	_ =	shalt  }
0x71: {  	_ =	shalt  }
0x72: {  	_ =	shalt  }
0x73: {  	_ =	shalt  }
0x74: {  	_ =	shalt  }
0x75: {  	_ =	shalt  }
0x76: {  	_ =	shalt  }
0x77: {  	_ =	shalt  }
0x78: {  	_ =	shalt  }
0x79: {  	_ =	shalt  }
0x7a: {  	_ =	shalt  }
0x7b: {  	_ =	shalt  }
0x7c: {  	_ =	shalt  }
0x7d: {  	_ =	shalt  }
0x7e: {  	_ =	shalt  }
0x7f: {  	_ =	shalt  }
0x80: {  	_ =	shalt  }
0x81: {  	_ =	shalt  }
0x82: {  	_ =	shalt  }
0x83: {  	_ =	shalt  }
0x84: {  	_ =	shalt  }
0x85: {  	_ =	shalt  }
0x86: {  	_ =	shalt  }
0x87: {  	_ =	shalt  }
.Lfunc_end0:
.L_simem_size_0:
called_computation.1_lowered:
.L_overlay_start_0:
0x88: {  	s2 =	sld [smem:$0x3FD9]  }
0x89: {  	s3 =	sld [smem:$0x3FFE];
	_ =	sdelay $0x1  }
0x8a: {  	s1 =	srdreg.scid  }
0x8b: {  	s0 =	sand.u32 $0x1, s1  }
0x8c: {  	s17 =	sshll.u32 s0, $0xA;
	s2 =	sadd.s32 s3, s2  }
0x8d: {  	s2 =	sadd.s32 s2, s17  }
0x8e: {  	[smem:$0x3FC4] =	sst s2  }
0x8f: {  	_ = 	snop  }
0x90: {  	s2 =	sld [smem:$0x3FC7]  }
0x91: {  	s18 =	sld [smem:$0x3FC6];
	(tm) =	ssettm $0x1  }
0x92: {  	s4 =	sld [smem:$0x3FFB];
	_ =	sdelay $0x3  }
0x93: {  	_ =	strace s4  }
0x94: {  	s4 =	sld [smem:$0x3FFC];
	_ =	sdelay $0x3  }
0x95: {  	_ =	strace s4  }
0x96: {  	s4 =	sld [smem:$0x3FFD];
	_ =	sdelay $0x3  }
0x97: {  	_ =	strace s4  }
0x98: {  	_ =	strace $0x8FFFFFFF  }
0x99: {  	s19 =	sld [smem:$0x3FDB];
	_ =	sdelay $0x1  }
0x9a: {  	s5 =	simm.s32 $_scs_section_size  }
0x9b: {  	s6 =	simm.s32 $_size__tile_overlayer_lowered;
	s7 =	simm.s32 $_tile_overlayer_lowered  }
0x9c: {  	s22 =	simm.s32 $0x1BFF;
	s21 =	sshll.u32 s7, $0x1;
	s4 =	sadd.s32 s5, s19  }
0x9d: {  	s8 =	simm.s32 $0x0;
	s20 =	sshll.u32 s6, $0x1;
	s6 =	sadd.s32 s21, s4  }
0x9e: {  	[timem:s8], [sflag:s22] =	dma.local [hbm:s6], s20  }
0x9f: {  	_ =	swait.ge [sflag:s22], s20  }
0xa0: {  	s5 =	ssub.s32 $0x0, s20;
	[sflag:s22] =	ssyncset.done $0x0  }
0xa1: {  	[sflag:s22] =	ssyncadd.s32 s5;
	_ =	sdelay $0x1  }
0xa2: {  	s23 =	simm.s32 $0x1B8B  }
0xa3: {  	_ =	swait.ge [sflag:s23], $0x1  }
0xa4: {  	[sflag:s23] =	ssyncset.done $0x0  }
0xa5: {  	s25 =	simm.s32 $0x1B8E;
	s24 =	sld [smem:$0x3FFE];
	[sflag:s23] =	ssyncadd.s32 $0xFFFFFFFF  }
0xa6: {  	s26 =	simm.s32 $execute0_lowered;
	[smem:$0x3FD2] =	sst s25  }
0xa7: {  	s6 =	sshll.u32 s26, $0x1;
	_ =	strace $0x80000046;
	[dreg:$0x1] =	wrdreg $0xFFFFFFFF  }
0xa8: {  	s28 =	simm.s32 $_size_execute0_lowered;
	s4 =	sadd.s32 s4, s6;
	[dreg:$0x0] =	wrdreg $0x0  }
0xa9: {  	s6 =	sshll.u32 s28, $0x1;
	[dreg:$0x2] =	wrdreg s4  }
0xaa: {  	[dreg:$0x3] =	wrdreg s6  }
0xab: {  	[dreg:$0x4] =	wrdreg $0xC0  }
0xac: {  	_ =	task [dreg:s8], $0x5FFFF  }
0xad: {  	[dreg:$0x1] =	wrdreg $0xFFFFFFFF  }
0xae: {  	[dreg:$0x0] =	wrdreg $0x60  }
0xaf: {  	[dreg:$0x2] =	wrdreg s24  }
0xb0: {  	[dreg:$0x3] =	wrdreg s2  }
0xb1: {  	[dreg:$0x4] =	wrdreg s18  }
0xb2: {  	[dreg:$0x5] =	wrdreg $0x9  }
0xb3: {  	_ =	task.clear_ibuf [dreg:s8], $0x6FFFF;
	_ =	strace $0x90000046  }
0xb4: {  	s29 =	simm.s32 $0x9;
	_ =	strace $0x80000048  }
0xb5: {  	_ =	swait.ge [sflag:s29], $0x1  }
0xb6: {  	[sflag:s29] =	ssyncadd.s32 $0xFFFFFFFF  }
0xb7: {  	_ =	strace $0x90000048  }
0xb8: {  	_ =	sfence  }
0xb9: {  	s30 =	sld [smem:$0x0];
	_ =	sdelay $0x2  }
0xba: {  	s31 =	sshll.u32 s1, $0xD;
	s1 =	sshrl.u32 s1, $0x2  }
0xbb: {  	s3 =	sand.u32 $0x4000, s31;
	s1 =	sadd.s32 s1, s30  }
0xbc: {  	s0 =	sor.u32 s3, s0;
	s1 =	sshll.u32 s1, $0x11  }
0xbd: {  	s0 =	sor.u32 s1, s0  }
0xbe: {  	s0 =	sadd.s32 $0x8F2B, s0  }
0xbf: {  	[sflag:s0] =	ssyncadd.remote.s32 $0x1  }
0xc0: {  	_ =	sfence.sel $0xFFFF  }
0xc1: {  	[dreg:$0x0] =	wrdreg $0xFFFFFFFF;
	(pc) =	sbr.abs _section_cstart, $3  }
0xc2: {  	[dreg:$0x1] =	wrdreg $0xFFFFFFFF  }
0xc3: {  	_ =	task.clear_ibuf [dreg:s8], $0x2FFFF;
	_ =	strace $0x9FFFFFFF  }
0xc4: {  	(tm) =	ssettm $0x7FFFFFFF  }
0xc5: {  	_ =	shalt  }
tec
execute0_lowered:
.L_overlay_start_1:
0x0: {  	(tag) =	ssettag $0x1  }
0x1: {  	s1 =	rddreg [dreg:$0x0]  }
0x2: {  	v16 =	vlaneseq.u32;
	s0 =	rddreg [dreg:$0x1];
	s3 =	simm.s32 $0x0  }
0x3: {  	[smem:$0x7FF] =	sst s3;
	v0 =	vadd.s32 $0xDD, v16  }
0x4: {  	s2 =	rddreg [dreg:$0x2];
	v8 =	vadd.s32 $0x1ED, v16;
	_ =	strace $0x80000047;
	[tilespmem:$0x1FDC0] =	vst v0  }
0x5: {  	v9 =	vadd.s32 $0xEE, v16;
	[tilespmem:$0x1FDD0] =	vst v8  }
0x6: {  	v10 =	vadd.s32 $0x1FE, v16;
	[tilespmem:$0x1FDE0] =	vst v9  }
0x7: {  	v11 =	vadd.s32 $0xFF, v16;
	[tilespmem:$0x1FDF0] =	vst v10  }
0x8: {  	v12 =	vadd.s32 $0x20F, v16;
	[tilespmem:$0x1FE00] =	vst v11  }
0x9: {  	v17 =	vor.u32 $0x110, v16;
	[tilespmem:$0x1FE10] =	vst v12  }
0xa: {  	v18 =	vadd.s32 $0x11, v16;
	[tilespmem:$0x1FF90] =	vst v17  }
0xb: {  	v19 =	vadd.s32 $0x121, v16;
	[tilespmem:$0x1FFA0] =	vst v18  }
0xc: {  	v20 =	vadd.s32 $0x22, v16;
	[tilespmem:$0x1FFB0] =	vst v19  }
0xd: {  	v21 =	vadd.s32 $0x132, v16;
	[tilespmem:$0x1FFC0] =	vst v20  }
0xe: {  	v22 =	vadd.s32 $0x33, v16;
	v28 =	vmul.u32 $0x11, v16;
	[tilespmem:$0x1FFD0] =	vst v21  }
0xf: {  	v23 =	vadd.s32 $0x143, v16;
	[tilespmem:$0x1FFE0] =	vst v22  }
0x10: {  	[tilespmem:$0x1FFF0] =	vst v23;
	v13 =	vadd.s32 $0x110, v28  }
0x11: {  	v14 =	vadd.s32 $0x1, v28;
	[tilespmem:$0x1FE20] =	vst v13  }
0x12: {  	v43 =	vadd.s32 $0x111, v28;
	[tilespmem:$0x1FE30] =	vst v14  }
0x13: {  	v44 =	vadd.s32 $0x2, v28;
	[tilespmem:$0x1FE40] =	vst v43  }
0x14: {  	v45 =	vadd.s32 $0x112, v28;
	[tilespmem:$0x1FE50] =	vst v44  }
0x15: {  	v46 =	vadd.s32 $0x3, v28;
	[tilespmem:$0x1FE60] =	vst v45  }
0x16: {  	v47 =	vadd.s32 $0x113, v28;
	[tilespmem:$0x1FE70] =	vst v46  }
0x17: {  	v48 =	vadd.s32 $0x4, v28;
	[tilespmem:$0x1FE80] =	vst v47  }
0x18: {  	v49 =	vadd.s32 $0x114, v28;
	[tilespmem:$0x1FE90] =	vst v48  }
0x19: {  	v50 =	vadd.s32 $0x5, v28;
	[tilespmem:$0x1FEA0] =	vst v49  }
0x1a: {  	v51 =	vadd.s32 $0x115, v28;
	[tilespmem:$0x1FEB0] =	vst v50  }
0x1b: {  	v52 =	vadd.s32 $0x6, v28;
	[tilespmem:$0x1FEC0] =	vst v51  }
0x1c: {  	v53 =	vadd.s32 $0x116, v28;
	[tilespmem:$0x1FED0] =	vst v52  }
0x1d: {  	s6 =	srdreg.scid;
	v54 =	vadd.s32 $0x7, v28;
	[tilespmem:$0x1FEE0] =	vst v53  }
0x1e: {  	s4 =	stileid.u32;
	s12 =	simm.s32 $0x3;
	s13 =	simm.s32 $0x14200;
	v24 =	vadd.s32 $0x44, v16;
	v55 =	vadd.s32 $0x117, v28;
	[tilespmem:$0x1FEF0] =	vst v54  }
0x1f: {  	s15 =	simm.s32 $0x180;
	s17 =	simm.s32 $0x4180;
	s18 =	simm.s32 $0xA0;
	v25 =	vadd.s32 $0x154, v16;
	v26 =	vadd.s32 $0x55, v16;
	v56 =	vadd.s32 $0x8, v28;
	[tilespmem:$0x1FF00] =	vst v55  }
0x20: {  	s14 =	simm.s32 $0x80;
	s19 =	simm.s32 $0x5180;
	s20 =	simm.s32 $0x120;
	v27 =	vadd.s32 $0x165, v16;
	v29 =	vadd.s32 $0x66, v16;
	v57 =	vadd.s32 $0x118, v28;
	[tilespmem:$0x1FF10] =	vst v56  }
0x21: {  	s16 =	simm.s32 $0x20;
	s21 =	simm.s32 $0x9180;
	s23 =	simm.s32 $0x14280;
	v30 =	vadd.s32 $0x176, v16;
	v31 =	vadd.s32 $0x77, v16;
	v58 =	vadd.s32 $0x9, v28;
	[tilespmem:$0x1FF20] =	vst v57  }
0x22: {  	s22 =	simm.s32 $0x1;
	s24 =	simm.s32 $0xA180;
	s25 =	simm.s32 $0xF180;
	v32 =	vadd.s32 $0x187, v16;
	v33 =	vadd.s32 $0x88, v16;
	v59 =	vadd.s32 $0x119, v28;
	[tilespmem:$0x1FF30] =	vst v58  }
0x23: {  	s26 =	simm.s32 $0x2;
	s28 =	simm.s32 $0x0;
	v34 =	vadd.s32 $0x198, v16;
	v35 =	vadd.s32 $0x99, v16;
	s8 =	sand.u32 $0x1, s6;
	v60 =	vadd.s32 $0xA, v28;
	[tilespmem:$0x1FF40] =	vst v59  }
0x24: {  	v36 =	vadd.s32 $0x1A9, v16;
	v37 =	vadd.s32 $0xAA, v16;
	s5 =	sadd.s32 $0x800, s1;
	s10 =	sshll.u32 s4, $0x1;
	s9 =	ssub.s32 $0x2, s8;
	v61 =	vadd.s32 $0x11A, v28;
	[tilespmem:$0x1FF50] =	vst v60  }
0x25: {  	v38 =	vadd.s32 $0x1BA, v16;
	v39 =	vadd.s32 $0xBB, v16;
	s6 =	sadd.s32 $0x19800, s1;
	s8 =	sor.u32 s8, s10;
	s11 =	sshrl.u32 s9, $0x1;
	v62 =	vadd.s32 $0xB, v28;
	[tilespmem:$0x1FF60] =	vst v61  }
0x26: {  	v40 =	vadd.s32 $0x1CB, v16;
	s7 =	sadd.s32 $0x1A0200, s1;
	s8 =	smul.u32 $0x6400, s8;
	v63 =	vadd.s32 $0x11B, v28;
	s31 =	ssub.s32 s9, s11;
	[tilespmem:$0x1FF70] =	vst v62  }
0x27: {  	v41 =	vadd.s32 $0xCC, v16;
	v42 =	vadd.s32 $0x1DC, v16;
	s9 =	sadd.s32 $0x1A0C00, s1;
	s11 =	simm.s32 $0x14180;
	[tilespmem:$0x1FF80] =	vst v63;
	s10 =	smax.u32 s31, $0x1  }
.LBB2_1:
0x28: {  	[tilespmem:s11], [sflag:$0x3] =	stream.linear.gather [hbm4b:s0+s3], $0x80, $0x38;
	[tilespmem:$0x14500] =	vst v63  }
0x29: {  	_ =	swait.ge [sflag:s12], $0x80  }
0x2a: {  	[sflag:s12] =	ssyncset.done $0x0  }
0x2b: {  	[sflag:s12] =	ssyncadd.s32 $0xFFFFFF80  }
0x2c: {  	[tilespmem:s13], [sflag:$0x3] =	stream.linear.gather [hbm4b:s2+s3], $0x80, $0x38;
	[tilespmem:$0x14500] =	vst v63  }
0x2d: {  	_ =	swait.ge [sflag:s12], $0x80  }
0x2e: {  	[sflag:s12] =	ssyncset.done $0x0  }
0x2f: {  	[sflag:s12] =	ssyncadd.s32 $0xFFFFFF80  }
0x30: {  	v56 =	vld [tilespmem:$0x14180]  }
0x31: {  	v57 =	vld [tilespmem:$0x14190]  }
0x32: {  	v58 =	vld [tilespmem:$0x141A0]  }
0x33: {  	v59 =	vld [tilespmem:$0x141B0]  }
0x34: {  	v60 =	vld [tilespmem:$0x14200]  }
0x35: {  	v61 =	vld [tilespmem:$0x14210]  }
0x36: {  	v62 =	vld [tilespmem:$0x14220]  }
0x37: {  	s29 =	simm.s32 $0x0;
	v63 =	vld [tilespmem:$0x14230]  }
.LBB2_2:
0x38: {  	s1 =	smul.u32 $0x140, s29;
	_ =	sdelay $0x1  }
0x39: {  	s30 =	sadd.s32 s8, s1  }
0x3a: {  	s1 =	sshrl.u32 s30, $0x3  }
0x3b: {  	s31 =	simm.s32 $0x0;
	s1 =	sadd.s32 s5, s1  }
0x3c: {  	[tilespmem:s31], [sflag:$0x3] =	stream.linear.gather [hbm4b:s1+s31], $0x140, $0x38;
	[tilespmem:$0x14500] =	vst v63  }
0x3d: {  	_ =	swait.ge [sflag:s12], $0x140  }
0x3e: {  	[sflag:s12] =	ssyncset.done $0x0  }
0x3f: {  	[sflag:s12] =	ssyncadd.s32 $0xFFFFFEC0  }
0x40: {  	[tilespmem:s15], [sflag:$0x1] =	stream.indirect.gather [hbm4b:s6+s14], $0x80, s31, s14, $0xb8;
	[tilespmem:$0x14500] =	vst v63  }
0x41: {  	_ = 	snop  }
0x42: {  	[tilespmem:s17], [sflag:$0x1] =	stream.indirect.gather [hbm4b:s6+s16], $0x80, s14, s16, $0xb8;
	[tilespmem:$0x14500] =	vst v63  }
0x43: {  	_ = 	snop  }
0x44: {  	[tilespmem:s19], [sflag:$0x1] =	stream.indirect.gather [hbm4b:s6+s14], $0x80, s18, s14, $0xb8;
	[tilespmem:$0x14500] =	vst v63  }
0x45: {  	_ = 	snop  }
0x46: {  	[tilespmem:s21], [sflag:$0x1] =	stream.indirect.gather [hbm4b:s6+s16], $0x80, s20, s16, $0xb8;
	[tilespmem:$0x14500] =	vst v63  }
0x47: {  	_ =	swait.ge [sflag:s22], $0x4000  }
0x48: {  	[sflag:s22] =	ssyncset.done $0x0  }
0x49: {  	[sflag:s22] =	ssyncadd.s32 $0xFFFFC000  }
0x4a: {  	_ =	swait.ge [sflag:s22], $0x1000  }
0x4b: {  	[sflag:s22] =	ssyncset.done $0x0  }
0x4c: {  	[sflag:s22] =	ssyncadd.s32 $0xFFFFF000  }
.LBB2_3:
0x4d: {  	s1 =	sshra.s32 s31, $0x2  }
0x4e: {  	v0 =	vld [tilespmem:s1+$0x180]  }
0x4f: {  	v1 =	vld [tilespmem:s1+$0x190]  }
0x50: {  	v2 =	vld [tilespmem:s1+$0x1A0]  }
0x51: {  	v3 =	vld [tilespmem:s1+$0x1B0];
	_ =	sdelay $0x3  }
0x52: {  	v4 =	vmul.f32 v0, v0;
	v5 =	vmul.f32 v1, v1  }
0x53: {  	v6 =	vmul.f32 v2, v2;
	v7 =	vmul.f32 v3, v3  }
0x54: {  	v0 =	vadd.f32 v1, v0;
	v1 =	vadd.f32 v3, v2  }
0x55: {  	v2 =	vadd.f32 v5, v4;
	v3 =	vadd.f32 v7, v6  }
0x56: {  	v0 =	vadd.f32 v1, v0  }
0x57: {  	v1 =	vadd.f32 v3, v2  }
0x58: {  	[tilespmem:v16+s23+$0x0] =	vst.idx.msk $0xffff, v0  }
0x59: {  	[tilespmem:v17+s23+$0x0] =	vst.idx.msk $0xffff, v1  }
0x5a: {  	v0 =	vld [tilespmem:s1+$0x200]  }
0x5b: {  	v1 =	vld [tilespmem:s1+$0x210]  }
0x5c: {  	v2 =	vld [tilespmem:s1+$0x220]  }
0x5d: {  	v3 =	vld [tilespmem:s1+$0x230];
	_ =	sdelay $0x3  }
0x5e: {  	v4 =	vmul.f32 v0, v0;
	v5 =	vmul.f32 v1, v1  }
0x5f: {  	v6 =	vmul.f32 v2, v2;
	v7 =	vmul.f32 v3, v3  }
0x60: {  	v0 =	vadd.f32 v1, v0;
	v1 =	vadd.f32 v3, v2  }
0x61: {  	v2 =	vadd.f32 v5, v4;
	v3 =	vadd.f32 v7, v6  }
0x62: {  	v0 =	vadd.f32 v1, v0  }
0x63: {  	v1 =	vadd.f32 v3, v2  }
0x64: {  	[tilespmem:v18+s23+$0x0] =	vst.idx.msk $0xffff, v0  }
0x65: {  	[tilespmem:v19+s23+$0x0] =	vst.idx.msk $0xffff, v1  }
0x66: {  	v0 =	vld [tilespmem:s1+$0x280]  }
0x67: {  	v1 =	vld [tilespmem:s1+$0x290]  }
0x68: {  	v2 =	vld [tilespmem:s1+$0x2A0]  }
0x69: {  	v3 =	vld [tilespmem:s1+$0x2B0];
	_ =	sdelay $0x3  }
0x6a: {  	v4 =	vmul.f32 v0, v0;
	v5 =	vmul.f32 v1, v1  }
0x6b: {  	v6 =	vmul.f32 v2, v2;
	v7 =	vmul.f32 v3, v3  }
0x6c: {  	v0 =	vadd.f32 v1, v0;
	v1 =	vadd.f32 v3, v2  }
0x6d: {  	v2 =	vadd.f32 v5, v4;
	v3 =	vadd.f32 v7, v6  }
0x6e: {  	v0 =	vadd.f32 v1, v0  }
0x6f: {  	v1 =	vadd.f32 v3, v2  }
0x70: {  	[tilespmem:v20+s23+$0x0] =	vst.idx.msk $0xffff, v0  }
0x71: {  	[tilespmem:v21+s23+$0x0] =	vst.idx.msk $0xffff, v1  }
0x72: {  	v0 =	vld [tilespmem:s1+$0x300]  }
0x73: {  	v1 =	vld [tilespmem:s1+$0x310]  }
0x74: {  	v2 =	vld [tilespmem:s1+$0x320]  }
0x75: {  	v3 =	vld [tilespmem:s1+$0x330];
	_ =	sdelay $0x3  }
0x76: {  	v4 =	vmul.f32 v0, v0;
	v5 =	vmul.f32 v1, v1  }
0x77: {  	v6 =	vmul.f32 v2, v2;
	v7 =	vmul.f32 v3, v3  }
0x78: {  	v0 =	vadd.f32 v1, v0;
	v1 =	vadd.f32 v3, v2  }
0x79: {  	v2 =	vadd.f32 v5, v4;
	v3 =	vadd.f32 v7, v6  }
0x7a: {  	v0 =	vadd.f32 v1, v0  }
0x7b: {  	v1 =	vadd.f32 v3, v2  }
0x7c: {  	[tilespmem:v22+s23+$0x0] =	vst.idx.msk $0xffff, v0  }
0x7d: {  	[tilespmem:v23+s23+$0x0] =	vst.idx.msk $0xffff, v1  }
0x7e: {  	v0 =	vld [tilespmem:s1+$0x380]  }
0x7f: {  	v1 =	vld [tilespmem:s1+$0x390]  }
0x80: {  	v2 =	vld [tilespmem:s1+$0x3A0]  }
0x81: {  	v3 =	vld [tilespmem:s1+$0x3B0];
	_ =	sdelay $0x3  }
0x82: {  	v4 =	vmul.f32 v0, v0;
	v5 =	vmul.f32 v1, v1  }
0x83: {  	v6 =	vmul.f32 v2, v2;
	v7 =	vmul.f32 v3, v3  }
0x84: {  	v0 =	vadd.f32 v1, v0;
	v1 =	vadd.f32 v3, v2  }
0x85: {  	v2 =	vadd.f32 v5, v4;
	v3 =	vadd.f32 v7, v6  }
0x86: {  	v0 =	vadd.f32 v1, v0  }
0x87: {  	v1 =	vadd.f32 v3, v2  }
0x88: {  	[tilespmem:v24+s23+$0x0] =	vst.idx.msk $0xffff, v0  }
0x89: {  	[tilespmem:v25+s23+$0x0] =	vst.idx.msk $0xffff, v1  }
0x8a: {  	v0 =	vld [tilespmem:s1+$0x400]  }
0x8b: {  	v1 =	vld [tilespmem:s1+$0x410]  }
0x8c: {  	v2 =	vld [tilespmem:s1+$0x420]  }
0x8d: {  	v3 =	vld [tilespmem:s1+$0x430];
	_ =	sdelay $0x3  }
0x8e: {  	v4 =	vmul.f32 v0, v0;
	v5 =	vmul.f32 v1, v1  }
0x8f: {  	v6 =	vmul.f32 v2, v2;
	v7 =	vmul.f32 v3, v3  }
0x90: {  	v0 =	vadd.f32 v1, v0;
	v1 =	vadd.f32 v3, v2  }
0x91: {  	v2 =	vadd.f32 v5, v4;
	v3 =	vadd.f32 v7, v6  }
0x92: {  	v0 =	vadd.f32 v1, v0  }
0x93: {  	v1 =	vadd.f32 v3, v2  }
0x94: {  	[tilespmem:v26+s23+$0x0] =	vst.idx.msk $0xffff, v0  }
0x95: {  	[tilespmem:v27+s23+$0x0] =	vst.idx.msk $0xffff, v1  }
0x96: {  	v0 =	vld [tilespmem:s1+$0x480]  }
0x97: {  	v1 =	vld [tilespmem:s1+$0x490]  }
0x98: {  	v2 =	vld [tilespmem:s1+$0x4A0]  }
0x99: {  	v3 =	vld [tilespmem:s1+$0x4B0];
	_ =	sdelay $0x3  }
0x9a: {  	v4 =	vmul.f32 v0, v0;
	v5 =	vmul.f32 v1, v1  }
0x9b: {  	v6 =	vmul.f32 v2, v2;
	v7 =	vmul.f32 v3, v3  }
0x9c: {  	v0 =	vadd.f32 v1, v0;
	v1 =	vadd.f32 v3, v2  }
0x9d: {  	v2 =	vadd.f32 v5, v4;
	v3 =	vadd.f32 v7, v6  }
0x9e: {  	v0 =	vadd.f32 v1, v0  }
0x9f: {  	v1 =	vadd.f32 v3, v2  }
0xa0: {  	[tilespmem:v29+s23+$0x0] =	vst.idx.msk $0xffff, v0  }
0xa1: {  	[tilespmem:v30+s23+$0x0] =	vst.idx.msk $0xffff, v1  }
0xa2: {  	v0 =	vld [tilespmem:s1+$0x500]  }
0xa3: {  	v1 =	vld [tilespmem:s1+$0x510]  }
0xa4: {  	v2 =	vld [tilespmem:s1+$0x520]  }
0xa5: {  	v3 =	vld [tilespmem:s1+$0x530];
	_ =	sdelay $0x3  }
0xa6: {  	v4 =	vmul.f32 v0, v0;
	v5 =	vmul.f32 v1, v1  }
0xa7: {  	v6 =	vmul.f32 v2, v2;
	v7 =	vmul.f32 v3, v3  }
0xa8: {  	v0 =	vadd.f32 v1, v0;
	v1 =	vadd.f32 v3, v2  }
0xa9: {  	v2 =	vadd.f32 v5, v4;
	v3 =	vadd.f32 v7, v6  }
0xaa: {  	v0 =	vadd.f32 v1, v0  }
0xab: {  	v1 =	vadd.f32 v3, v2  }
0xac: {  	[tilespmem:v31+s23+$0x0] =	vst.idx.msk $0xffff, v0  }
0xad: {  	[tilespmem:v32+s23+$0x0] =	vst.idx.msk $0xffff, v1  }
0xae: {  	v0 =	vld [tilespmem:s1+$0x580]  }
0xaf: {  	v1 =	vld [tilespmem:s1+$0x590]  }
0xb0: {  	v2 =	vld [tilespmem:s1+$0x5A0]  }
0xb1: {  	v3 =	vld [tilespmem:s1+$0x5B0];
	_ =	sdelay $0x3  }
0xb2: {  	v4 =	vmul.f32 v0, v0;
	v5 =	vmul.f32 v1, v1  }
0xb3: {  	v6 =	vmul.f32 v2, v2;
	v7 =	vmul.f32 v3, v3  }
0xb4: {  	v0 =	vadd.f32 v1, v0;
	v1 =	vadd.f32 v3, v2  }
0xb5: {  	v2 =	vadd.f32 v5, v4;
	v3 =	vadd.f32 v7, v6  }
0xb6: {  	v0 =	vadd.f32 v1, v0  }
0xb7: {  	v1 =	vadd.f32 v3, v2  }
0xb8: {  	[tilespmem:v33+s23+$0x0] =	vst.idx.msk $0xffff, v0  }
0xb9: {  	[tilespmem:v34+s23+$0x0] =	vst.idx.msk $0xffff, v1  }
0xba: {  	v0 =	vld [tilespmem:s1+$0x600]  }
0xbb: {  	v1 =	vld [tilespmem:s1+$0x610]  }
0xbc: {  	v2 =	vld [tilespmem:s1+$0x620]  }
0xbd: {  	v3 =	vld [tilespmem:s1+$0x630];
	_ =	sdelay $0x3  }
0xbe: {  	v4 =	vmul.f32 v0, v0;
	v5 =	vmul.f32 v1, v1  }
0xbf: {  	v6 =	vmul.f32 v2, v2;
	v7 =	vmul.f32 v3, v3  }
0xc0: {  	v0 =	vadd.f32 v1, v0;
	v1 =	vadd.f32 v3, v2  }
0xc1: {  	v2 =	vadd.f32 v5, v4;
	v3 =	vadd.f32 v7, v6  }
0xc2: {  	v0 =	vadd.f32 v1, v0  }
0xc3: {  	v1 =	vadd.f32 v3, v2  }
0xc4: {  	[tilespmem:v35+s23+$0x0] =	vst.idx.msk $0xffff, v0  }
0xc5: {  	[tilespmem:v36+s23+$0x0] =	vst.idx.msk $0xffff, v1  }
0xc6: {  	v0 =	vld [tilespmem:s1+$0x680]  }
0xc7: {  	v1 =	vld [tilespmem:s1+$0x690]  }
0xc8: {  	v2 =	vld [tilespmem:s1+$0x6A0]  }
0xc9: {  	v3 =	vld [tilespmem:s1+$0x6B0];
	_ =	sdelay $0x3  }
0xca: {  	v4 =	vmul.f32 v0, v0;
	v5 =	vmul.f32 v1, v1  }
0xcb: {  	v6 =	vmul.f32 v2, v2;
	v7 =	vmul.f32 v3, v3  }
0xcc: {  	v0 =	vadd.f32 v1, v0;
	v1 =	vadd.f32 v3, v2  }
0xcd: {  	v2 =	vadd.f32 v5, v4;
	v3 =	vadd.f32 v7, v6  }
0xce: {  	v0 =	vadd.f32 v1, v0  }
0xcf: {  	v1 =	vadd.f32 v3, v2  }
0xd0: {  	[tilespmem:v37+s23+$0x0] =	vst.idx.msk $0xffff, v0  }
0xd1: {  	[tilespmem:v38+s23+$0x0] =	vst.idx.msk $0xffff, v1  }
0xd2: {  	v0 =	vld [tilespmem:s1+$0x700]  }
0xd3: {  	v1 =	vld [tilespmem:s1+$0x710]  }
0xd4: {  	v2 =	vld [tilespmem:s1+$0x720]  }
0xd5: {  	v3 =	vld [tilespmem:s1+$0x730];
	_ =	sdelay $0x3  }
0xd6: {  	v4 =	vmul.f32 v0, v0;
	v5 =	vmul.f32 v1, v1  }
0xd7: {  	v6 =	vmul.f32 v2, v2;
	v7 =	vmul.f32 v3, v3  }
0xd8: {  	v0 =	vadd.f32 v1, v0;
	v1 =	vadd.f32 v3, v2  }
0xd9: {  	v2 =	vadd.f32 v5, v4;
	v3 =	vadd.f32 v7, v6  }
0xda: {  	v0 =	vadd.f32 v1, v0  }
0xdb: {  	v1 =	vadd.f32 v3, v2  }
0xdc: {  	[tilespmem:v39+s23+$0x0] =	vst.idx.msk $0xffff, v0  }
0xdd: {  	[tilespmem:v40+s23+$0x0] =	vst.idx.msk $0xffff, v1  }
0xde: {  	v0 =	vld [tilespmem:s1+$0x780]  }
0xdf: {  	v1 =	vld [tilespmem:s1+$0x790]  }
0xe0: {  	v2 =	vld [tilespmem:s1+$0x7A0]  }
0xe1: {  	v3 =	vld [tilespmem:s1+$0x7B0];
	_ =	sdelay $0x3  }
0xe2: {  	v4 =	vmul.f32 v0, v0;
	v5 =	vmul.f32 v1, v1  }
0xe3: {  	v6 =	vmul.f32 v2, v2;
	v7 =	vmul.f32 v3, v3  }
0xe4: {  	v0 =	vadd.f32 v1, v0;
	v1 =	vadd.f32 v3, v2  }
0xe5: {  	v2 =	vadd.f32 v5, v4;
	v3 =	vadd.f32 v7, v6  }
0xe6: {  	v0 =	vadd.f32 v1, v0  }
0xe7: {  	v1 =	vadd.f32 v3, v2  }
0xe8: {  	[tilespmem:v41+s23+$0x0] =	vst.idx.msk $0xffff, v0  }
0xe9: {  	[tilespmem:v42+s23+$0x0] =	vst.idx.msk $0xffff, v1  }
0xea: {  	v0 =	vld [tilespmem:s1+$0x800]  }
0xeb: {  	v1 =	vld [tilespmem:s1+$0x810]  }
0xec: {  	v2 =	vld [tilespmem:s1+$0x820]  }
0xed: {  	v3 =	vld [tilespmem:s1+$0x830];
	_ =	sdelay $0x3  }
0xee: {  	v4 =	vmul.f32 v0, v0;
	v5 =	vmul.f32 v1, v1  }
0xef: {  	v6 =	vmul.f32 v2, v2;
	v7 =	vmul.f32 v3, v3  }
0xf0: {  	v0 =	vadd.f32 v1, v0;
	v1 =	vadd.f32 v3, v2  }
0xf1: {  	v2 =	vadd.f32 v5, v4;
	v3 =	vadd.f32 v7, v6;
	_ =	sdelay $0x1  }
0xf2: {  	v0 =	vadd.f32 v1, v0;
	v1 =	vadd.f32 v3, v2;
	v2 =	vld [tilespmem:$0x1FDC0];
	_ =	sdelay $0x7  }
0xf3: {  	[tilespmem:v2+s23+$0x0] =	vst.idx.msk $0xffff, v0;
	v0 =	vld [tilespmem:$0x1FDD0];
	_ =	sdelay $0x7  }
0xf4: {  	[tilespmem:v0+s23+$0x0] =	vst.idx.msk $0xffff, v1  }
0xf5: {  	v0 =	vld [tilespmem:s1+$0x880]  }
0xf6: {  	v1 =	vld [tilespmem:s1+$0x890]  }
0xf7: {  	v2 =	vld [tilespmem:s1+$0x8A0]  }
0xf8: {  	v3 =	vld [tilespmem:s1+$0x8B0];
	_ =	sdelay $0x3  }
0xf9: {  	v4 =	vmul.f32 v0, v0;
	v5 =	vmul.f32 v1, v1  }
0xfa: {  	v6 =	vmul.f32 v2, v2;
	v7 =	vmul.f32 v3, v3  }
0xfb: {  	v0 =	vadd.f32 v1, v0;
	v1 =	vadd.f32 v3, v2  }
0xfc: {  	v2 =	vadd.f32 v5, v4;
	v3 =	vadd.f32 v7, v6;
	_ =	sdelay $0x1  }
0xfd: {  	v0 =	vadd.f32 v1, v0;
	v1 =	vadd.f32 v3, v2;
	v2 =	vld [tilespmem:$0x1FDE0];
	_ =	sdelay $0x7  }
0xfe: {  	[tilespmem:v2+s23+$0x0] =	vst.idx.msk $0xffff, v0;
	v0 =	vld [tilespmem:$0x1FDF0];
	_ =	sdelay $0x7  }
0xff: {  	[tilespmem:v0+s23+$0x0] =	vst.idx.msk $0xffff, v1  }
0x100: {  	v0 =	vld [tilespmem:s1+$0x900]  }
0x101: {  	v1 =	vld [tilespmem:s1+$0x910]  }
0x102: {  	v2 =	vld [tilespmem:s1+$0x920]  }
0x103: {  	v3 =	vld [tilespmem:s1+$0x930];
	_ =	sdelay $0x3  }
0x104: {  	v4 =	vmul.f32 v0, v0;
	v5 =	vmul.f32 v1, v1  }
0x105: {  	v6 =	vmul.f32 v2, v2;
	v7 =	vmul.f32 v3, v3  }
0x106: {  	v0 =	vadd.f32 v1, v0;
	v1 =	vadd.f32 v3, v2  }
0x107: {  	v2 =	vadd.f32 v5, v4;
	v3 =	vadd.f32 v7, v6;
	_ =	sdelay $0x1  }
0x108: {  	v0 =	vadd.f32 v1, v0;
	v1 =	vadd.f32 v3, v2;
	v2 =	vld [tilespmem:$0x1FE00];
	_ =	sdelay $0x6  }
0x109: {  	v8 =	vld [tilespmem:$0x1FE90]  }
0x10a: {  	[tilespmem:v2+s23+$0x0] =	vst.idx.msk $0xffff, v0;
	v0 =	vld [tilespmem:$0x1FE10]  }
0x10b: {  	v9 =	vld [tilespmem:$0x1FEA0]  }
0x10c: {  	v10 =	vld [tilespmem:$0x1FEB0]  }
0x10d: {  	v11 =	vld [tilespmem:$0x1FEC0]  }
0x10e: {  	v12 =	vld [tilespmem:$0x1FED0]  }
0x10f: {  	v13 =	vld [tilespmem:$0x1FEE0]  }
0x110: {  	v14 =	vld [tilespmem:$0x1FEF0]  }
0x111: {  	v15 =	vld [tilespmem:$0x1FF00]  }
0x112: {  	v16 =	vld [tilespmem:$0x1FF10];
	[tilespmem:v0+s23+$0x0] =	vst.idx.msk $0xffff, v1  }
0x113: {  	v0 =	vld.idx.msk [tilespmem:v28+s23+$0x0], $0xffff  }
0x114: {  	v17 =	vld [tilespmem:$0x1FF20]  }
0x115: {  	v18 =	vld [tilespmem:$0x1FF30]  }
0x116: {  	v2 =	vld [tilespmem:$0x1FE30]  }
0x117: {  	v3 =	vld [tilespmem:$0x1FE40]  }
0x118: {  	v19 =	vadd.f32 $0.0e+00, v0;
	v0 =	vld [tilespmem:$0x1FF40]  }
0x119: {  	v4 =	vld [tilespmem:$0x1FE50]  }
0x11a: {  	v5 =	vld [tilespmem:$0x1FE60]  }
0x11b: {  	v6 =	vld [tilespmem:$0x1FE70]  }
0x11c: {  	v7 =	vld [tilespmem:$0x1FE80]  }
0x11d: {  	v1 =	vld [tilespmem:$0x1FE20]  }
0x11e: {  	v2 =	vld.idx.msk [tilespmem:v2+s23+$0x0], $0xffff  }
0x11f: {  	v3 =	vld.idx.msk [tilespmem:v3+s23+$0x0], $0xffff  }
0x120: {  	v20 =	vld.idx.msk [tilespmem:v0+s23+$0x0], $0xffff  }
0x121: {  	v0 =	vld [tilespmem:$0x1FF50]  }
0x122: {  	v4 =	vld.idx.msk [tilespmem:v4+s23+$0x0], $0xffff  }
0x123: {  	v5 =	vld.idx.msk [tilespmem:v5+s23+$0x0], $0xffff  }
0x124: {  	v6 =	vld.idx.msk [tilespmem:v6+s23+$0x0], $0xffff  }
0x125: {  	v7 =	vld.idx.msk [tilespmem:v7+s23+$0x0], $0xffff  }
0x126: {  	v8 =	vld.idx.msk [tilespmem:v8+s23+$0x0], $0xffff  }
0x127: {  	v9 =	vld.idx.msk [tilespmem:v9+s23+$0x0], $0xffff  }
0x128: {  	v10 =	vld.idx.msk [tilespmem:v10+s23+$0x0], $0xffff  }
0x129: {  	v23 =	vld.idx.msk [tilespmem:v0+s23+$0x0], $0xffff  }
0x12a: {  	v0 =	vld [tilespmem:$0x1FF60]  }
0x12b: {  	v11 =	vld.idx.msk [tilespmem:v11+s23+$0x0], $0xffff  }
0x12c: {  	v1 =	vld.idx.msk [tilespmem:v1+s23+$0x0], $0xffff  }
0x12d: {  	v12 =	vld.idx.msk [tilespmem:v12+s23+$0x0], $0xffff  }
0x12e: {  	v13 =	vld.idx.msk [tilespmem:v13+s23+$0x0], $0xffff  }
0x12f: {  	v14 =	vld.idx.msk [tilespmem:v14+s23+$0x0], $0xffff  }
0x130: {  	v15 =	vld.idx.msk [tilespmem:v15+s23+$0x0], $0xffff  }
0x131: {  	v21 =	vadd.f32 $0.0e+00, v1;
	v1 =	vld [tilespmem:$0x1FF80]  }
0x132: {  	v52 =	vmov v26;
	v22 =	vadd.f32 $0.0e+00, v2;
	v2 =	vadd.s32 $0xD, v28;
	v26 =	vld.idx.msk [tilespmem:v0+s23+$0x0], $0xffff  }
0x133: {  	v50 =	vmov v24;
	v24 =	vadd.f32 $0.0e+00, v3;
	v3 =	vadd.s32 $0xE, v28;
	v0 =	vld [tilespmem:$0x1FF70]  }
0x134: {  	v43 =	vadd.s32 $0xC, v28;
	v16 =	vld.idx.msk [tilespmem:v16+s23+$0x0], $0xffff  }
0x135: {  	v17 =	vld.idx.msk [tilespmem:v17+s23+$0x0], $0xffff  }
0x136: {  	v18 =	vld.idx.msk [tilespmem:v18+s23+$0x0], $0xffff  }
0x137: {  	v53 =	vmovc v27;
	v27 =	vadd.f32 $0.0e+00, v5;
	v5 =	vadd.s32 $0x11D, v28;
	v10 =	vadd.f32 v10, v22;
	v22 =	vld.idx.msk [tilespmem:v2+s23+$0x0], $0xffff  }
0x138: {  	v51 =	vmovc v25;
	v25 =	vadd.f32 $0.0e+00, v4;
	v4 =	vadd.s32 $0xF, v28;
	v11 =	vadd.f32 v11, v24;
	v24 =	vld.idx.msk [tilespmem:v3+s23+$0x0], $0xffff  }
0x139: {  	v9 =	vadd.f32 v9, v21;
	v21 =	vld.idx.msk [tilespmem:v43+s23+$0x0], $0xffff  }
0x13a: {  	v54 =	vmovc v29;
	v29 =	vadd.f32 $0.0e+00, v6;
	v6 =	vadd.s32 $0x11E, v28;
	v8 =	vadd.f32 v8, v19;
	v19 =	vld.idx.msk [tilespmem:v1+s23+$0x0], $0xffff  }
0x13b: {  	v55 =	vmovc v30;
	v12 =	vadd.f32 v12, v25;
	v13 =	vadd.f32 v13, v27;
	v1 =	vadd.s32 $0x11C, v28;
	v30 =	vld.idx.msk [tilespmem:v0+s23+$0x0], $0xffff  }
0x13c: {  	v10 =	vadd.f32 v18, v10;
	v18 =	vld.idx.msk [tilespmem:v5+s23+$0x0], $0xffff;
	v0 =	vmovc v31;
	v31 =	vadd.f32 $0.0e+00, v7;
	v7 =	vadd.s32 $0x11F, v28  }
0x13d: {  	v14 =	vadd.f32 v14, v29;
	v8 =	vadd.f32 v16, v8;
	v16 =	vld.idx.msk [tilespmem:v4+s23+$0x0], $0xffff  }
0x13e: {  	v10 =	vadd.f32 v22, v10;
	v9 =	vadd.f32 v17, v9  }
0x13f: {  	v11 =	vadd.f32 v20, v11;
	v20 =	vld.idx.msk [tilespmem:v6+s23+$0x0], $0xffff;
	v12 =	vadd.f32 v23, v12  }
0x140: {  	v8 =	vadd.f32 v21, v8;
	v17 =	vld.idx.msk [tilespmem:v1+s23+$0x0], $0xffff;
	v14 =	vadd.f32 v30, v14  }
0x141: {  	v11 =	vadd.f32 v18, v11;
	v12 =	vadd.f32 v24, v12;
	v21 =	vld.idx.msk [tilespmem:v7+s23+$0x0], $0xffff  }
0x142: {  	v15 =	vadd.f32 v15, v31;
	v14 =	vadd.f32 v16, v14  }
0x143: {  	v8 =	vadd.f32 v10, v8;
	v13 =	vadd.f32 v26, v13  }
0x144: {  	v15 =	vadd.f32 v19, v15;
	v48 =	vadd.f32 v14, v12  }
0x145: {  	v9 =	vadd.f32 v17, v9;
	v49 =	vadd.f32 v20, v13  }
0x146: {  	[tilespmem:$0x1FD70] =	vst v43;
	v43 =	vadd.f32 v21, v15;
	v10 =	vadd.f32 v48, v8;
	_ =	sdelay $0x1  }
0x147: {  	v9 =	vadd.f32 v11, v9;
	v44 =	vadd.f32 v43, v49;
	v8 =	vmul.f32 $1.562500000e-02, v10;
	_ =	sdelay $0x1  }
0x148: {  	v9 =	vadd.f32 v44, v9;
	v10 =	vmul.f32 v8, v10;
	_ =	sdelay $0x1  }
0x149: {  	v9 =	vsub.f32 v9, v10;
	_ =	sdelay $0x1  }
0x14a: {  	v9 =	vmul.f32 $1.587301680e-02, v9;
	_ =	sdelay $0x1  }
0x14b: {  	v9 =	vmax.f32 v9, $0.0e+00  }
0x14c: {  	v45 =	vshra.s32 v9, $0x1;
	v46 =	vmul.f32 $5.000000000e-01, v9  }
0x14d: {  	v10 =	vsub.s32 $0x5F3759DF, v45  }
0x14e: {  	v47 =	vmul.f32 v10, v46;
	_ =	sdelay $0x1  }
0x14f: {  	v12 =	vmul.f32 v10, v47;
	_ =	sdelay $0x1  }
0x150: {  	v12 =	vsub.f32 $1.500000000e+00, v12;
	_ =	sdelay $0x1  }
0x151: {  	v10 =	vmul.f32 v10, v12;
	_ =	sdelay $0x1  }
0x152: {  	v12 =	vmul.f32 v10, v46;
	_ =	sdelay $0x1  }
0x153: {  	v12 =	vmul.f32 v12, v10;
	_ =	sdelay $0x1  }
0x154: {  	v12 =	vsub.f32 $1.500000000e+00, v12;
	_ =	sdelay $0x1  }
0x155: {  	v10 =	vmul.f32 v12, v10;
	_ =	sdelay $0x1  }
0x156: {  	v11 =	vmul.f32 v10, v46;
	_ =	sdelay $0x1  }
0x157: {  	v11 =	vmul.f32 v11, v10;
	_ =	sdelay $0x1  }
0x158: {  	v11 =	vsub.f32 $1.500000000e+00, v11;
	_ =	sdelay $0x1  }
0x159: {  	v10 =	vmul.f32 v11, v10;
	_ =	sdelay $0x1  }
0x15a: {  	v9 =	vmul.f32 v10, v9;
	_ =	sdelay $0x1  }
0x15b: {  	v9 =	vadd.f32 $9.999999970e-07, v9  }
0x15c: {  	v23 =	vld [tilespmem:s1+$0x300]  }
0x15d: {  	v17 =	vld [tilespmem:s1+$0x210];
	(erf) = vrcp.f32 v9  }
0x15e: {  	v19 =	vld [tilespmem:s1+$0x230]  }
0x15f: {  	v15 =	vld [tilespmem:s1+$0x1B0]  }
0x160: {  	v45 =	vld [tilespmem:s1+$0x1A0]  }
0x161: {  	v48 =	vld [tilespmem:s1+$0x180]  }
0x162: {  	v16 =	vld [tilespmem:s1+$0x200];
	v20 =	vbroadcast v8, $0x1  }
0x163: {  	v49 =	vld [tilespmem:s1+$0x190];
	v43 =	vbroadcast v8, $0x0;
	v26 =	vbroadcast v8, $0x3  }
0x164: {  	v25 =	vld [tilespmem:s1+$0x310];
	v17 =	vsub.f32 v17, v20;
	v19 =	vsub.f32 v19, v20  }
0x165: {  	[tilespmem:$0x1FD80] =	vst v2;
	v2 =	vmov v33;
	v18 =	vld [tilespmem:s1+$0x220];
	v23 =	vsub.f32 v23, v26;
	v14 =	vsub.f32 v45, v43  }
0x166: {  	v33 =	vld [tilespmem:s1+$0x400];
	v12 =	vsub.f32 v15, v43;
	v10 =	vsub.f32 v48, v43;
	v48 =	vbroadcast v8, $0x5;
	v9 =	vpop (erf)  }
0x167: {  	[tilespmem:$0x1FDB0] =	vst v1;
	v1 =	vmovc v32;
	v32 =	vld [tilespmem:s1+$0x410];
	v15 =	vsub.f32 v16, v20;
	v44 =	vbroadcast v9, $0x0;
	v16 =	vbroadcast v9, $0x1  }
0x168: {  	v11 =	vsub.f32 v49, v43;
	v43 =	vmovc v34;
	v34 =	vld [tilespmem:s1+$0x420];
	v24 =	vbroadcast v9, $0x2;
	v27 =	vbroadcast v9, $0x3  }
0x169: {  	[tilespmem:$0x1FD90] =	vst v3;
	v3 =	vmovc v38;
	v25 =	vsub.f32 v25, v26;
	v45 =	vmovc v36;
	v38 =	vbroadcast v9, $0x5;
	v36 =	vbroadcast v9, $0x6  }
0x16a: {  	v46 =	vsub.f32 v18, v20;
	v10 =	vmul.f32 v44, v10;
	v11 =	vmul.f32 v44, v11  }
0x16b: {  	v33 =	vsub.f32 v33, v48;
	v14 =	vmul.f32 v44, v14;
	v12 =	vmul.f32 v44, v12  }
0x16c: {  	v32 =	vsub.f32 v32, v48;
	v15 =	vmul.f32 v16, v15;
	v17 =	vmul.f32 v16, v17  }
0x16d: {  	v18 =	vld [tilespmem:s1+$0x280];
	v34 =	vsub.f32 v34, v48;
	v13 =	vmul.f32 v16, v46;
	v16 =	vmul.f32 v16, v19  }
0x16e: {  	v20 =	vld [tilespmem:s1+$0x290];
	v19 =	vbroadcast v8, $0x2;
	v23 =	vmul.f32 v27, v23;
	v10 =	vadd.f32 v10, v60  }
0x16f: {  	v21 =	vld [tilespmem:s1+$0x2A0];
	v25 =	vmul.f32 v25, v27;
	v11 =	vadd.f32 v11, v61;
	v14 =	vadd.f32 v14, v62  }
0x170: {  	v22 =	vld [tilespmem:s1+$0x2B0];
	v33 =	vmul.f32 v33, v38;
	v12 =	vadd.f32 v12, v63;
	v15 =	vadd.f32 v15, v60  }
0x171: {  	v32 =	vmul.f32 v32, v38;
	v17 =	vadd.f32 v17, v61;
	v13 =	vadd.f32 v13, v62  }
0x172: {  	v34 =	vmul.f32 v34, v38;
	v16 =	vadd.f32 v16, v63;
	v18 =	vsub.f32 v18, v19  }
0x173: {  	v20 =	vsub.f32 v20, v19;
	v10 =	vmul.f32 v10, v56;
	v11 =	vmul.f32 v11, v57  }
0x174: {  	v29 =	vld [tilespmem:s1+$0x330];
	v21 =	vsub.f32 v21, v19;
	v14 =	vmul.f32 v14, v58;
	v12 =	vmul.f32 v12, v59  }
0x175: {  	v19 =	vsub.f32 v22, v19;
	v22 =	vld [tilespmem:s1+$0x320];
	v15 =	vmul.f32 v15, v56;
	v17 =	vmul.f32 v17, v57  }
0x176: {  	v31 =	vld [tilespmem:s1+$0x3A0];
	v23 =	vadd.f32 v23, v60;
	v13 =	vmul.f32 v13, v58;
	v16 =	vmul.f32 v16, v59  }
0x177: {  	v30 =	vld [tilespmem:s1+$0x390];
	v25 =	vadd.f32 v25, v61;
	v18 =	vmul.f32 v24, v18;
	v20 =	vmul.f32 v24, v20  }
0x178: {  	v33 =	vadd.f32 v33, v60;
	v21 =	vmul.f32 v24, v21;
	v19 =	vmul.f32 v24, v19;
	v24 =	vld [tilespmem:s1+$0x380]  }
0x179: {  	v47 =	vld [tilespmem:s1+$0x3B0];
	v32 =	vadd.f32 v32, v61;
	v23 =	vmul.f32 v23, v56;
	v25 =	vmul.f32 v25, v57  }
0x17a: {  	v33 =	vmul.f32 v33, v56;
	v22 =	vsub.f32 v22, v26;
	v26 =	vsub.f32 v29, v26  }
0x17b: {  	[tilespmem:s1+$0xA180] =	vst v10;
	v10 =	vmul.f32 v32, v57;
	v29 =	vbroadcast v8, $0x4  }
0x17c: {  	v34 =	vadd.f32 v34, v62;
	v22 =	vmul.f32 v22, v27;
	v26 =	vmul.f32 v26, v27  }
0x17d: {  	v24 =	vsub.f32 v24, v29;
	v27 =	vbroadcast v9, $0x4;
	v30 =	vsub.f32 v30, v29  }
0x17e: {  	v32 =	vmul.f32 v34, v58;
	v31 =	vsub.f32 v31, v29;
	v29 =	vsub.f32 v47, v29  }
0x17f: {  	v49 =	vld [tilespmem:s1+$0x480];
	v18 =	vadd.f32 v18, v60;
	v24 =	vmul.f32 v24, v27;
	v30 =	vmul.f32 v30, v27  }
0x180: {  	v20 =	vadd.f32 v20, v61;
	[tilespmem:s1+$0xA310] =	vst v25;
	v31 =	vmul.f32 v31, v27;
	v27 =	vmul.f32 v29, v27;
	v29 =	vld [tilespmem:s1+$0x430]  }
0x181: {  	v46 =	vmovc v37;
	v37 =	vld [tilespmem:s1+$0x490];
	v21 =	vadd.f32 v21, v62;
	v25 =	vbroadcast v8, $0x9;
	[tilespmem:s1+$0xA400] =	vst v33;
	v33 =	vbroadcast v8, $0xA  }
0x182: {  	v19 =	vadd.f32 v19, v63;
	v18 =	vmul.f32 v18, v56;
	v20 =	vmul.f32 v20, v57  }
0x183: {  	[tilespmem:$0x1FDA0] =	vst v4;
	v21 =	vmul.f32 v21, v58;
	v47 =	vmov v39;
	v39 =	vbroadcast v8, $0x6  }
0x184: {  	v4 =	vmovc v42;
	v19 =	vmul.f32 v19, v59;
	v22 =	vadd.f32 v22, v62;
	v26 =	vadd.f32 v26, v63  }
0x185: {  	v42 =	vld [tilespmem:s1+$0x510];
	v44 =	vmovc v35;
	[tilespmem:s1+$0xA290] =	vst v20;
	v20 =	vbroadcast v8, $0x8;
	v35 =	vsub.f32 v49, v39;
	v29 =	vsub.f32 v29, v48  }
0x186: {  	v37 =	vsub.f32 v37, v39;
	v22 =	vmul.f32 v22, v58;
	v26 =	vmul.f32 v26, v59;
	v48 =	vmovc v40;
	v40 =	vld [tilespmem:s1+$0x4A0]  }
0x187: {  	[tilespmem:s1+$0xA2A0] =	vst v21;
	v21 =	vld [tilespmem:s1+$0x600];
	v24 =	vadd.f32 v24, v60;
	v30 =	vadd.f32 v30, v61;
	v29 =	vmul.f32 v29, v38  }
0x188: {  	v31 =	vadd.f32 v31, v62;
	v27 =	vadd.f32 v27, v63;
	v35 =	vmul.f32 v35, v36;
	v38 =	vld [tilespmem:s1+$0x4B0]  }
0x189: {  	v49 =	vmovc v41;
	v41 =	vld [tilespmem:s1+$0x500];
	v37 =	vmul.f32 v37, v36;
	v24 =	vmul.f32 v24, v56;
	v29 =	vadd.f32 v29, v63  }
0x18a: {  	v30 =	vmul.f32 v30, v57;
	v34 =	vadd.f32 v35, v60;
	v35 =	vld [tilespmem:s1+$0x520];
	[tilespmem:s1+$0xA330] =	vst v26;
	v26 =	vbroadcast v9, $0x9  }
0x18b: {  	[tilespmem:s1+$0xA190] =	vst v11;
	v11 =	vmul.f32 v29, v59;
	v29 =	vadd.f32 v37, v61;
	v37 =	vsub.f32 v40, v39;
	v40 =	vld [tilespmem:s1+$0x530]  }
0x18c: {  	[tilespmem:s1+$0xA1A0] =	vst v14;
	v21 =	vsub.f32 v21, v25;
	v14 =	vmul.f32 v34, v56;
	v34 =	vbroadcast v8, $0x7  }
0x18d: {  	[tilespmem:s1+$0xA1B0] =	vst v12;
	v31 =	vmul.f32 v31, v58;
	v12 =	vsub.f32 v38, v39;
	v37 =	vmul.f32 v37, v36  }
0x18e: {  	[tilespmem:s1+$0xA200] =	vst v15;
	v21 =	vmul.f32 v21, v26;
	v15 =	vsub.f32 v41, v34;
	v38 =	vbroadcast v9, $0x7  }
0x18f: {  	[tilespmem:s1+$0xA210] =	vst v17;
	v35 =	vsub.f32 v35, v34;
	v12 =	vmul.f32 v12, v36;
	v36 =	vld [tilespmem:s1+$0x580];
	v17 =	vadd.f32 v37, v62  }
0x190: {  	[tilespmem:s1+$0xA220] =	vst v13;
	v39 =	vsub.f32 v42, v34;
	v13 =	vmul.f32 v15, v38;
	v37 =	vld [tilespmem:s1+$0x590];
	v34 =	vsub.f32 v40, v34  }
0x191: {  	[tilespmem:s1+$0xA230] =	vst v16;
	v21 =	vadd.f32 v21, v60;
	v16 =	vmul.f32 v17, v58;
	v17 =	vmul.f32 v35, v38;
	v35 =	vld [tilespmem:s1+$0x5A0]  }
0x192: {  	[tilespmem:s1+$0xA280] =	vst v18;
	v15 =	vmul.f32 v39, v38;
	v18 =	vmul.f32 v34, v38;
	v34 =	vld [tilespmem:s1+$0x5B0]  }
0x193: {  	[tilespmem:s1+$0xA410] =	vst v10;
	v27 =	vmul.f32 v27, v59;
	v10 =	vmul.f32 v21, v56;
	v12 =	vadd.f32 v12, v63  }
0x194: {  	[tilespmem:s1+$0xA300] =	vst v23;
	v29 =	vmul.f32 v29, v57;
	v13 =	vadd.f32 v13, v60;
	v15 =	vadd.f32 v15, v61  }
0x195: {  	[tilespmem:s1+$0xA2B0] =	vst v19;
	v19 =	vsub.f32 v36, v20;
	v36 =	vbroadcast v9, $0x8;
	v23 =	vsub.f32 v37, v20;
	v37 =	vld [tilespmem:s1+$0x610]  }
0x196: {  	v12 =	vmul.f32 v12, v59;
	v13 =	vmul.f32 v13, v56;
	v35 =	vsub.f32 v35, v20  }
0x197: {  	[tilespmem:s1+$0xA320] =	vst v22;
	v17 =	vadd.f32 v17, v62;
	v19 =	vmul.f32 v19, v36;
	v20 =	vsub.f32 v34, v20;
	v34 =	vld [tilespmem:s1+$0x620]  }
0x198: {  	[tilespmem:s1+$0xA380] =	vst v24;
	v18 =	vadd.f32 v18, v63;
	v22 =	vmul.f32 v23, v36;
	v23 =	vmul.f32 v35, v36;
	v35 =	vld [tilespmem:s1+$0x630]  }
0x199: {  	v24 =	vld [tilespmem:s1+$0x680];
	[tilespmem:s1+$0xA390] =	vst v30;
	v15 =	vmul.f32 v15, v57;
	v17 =	vmul.f32 v17, v58;
	v19 =	vadd.f32 v19, v60  }
0x19a: {  	[tilespmem:s1+$0xA3A0] =	vst v31;
	v31 =	vld [tilespmem:s1+$0x6A0];
	v18 =	vmul.f32 v18, v59;
	v20 =	vmul.f32 v20, v36;
	v30 =	vsub.f32 v37, v25  }
0x19b: {  	v22 =	vadd.f32 v22, v61;
	v19 =	vmul.f32 v19, v56;
	v36 =	vld [tilespmem:s1+$0x690];
	v23 =	vadd.f32 v23, v62  }
0x19c: {  	[tilespmem:s1+$0xA3B0] =	vst v27;
	v20 =	vadd.f32 v20, v63;
	v27 =	vmul.f32 v30, v26;
	v30 =	vsub.f32 v34, v25  }
0x19d: {  	v22 =	vmul.f32 v22, v57;
	v23 =	vmul.f32 v23, v58;
	v34 =	vld [tilespmem:s1+$0x6B0];
	v25 =	vsub.f32 v35, v25  }
0x19e: {  	v20 =	vmul.f32 v20, v59;
	v21 =	vadd.f32 v27, v61;
	v27 =	vmul.f32 v30, v26  }
0x19f: {  	[tilespmem:s1+$0xA480] =	vst v14;
	v24 =	vsub.f32 v24, v33;
	v25 =	vmul.f32 v25, v26;
	v26 =	vbroadcast v9, $0xA  }
0x1a0: {  	[tilespmem:s1+$0xA430] =	vst v11;
	v30 =	vsub.f32 v31, v33;
	v11 =	vmul.f32 v21, v57;
	v21 =	vsub.f32 v36, v33  }
0x1a1: {  	[tilespmem:s1+$0xA600] =	vst v10;
	v31 =	vld [tilespmem:s1+$0x710];
	v14 =	vadd.f32 v27, v62;
	v25 =	vadd.f32 v25, v63;
	v24 =	vmul.f32 v24, v26  }
0x1a2: {  	[tilespmem:s1+$0xA490] =	vst v29;
	v27 =	vld [tilespmem:s1+$0x700];
	v21 =	vmul.f32 v21, v26;
	v29 =	vmul.f32 v30, v26;
	v30 =	vsub.f32 v34, v33  }
0x1a3: {  	[tilespmem:s1+$0xA4A0] =	vst v16;
	v14 =	vmul.f32 v14, v58;
	v16 =	vmul.f32 v25, v59;
	v24 =	vadd.f32 v24, v60;
	v25 =	vld [tilespmem:s1+$0x720]  }
0x1a4: {  	[tilespmem:s1+$0xA4B0] =	vst v12;
	v12 =	vadd.f32 v21, v61;
	v21 =	vadd.f32 v29, v62;
	v26 =	vmul.f32 v30, v26;
	v29 =	vld [tilespmem:s1+$0x730]  }
0x1a5: {  	[tilespmem:s1+$0xA500] =	vst v13;
	v30 =	vld [tilespmem:s1+$0x780];
	v13 =	vmul.f32 v24, v56;
	v24 =	vbroadcast v8, $0xB  }
0x1a6: {  	[tilespmem:s1+$0xA510] =	vst v15;
	v12 =	vmul.f32 v12, v57;
	v15 =	vmul.f32 v21, v58;
	v21 =	vadd.f32 v26, v63  }
0x1a7: {  	[tilespmem:s1+$0xA520] =	vst v17;
	v26 =	vbroadcast v9, $0xB;
	v17 =	vsub.f32 v27, v24;
	v27 =	vsub.f32 v31, v24;
	v31 =	vld [tilespmem:s1+$0x790]  }
0x1a8: {  	[tilespmem:s1+$0xA530] =	vst v18;
	v18 =	vmul.f32 v21, v59;
	v21 =	vsub.f32 v25, v24;
	v25 =	vbroadcast v8, $0xC  }
0x1a9: {  	[tilespmem:s1+$0xA580] =	vst v19;
	v24 =	vsub.f32 v29, v24;
	v17 =	vmul.f32 v17, v26;
	v19 =	vmul.f32 v27, v26;
	v27 =	vld [tilespmem:s1+$0x7A0]  }
0x1aa: {  	[tilespmem:s1+$0xA590] =	vst v22;
	v29 =	vbroadcast v9, $0xC;
	v21 =	vmul.f32 v21, v26;
	v22 =	vsub.f32 v30, v25;
	v30 =	vld [tilespmem:s1+$0x7B0]  }
0x1ab: {  	[tilespmem:s1+$0xA5A0] =	vst v23;
	v23 =	vmul.f32 v24, v26;
	v24 =	vld [tilespmem:s1+$0x800];
	v17 =	vadd.f32 v17, v60;
	v19 =	vadd.f32 v19, v61  }
0x1ac: {  	[tilespmem:s1+$0xA5B0] =	vst v20;
	v26 =	vld [tilespmem:s1+$0x810];
	v20 =	vadd.f32 v21, v62;
	v21 =	vmul.f32 v22, v29;
	v22 =	vsub.f32 v31, v25  }
0x1ad: {  	[tilespmem:s1+$0xA610] =	vst v11;
	v10 =	vmul.f32 v17, v56;
	v17 =	vmul.f32 v19, v57;
	v19 =	vadd.f32 v23, v63;
	v23 =	vld [tilespmem:s1+$0x820]  }
0x1ae: {  	[tilespmem:s1+$0xA620] =	vst v14;
	v11 =	vmul.f32 v20, v58;
	v20 =	vadd.f32 v21, v60;
	v21 =	vmul.f32 v22, v29;
	v22 =	vld [tilespmem:s1+$0x830]  }
0x1af: {  	[tilespmem:s1+$0xA630] =	vst v16;
	v14 =	vmul.f32 v19, v59;
	v19 =	vsub.f32 v27, v25;
	v27 =	vbroadcast v8, $0xD  }
0x1b0: {  	[tilespmem:s1+$0xA680] =	vst v13;
	v16 =	vmul.f32 v20, v56;
	v20 =	vadd.f32 v21, v61;
	v21 =	vsub.f32 v30, v25  }
0x1b1: {  	[tilespmem:s1+$0xA690] =	vst v12;
	v31 =	vld [tilespmem:s1+$0x880];
	v13 =	vmul.f32 v19, v29;
	v19 =	vsub.f32 v24, v27;
	v24 =	vbroadcast v9, $0xD  }
0x1b2: {  	[tilespmem:s1+$0xA6A0] =	vst v15;
	v25 =	vld [tilespmem:s1+$0x890];
	v12 =	vmul.f32 v21, v29;
	v21 =	vsub.f32 v26, v27;
	v23 =	vsub.f32 v23, v27  }
0x1b3: {  	[tilespmem:s1+$0xA6B0] =	vst v18;
	v30 =	vld [tilespmem:s1+$0x8A0];
	v20 =	vmul.f32 v20, v57;
	v15 =	vsub.f32 v22, v27;
	v19 =	vmul.f32 v19, v24  }
0x1b4: {  	[tilespmem:s1+$0xA700] =	vst v10;
	v26 =	vld [tilespmem:s1+$0x8B0];
	v13 =	vadd.f32 v13, v62;
	v22 =	vbroadcast v9, $0xE;
	v9 =	vbroadcast v9, $0xF  }
0x1b5: {  	[tilespmem:s1+$0xA710] =	vst v17;
	v18 =	vmul.f32 v21, v24;
	v21 =	vbroadcast v8, $0xE;
	v10 =	vadd.f32 v12, v63  }
0x1b6: {  	[tilespmem:s1+$0xA730] =	vst v14;
	v12 =	vmul.f32 v23, v24;
	v8 =	vbroadcast v8, $0xF;
	v14 =	vadd.f32 v19, v60  }
0x1b7: {  	[tilespmem:s1+$0xA720] =	vst v11;
	v11 =	vmul.f32 v13, v58;
	v17 =	vsub.f32 v31, v21;
	v23 =	vsub.f32 v25, v21  }
0x1b8: {  	[tilespmem:s1+$0xA780] =	vst v16;
	v15 =	vmul.f32 v15, v24;
	v24 =	vld [tilespmem:s1+$0x900];
	v13 =	vsub.f32 v30, v21;
	v16 =	vadd.f32 v18, v61  }
0x1b9: {  	v25 =	vld [tilespmem:s1+$0x910];
	v10 =	vmul.f32 v10, v59;
	v21 =	vsub.f32 v26, v21;
	[tilespmem:s1+$0xA7A0] =	vst v11;
	v11 =	vmul.f32 v14, v56  }
0x1ba: {  	[tilespmem:s1+$0xA420] =	vst v32;
	v12 =	vadd.f32 v12, v62;
	v17 =	vmul.f32 v17, v22;
	v19 =	vmul.f32 v23, v22;
	v23 =	vld [tilespmem:s1+$0x920]  }
0x1bb: {  	v15 =	vadd.f32 v15, v63;
	v14 =	vmul.f32 v16, v57;
	[tilespmem:s1+$0xA7B0] =	vst v10;
	v18 =	vmul.f32 v21, v22;
	v21 =	vld [tilespmem:s1+$0x930]  }
0x1bc: {  	v13 =	vmul.f32 v13, v22;
	v10 =	vmul.f32 v12, v58;
	[tilespmem:s1+$0xA800] =	vst v11;
	v12 =	vadd.f32 v17, v60  }
0x1bd: {  	v16 =	vsub.f32 v24, v8;
	[tilespmem:s1+$0xA810] =	vst v14;
	v14 =	vmul.f32 v15, v59;
	v15 =	vadd.f32 v19, v61  }
0x1be: {  	[tilespmem:s1+$0xA820] =	vst v10;
	v11 =	vsub.f32 v25, v8;
	v10 =	vmul.f32 v12, v56;
	v12 =	vadd.f32 v13, v62  }
0x1bf: {  	v13 =	vmul.f32 v16, v9;
	[tilespmem:s1+$0xA830] =	vst v14;
	v14 =	vmul.f32 v15, v57;
	v17 =	vsub.f32 v23, v8  }
0x1c0: {  	[tilespmem:s1+$0xA790] =	vst v20;
	v15 =	vadd.f32 v18, v63;
	v11 =	vmul.f32 v11, v9;
	v8 =	vsub.f32 v21, v8  }
0x1c1: {  	[tilespmem:s1+$0xA880] =	vst v10;
	v10 =	vmul.f32 v12, v58;
	v12 =	vadd.f32 v13, v60;
	v13 =	vmul.f32 v17, v9  }
0x1c2: {  	v20 =	vld [tilespmem:$0x1FFC0];
	[tilespmem:s1+$0xA890] =	vst v14;
	v11 =	vadd.f32 v11, v61;
	v8 =	vmul.f32 v8, v9;
	v9 =	vmul.f32 v15, v59  }
0x1c3: {  	p0 =	sne.s32 s31, $0x12000;
	v22 =	vld [tilespmem:$0x1FFE0];
	[tilespmem:s1+$0xA8A0] =	vst v10;
	v10 =	vmul.f32 v12, v56;
	v12 =	vadd.f32 v13, v62  }
.Ltmp0:
0x1c4: {  	v32 =	vmov v1;
	v19 =	vld [tilespmem:$0x1FFB0];
	v13 =	vmul.f32 v11, v57;
	[tilespmem:s1+$0xA8B0] =	vst v9;
	v8 =	vadd.f32 v8, v63;
	(pc) =	sbr.rel @p0 .LBB2_3-.Ltmp0, $4  }
0x1c5: {  	v41 =	vmovc v49;
	v42 =	vmovc v4;
	v39 =	vmov v47;
	v40 =	vmov v48;
	v18 =	vld [tilespmem:$0x1FFA0];
	[tilespmem:s1+$0xA900] =	vst v10;
	v14 =	vmul.f32 v12, v58  }
0x1c6: {  	v38 =	vmovc v3;
	v37 =	vmovc v46;
	v35 =	vmov v44;
	v36 =	vmov v45;
	v23 =	vld [tilespmem:$0x1FFF0];
	[tilespmem:s1+$0xA910] =	vst v13;
	v8 =	vmul.f32 v8, v59  }
0x1c7: {  	v34 =	vmovc v43;
	v33 =	vmovc v2;
	v29 =	vmov v54;
	v27 =	vmov v53;
	v31 =	vmov v0;
	v21 =	vld [tilespmem:$0x1FFD0];
	[tilespmem:s1+$0xA920] =	vst v14  }
0x1c8: {  	s31 =	sadd.s32 $0x2000, s31;
	v30 =	vmovc v55;
	v26 =	vmovc v52;
	v24 =	vmov v50;
	v25 =	vmov v51;
	v16 =	vlaneseq.u32;
	v17 =	vld [tilespmem:$0x1FF90];
	[tilespmem:s1+$0xA930] =	vst v8  }
0x1c9: {  	s30 =	sshll.u32 s30, $0x4  }
0x1ca: {  	s31 =	simm.s32 $0x0;
	s1 =	sadd.s32 s7, s30  }
0x1cb: {  	[hbm4b:s1+s31] =	stream.linear.scatter [tilespmem:s24], [sflag:$0x2], $0x5000, $0x38;
	[tilespmem:$0x14500] =	vst v63  }
0x1cc: {  	_ =	swait.ge [sflag:s22], $0x4000  }
0x1cd: {  	[sflag:s22] =	ssyncset.done $0x0  }
0x1ce: {  	[sflag:s22] =	ssyncadd.s32 $0xFFFFC000  }
0x1cf: {  	_ =	swait.ge [sflag:s22], $0x1000  }
0x1d0: {  	[sflag:s22] =	ssyncset.done $0x0  }
0x1d1: {  	[sflag:s22] =	ssyncadd.s32 $0xFFFFF000  }
.LBB2_5:
0x1d2: {  	s1 =	sshra.s32 s31, $0x2  }
0x1d3: {  	v8 =	vld [tilespmem:s1+$0x5180]  }
0x1d4: {  	v9 =	vld [tilespmem:s1+$0x5190]  }
0x1d5: {  	v10 =	vld [tilespmem:s1+$0x51A0]  }
0x1d6: {  	v11 =	vld [tilespmem:s1+$0x51B0];
	_ =	sdelay $0x3  }
0x1d7: {  	v12 =	vmul.f32 v8, v8;
	v13 =	vmul.f32 v9, v9  }
0x1d8: {  	v14 =	vmul.f32 v10, v10;
	v15 =	vmul.f32 v11, v11  }
0x1d9: {  	v8 =	vadd.f32 v9, v8;
	v9 =	vadd.f32 v11, v10  }
0x1da: {  	v12 =	vadd.f32 v13, v12;
	v13 =	vadd.f32 v15, v14  }
0x1db: {  	v8 =	vadd.f32 v9, v8  }
0x1dc: {  	v14 =	vadd.f32 v13, v12  }
0x1dd: {  	[tilespmem:v16+s23+$0x0] =	vst.idx.msk $0xffff, v8  }
0x1de: {  	[tilespmem:v17+s23+$0x0] =	vst.idx.msk $0xffff, v14  }
0x1df: {  	v8 =	vld [tilespmem:s1+$0x5200]  }
0x1e0: {  	v9 =	vld [tilespmem:s1+$0x5210]  }
0x1e1: {  	v10 =	vld [tilespmem:s1+$0x5220]  }
0x1e2: {  	v11 =	vld [tilespmem:s1+$0x5230];
	_ =	sdelay $0x3  }
0x1e3: {  	v12 =	vmul.f32 v8, v8;
	v13 =	vmul.f32 v9, v9  }
0x1e4: {  	v14 =	vmul.f32 v10, v10;
	v15 =	vmul.f32 v11, v11  }
0x1e5: {  	v8 =	vadd.f32 v9, v8;
	v9 =	vadd.f32 v11, v10  }
0x1e6: {  	v12 =	vadd.f32 v13, v12;
	v13 =	vadd.f32 v15, v14  }
0x1e7: {  	v8 =	vadd.f32 v9, v8  }
0x1e8: {  	v14 =	vadd.f32 v13, v12  }
0x1e9: {  	[tilespmem:v18+s23+$0x0] =	vst.idx.msk $0xffff, v8  }
0x1ea: {  	[tilespmem:v19+s23+$0x0] =	vst.idx.msk $0xffff, v14  }
0x1eb: {  	v8 =	vld [tilespmem:s1+$0x5280]  }
0x1ec: {  	v9 =	vld [tilespmem:s1+$0x5290]  }
0x1ed: {  	v10 =	vld [tilespmem:s1+$0x52A0]  }
0x1ee: {  	v11 =	vld [tilespmem:s1+$0x52B0];
	_ =	sdelay $0x3  }
0x1ef: {  	v12 =	vmul.f32 v8, v8;
	v13 =	vmul.f32 v9, v9  }
0x1f0: {  	v14 =	vmul.f32 v10, v10;
	v15 =	vmul.f32 v11, v11  }
0x1f1: {  	v8 =	vadd.f32 v9, v8;
	v9 =	vadd.f32 v11, v10  }
0x1f2: {  	v12 =	vadd.f32 v13, v12;
	v13 =	vadd.f32 v15, v14  }
0x1f3: {  	v8 =	vadd.f32 v9, v8  }
0x1f4: {  	v14 =	vadd.f32 v13, v12  }
0x1f5: {  	[tilespmem:v20+s23+$0x0] =	vst.idx.msk $0xffff, v8  }
0x1f6: {  	[tilespmem:v21+s23+$0x0] =	vst.idx.msk $0xffff, v14  }
0x1f7: {  	v8 =	vld [tilespmem:s1+$0x5300]  }
0x1f8: {  	v9 =	vld [tilespmem:s1+$0x5310]  }
0x1f9: {  	v10 =	vld [tilespmem:s1+$0x5320]  }
0x1fa: {  	v11 =	vld [tilespmem:s1+$0x5330];
	_ =	sdelay $0x3  }
0x1fb: {  	v12 =	vmul.f32 v8, v8;
	v13 =	vmul.f32 v9, v9  }
0x1fc: {  	v14 =	vmul.f32 v10, v10;
	v15 =	vmul.f32 v11, v11  }
0x1fd: {  	v8 =	vadd.f32 v9, v8;
	v9 =	vadd.f32 v11, v10  }
0x1fe: {  	v12 =	vadd.f32 v13, v12;
	v13 =	vadd.f32 v15, v14  }
0x1ff: {  	v8 =	vadd.f32 v9, v8  }
0x200: {  	v14 =	vadd.f32 v13, v12  }
0x201: {  	[tilespmem:v22+s23+$0x0] =	vst.idx.msk $0xffff, v8  }
0x202: {  	[tilespmem:v23+s23+$0x0] =	vst.idx.msk $0xffff, v14  }
0x203: {  	v8 =	vld [tilespmem:s1+$0x5380]  }
0x204: {  	v9 =	vld [tilespmem:s1+$0x5390]  }
0x205: {  	v10 =	vld [tilespmem:s1+$0x53A0]  }
0x206: {  	v11 =	vld [tilespmem:s1+$0x53B0];
	_ =	sdelay $0x3  }
0x207: {  	v12 =	vmul.f32 v8, v8;
	v13 =	vmul.f32 v9, v9  }
0x208: {  	v14 =	vmul.f32 v10, v10;
	v15 =	vmul.f32 v11, v11  }
0x209: {  	v8 =	vadd.f32 v9, v8;
	v9 =	vadd.f32 v11, v10  }
0x20a: {  	v12 =	vadd.f32 v13, v12;
	v13 =	vadd.f32 v15, v14  }
0x20b: {  	v8 =	vadd.f32 v9, v8  }
0x20c: {  	v14 =	vadd.f32 v13, v12  }
0x20d: {  	[tilespmem:v24+s23+$0x0] =	vst.idx.msk $0xffff, v8  }
0x20e: {  	[tilespmem:v25+s23+$0x0] =	vst.idx.msk $0xffff, v14  }
0x20f: {  	v8 =	vld [tilespmem:s1+$0x5400]  }
0x210: {  	v9 =	vld [tilespmem:s1+$0x5410]  }
0x211: {  	v10 =	vld [tilespmem:s1+$0x5420]  }
0x212: {  	v11 =	vld [tilespmem:s1+$0x5430];
	_ =	sdelay $0x3  }
0x213: {  	v12 =	vmul.f32 v8, v8;
	v13 =	vmul.f32 v9, v9  }
0x214: {  	v14 =	vmul.f32 v10, v10;
	v15 =	vmul.f32 v11, v11  }
0x215: {  	v8 =	vadd.f32 v9, v8;
	v9 =	vadd.f32 v11, v10  }
0x216: {  	v12 =	vadd.f32 v13, v12;
	v13 =	vadd.f32 v15, v14  }
0x217: {  	v8 =	vadd.f32 v9, v8  }
0x218: {  	v14 =	vadd.f32 v13, v12  }
0x219: {  	[tilespmem:v26+s23+$0x0] =	vst.idx.msk $0xffff, v8  }
0x21a: {  	[tilespmem:v27+s23+$0x0] =	vst.idx.msk $0xffff, v14  }
0x21b: {  	v8 =	vld [tilespmem:s1+$0x5480]  }
0x21c: {  	v9 =	vld [tilespmem:s1+$0x5490]  }
0x21d: {  	v10 =	vld [tilespmem:s1+$0x54A0]  }
0x21e: {  	v11 =	vld [tilespmem:s1+$0x54B0];
	_ =	sdelay $0x3  }
0x21f: {  	v12 =	vmul.f32 v8, v8;
	v13 =	vmul.f32 v9, v9  }
0x220: {  	v14 =	vmul.f32 v10, v10;
	v15 =	vmul.f32 v11, v11  }
0x221: {  	v8 =	vadd.f32 v9, v8;
	v9 =	vadd.f32 v11, v10  }
0x222: {  	v12 =	vadd.f32 v13, v12;
	v13 =	vadd.f32 v15, v14  }
0x223: {  	v8 =	vadd.f32 v9, v8  }
0x224: {  	v14 =	vadd.f32 v13, v12  }
0x225: {  	[tilespmem:v29+s23+$0x0] =	vst.idx.msk $0xffff, v8  }
0x226: {  	[tilespmem:v30+s23+$0x0] =	vst.idx.msk $0xffff, v14  }
0x227: {  	v8 =	vld [tilespmem:s1+$0x5500]  }
0x228: {  	v9 =	vld [tilespmem:s1+$0x5510]  }
0x229: {  	v10 =	vld [tilespmem:s1+$0x5520]  }
0x22a: {  	v11 =	vld [tilespmem:s1+$0x5530];
	_ =	sdelay $0x3  }
0x22b: {  	v12 =	vmul.f32 v8, v8;
	v13 =	vmul.f32 v9, v9  }
0x22c: {  	v14 =	vmul.f32 v10, v10;
	v15 =	vmul.f32 v11, v11  }
0x22d: {  	v8 =	vadd.f32 v9, v8;
	v9 =	vadd.f32 v11, v10  }
0x22e: {  	v12 =	vadd.f32 v13, v12;
	v13 =	vadd.f32 v15, v14  }
0x22f: {  	v8 =	vadd.f32 v9, v8  }
0x230: {  	v14 =	vadd.f32 v13, v12  }
0x231: {  	[tilespmem:v31+s23+$0x0] =	vst.idx.msk $0xffff, v8  }
0x232: {  	[tilespmem:v32+s23+$0x0] =	vst.idx.msk $0xffff, v14  }
0x233: {  	v8 =	vld [tilespmem:s1+$0x5580]  }
0x234: {  	v9 =	vld [tilespmem:s1+$0x5590]  }
0x235: {  	v10 =	vld [tilespmem:s1+$0x55A0]  }
0x236: {  	v32 =	vld [tilespmem:s1+$0x55B0];
	_ =	sdelay $0x3  }
0x237: {  	v12 =	vmul.f32 v8, v8;
	v13 =	vmul.f32 v9, v9  }
0x238: {  	v14 =	vmul.f32 v10, v10;
	v15 =	vmul.f32 v32, v32  }
0x239: {  	v8 =	vadd.f32 v9, v8;
	v32 =	vadd.f32 v32, v10  }
0x23a: {  	v13 =	vadd.f32 v13, v12;
	v14 =	vadd.f32 v15, v14  }
0x23b: {  	v8 =	vadd.f32 v32, v8  }
0x23c: {  	v32 =	vadd.f32 v14, v13  }
0x23d: {  	[tilespmem:v33+s23+$0x0] =	vst.idx.msk $0xffff, v8  }
0x23e: {  	[tilespmem:v34+s23+$0x0] =	vst.idx.msk $0xffff, v32  }
0x23f: {  	v8 =	vld [tilespmem:s1+$0x5600]  }
0x240: {  	v9 =	vld [tilespmem:s1+$0x5610]  }
0x241: {  	v10 =	vld [tilespmem:s1+$0x5620]  }
0x242: {  	v34 =	vld [tilespmem:s1+$0x5630];
	_ =	sdelay $0x3  }
0x243: {  	v12 =	vmul.f32 v8, v8;
	v32 =	vmul.f32 v9, v9  }
0x244: {  	v33 =	vmul.f32 v10, v10;
	v15 =	vmul.f32 v34, v34  }
0x245: {  	v8 =	vadd.f32 v9, v8;
	v34 =	vadd.f32 v34, v10  }
0x246: {  	v32 =	vadd.f32 v32, v12;
	v33 =	vadd.f32 v15, v33  }
0x247: {  	v8 =	vadd.f32 v34, v8  }
0x248: {  	v34 =	vadd.f32 v33, v32  }
0x249: {  	[tilespmem:v35+s23+$0x0] =	vst.idx.msk $0xffff, v8  }
0x24a: {  	[tilespmem:v36+s23+$0x0] =	vst.idx.msk $0xffff, v34  }
0x24b: {  	v8 =	vld [tilespmem:s1+$0x5680]  }
0x24c: {  	v9 =	vld [tilespmem:s1+$0x5690]  }
0x24d: {  	v36 =	vld [tilespmem:s1+$0x56A0]  }
0x24e: {  	v32 =	vld [tilespmem:s1+$0x56B0];
	_ =	sdelay $0x3  }
0x24f: {  	v33 =	vmul.f32 v8, v8;
	v34 =	vmul.f32 v9, v9  }
0x250: {  	v35 =	vmul.f32 v36, v36;
	v15 =	vmul.f32 v32, v32  }
0x251: {  	v8 =	vadd.f32 v9, v8;
	v36 =	vadd.f32 v32, v36  }
0x252: {  	v13 =	vadd.f32 v34, v33;
	v14 =	vadd.f32 v15, v35  }
0x253: {  	v8 =	vadd.f32 v36, v8  }
0x254: {  	v32 =	vadd.f32 v14, v13  }
0x255: {  	[tilespmem:v37+s23+$0x0] =	vst.idx.msk $0xffff, v8  }
0x256: {  	[tilespmem:v38+s23+$0x0] =	vst.idx.msk $0xffff, v32  }
0x257: {  	v8 =	vld [tilespmem:s1+$0x5700]  }
0x258: {  	v9 =	vld [tilespmem:s1+$0x5710]  }
0x259: {  	v33 =	vld [tilespmem:s1+$0x5720]  }
0x25a: {  	v34 =	vld [tilespmem:s1+$0x5730];
	_ =	sdelay $0x3  }
0x25b: {  	v35 =	vmul.f32 v8, v8;
	v36 =	vmul.f32 v9, v9  }
0x25c: {  	v37 =	vmul.f32 v33, v33;
	v15 =	vmul.f32 v34, v34  }
0x25d: {  	v8 =	vadd.f32 v9, v8;
	v38 =	vadd.f32 v34, v33  }
0x25e: {  	v12 =	vadd.f32 v36, v35;
	v13 =	vadd.f32 v15, v37  }
0x25f: {  	v8 =	vadd.f32 v38, v8  }
0x260: {  	v14 =	vadd.f32 v13, v12  }
0x261: {  	[tilespmem:v39+s23+$0x0] =	vst.idx.msk $0xffff, v8  }
0x262: {  	[tilespmem:v40+s23+$0x0] =	vst.idx.msk $0xffff, v14  }
0x263: {  	v8 =	vld [tilespmem:s1+$0x5780]  }
0x264: {  	v9 =	vld [tilespmem:s1+$0x5790]  }
0x265: {  	v32 =	vld [tilespmem:s1+$0x57A0]  }
0x266: {  	v33 =	vld [tilespmem:s1+$0x57B0];
	_ =	sdelay $0x3  }
0x267: {  	v34 =	vmul.f32 v8, v8;
	v35 =	vmul.f32 v9, v9  }
0x268: {  	v36 =	vmul.f32 v32, v32;
	v15 =	vmul.f32 v33, v33  }
0x269: {  	v8 =	vadd.f32 v9, v8;
	v37 =	vadd.f32 v33, v32  }
0x26a: {  	v38 =	vadd.f32 v35, v34;
	v39 =	vadd.f32 v15, v36  }
0x26b: {  	v8 =	vadd.f32 v37, v8  }
0x26c: {  	v40 =	vadd.f32 v39, v38  }
0x26d: {  	[tilespmem:v41+s23+$0x0] =	vst.idx.msk $0xffff, v8  }
0x26e: {  	[tilespmem:v42+s23+$0x0] =	vst.idx.msk $0xffff, v40  }
0x26f: {  	v8 =	vld [tilespmem:s1+$0x5800]  }
0x270: {  	v9 =	vld [tilespmem:s1+$0x5810]  }
0x271: {  	v41 =	vld [tilespmem:s1+$0x5820]  }
0x272: {  	v42 =	vld [tilespmem:s1+$0x5830]  }
0x273: {  	v39 =	vld [tilespmem:$0x1FDC0];
	_ =	sdelay $0x3  }
0x274: {  	v32 =	vmul.f32 v8, v8;
	v8 =	vadd.f32 v9, v8;
	v35 =	vadd.f32 v42, v41;
	_ =	sdelay $0x1  }
0x275: {  	v8 =	vadd.f32 v35, v8;
	_ =	sdelay $0x1  }
0x276: {  	[tilespmem:v39+s23+$0x0] =	vst.idx.msk $0xffff, v8;
	v8 =	vld [tilespmem:$0x1FDD0]  }
0x277: {  	v33 =	vmul.f32 v9, v9  }
0x278: {  	v34 =	vmul.f32 v41, v41;
	v15 =	vmul.f32 v42, v42;
	_ =	sdelay $0x1  }
0x279: {  	v36 =	vadd.f32 v33, v32;
	v37 =	vadd.f32 v15, v34;
	_ =	sdelay $0x1  }
0x27a: {  	v38 =	vadd.f32 v37, v36;
	_ =	sdelay $0x1  }
0x27b: {  	[tilespmem:v8+s23+$0x0] =	vst.idx.msk $0xffff, v38  }
0x27c: {  	v8 =	vld [tilespmem:s1+$0x5880]  }
0x27d: {  	v9 =	vld [tilespmem:s1+$0x5890]  }
0x27e: {  	v10 =	vld [tilespmem:s1+$0x58A0]  }
0x27f: {  	v40 =	vld [tilespmem:s1+$0x58B0]  }
0x280: {  	v37 =	vld [tilespmem:$0x1FDE0];
	_ =	sdelay $0x3  }
0x281: {  	v41 =	vmul.f32 v8, v8;
	v8 =	vadd.f32 v9, v8;
	v33 =	vadd.f32 v40, v10;
	_ =	sdelay $0x1  }
0x282: {  	v8 =	vadd.f32 v33, v8;
	_ =	sdelay $0x1  }
0x283: {  	[tilespmem:v37+s23+$0x0] =	vst.idx.msk $0xffff, v8;
	v8 =	vld [tilespmem:$0x1FDF0]  }
0x284: {  	v42 =	vmul.f32 v9, v9  }
0x285: {  	v16 =	vld [tilespmem:$0x1FE90];
	v32 =	vmul.f32 v10, v10;
	v15 =	vmul.f32 v40, v40  }
0x286: {  	v17 =	vld [tilespmem:$0x1FEA0]  }
0x287: {  	v18 =	vld [tilespmem:$0x1FEB0];
	v34 =	vadd.f32 v42, v41;
	v35 =	vadd.f32 v15, v32  }
0x288: {  	v19 =	vld [tilespmem:$0x1FEC0]  }
0x289: {  	v20 =	vld [tilespmem:$0x1FED0];
	v36 =	vadd.f32 v35, v34  }
0x28a: {  	v21 =	vld [tilespmem:$0x1FEE0]  }
0x28b: {  	v22 =	vld [tilespmem:$0x1FEF0];
	[tilespmem:v8+s23+$0x0] =	vst.idx.msk $0xffff, v36  }
0x28c: {  	v8 =	vld [tilespmem:s1+$0x5900]  }
0x28d: {  	v9 =	vld [tilespmem:s1+$0x5910]  }
0x28e: {  	v10 =	vld [tilespmem:s1+$0x5920]  }
0x28f: {  	v38 =	vld [tilespmem:s1+$0x5930]  }
0x290: {  	v33 =	vld [tilespmem:$0x1FE00]  }
0x291: {  	v23 =	vld [tilespmem:$0x1FF00]  }
0x292: {  	v24 =	vld [tilespmem:$0x1FF10]  }
0x293: {  	v25 =	vld [tilespmem:$0x1FF20]  }
0x294: {  	v26 =	vld [tilespmem:$0x1FF30];
	v39 =	vmul.f32 v8, v8;
	v8 =	vadd.f32 v9, v8;
	v42 =	vadd.f32 v38, v10  }
0x295: {  	v27 =	vld [tilespmem:$0x1FF40]  }
0x296: {  	v29 =	vld [tilespmem:$0x1FF50];
	v8 =	vadd.f32 v42, v8  }
0x297: {  	v30 =	vld [tilespmem:$0x1FF60]  }
0x298: {  	[tilespmem:v33+s23+$0x0] =	vst.idx.msk $0xffff, v8;
	v8 =	vld [tilespmem:$0x1FE10]  }
0x299: {  	v31 =	vld [tilespmem:$0x1FF70];
	v40 =	vmul.f32 v9, v9  }
0x29a: {  	v34 =	vld [tilespmem:$0x1FE20];
	v41 =	vmul.f32 v10, v10;
	v15 =	vmul.f32 v38, v38  }
0x29b: {  	v35 =	vld [tilespmem:$0x1FE30]  }
0x29c: {  	v36 =	vld [tilespmem:$0x1FE40];
	v13 =	vadd.f32 v40, v39;
	v14 =	vadd.f32 v15, v41  }
0x29d: {  	v37 =	vld [tilespmem:$0x1FE50]  }
0x29e: {  	v38 =	vld [tilespmem:$0x1FE60];
	v32 =	vadd.f32 v14, v13  }
0x29f: {  	v39 =	vld [tilespmem:$0x1FE70]  }
0x2a0: {  	v15 =	vld [tilespmem:$0x1FE80];
	[tilespmem:v8+s23+$0x0] =	vst.idx.msk $0xffff, v32  }
0x2a1: {  	v8 =	vld.idx.msk [tilespmem:v28+s23+$0x0], $0xffff  }
0x2a2: {  	v9 =	vld.idx.msk [tilespmem:v34+s23+$0x0], $0xffff  }
0x2a3: {  	v10 =	vld.idx.msk [tilespmem:v35+s23+$0x0], $0xffff  }
0x2a4: {  	v11 =	vld.idx.msk [tilespmem:v36+s23+$0x0], $0xffff  }
0x2a5: {  	v12 =	vld.idx.msk [tilespmem:v37+s23+$0x0], $0xffff  }
0x2a6: {  	v13 =	vld.idx.msk [tilespmem:v38+s23+$0x0], $0xffff  }
0x2a7: {  	v14 =	vld.idx.msk [tilespmem:v39+s23+$0x0], $0xffff  }
0x2a8: {  	v15 =	vld.idx.msk [tilespmem:v15+s23+$0x0], $0xffff  }
0x2a9: {  	v16 =	vld.idx.msk [tilespmem:v16+s23+$0x0], $0xffff  }
0x2aa: {  	v17 =	vld.idx.msk [tilespmem:v17+s23+$0x0], $0xffff  }
0x2ab: {  	v18 =	vld.idx.msk [tilespmem:v18+s23+$0x0], $0xffff  }
0x2ac: {  	v19 =	vld.idx.msk [tilespmem:v19+s23+$0x0], $0xffff  }
0x2ad: {  	v20 =	vld.idx.msk [tilespmem:v20+s23+$0x0], $0xffff  }
0x2ae: {  	v21 =	vld.idx.msk [tilespmem:v21+s23+$0x0], $0xffff  }
0x2af: {  	v22 =	vld.idx.msk [tilespmem:v22+s23+$0x0], $0xffff  }
0x2b0: {  	v23 =	vld.idx.msk [tilespmem:v23+s23+$0x0], $0xffff  }
0x2b1: {  	v24 =	vld.idx.msk [tilespmem:v24+s23+$0x0], $0xffff  }
0x2b2: {  	v25 =	vld.idx.msk [tilespmem:v25+s23+$0x0], $0xffff  }
0x2b3: {  	v26 =	vld.idx.msk [tilespmem:v26+s23+$0x0], $0xffff  }
0x2b4: {  	v27 =	vld.idx.msk [tilespmem:v27+s23+$0x0], $0xffff  }
0x2b5: {  	v29 =	vld.idx.msk [tilespmem:v29+s23+$0x0], $0xffff;
	v9 =	vadd.f32 $0.0e+00, v9  }
0x2b6: {  	v30 =	vld.idx.msk [tilespmem:v30+s23+$0x0], $0xffff;
	v10 =	vadd.f32 $0.0e+00, v10  }
0x2b7: {  	v11 =	vadd.f32 $0.0e+00, v11;
	v9 =	vadd.f32 v17, v9;
	v17 =	vld [tilespmem:$0x1FD70]  }
0x2b8: {  	v12 =	vadd.f32 $0.0e+00, v12;
	v10 =	vadd.f32 v18, v10;
	v18 =	vld [tilespmem:$0x1FD80]  }
0x2b9: {  	v8 =	vadd.f32 $0.0e+00, v8;
	v11 =	vadd.f32 v19, v11;
	v19 =	vld [tilespmem:$0x1FD90]  }
0x2ba: {  	v12 =	vadd.f32 v20, v12;
	v20 =	vld [tilespmem:$0x1FDA0]  }
0x2bb: {  	v13 =	vadd.f32 $0.0e+00, v13;
	v8 =	vadd.f32 v16, v8;
	v16 =	vld [tilespmem:$0x1FF80]  }
0x2bc: {  	v31 =	vld.idx.msk [tilespmem:v31+s23+$0x0], $0xffff;
	v14 =	vadd.f32 $0.0e+00, v14  }
0x2bd: {  	v13 =	vadd.f32 v21, v13;
	v21 =	vld [tilespmem:$0x1FDB0]  }
0x2be: {  	v14 =	vadd.f32 v22, v14;
	v22 =	vld.idx.msk [tilespmem:v5+s23+$0x0], $0xffff  }
0x2bf: {  	v17 =	vld.idx.msk [tilespmem:v17+s23+$0x0], $0xffff  }
0x2c0: {  	v15 =	vadd.f32 $0.0e+00, v15;
	v18 =	vld.idx.msk [tilespmem:v18+s23+$0x0], $0xffff  }
0x2c1: {  	v19 =	vld.idx.msk [tilespmem:v19+s23+$0x0], $0xffff  }
0x2c2: {  	v15 =	vadd.f32 v23, v15;
	v8 =	vadd.f32 v24, v8;
	v20 =	vld.idx.msk [tilespmem:v20+s23+$0x0], $0xffff  }
0x2c3: {  	v9 =	vadd.f32 v25, v9;
	v10 =	vadd.f32 v26, v10;
	v16 =	vld.idx.msk [tilespmem:v16+s23+$0x0], $0xffff  }
0x2c4: {  	v23 =	vld.idx.msk [tilespmem:v6+s23+$0x0], $0xffff;
	v11 =	vadd.f32 v27, v11;
	v12 =	vadd.f32 v29, v12  }
0x2c5: {  	v13 =	vadd.f32 v30, v13;
	v14 =	vadd.f32 v31, v14;
	v21 =	vld.idx.msk [tilespmem:v21+s23+$0x0], $0xffff  }
0x2c6: {  	v8 =	vadd.f32 v17, v8;
	v10 =	vadd.f32 v18, v10;
	v17 =	vld.idx.msk [tilespmem:v7+s23+$0x0], $0xffff  }
0x2c7: {  	v12 =	vadd.f32 v19, v12;
	v14 =	vadd.f32 v20, v14  }
0x2c8: {  	v11 =	vadd.f32 v22, v11;
	v15 =	vadd.f32 v16, v15  }
0x2c9: {  	v8 =	vadd.f32 v10, v8;
	v40 =	vadd.f32 v14, v12  }
0x2ca: {  	v41 =	vadd.f32 v23, v13;
	v9 =	vadd.f32 v21, v9  }
0x2cb: {  	v10 =	vadd.f32 v40, v8;
	v42 =	vadd.f32 v17, v15;
	_ =	sdelay $0x1  }
0x2cc: {  	v9 =	vadd.f32 v11, v9;
	v8 =	vmul.f32 $1.562500000e-02, v10;
	v14 =	vadd.f32 v42, v41;
	_ =	sdelay $0x1  }
0x2cd: {  	v10 =	vmul.f32 v8, v10;
	v9 =	vadd.f32 v14, v9;
	_ =	sdelay $0x1  }
0x2ce: {  	v9 =	vsub.f32 v9, v10;
	_ =	sdelay $0x1  }
0x2cf: {  	v9 =	vmul.f32 $1.587301680e-02, v9;
	_ =	sdelay $0x1  }
0x2d0: {  	v9 =	vmax.f32 v9, $0.0e+00  }
0x2d1: {  	v32 =	vshra.s32 v9, $0x1;
	v33 =	vmul.f32 $5.000000000e-01, v9  }
0x2d2: {  	v10 =	vsub.s32 $0x5F3759DF, v32  }
0x2d3: {  	v34 =	vmul.f32 v10, v33;
	_ =	sdelay $0x1  }
0x2d4: {  	v12 =	vmul.f32 v10, v34;
	_ =	sdelay $0x1  }
0x2d5: {  	v12 =	vsub.f32 $1.500000000e+00, v12;
	_ =	sdelay $0x1  }
0x2d6: {  	v10 =	vmul.f32 v10, v12;
	_ =	sdelay $0x1  }
0x2d7: {  	v12 =	vmul.f32 v10, v33;
	_ =	sdelay $0x1  }
0x2d8: {  	v12 =	vmul.f32 v12, v10;
	_ =	sdelay $0x1  }
0x2d9: {  	v12 =	vsub.f32 $1.500000000e+00, v12;
	_ =	sdelay $0x1  }
0x2da: {  	v10 =	vmul.f32 v12, v10;
	_ =	sdelay $0x1  }
0x2db: {  	v11 =	vmul.f32 v10, v33;
	_ =	sdelay $0x1  }
0x2dc: {  	v11 =	vmul.f32 v11, v10;
	_ =	sdelay $0x1  }
0x2dd: {  	v11 =	vsub.f32 $1.500000000e+00, v11;
	_ =	sdelay $0x1  }
0x2de: {  	v10 =	vmul.f32 v11, v10;
	_ =	sdelay $0x1  }
0x2df: {  	v9 =	vmul.f32 v10, v9;
	_ =	sdelay $0x1  }
0x2e0: {  	v9 =	vadd.f32 $9.999999970e-07, v9  }
0x2e1: {  	v36 =	vld [tilespmem:s1+$0x5190]  }
0x2e2: {  	v39 =	vld [tilespmem:s1+$0x51A0];
	(erf) = vrcp.f32 v9  }
0x2e3: {  	v16 =	vld [tilespmem:s1+$0x5200]  }
0x2e4: {  	v18 =	vld [tilespmem:s1+$0x5220]  }
0x2e5: {  	v17 =	vld [tilespmem:s1+$0x5210]  }
0x2e6: {  	v15 =	vld [tilespmem:s1+$0x51B0]  }
0x2e7: {  	v35 =	vld [tilespmem:s1+$0x5180];
	v37 =	vbroadcast v8, $0x0  }
0x2e8: {  	v19 =	vld [tilespmem:s1+$0x5230];
	v20 =	vbroadcast v8, $0x1  }
0x2e9: {  	v26 =	vbroadcast v8, $0x3;
	v14 =	vsub.f32 v39, v37;
	v11 =	vsub.f32 v36, v37;
	v36 =	vld [tilespmem:s1+$0x5480]  }
0x2ea: {  	v23 =	vld [tilespmem:s1+$0x5300];
	v42 =	vbroadcast v8, $0x5;
	v17 =	vsub.f32 v17, v20;
	v40 =	vsub.f32 v18, v20  }
0x2eb: {  	v25 =	vld [tilespmem:s1+$0x5310];
	v39 =	vbroadcast v8, $0x6;
	v12 =	vsub.f32 v15, v37;
	v15 =	vsub.f32 v16, v20;
	v9 =	vpop (erf)  }
0x2ec: {  	v34 =	vld [tilespmem:s1+$0x5420];
	v10 =	vsub.f32 v35, v37;
	v38 =	vbroadcast v9, $0x0;
	v16 =	vbroadcast v9, $0x1  }
0x2ed: {  	v19 =	vsub.f32 v19, v20;
	v33 =	vld [tilespmem:s1+$0x5400];
	v24 =	vbroadcast v9, $0x2;
	v27 =	vbroadcast v9, $0x3  }
0x2ee: {  	v37 =	vld [tilespmem:s1+$0x5490];
	v35 =	vsub.f32 v36, v39;
	v36 =	vbroadcast v9, $0x6;
	v10 =	vmul.f32 v38, v10  }
0x2ef: {  	v23 =	vsub.f32 v23, v26;
	v11 =	vmul.f32 v38, v11;
	v14 =	vmul.f32 v38, v14  }
0x2f0: {  	v25 =	vsub.f32 v25, v26;
	v12 =	vmul.f32 v38, v12;
	v15 =	vmul.f32 v16, v15  }
0x2f1: {  	v18 =	vld [tilespmem:s1+$0x5280];
	v34 =	vsub.f32 v34, v42;
	v17 =	vmul.f32 v16, v17;
	v13 =	vmul.f32 v16, v40  }
0x2f2: {  	v20 =	vld [tilespmem:s1+$0x5290];
	v33 =	vsub.f32 v33, v42;
	v16 =	vmul.f32 v16, v19;
	v19 =	vbroadcast v8, $0x2  }
0x2f3: {  	v21 =	vld [tilespmem:s1+$0x52A0];
	v37 =	vsub.f32 v37, v39;
	v23 =	vmul.f32 v27, v23;
	v25 =	vmul.f32 v25, v27  }
0x2f4: {  	v22 =	vld [tilespmem:s1+$0x52B0];
	v38 =	vbroadcast v9, $0x5;
	v10 =	vadd.f32 v10, v60;
	v11 =	vadd.f32 v11, v61  }
0x2f5: {  	v35 =	vmul.f32 v35, v36;
	v14 =	vadd.f32 v14, v62;
	v12 =	vadd.f32 v12, v63  }
0x2f6: {  	v37 =	vmul.f32 v37, v36;
	v15 =	vadd.f32 v15, v60;
	v17 =	vadd.f32 v17, v61  }
0x2f7: {  	v18 =	vsub.f32 v18, v19;
	v20 =	vsub.f32 v20, v19;
	v33 =	vmul.f32 v33, v38  }
0x2f8: {  	v29 =	vld [tilespmem:s1+$0x5330];
	v21 =	vsub.f32 v21, v19;
	v34 =	vmul.f32 v34, v38;
	v10 =	vmul.f32 v10, v56  }
0x2f9: {  	v19 =	vsub.f32 v22, v19;
	v22 =	vld [tilespmem:s1+$0x5320];
	v11 =	vmul.f32 v11, v57;
	v14 =	vmul.f32 v14, v58  }
0x2fa: {  	v30 =	vld [tilespmem:s1+$0x5390];
	v13 =	vadd.f32 v13, v62;
	v12 =	vmul.f32 v12, v59;
	v15 =	vmul.f32 v15, v56  }
0x2fb: {  	v31 =	vld [tilespmem:s1+$0x53A0];
	v16 =	vadd.f32 v16, v63;
	v18 =	vmul.f32 v24, v18;
	v20 =	vmul.f32 v24, v20  }
0x2fc: {  	v23 =	vadd.f32 v23, v60;
	v21 =	vmul.f32 v24, v21;
	v19 =	vmul.f32 v24, v19;
	v24 =	vld [tilespmem:s1+$0x5380]  }
0x2fd: {  	v32 =	vld [tilespmem:s1+$0x53B0];
	v25 =	vadd.f32 v25, v61;
	v17 =	vmul.f32 v17, v57;
	v13 =	vmul.f32 v13, v58  }
0x2fe: {  	v16 =	vmul.f32 v16, v59;
	v22 =	vsub.f32 v22, v26;
	v26 =	vsub.f32 v29, v26  }
0x2ff: {  	v23 =	vmul.f32 v23, v56;
	v33 =	vadd.f32 v33, v60;
	v29 =	vbroadcast v8, $0x4  }
0x300: {  	v18 =	vadd.f32 v18, v60;
	v22 =	vmul.f32 v22, v27;
	v26 =	vmul.f32 v26, v27  }
0x301: {  	v41 =	vld [tilespmem:s1+$0x5410];
	v24 =	vsub.f32 v24, v29;
	v27 =	vbroadcast v9, $0x4;
	v30 =	vsub.f32 v30, v29  }
0x302: {  	v25 =	vmul.f32 v25, v57;
	v31 =	vsub.f32 v31, v29;
	v29 =	vsub.f32 v32, v29  }
0x303: {  	v20 =	vadd.f32 v20, v61;
	v24 =	vmul.f32 v24, v27;
	v30 =	vmul.f32 v30, v27  }
0x304: {  	v21 =	vadd.f32 v21, v62;
	v31 =	vmul.f32 v31, v27;
	v27 =	vmul.f32 v29, v27;
	v29 =	vld [tilespmem:s1+$0x5430]  }
0x305: {  	v19 =	vadd.f32 v19, v63;
	v33 =	vmul.f32 v33, v56;
	[tilespmem:s1+$0xF310] =	vst v25;
	v25 =	vbroadcast v8, $0x9  }
0x306: {  	v18 =	vmul.f32 v18, v56;
	v20 =	vmul.f32 v20, v57;
	v32 =	vsub.f32 v41, v42  }
0x307: {  	v34 =	vadd.f32 v34, v62;
	v21 =	vmul.f32 v21, v58;
	v19 =	vmul.f32 v19, v59  }
0x308: {  	[tilespmem:s1+$0xF400] =	vst v33;
	v33 =	vbroadcast v8, $0xA;
	v22 =	vadd.f32 v22, v62;
	v32 =	vmul.f32 v32, v38  }
0x309: {  	v40 =	vld [tilespmem:s1+$0x54A0];
	[tilespmem:s1+$0xF290] =	vst v20;
	v20 =	vbroadcast v8, $0x8;
	v26 =	vadd.f32 v26, v63;
	v29 =	vsub.f32 v29, v42  }
0x30a: {  	v41 =	vld [tilespmem:s1+$0x5500];
	v22 =	vmul.f32 v22, v58;
	v24 =	vadd.f32 v24, v60;
	v32 =	vadd.f32 v32, v61  }
0x30b: {  	[tilespmem:s1+$0xF2A0] =	vst v21;
	v21 =	vld [tilespmem:s1+$0x5600];
	v26 =	vmul.f32 v26, v59;
	v30 =	vadd.f32 v30, v61;
	v29 =	vmul.f32 v29, v38  }
0x30c: {  	[tilespmem:s1+$0xF180] =	vst v10;
	v31 =	vadd.f32 v31, v62;
	v24 =	vmul.f32 v24, v56;
	v10 =	vmul.f32 v32, v57;
	v38 =	vld [tilespmem:s1+$0x54B0]  }
0x30d: {  	v32 =	vmul.f32 v34, v58;
	v34 =	vadd.f32 v35, v60;
	v35 =	vld [tilespmem:s1+$0x5520];
	v29 =	vadd.f32 v29, v63  }
0x30e: {  	v27 =	vadd.f32 v27, v63;
	v30 =	vmul.f32 v30, v57;
	[tilespmem:s1+$0xF330] =	vst v26;
	v26 =	vbroadcast v9, $0x9;
	v42 =	vld [tilespmem:s1+$0x5510]  }
0x30f: {  	[tilespmem:s1+$0xF190] =	vst v11;
	v11 =	vmul.f32 v29, v59;
	v29 =	vadd.f32 v37, v61;
	v37 =	vsub.f32 v40, v39;
	v40 =	vld [tilespmem:s1+$0x5530]  }
0x310: {  	[tilespmem:s1+$0xF1A0] =	vst v14;
	v21 =	vsub.f32 v21, v25;
	v14 =	vmul.f32 v34, v56;
	v34 =	vbroadcast v8, $0x7  }
0x311: {  	[tilespmem:s1+$0xF1B0] =	vst v12;
	v31 =	vmul.f32 v31, v58;
	v12 =	vsub.f32 v38, v39;
	v37 =	vmul.f32 v37, v36  }
0x312: {  	[tilespmem:s1+$0xF200] =	vst v15;
	v21 =	vmul.f32 v21, v26;
	v15 =	vsub.f32 v41, v34;
	v38 =	vbroadcast v9, $0x7  }
0x313: {  	[tilespmem:s1+$0xF210] =	vst v17;
	v35 =	vsub.f32 v35, v34;
	v12 =	vmul.f32 v12, v36;
	v36 =	vld [tilespmem:s1+$0x5580];
	v17 =	vadd.f32 v37, v62  }
0x314: {  	[tilespmem:s1+$0xF220] =	vst v13;
	v39 =	vsub.f32 v42, v34;
	v13 =	vmul.f32 v15, v38;
	v37 =	vld [tilespmem:s1+$0x5590];
	v34 =	vsub.f32 v40, v34  }
0x315: {  	[tilespmem:s1+$0xF230] =	vst v16;
	v21 =	vadd.f32 v21, v60;
	v16 =	vmul.f32 v17, v58;
	v17 =	vmul.f32 v35, v38;
	v35 =	vld [tilespmem:s1+$0x55A0]  }
0x316: {  	[tilespmem:s1+$0xF280] =	vst v18;
	v15 =	vmul.f32 v39, v38;
	v18 =	vmul.f32 v34, v38;
	v34 =	vld [tilespmem:s1+$0x55B0]  }
0x317: {  	v27 =	vmul.f32 v27, v59;
	[tilespmem:s1+$0xF410] =	vst v10;
	v10 =	vmul.f32 v21, v56;
	v12 =	vadd.f32 v12, v63  }
0x318: {  	[tilespmem:s1+$0xF300] =	vst v23;
	v29 =	vmul.f32 v29, v57;
	v13 =	vadd.f32 v13, v60;
	v15 =	vadd.f32 v15, v61  }
0x319: {  	[tilespmem:s1+$0xF2B0] =	vst v19;
	v19 =	vsub.f32 v36, v20;
	v36 =	vbroadcast v9, $0x8;
	v23 =	vsub.f32 v37, v20;
	v37 =	vld [tilespmem:s1+$0x5610]  }
0x31a: {  	v12 =	vmul.f32 v12, v59;
	v13 =	vmul.f32 v13, v56;
	v35 =	vsub.f32 v35, v20  }
0x31b: {  	[tilespmem:s1+$0xF320] =	vst v22;
	v17 =	vadd.f32 v17, v62;
	v19 =	vmul.f32 v19, v36;
	v20 =	vsub.f32 v34, v20;
	v34 =	vld [tilespmem:s1+$0x5620]  }
0x31c: {  	[tilespmem:s1+$0xF380] =	vst v24;
	v18 =	vadd.f32 v18, v63;
	v22 =	vmul.f32 v23, v36;
	v23 =	vmul.f32 v35, v36;
	v35 =	vld [tilespmem:s1+$0x5630]  }
0x31d: {  	v24 =	vld [tilespmem:s1+$0x5680];
	[tilespmem:s1+$0xF390] =	vst v30;
	v15 =	vmul.f32 v15, v57;
	v17 =	vmul.f32 v17, v58;
	v19 =	vadd.f32 v19, v60  }
0x31e: {  	[tilespmem:s1+$0xF3A0] =	vst v31;
	v31 =	vld [tilespmem:s1+$0x56A0];
	v18 =	vmul.f32 v18, v59;
	v20 =	vmul.f32 v20, v36;
	v30 =	vsub.f32 v37, v25  }
0x31f: {  	v22 =	vadd.f32 v22, v61;
	v19 =	vmul.f32 v19, v56;
	v36 =	vld [tilespmem:s1+$0x5690];
	v23 =	vadd.f32 v23, v62  }
0x320: {  	[tilespmem:s1+$0xF3B0] =	vst v27;
	v20 =	vadd.f32 v20, v63;
	v27 =	vmul.f32 v30, v26;
	v30 =	vsub.f32 v34, v25  }
0x321: {  	v22 =	vmul.f32 v22, v57;
	v23 =	vmul.f32 v23, v58;
	v34 =	vld [tilespmem:s1+$0x56B0];
	v25 =	vsub.f32 v35, v25  }
0x322: {  	v20 =	vmul.f32 v20, v59;
	v21 =	vadd.f32 v27, v61;
	v27 =	vmul.f32 v30, v26  }
0x323: {  	[tilespmem:s1+$0xF480] =	vst v14;
	v24 =	vsub.f32 v24, v33;
	v25 =	vmul.f32 v25, v26;
	v26 =	vbroadcast v9, $0xA  }
0x324: {  	[tilespmem:s1+$0xF430] =	vst v11;
	v30 =	vsub.f32 v31, v33;
	v11 =	vmul.f32 v21, v57;
	v21 =	vsub.f32 v36, v33  }
0x325: {  	[tilespmem:s1+$0xF600] =	vst v10;
	v31 =	vld [tilespmem:s1+$0x5710];
	v14 =	vadd.f32 v27, v62;
	v25 =	vadd.f32 v25, v63;
	v24 =	vmul.f32 v24, v26  }
0x326: {  	[tilespmem:s1+$0xF490] =	vst v29;
	v27 =	vld [tilespmem:s1+$0x5700];
	v21 =	vmul.f32 v21, v26;
	v29 =	vmul.f32 v30, v26;
	v30 =	vsub.f32 v34, v33  }
0x327: {  	[tilespmem:s1+$0xF4A0] =	vst v16;
	v14 =	vmul.f32 v14, v58;
	v16 =	vmul.f32 v25, v59;
	v24 =	vadd.f32 v24, v60;
	v25 =	vld [tilespmem:s1+$0x5720]  }
0x328: {  	[tilespmem:s1+$0xF4B0] =	vst v12;
	v12 =	vadd.f32 v21, v61;
	v21 =	vadd.f32 v29, v62;
	v26 =	vmul.f32 v30, v26;
	v29 =	vld [tilespmem:s1+$0x5730]  }
0x329: {  	[tilespmem:s1+$0xF500] =	vst v13;
	v30 =	vld [tilespmem:s1+$0x5780];
	v13 =	vmul.f32 v24, v56;
	v24 =	vbroadcast v8, $0xB  }
0x32a: {  	[tilespmem:s1+$0xF510] =	vst v15;
	v12 =	vmul.f32 v12, v57;
	v15 =	vmul.f32 v21, v58;
	v21 =	vadd.f32 v26, v63  }
0x32b: {  	[tilespmem:s1+$0xF520] =	vst v17;
	v26 =	vbroadcast v9, $0xB;
	v17 =	vsub.f32 v27, v24;
	v27 =	vsub.f32 v31, v24;
	v31 =	vld [tilespmem:s1+$0x5790]  }
0x32c: {  	[tilespmem:s1+$0xF530] =	vst v18;
	v18 =	vmul.f32 v21, v59;
	v21 =	vsub.f32 v25, v24;
	v25 =	vbroadcast v8, $0xC  }
0x32d: {  	[tilespmem:s1+$0xF580] =	vst v19;
	v24 =	vsub.f32 v29, v24;
	v17 =	vmul.f32 v17, v26;
	v19 =	vmul.f32 v27, v26;
	v27 =	vld [tilespmem:s1+$0x57A0]  }
0x32e: {  	[tilespmem:s1+$0xF590] =	vst v22;
	v29 =	vbroadcast v9, $0xC;
	v21 =	vmul.f32 v21, v26;
	v22 =	vsub.f32 v30, v25;
	v30 =	vld [tilespmem:s1+$0x57B0]  }
0x32f: {  	[tilespmem:s1+$0xF5A0] =	vst v23;
	v23 =	vmul.f32 v24, v26;
	v24 =	vld [tilespmem:s1+$0x5800];
	v17 =	vadd.f32 v17, v60;
	v19 =	vadd.f32 v19, v61  }
0x330: {  	[tilespmem:s1+$0xF5B0] =	vst v20;
	v26 =	vld [tilespmem:s1+$0x5810];
	v20 =	vadd.f32 v21, v62;
	v21 =	vmul.f32 v22, v29;
	v22 =	vsub.f32 v31, v25  }
0x331: {  	[tilespmem:s1+$0xF610] =	vst v11;
	v10 =	vmul.f32 v17, v56;
	v17 =	vmul.f32 v19, v57;
	v19 =	vadd.f32 v23, v63;
	v23 =	vld [tilespmem:s1+$0x5820]  }
0x332: {  	[tilespmem:s1+$0xF620] =	vst v14;
	v11 =	vmul.f32 v20, v58;
	v20 =	vadd.f32 v21, v60;
	v21 =	vmul.f32 v22, v29;
	v22 =	vld [tilespmem:s1+$0x5830]  }
0x333: {  	[tilespmem:s1+$0xF630] =	vst v16;
	v14 =	vmul.f32 v19, v59;
	v19 =	vsub.f32 v27, v25;
	v27 =	vbroadcast v8, $0xD  }
0x334: {  	[tilespmem:s1+$0xF680] =	vst v13;
	v16 =	vmul.f32 v20, v56;
	v20 =	vadd.f32 v21, v61;
	v21 =	vsub.f32 v30, v25  }
0x335: {  	[tilespmem:s1+$0xF690] =	vst v12;
	v31 =	vld [tilespmem:s1+$0x5880];
	v13 =	vmul.f32 v19, v29;
	v19 =	vsub.f32 v24, v27;
	v24 =	vbroadcast v9, $0xD  }
0x336: {  	[tilespmem:s1+$0xF6A0] =	vst v15;
	v25 =	vld [tilespmem:s1+$0x5890];
	v12 =	vmul.f32 v21, v29;
	v21 =	vsub.f32 v26, v27;
	v23 =	vsub.f32 v23, v27  }
0x337: {  	[tilespmem:s1+$0xF6B0] =	vst v18;
	v30 =	vld [tilespmem:s1+$0x58A0];
	v20 =	vmul.f32 v20, v57;
	v15 =	vsub.f32 v22, v27;
	v19 =	vmul.f32 v19, v24  }
0x338: {  	[tilespmem:s1+$0xF700] =	vst v10;
	v26 =	vld [tilespmem:s1+$0x58B0];
	v13 =	vadd.f32 v13, v62;
	v22 =	vbroadcast v9, $0xE;
	v9 =	vbroadcast v9, $0xF  }
0x339: {  	[tilespmem:s1+$0xF710] =	vst v17;
	v18 =	vmul.f32 v21, v24;
	v21 =	vbroadcast v8, $0xE;
	v10 =	vadd.f32 v12, v63  }
0x33a: {  	[tilespmem:s1+$0xF730] =	vst v14;
	v12 =	vmul.f32 v23, v24;
	v8 =	vbroadcast v8, $0xF;
	v14 =	vadd.f32 v19, v60  }
0x33b: {  	[tilespmem:s1+$0xF720] =	vst v11;
	v11 =	vmul.f32 v13, v58;
	v17 =	vsub.f32 v31, v21;
	v23 =	vsub.f32 v25, v21  }
0x33c: {  	[tilespmem:s1+$0xF780] =	vst v16;
	v15 =	vmul.f32 v15, v24;
	v24 =	vld [tilespmem:s1+$0x5900];
	v13 =	vsub.f32 v30, v21;
	v16 =	vadd.f32 v18, v61  }
0x33d: {  	v25 =	vld [tilespmem:s1+$0x5910];
	v10 =	vmul.f32 v10, v59;
	v21 =	vsub.f32 v26, v21;
	[tilespmem:s1+$0xF7A0] =	vst v11;
	v11 =	vmul.f32 v14, v56  }
0x33e: {  	[tilespmem:s1+$0xF420] =	vst v32;
	v12 =	vadd.f32 v12, v62;
	v17 =	vmul.f32 v17, v22;
	v19 =	vmul.f32 v23, v22;
	v23 =	vld [tilespmem:s1+$0x5920]  }
0x33f: {  	v15 =	vadd.f32 v15, v63;
	v14 =	vmul.f32 v16, v57;
	[tilespmem:s1+$0xF7B0] =	vst v10;
	v18 =	vmul.f32 v21, v22;
	v21 =	vld [tilespmem:s1+$0x5930]  }
0x340: {  	v13 =	vmul.f32 v13, v22;
	v10 =	vmul.f32 v12, v58;
	[tilespmem:s1+$0xF800] =	vst v11;
	v12 =	vadd.f32 v17, v60  }
0x341: {  	v16 =	vsub.f32 v24, v8;
	[tilespmem:s1+$0xF810] =	vst v14;
	v14 =	vmul.f32 v15, v59;
	v15 =	vadd.f32 v19, v61  }
0x342: {  	[tilespmem:s1+$0xF820] =	vst v10;
	v11 =	vsub.f32 v25, v8;
	v10 =	vmul.f32 v12, v56;
	v12 =	vadd.f32 v13, v62  }
0x343: {  	v13 =	vmul.f32 v16, v9;
	[tilespmem:s1+$0xF830] =	vst v14;
	v14 =	vmul.f32 v15, v57;
	v17 =	vsub.f32 v23, v8  }
0x344: {  	[tilespmem:s1+$0xF790] =	vst v20;
	v15 =	vadd.f32 v18, v63;
	v11 =	vmul.f32 v11, v9;
	v8 =	vsub.f32 v21, v8  }
0x345: {  	[tilespmem:s1+$0xF880] =	vst v10;
	v10 =	vmul.f32 v12, v58;
	v12 =	vadd.f32 v13, v60;
	v13 =	vmul.f32 v17, v9  }
0x346: {  	v20 =	vld [tilespmem:$0x1FFC0];
	[tilespmem:s1+$0xF890] =	vst v14;
	v11 =	vadd.f32 v11, v61;
	v8 =	vmul.f32 v8, v9;
	v9 =	vmul.f32 v15, v59  }
0x347: {  	p0 =	sne.s32 s31, $0x12000;
	v22 =	vld [tilespmem:$0x1FFE0];
	[tilespmem:s1+$0xF8A0] =	vst v10;
	v10 =	vmul.f32 v12, v56;
	v12 =	vadd.f32 v13, v62  }
.Ltmp1:
0x348: {  	v41 =	vmov v49;
	v19 =	vld [tilespmem:$0x1FFB0];
	v13 =	vmul.f32 v11, v57;
	[tilespmem:s1+$0xF8B0] =	vst v9;
	v8 =	vadd.f32 v8, v63;
	(pc) =	sbr.rel @p0 .LBB2_5-.Ltmp1, $4  }
0x349: {  	v32 =	vmovc v1;
	v42 =	vmovc v4;
	v39 =	vmov v47;
	v40 =	vmov v48;
	v18 =	vld [tilespmem:$0x1FFA0];
	[tilespmem:s1+$0xF900] =	vst v10;
	v14 =	vmul.f32 v12, v58  }
0x34a: {  	v38 =	vmovc v3;
	v37 =	vmovc v46;
	v35 =	vmov v44;
	v36 =	vmov v45;
	v23 =	vld [tilespmem:$0x1FFF0];
	[tilespmem:s1+$0xF910] =	vst v13;
	v8 =	vmul.f32 v8, v59  }
0x34b: {  	v34 =	vmovc v43;
	v33 =	vmovc v2;
	v29 =	vmov v54;
	v27 =	vmov v53;
	v31 =	vmov v0;
	v21 =	vld [tilespmem:$0x1FFD0];
	[tilespmem:s1+$0xF920] =	vst v14  }
0x34c: {  	s31 =	sadd.s32 $0x2000, s31;
	v30 =	vmovc v55;
	v26 =	vmovc v52;
	v24 =	vmov v50;
	v25 =	vmov v51;
	v16 =	vlaneseq.u32;
	v17 =	vld [tilespmem:$0x1FF90];
	[tilespmem:s1+$0xF930] =	vst v8  }
0x34d: {  	s1 =	sadd.s32 s30, s9;
	s29 =	sadd.s32 $0x1, s29  }
0x34e: {  	[hbm4b:s1+s3] =	stream.linear.scatter [tilespmem:s25], [sflag:$0x2], $0x5000, $0x38;
	[tilespmem:$0x14500] =	vst v63  }
0x34f: {  	p0 =	sne.s32 s29, $0x50;
	_ =	swait.ge [sflag:s26], $0x5000  }
.Ltmp2:
0x350: {  	[sflag:s26] =	ssyncset.done $0x0;
	(pc) =	sbr.rel @p0 .LBB2_2-.Ltmp2, $4  }
0x351: {  	[sflag:s26] =	ssyncadd.s32 $0xFFFFB000  }
0x352: {  	_ =	swait.ge [sflag:s26], $0x5000  }
0x353: {  	[sflag:s26] =	ssyncset.done $0x0  }
0x354: {  	[sflag:s26] =	ssyncadd.s32 $0xFFFFB000  }
0x355: {  	s28 =	sadd.s32 $0x1, s28  }
0x356: {  	p0 =	sne.s32 s28, s10  }
.Ltmp3:
0x357: {  	_ = 	snop;
	(pc) =	sbr.rel @p0 .LBB2_1-.Ltmp3, $1  }
0x358: {  	_ =	sdelay $0x3  }
0x359: {  	_ =	sfence.sel $0x180000  }
0x35a: {  	[bflag:$0x0] =	sbarrier.arrive $0xFFFF  }
0x35b: {  	_ =	strace $0x90000047  }
0x35c: {  	[bflag:$0x2] =	sbarrier.arrive $0xFFFF  }
0x35d: {  	p0 =	sne.s32 s4, $0x0;
	s0 =	rddreg [dreg:$0x3]  }
0x35e: {  	s0 =	sadd.s32 @!p0 $0x100000, s0  }
0x35f: {  	[sflag:s0] =	ssyncadd.tile.s32 @!p0 $0x1;
	_ =	shalt  }
.Lfunc_end2:
_tile_overlayer_lowered:
.L_overlay_start_2:
0x360: {  	(tag) =	ssettag $0x2  }
0x361: {  	s0 =	rddreg [dreg:$0x0];
	s2 =	stileid.u32  }
0x362: {  	s1 =	rddreg [dreg:$0x1];
	p0 =	sne.s32 s2, $0x0  }
0x363: {  	s3 =	rddreg [dreg:$0x2];
	[bflag:$0x3] =	sbarrier.arrive $0xFFFF;
	s2 =	simm.s32 @!p0 $0x1C03  }
0x364: {  	[timem:s3], [sflag:s2] =	dma.local @!p0 [hbm:s0], s1  }
0x365: {  	s0 =	simm.s32 @!p0 $0x3  }
0x366: {  	_ =	swait.ge @!p0 [sflag:s0], s1  }
0x367: {  	s1 =	ssub.s32 @!p0 $0x0, s1;
	[sflag:s0] =	ssyncset.done @!p0 $0x0  }
0x368: {  	[sflag:s0] =	ssyncadd.s32 @!p0 s1  }
0x369: {  	[bflag:$0x3] =	sbarrier.arrive $0xFFFF  }
0x36a: {  	_ =	shalt  }

// kernel: sparse-core-data-format-call.cloned.1.call-start
scs
called_computation_lowered:
.L_overlay_start_0:
0x0: {  	s2 =	sld [smem:$0x3FD9]  }
0x1: {  	s3 =	sld [smem:$0x3FFE];
	_ =	sdelay $0x1  }
0x2: {  	s1 =	srdreg.scid  }
0x3: {  	s0 =	sand.u32 $0x1, s1  }
0x4: {  	s18 =	sshll.u32 s0, $0xA;
	s2 =	sadd.s32 s3, s2  }
0x5: {  	s2 =	sadd.s32 s2, s18  }
0x6: {  	[smem:$0x3FC4] =	sst s2  }
0x7: {  	_ = 	snop  }
0x8: {  	s2 =	sld [smem:$0x3FD0];
	(tm) =	ssettm $0x1  }
0x9: {  	s19 =	sld [smem:$0x3FFB];
	_ =	sdelay $0x3  }
0xa: {  	_ =	strace s19  }
0xb: {  	s3 =	sld [smem:$0x3FFC];
	_ =	sdelay $0x3  }
0xc: {  	_ =	strace s3  }
0xd: {  	s3 =	sld [smem:$0x3FFD];
	_ =	sdelay $0x3  }
0xe: {  	_ =	strace s3  }
0xf: {  	_ =	strace $0x8FFFFFFF  }
0x10: {  	s20 =	sld [smem:$0x3FDB];
	_ =	sdelay $0x1  }
0x11: {  	s4 =	simm.s32 $_scs_section_size  }
0x12: {  	s5 =	simm.s32 $_size__tile_overlayer_lowered;
	s6 =	simm.s32 $_tile_overlayer_lowered  }
0x13: {  	s23 =	simm.s32 $0x1BFF;
	s22 =	sshll.u32 s6, $0x1;
	s3 =	sadd.s32 s4, s20  }
0x14: {  	s7 =	simm.s32 $0x0;
	s21 =	sshll.u32 s5, $0x1;
	s5 =	sadd.s32 s22, s3  }
0x15: {  	[timem:s7], [sflag:s23] =	dma.local [hbm:s5], s21  }
0x16: {  	_ =	swait.ge [sflag:s23], s21  }
0x17: {  	s4 =	ssub.s32 $0x0, s21;
	[sflag:s23] =	ssyncset.done $0x0  }
0x18: {  	[sflag:s23] =	ssyncadd.s32 s4;
	_ =	sdelay $0x1  }
0x19: {  	s24 =	simm.s32 $0x1B8B  }
0x1a: {  	_ =	swait.ge [sflag:s24], $0x1  }
0x1b: {  	[sflag:s24] =	ssyncset.done $0x0  }
0x1c: {  	s26 =	simm.s32 $0x1B8E;
	s25 =	sld [smem:$0x3FFE];
	[sflag:s24] =	ssyncadd.s32 $0xFFFFFFFF  }
0x1d: {  	s27 =	simm.s32 $execute0_lowered;
	[smem:$0x3FD2] =	sst s26  }
0x1e: {  	s5 =	sshll.u32 s27, $0x1;
	_ =	strace $0x80000049;
	[dreg:$0x1] =	wrdreg $0xFFFFFFFF  }
0x1f: {  	s28 =	simm.s32 $_size_execute0_lowered;
	s3 =	sadd.s32 s3, s5;
	[dreg:$0x0] =	wrdreg $0x0  }
0x20: {  	s5 =	sshll.u32 s28, $0x1;
	[dreg:$0x2] =	wrdreg s3  }
0x21: {  	[dreg:$0x3] =	wrdreg s5  }
0x22: {  	[dreg:$0x4] =	wrdreg $0xC0  }
0x23: {  	_ =	task [dreg:s7], $0x5FFFF  }
0x24: {  	[dreg:$0x1] =	wrdreg $0xFFFFFFFF  }
0x25: {  	[dreg:$0x0] =	wrdreg $0x60  }
0x26: {  	[dreg:$0x2] =	wrdreg s25  }
0x27: {  	[dreg:$0x3] =	wrdreg s2  }
0x28: {  	[dreg:$0x4] =	wrdreg $0x9  }
0x29: {  	_ =	task.clear_ibuf [dreg:s7], $0x5FFFF;
	_ =	strace $0x90000049  }
0x2a: {  	s29 =	simm.s32 $0x9;
	_ =	strace $0x8000004B  }
0x2b: {  	_ =	swait.ge [sflag:s29], $0x1  }
0x2c: {  	[sflag:s29] =	ssyncadd.s32 $0xFFFFFFFF  }
0x2d: {  	_ =	strace $0x9000004B  }
0x2e: {  	_ =	sfence  }
0x2f: {  	s30 =	sld [smem:$0x0];
	_ =	sdelay $0x2  }
0x30: {  	s31 =	sshll.u32 s1, $0xD;
	s1 =	sshrl.u32 s1, $0x2  }
0x31: {  	s3 =	sand.u32 $0x4000, s31;
	s1 =	sadd.s32 s1, s30  }
0x32: {  	s0 =	sor.u32 s3, s0;
	s1 =	sshll.u32 s1, $0x11  }
0x33: {  	s0 =	sor.u32 s1, s0  }
0x34: {  	s0 =	sadd.s32 $0x8F2B, s0  }
0x35: {  	[sflag:s0] =	ssyncadd.remote.s32 $0x1  }
0x36: {  	_ =	sfence.sel $0xFFFF  }
0x37: {  	[dreg:$0x0] =	wrdreg $0xFFFFFFFF;
	(pc) =	sbr.abs _section_cstart, $3  }
0x38: {  	[dreg:$0x1] =	wrdreg $0xFFFFFFFF  }
0x39: {  	_ =	task.clear_ibuf [dreg:s7], $0x2FFFF;
	_ =	strace $0x9FFFFFFF  }
0x3a: {  	(tm) =	ssettm $0x7FFFFFFF  }
0x3b: {  	_ =	shalt  }
tec
execute0_lowered:
.L_overlay_start_1:
0x0: {  	(tag) =	ssettag $0x1  }
0x1: {  	s0 =	srdreg.scid  }
0x2: {  	s1 =	sshll.u32 s0, $0x4  }
0x3: {  	s0 =	stileid.u32;
	s1 =	sand.u32 $0x10, s1  }
0x4: {  	s1 =	sor.u32 s0, s1  }
0x5: {  	s6 =	rddreg [dreg:$0x0];
	s4 =	simm.s32 $0x1;
	s2 =	sshll.u32 s1, $0x7  }
0x6: {  	s7 =	simm.s32 $0x2;
	s12 =	simm.s32 $0x0;
	s1 =	ssub.s32 $0x1000, s2  }
0x7: {  	s8 =	simm.s32 $0x8000;
	s13 =	simm.s32 $0x0;
	s3 =	sand.u32 $0xF80, s1  }
0x8: {  	s9 =	simm.s32 $0x0;
	s5 =	sshrl.u32 s1, $0xC;
	p0 =	sne.s32 s3, $0x0  }
.Ltmp0:
0x9: {  	s1 =	rddreg [dreg:$0x2];
	s4 =	simm.s32 @!p0 $0x0;
	(pc) =	sbr.rel .LBB1_1-.Ltmp0, $4  }
0xa: {  	s11 =	simm.s32 $0x0;
	s3 =	rddreg [dreg:$0x1];
	s5 =	sadd.s32 s4, s5  }
0xb: {  	_ =	strace $0x8000004A;
	s4 =	simm.s32 $0x1;
	s5 =	smul.u32 $0xC8, s5  }
0xc: {  	s6 =	sadd.s32 $0x1A0200, s6;
	s10 =	smov.u32 s2;
	[sflag:s4] =	ssyncpa.u1 $0x0  }
0xd: {  	p0 =	por $0x0, $0x0;
	[sflag:s7] =	ssyncpa.u1 $0x0;
	s7 =	sor.u32 $0x1, s5  }
.LBB1_4:
0xe: {  	s16 =	sshll.u32 s13, $0x3;
	s17 =	sand.u32 $0x78, s13  }
0xf: {  	s30 =	sand.u32 $0x7E00, s13;
	s12 =	sshll.u32 s12, $0xF;
	s16 =	sand.u32 $0xC00, s16  }
0x10: {  	[tilespmem:s15+$0x810 ss:$0x81] =	vst.msk $0xffff, v2;
	s31 =	sand.u32 $0x7, s13;
	s16 =	sor.u32 s17, s16;
	s17 =	sadd.s32 s3, s30  }
0x11: {  	[tilespmem:s15+$0x1020 ss:$0x81] =	vst.msk $0xffff, v0;
	s13 =	sshll.u32 s31, $0x12;
	s12 =	sadd.s32 s12, s17;
	s16 =	sshrl.u32 s16, $0x3  }
0x12: {  	[tilespmem:s15+$0x0 ss:$0x81] =	vst.msk $0xffff, v1;
	s13 =	sor.u32 $0x400, s13;
	s12 =	sadd.s32 s16, s12  }
0x13: {  	[hbm4b:s12+s13] =	stream.strided.scatter [tilespmem:s14], [sflag:$0x2], $0x2000, s8, s13, $0x20;
	[tilespmem:$0x8080] =	vst v63  }
.LBB1_5:
0x14: {  	s14 =	sadd.s32 $0x1, s9  }
0x15: {  	s12 =	sadd.s32 $0x1000, s10;
	s16 =	smov.u32 s10;
	p2 =	sgt.s32 s14, $0xC7  }
0x16: {  	s16 =	smov.u32 @p2 s12  }
0x17: {  	s14 =	simm.s32 @p2 $0x0;
	p2 =	sgt.s32 s16, $0xFFF  }
0x18: {  	s16 =	smov.u32 @p2 s2;
	p2 =	sne.s32 s11, s7  }
.Ltmp1:
0x19: {  	p1 =	slt.u32 s11, $0x2;
	(pc) =	sbr.rel @!p2 .LBB1_6-.Ltmp1, $4  }
0x1a: {  	s15 =	simm.s32 @!p1 $0x2  }
0x1b: {  	s13 =	smov.u32 s10;
	p0 =	por !p0, !p0;
	_ =	swait.ge @!p1 [sflag:s15], $0x2000  }
0x1c: {  	s12 =	smov.u32 s9;
	[sflag:s15] =	ssyncset.done @!p1 $0x0;
	s9 =	smov.u32 s14  }
0x1d: {  	s11 =	sadd.s32 $0x1, s11;
	[sflag:s15] =	ssyncadd.s32 @!p1 $0xFFFFE000;
	s10 =	smov.u32 s16  }
.LBB1_1:
0x1e: {  	p1 =	sge.u32 s11, s5  }
0x1f: {  	s14 =	sand.u32 @!p1 $0x1FFFFFF, s9  }
0x20: {  	s15 =	smulhi.u32 @!p1 $0x147AE15, s14;
	_ =	sdelay $0x1  }
0x21: {  	s15 =	smul.u32 @!p1 $0xC8, s15  }
0x22: {  	s16 =	sxor.u32 @!p1 $0xFFFFFFFF, s11;
	s17 =	smul.u32 @!p1 $0xC80, s10  }
0x23: {  	s31 =	sadd.s32 $0xFFFFFFFF, s11;
	s16 =	sshll.u32 @!p1 s16, $0xD;
	s14 =	ssub.s32 @!p1 s14, s15  }
0x24: {  	s15 =	sand.u32 @!p1 $0x2000, s16;
	s16 =	sadd.s32 @!p1 s6, s17;
	s14 =	sshll.u32 @!p1 s14, $0x4  }
0x25: {  	s17 =	simm.s32 @!p1 $0x6400;
	s14 =	sadd.s32 @!p1 s14, s16;
	s16 =	simm.s32 @!p1 $0x40  }
0x26: {  	[tilespmem:s15], [sflag:$0x1] =	stream.strided.gather @!p1 [hbm4b:s14+s16], $0x2000, s17, s16, $0x38;
	[tilespmem:$0x8080] =	vst v63  }
0x27: {  	p1 =	sge.u32 s31, s5  }
.Ltmp2:
0x28: {  	_ = 	snop;
	(pc) =	sbr.rel @p1 .LBB1_5-.Ltmp2, $1  }
0x29: {  	_ =	sdelay $0x3  }
0x2a: {  	s14 =	simm.s32 $0x1  }
0x2b: {  	_ =	swait.ge [sflag:s4], $0x2000;
	s14 =	simm.s32 @!p0 $0x0  }
0x2c: {  	[sflag:s4] =	ssyncset.done $0x0;
	s15 =	sshll.u32 s14, $0xD  }
0x2d: {  	[sflag:s4] =	ssyncadd.s32 $0xFFFFE000;
	s18 =	sor.u32 $0x20, s15  }
0x2e: {  	s14 =	smul.u32 $0x8100, s14;
	v3 =	vld [tilespmem:s18+$0x10]  }
0x2f: {  	s30 =	sand.u32 $0x1, s11;
	v2 =	vld [tilespmem:s18+$0xFFFFFFF0]  }
0x30: {  	s15 =	smul.u32 $0x8100, s30;
	s14 =	sshrl.u32 s14, $0x2;
	v0 =	vld [tilespmem:s18+$0x0]  }
0x31: {  	v1 =	vld [tilespmem:s18+$0xFFFFFFE0];
	s16 =	sor.u32 $0x4000, s14  }
0x32: {  	s31 =	sshrl.u32 s15, $0x2;
	s15 =	sadd.s32 $0x0, s16  }
0x33: {  	s17 =	simm.s32 $0x4;
	s18 =	sadd.s32 $0x40, s18;
	s14 =	sor.u32 $0x4000, s31;
	[tilespmem:s15+$0x1830 ss:$0x81] =	vst.msk $0xffff, v3  }
.LBB1_3:
0x34: {  	v3 =	vld [tilespmem:s18+$0x10];
	p1 =	sne.s32 s17, $0x1FC;
	[tilespmem:s15+$0x810 ss:$0x81] =	vst.msk $0xffff, v2;
	s19 =	smov.u32 s17;
	s17 =	sadd.s32 $0x4, s17  }
.Ltmp3:
0x35: {  	v2 =	vld [tilespmem:s18+$0xFFFFFFF0];
	[tilespmem:s15+$0x1020 ss:$0x81] =	vst.msk $0xffff, v0;
	(pc) =	sbr.rel @p1 .LBB1_3-.Ltmp3, $4  }
0x36: {  	v0 =	vld [tilespmem:s18+$0x0];
	[tilespmem:s15+$0x0 ss:$0x81] =	vst.msk $0xffff, v1  }
0x37: {  	s15 =	sshra.s32 s19, $0x2;
	v1 =	vld [tilespmem:s18+$0xFFFFFFE0]  }
0x38: {  	s15 =	sadd.s32 s15, s16  }
0x39: {  	s18 =	sadd.s32 $0x40, s18;
	[tilespmem:s15+$0x1830 ss:$0x81] =	vst.msk $0xffff, v3  }
.Ltmp4:
0x3a: {  	_ = 	snop;
	(pc) =	sbr.rel .LBB1_4-.Ltmp4, $1  }
0x3b: {  	_ =	sdelay $0x3  }
.LBB1_6:
0x3c: {  	_ =	sfence.sel $0x180000  }
0x3d: {  	s2 =	simm.s32 $0x1;
	[bflag:$0x0] =	sbarrier.arrive $0xFFFF  }
0x3e: {  	s31 =	simm.s32 $0x2;
	[sflag:s2] =	ssyncpa.u1 $0x1  }
0x3f: {  	[sflag:s31] =	ssyncpa.u1 $0x1  }
0x40: {  	p0 =	sne.s32 s0, $0x0;
	_ =	strace $0x9000004A  }
0x41: {  	s0 =	sadd.s32 @!p0 $0x100000, s1;
	[bflag:$0x2] =	sbarrier.arrive $0xFFFF  }
0x42: {  	[sflag:s0] =	ssyncadd.tile.s32 @!p0 $0x1;
	_ =	shalt  }
.Lfunc_end1:
_tile_overlayer_lowered:
.L_overlay_start_2:
0x43: {  	(tag) =	ssettag $0x2  }
0x44: {  	s0 =	rddreg [dreg:$0x0];
	s2 =	stileid.u32  }
0x45: {  	s1 =	rddreg [dreg:$0x1];
	p0 =	sne.s32 s2, $0x0  }
0x46: {  	s3 =	rddreg [dreg:$0x2];
	[bflag:$0x3] =	sbarrier.arrive $0xFFFF;
	s2 =	simm.s32 @!p0 $0x1C01  }
0x47: {  	[timem:s3], [sflag:s2] =	dma.local @!p0 [hbm:s0], s1  }
0x48: {  	s0 =	simm.s32 @!p0 $0x1  }
0x49: {  	_ =	swait.ge @!p0 [sflag:s0], s1  }
0x4a: {  	s1 =	ssub.s32 @!p0 $0x0, s1;
	[sflag:s0] =	ssyncset.done @!p0 $0x0  }
0x4b: {  	[sflag:s0] =	ssyncadd.s32 @!p0 s1  }
0x4c: {  	[bflag:$0x3] =	sbarrier.arrive $0xFFFF  }
0x4d: {  	_ =	shalt  }

</sc_bundles>
